<compile_context>
chip_gen: v7x
topology: tpu7x:2x2x1
jax: 0.10.2.dev20260603
libtpu: 0.0.44.dev20260713+nightly
codegen_flags: <defaults>
</compile_context>

<pallas_src>
import functools

import jax
import jax.numpy as jnp
from jax import lax
from jax.experimental import pallas as pl
from jax.experimental.pallas import tpu as pltpu
from jax.experimental.pallas import tpu_sc as plsc

N = 10000
E = 160000
D = 256
HOPS = 6
NC = 2
NS = 16
NW = NC * NS
HF = 128
RPT = N // NS
C = 80
NCH = 126
EPT = NCH * C
PAD = NS * EPT - E
SB = 25

_mesh = plsc.VectorSubcoreMesh(core_axis_name="c", subcore_axis_name="s")
_UNTILED = pltpu.CompilerParams(use_tc_tiling_on_sc=False)


@functools.partial(
    pl.kernel,
    mesh=_mesh,
    out_type=jax.ShapeDtypeStruct((NC, N + 8, 16), jnp.float32),
    scratch_types=[
        pltpu.VMEM((NCH, C), jnp.int32),
        pltpu.VMEM((C, 16), jnp.float32),
        pltpu.VMEM_SHARED((N + 8, 16), jnp.float32),
    ],
    compiler_params=_UNTILED,
)
def _deg_kernel(dst4_hbm, ones_hbm, zeros_hbm, degp_hbm, dst_v, ones_v, acc_sh):
    cid = lax.axis_index("c")
    sid = lax.axis_index("s")
    pltpu.sync_copy(dst4_hbm.at[cid, sid], dst_v)
    pltpu.sync_copy(ones_hbm, ones_v)

    @pl.when(sid == 0)
    def _():
        pltpu.sync_copy(zeros_hbm, acc_sh)

    plsc.subcore_barrier()

    def chunk(cc, carry):
        pltpu.sync_copy(ones_v, acc_sh.at[dst_v.at[cc]], add=True)
        return carry

    lax.fori_loop(0, NCH, chunk, 0)
    plsc.subcore_barrier()

    @pl.when(sid == 0)
    def _():
        pltpu.sync_copy(acc_sh, degp_hbm.at[cid])


_BM1 = 1000


def _in_tf_body(x_ref, w_ref, b_ref, dp_ref, g0_ref, invb_ref, sq_ref):
    fh = pl.program_id(1)
    z = jnp.dot(x_ref[...], w_ref[...], preferred_element_type=jnp.float32)
    z = jnp.maximum(z + b_ref[...], 0.0)
    deg = dp_ref[:, 0] + 1.0
    dinv = lax.rsqrt(deg)
    half = jnp.where(fh == 0, z[:, :HF], z[:, HF:])
    g0_ref[...] = half * dinv[:, None]
    invb_ref[...] = jnp.broadcast_to((1.0 / deg)[:, None], (_BM1, HF))
    sq_ref[...] = jnp.sqrt(deg)[:, None]


def _in_tf(x, w, b, dp):
    nm = N // _BM1
    return pl.pallas_call(
        _in_tf_body,
        grid=(nm, 2),
        in_specs=[
            pl.BlockSpec((_BM1, D), lambda m, f: (m, 0)),
            pl.BlockSpec((D, D), lambda m, f: (0, 0)),
            pl.BlockSpec((1, D), lambda m, f: (0, 0)),
            pl.BlockSpec((_BM1, 16), lambda m, f: (m, 0)),
        ],
        out_specs=[
            pl.BlockSpec((_BM1, HF), lambda m, f: (f * (N // _BM1) + m, 0)),
            pl.BlockSpec((_BM1, HF), lambda m, f: (m, 0)),
            pl.BlockSpec((_BM1, 1), lambda m, f: (m, 0)),
        ],
        out_shape=[
            jax.ShapeDtypeStruct((NC * N, HF), jnp.float32),
            jax.ShapeDtypeStruct((N, HF), jnp.float32),
            jax.ShapeDtypeStruct((N, 1), jnp.float32),
        ],
    )(x, w, b, dp)


@functools.partial(
    pl.kernel,
    mesh=_mesh,
    out_type=jax.ShapeDtypeStruct((HOPS + 1, NC * N, HF), jnp.float32),
    scratch_types=[
        pltpu.VMEM((NCH, C), jnp.int32),
        pltpu.VMEM((NCH, C), jnp.int32),
        pltpu.VMEM((C, HF), jnp.float32),
        pltpu.VMEM((C, HF), jnp.float32),
        pltpu.VMEM((C, HF), jnp.float32),
        pltpu.VMEM_SHARED((N + 8, HF), jnp.float32),
        pltpu.SemaphoreType.DMA,
        pltpu.SemaphoreType.DMA,
        pltpu.SemaphoreType.DMA,
    ],
    compiler_params=_UNTILED,
)
def _hops_kernel(g0_hbm, src_hbm, dst4_hbm, invb_hbm, gall_hbm,
                 src_v, dst_v, rowsa_v, rowsb_v, rowsc_v,
                 acc_sh, sema, semb, semc):
    cid = lax.axis_index("c")
    sid = lax.axis_index("s")
    tb = cid * N
    row0 = sid * RPT

    pltpu.sync_copy(src_hbm.at[cid, sid], src_v)
    pltpu.sync_copy(dst4_hbm.at[cid, sid], dst_v)
    pltpu.sync_copy(g0_hbm.at[pl.ds(tb + row0, RPT)],
                    gall_hbm.at[0, pl.ds(tb + row0, RPT)])
    pltpu.sync_copy(g0_hbm.at[pl.ds(tb + row0, RPT)],
                    acc_sh.at[pl.ds(row0, RPT)])
    plsc.subcore_barrier()

    for k in range(HOPS):

        def issue(c, rows, sem):
            pltpu.async_copy(gall_hbm.at[k].at[src_v.at[c]], rows, sem)

        def wait(c, rows, sem):
            pltpu.make_async_copy(gall_hbm.at[k].at[src_v.at[c]], rows, sem).wait()

        def scat(c, rows):
            pltpu.sync_copy(rows, acc_sh.at[dst_v.at[c]], add=True)

        issue(0, rowsa_v, sema)
        issue(1, rowsb_v, semb)

        def tri(c0, more):
            issue(c0 + 2, rowsc_v, semc)
            wait(c0, rowsa_v, sema)
            scat(c0, rowsa_v)
            if more:
                issue(c0 + 3, rowsa_v, sema)
            wait(c0 + 1, rowsb_v, semb)
            scat(c0 + 1, rowsb_v)
            if more:
                issue(c0 + 4, rowsb_v, semb)
            wait(c0 + 2, rowsc_v, semc)
            scat(c0 + 2, rowsc_v)

        def tribody(i, carry):
            tri(3 * i, True)
            return carry

        lax.fori_loop(0, NCH // 3 - 1, tribody, 0)
        tri(NCH - 3, False)
        plsc.subcore_barrier()

        def wb(t, carry):
            r0 = row0 + t * SB
            pltpu.sync_copy(acc_sh.at[pl.ds(r0, SB)], rowsb_v.at[pl.ds(0, SB)])
            pltpu.sync_copy(invb_hbm.at[pl.ds(r0, SB)], rowsa_v.at[pl.ds(0, SB)])

            def srow(r, carry2):
                for j in range(HF // 16):
                    sl = pl.ds(j * 16, 16)
                    rowsb_v[r, sl] = rowsb_v[r, sl] * rowsa_v[r, sl]
                return carry2

            lax.fori_loop(0, SB, srow, 0)
            pltpu.sync_copy(rowsb_v.at[pl.ds(0, SB)], gall_hbm.at[k + 1, pl.ds(tb + r0, SB)])
            pltpu.sync_copy(rowsb_v.at[pl.ds(0, SB)], acc_sh.at[pl.ds(r0, SB)])
            return carry

        lax.fori_loop(0, RPT // SB, wb, 0)
        plsc.subcore_barrier()


_BM2 = 1000


def _comb_body(g_ref, w_ref, sq_ref, b_ref, gam_ref, bet_ref, o_ref, acc):
    kk = pl.program_id(1)

    @pl.when(kk == 0)
    def _():
        acc[...] = jnp.zeros_like(acc)

    acc[...] += jnp.dot(g_ref[0], w_ref[0, 0], preferred_element_type=jnp.float32)

    @pl.when(kk == 2 * (HOPS + 1) - 1)
    def _():
        y = acc[...] * sq_ref[...] + b_ref[...]
        y = jnp.maximum(y, 0.0)
        mu = jnp.mean(y, axis=1, keepdims=True)
        var = jnp.mean((y - mu) ** 2, axis=1, keepdims=True)
        o_ref[...] = (y - mu) * lax.rsqrt(var + 1e-5) * gam_ref[...] + bet_ref[...]


def _comb(gall, w4, sq, b, gam, bet):
    nm = N // _BM2
    nk = 2 * (HOPS + 1)
    return pl.pallas_call(
        _comb_body,
        grid=(nm, nk),
        in_specs=[
            pl.BlockSpec((1, _BM2, HF), lambda m, kk: (kk // 2, (kk % 2) * nm + m, 0)),
            pl.BlockSpec((1, 1, HF, D), lambda m, kk: (kk // 2, kk % 2, 0, 0)),
            pl.BlockSpec((_BM2, 1), lambda m, kk: (m, 0)),
            pl.BlockSpec((1, D), lambda m, kk: (0, 0)),
            pl.BlockSpec((1, D), lambda m, kk: (0, 0)),
            pl.BlockSpec((1, D), lambda m, kk: (0, 0)),
        ],
        out_specs=pl.BlockSpec((_BM2, D), lambda m, kk: (m, 0)),
        out_shape=jax.ShapeDtypeStruct((N, D), jnp.float32),
        scratch_shapes=[pltpu.VMEM((_BM2, D), jnp.float32)],
    )(gall, w4, sq, b, gam, bet)


def kernel(features, edge_index, W_in, b_in, W_fc, b_fc, gamma, beta):
    src = edge_index[0]
    dst = edge_index[1]
    srcp = jnp.concatenate([src, jnp.zeros((PAD,), jnp.int32)])
    dstp = jnp.concatenate([dst, jnp.full((PAD,), N, jnp.int32)])
    half_off = (jnp.arange(NC, dtype=jnp.int32) * N)[:, None, None, None]
    src3 = srcp.reshape(1, NS, NCH, C) + half_off
    dst4 = jnp.broadcast_to(dstp.reshape(1, NS, NCH, C), (NC, NS, NCH, C))
    ones = jnp.ones((C, 16), jnp.float32)
    zer = jnp.zeros((N + 8, 16), jnp.float32)

    degp = _deg_kernel(dst4, ones, zer)
    g0, invb, sq_d = _in_tf(features, W_in, b_in.reshape(1, D), degp[0, :N])
    gall = _hops_kernel(g0, src3, dst4, invb)
    w4 = W_fc.reshape(HOPS + 1, NC, HF, D)
    return _comb(gall, w4, sq_d, b_fc.reshape(1, D), gamma.reshape(1, D),
                 beta.reshape(1, D))

# --- scband reference (transcript-rebuilt; emitter-appended) ---
"""Pipeline reference for scband-ignn-80668075754000 (READ-ONLY COPY).

The authoritative reference and input builder live on the scoring server;
editing this copy changes nothing except your own understanding.
"""

import jax, jax.numpy as jnp
import numpy as np

N = 10000
E = 160000
D_IN = 256
H_FEATS = 256
N_HOPS = 6


def setup_inputs(seed: int = 0) -> dict:
    key = jax.random.key(seed)
    ks = jax.random.split(key, 8)
    features = jax.random.normal(ks[0], (N, D_IN), dtype=jnp.float32)
    edge_index = jax.random.randint(ks[1], (2, E), 0, N, dtype=jnp.int32)
    # Learned parameters of the single IGNNConv (IN='gcn', RN='concat') + layer norm
    W_in = jax.random.normal(ks[2], (D_IN, H_FEATS), dtype=jnp.float32) / np.sqrt(D_IN)
    b_in = jnp.zeros((H_FEATS,), dtype=jnp.float32)
    W_fc = jax.random.normal(ks[3], (H_FEATS * (N_HOPS + 1), H_FEATS), dtype=jnp.float32) / np.sqrt(H_FEATS * (N_HOPS + 1))
    b_fc = jnp.zeros((H_FEATS,), dtype=jnp.float32)
    gamma = jnp.ones((H_FEATS,), dtype=jnp.float32)
    beta = jnp.zeros((H_FEATS,), dtype=jnp.float32)
    return {"features": features, "edge_index": edge_index, "W_in": W_in, "b_in": b_in,
            "W_fc": W_fc, "b_fc": b_fc, "gamma": gamma, "beta": beta}


def reference(features, edge_index, W_in, b_in, W_fc, b_fc, gamma, beta):
    # IGNN.forward with n_layers=1: a single IGNNConv(IN='gcn', RN='concat').
    # Dropouts (nas/nss/clf) are identity in eval mode. Classifier head is not
    # part of IGNN.forward (it returns node embeddings H).
    src = edge_index[0]
    dst = edge_index[1]
    loop = jnp.arange(N, dtype=edge_index.dtype)
    src_a = jnp.concatenate([src, loop])
    dst_a = jnp.concatenate([dst, loop])
    # symmetric GCN normalization with self-loops
    deg = jax.ops.segment_sum(jnp.ones_like(dst_a, dtype=jnp.float32), dst_a, num_segments=N)
    dinv = jnp.where(deg > 0, deg ** -0.5, 0.0)
    norm = dinv[src_a] * dinv[dst_a]
    # node-attribute smoothing: input transform first (in_feats -> h_feats)
    h = jax.nn.relu(features @ W_in + b_in)
    hs = [h]
    for _ in range(N_HOPS):
        h = jax.ops.segment_sum(h[src_a] * norm[:, None], dst_a, num_segments=N)
        hs.append(h)
    # RN='concat': concatenate all (n_hops+1) hop representations, fc to h_feats
    Hcat = jnp.concatenate(hs, axis=1)  # [N, h_feats*(n_hops+1)]
    out = jax.nn.relu(Hcat @ W_fc + b_fc)
    # layer norm over feature dim
    mean = out.mean(axis=-1, keepdims=True)
    var = out.var(axis=-1, keepdims=True)
    out = (out - mean) / jnp.sqrt(var + 1e-5) * gamma + beta
    return out

if __name__ == "__main__":
    import jax
    _d = setup_inputs()
    print(jax.jit(kernel)(*tuple(_d.values())))

</pallas_src>

<mosaic_0001>
#map = affine_map<(d0, d1) -> (0, 0)>
#map1 = affine_map<(d0, d1) -> (0, 0, 0, 0)>
#map2 = affine_map<(d0, d1) -> (0, 0, 0)>
module attributes {stable_mosaic.version = 14 : i64} {
  func.func @_hops_kernel(%arg0: i32, %arg1: i32, %arg2: memref<20000x128xf32, #tpu.memory_space<hbm>>, %arg3: memref<2x16x126x80xi32, #tpu.memory_space<hbm>>, %arg4: memref<2x16x126x80xi32, #tpu.memory_space<hbm>>, %arg5: memref<10000x128xf32, #tpu.memory_space<hbm>>, %arg6: memref<7x20000x128xf32, #tpu.memory_space<hbm>>, %arg7: memref<126x80xi32, #tpu.memory_space<vmem>>, %arg8: memref<126x80xi32, #tpu.memory_space<vmem>>, %arg9: memref<80x128xf32, #tpu.memory_space<vmem>>, %arg10: memref<80x128xf32, #tpu.memory_space<vmem>>, %arg11: memref<80x128xf32, #tpu.memory_space<vmem>>, %arg12: memref<10008x128xf32, #tpu.memory_space<vmem_shared>>, %arg13: memref<!tpu.dma_semaphore, #tpu.memory_space<semaphore_mem>>, %arg14: memref<!tpu.dma_semaphore, #tpu.memory_space<semaphore_mem>>, %arg15: memref<!tpu.dma_semaphore, #tpu.memory_space<semaphore_mem>>) attributes {dimension_semantics = [#tpu.dimension_semantics<core_parallel>, #tpu.dimension_semantics<subcore_parallel>], iteration_bounds = array<i64: 2, 16>, scalar_prefetch = 0 : i64, scratch_operands = 9 : i64, tpu.core_type = #tpu.core_type<sc_vector_subcore>, window_params = [{transform_indices = #map}, {transform_indices = #map1}, {transform_indices = #map1}, {transform_indices = #map}, {transform_indices = #map2}]} {
    %mul3A = arith.constant 10000 : i32
    %mul3A_0 = arith.muli %arg0, %mul3A : i32
    %mul3A_1 = arith.constant 625 : i32
    %mul3A_2 = arith.muli %arg1, %mul3A_1 : i32
    "tpu.region"() ({
      %run_scoped3A_536 = tpu.sem_alloc : memref<!tpu.dma_semaphore, #tpu.memory_space<semaphore_mem>>
      %dma_start3A_537 = arith.constant 0 : i32
      %dma_start3A_538 = arith.constant 0 : i32
      %dma_start3A_539 = tpu.memref_slice %arg3[%arg0, %arg1, %dma_start3A_537, %dma_start3A_538] : memref<2x16x126x80xi32, #tpu.memory_space<hbm>> -> memref<1x1x126x80xi32, #tpu.memory_space<hbm>>
      %dma_start3A_540 = tpu.memref_squeeze %dma_start3A_539 : memref<1x1x126x80xi32, #tpu.memory_space<hbm>> -> memref<126x80xi32, #tpu.memory_space<hbm>>
      %dma_start3A_541 = arith.constant 0 : i32
      %dma_start3A_542 = arith.constant 0 : i32
      %dma_start3A_543 = tpu.memref_slice %arg3[%arg0, %arg1, %dma_start3A_541, %dma_start3A_542] : memref<2x16x126x80xi32, #tpu.memory_space<hbm>> -> memref<1x1x126x80xi32, #tpu.memory_space<hbm>>
      %dma_start3A_544 = tpu.memref_squeeze %dma_start3A_543 : memref<1x1x126x80xi32, #tpu.memory_space<hbm>> -> memref<126x80xi32, #tpu.memory_space<hbm>>
      tpu.enqueue_dma source(%dma_start3A_544 : memref<126x80xi32, #tpu.memory_space<hbm>>) target(%arg7 : memref<126x80xi32, #tpu.memory_space<vmem>>) target_semaphore(%run_scoped3A_536 : memref<!tpu.dma_semaphore, #tpu.memory_space<semaphore_mem>>)
      %dma_wait3A_545 = arith.constant 0 : i32
      %dma_wait3A_546 = arith.constant 0 : i32
      %dma_wait3A_547 = tpu.memref_slice %arg3[%arg0, %arg1, %dma_wait3A_545, %dma_wait3A_546] : memref<2x16x126x80xi32, #tpu.memory_space<hbm>> -> memref<1x1x126x80xi32, #tpu.memory_space<hbm>>
      %dma_wait3A_548 = tpu.memref_squeeze %dma_wait3A_547 : memref<1x1x126x80xi32, #tpu.memory_space<hbm>> -> memref<126x80xi32, #tpu.memory_space<hbm>>
      %dma_wait3A_549 = arith.constant 0 : i32
      %dma_wait3A_550 = arith.constant 0 : i32
      %dma_wait3A_551 = tpu.memref_slice %arg3[%arg0, %arg1, %dma_wait3A_549, %dma_wait3A_550] : memref<2x16x126x80xi32, #tpu.memory_space<hbm>> -> memref<1x1x126x80xi32, #tpu.memory_space<hbm>>
      %dma_wait3A_552 = tpu.memref_squeeze %dma_wait3A_551 : memref<1x1x126x80xi32, #tpu.memory_space<hbm>> -> memref<126x80xi32, #tpu.memory_space<hbm>>
      tpu.wait_dma2 semaphore(%run_scoped3A_536 : memref<!tpu.dma_semaphore, #tpu.memory_space<semaphore_mem>>) src(%dma_wait3A_552 : memref<126x80xi32, #tpu.memory_space<hbm>>) dst(%arg7 : memref<126x80xi32, #tpu.memory_space<vmem>>)
      tpu.yield
    }) : () -> ()
    "tpu.region"() ({
      %run_scoped3A_536 = tpu.sem_alloc : memref<!tpu.dma_semaphore, #tpu.memory_space<semaphore_mem>>
      %dma_start3A_537 = arith.constant 0 : i32
      %dma_start3A_538 = arith.constant 0 : i32
      %dma_start3A_539 = tpu.memref_slice %arg4[%arg0, %arg1, %dma_start3A_537, %dma_start3A_538] : memref<2x16x126x80xi32, #tpu.memory_space<hbm>> -> memref<1x1x126x80xi32, #tpu.memory_space<hbm>>
      %dma_start3A_540 = tpu.memref_squeeze %dma_start3A_539 : memref<1x1x126x80xi32, #tpu.memory_space<hbm>> -> memref<126x80xi32, #tpu.memory_space<hbm>>
      %dma_start3A_541 = arith.constant 0 : i32
      %dma_start3A_542 = arith.constant 0 : i32
      %dma_start3A_543 = tpu.memref_slice %arg4[%arg0, %arg1, %dma_start3A_541, %dma_start3A_542] : memref<2x16x126x80xi32, #tpu.memory_space<hbm>> -> memref<1x1x126x80xi32, #tpu.memory_space<hbm>>
      %dma_start3A_544 = tpu.memref_squeeze %dma_start3A_543 : memref<1x1x126x80xi32, #tpu.memory_space<hbm>> -> memref<126x80xi32, #tpu.memory_space<hbm>>
      tpu.enqueue_dma source(%dma_start3A_544 : memref<126x80xi32, #tpu.memory_space<hbm>>) target(%arg8 : memref<126x80xi32, #tpu.memory_space<vmem>>) target_semaphore(%run_scoped3A_536 : memref<!tpu.dma_semaphore, #tpu.memory_space<semaphore_mem>>)
      %dma_wait3A_545 = arith.constant 0 : i32
      %dma_wait3A_546 = arith.constant 0 : i32
      %dma_wait3A_547 = tpu.memref_slice %arg4[%arg0, %arg1, %dma_wait3A_545, %dma_wait3A_546] : memref<2x16x126x80xi32, #tpu.memory_space<hbm>> -> memref<1x1x126x80xi32, #tpu.memory_space<hbm>>
      %dma_wait3A_548 = tpu.memref_squeeze %dma_wait3A_547 : memref<1x1x126x80xi32, #tpu.memory_space<hbm>> -> memref<126x80xi32, #tpu.memory_space<hbm>>
      %dma_wait3A_549 = arith.constant 0 : i32
      %dma_wait3A_550 = arith.constant 0 : i32
      %dma_wait3A_551 = tpu.memref_slice %arg4[%arg0, %arg1, %dma_wait3A_549, %dma_wait3A_550] : memref<2x16x126x80xi32, #tpu.memory_space<hbm>> -> memref<1x1x126x80xi32, #tpu.memory_space<hbm>>
      %dma_wait3A_552 = tpu.memref_squeeze %dma_wait3A_551 : memref<1x1x126x80xi32, #tpu.memory_space<hbm>> -> memref<126x80xi32, #tpu.memory_space<hbm>>
      tpu.wait_dma2 semaphore(%run_scoped3A_536 : memref<!tpu.dma_semaphore, #tpu.memory_space<semaphore_mem>>) src(%dma_wait3A_552 : memref<126x80xi32, #tpu.memory_space<hbm>>) dst(%arg8 : memref<126x80xi32, #tpu.memory_space<vmem>>)
      tpu.yield
    }) : () -> ()
    %add3A = arith.addi %mul3A_0, %mul3A_2 : i32
    %add3A_3 = arith.addi %mul3A_0, %mul3A_2 : i32
    %run_scoped3A = arith.constant 0 : i32
    "tpu.region"() ({
      %run_scoped3A_536 = tpu.sem_alloc : memref<!tpu.dma_semaphore, #tpu.memory_space<semaphore_mem>>
      %dma_start3A_537 = arith.constant 0 : i32
      %dma_start3A_538 = tpu.memref_slice %arg6[%run_scoped3A, %add3A_3, %dma_start3A_537] : memref<7x20000x128xf32, #tpu.memory_space<hbm>> -> memref<1x625x128xf32, #tpu.memory_space<hbm>>
      %dma_start3A_539 = tpu.memref_squeeze %dma_start3A_538 : memref<1x625x128xf32, #tpu.memory_space<hbm>> -> memref<625x128xf32, #tpu.memory_space<hbm>>
      %dma_start3A_540 = arith.constant 0 : i32
      %dma_start3A_541 = tpu.memref_slice %arg2[%add3A, %dma_start3A_540] : memref<20000x128xf32, #tpu.memory_space<hbm>> -> memref<625x128xf32, #tpu.memory_space<hbm>>
      tpu.enqueue_dma source(%dma_start3A_541 : memref<625x128xf32, #tpu.memory_space<hbm>>) target(%dma_start3A_539 : memref<625x128xf32, #tpu.memory_space<hbm>>) target_semaphore(%run_scoped3A_536 : memref<!tpu.dma_semaphore, #tpu.memory_space<semaphore_mem>>)
      %dma_wait3A_542 = arith.constant 0 : i32
      %dma_wait3A_543 = tpu.memref_slice %arg6[%run_scoped3A, %add3A_3, %dma_wait3A_542] : memref<7x20000x128xf32, #tpu.memory_space<hbm>> -> memref<1x625x128xf32, #tpu.memory_space<hbm>>
      %dma_wait3A_544 = tpu.memref_squeeze %dma_wait3A_543 : memref<1x625x128xf32, #tpu.memory_space<hbm>> -> memref<625x128xf32, #tpu.memory_space<hbm>>
      %dma_wait3A_545 = arith.constant 0 : i32
      %dma_wait3A_546 = tpu.memref_slice %arg2[%add3A, %dma_wait3A_545] : memref<20000x128xf32, #tpu.memory_space<hbm>> -> memref<625x128xf32, #tpu.memory_space<hbm>>
      tpu.wait_dma2 semaphore(%run_scoped3A_536 : memref<!tpu.dma_semaphore, #tpu.memory_space<semaphore_mem>>) src(%dma_wait3A_546 : memref<625x128xf32, #tpu.memory_space<hbm>>) dst(%dma_wait3A_544 : memref<625x128xf32, #tpu.memory_space<hbm>>)
      tpu.yield
    }) : () -> ()
    %add3A_4 = arith.addi %mul3A_0, %mul3A_2 : i32
    "tpu.region"() ({
      %run_scoped3A_536 = tpu.sem_alloc : memref<!tpu.dma_semaphore, #tpu.memory_space<semaphore_mem>>
      %dma_start3A_537 = arith.constant 0 : i32
      %dma_start3A_538 = tpu.memref_slice %arg12[%mul3A_2, %dma_start3A_537] : memref<10008x128xf32, #tpu.memory_space<vmem_shared>> -> memref<625x128xf32, #tpu.memory_space<vmem_shared>>
      %dma_start3A_539 = arith.constant 0 : i32
      %dma_start3A_540 = tpu.memref_slice %arg2[%add3A_4, %dma_start3A_539] : memref<20000x128xf32, #tpu.memory_space<hbm>> -> memref<625x128xf32, #tpu.memory_space<hbm>>
      tpu.enqueue_dma source(%dma_start3A_540 : memref<625x128xf32, #tpu.memory_space<hbm>>) target(%dma_start3A_538 : memref<625x128xf32, #tpu.memory_space<vmem_shared>>) target_semaphore(%run_scoped3A_536 : memref<!tpu.dma_semaphore, #tpu.memory_space<semaphore_mem>>)
      %dma_wait3A_541 = arith.constant 0 : i32
      %dma_wait3A_542 = tpu.memref_slice %arg12[%mul3A_2, %dma_wait3A_541] : memref<10008x128xf32, #tpu.memory_space<vmem_shared>> -> memref<625x128xf32, #tpu.memory_space<vmem_shared>>
      %dma_wait3A_543 = arith.constant 0 : i32
      %dma_wait3A_544 = tpu.memref_slice %arg2[%add3A_4, %dma_wait3A_543] : memref<20000x128xf32, #tpu.memory_space<hbm>> -> memref<625x128xf32, #tpu.memory_space<hbm>>
      tpu.wait_dma2 semaphore(%run_scoped3A_536 : memref<!tpu.dma_semaphore, #tpu.memory_space<semaphore_mem>>) src(%dma_wait3A_544 : memref<625x128xf32, #tpu.memory_space<hbm>>) dst(%dma_wait3A_542 : memref<625x128xf32, #tpu.memory_space<vmem_shared>>)
      tpu.yield
    }) : () -> ()
    %barrier3A = arith.constant 0 : index
    tpu.barrier barrier_id(%barrier3A)
    %dma_start3A = arith.constant 0 : i32
    %dma_start3A_5 = arith.constant 0 : i32
    %dma_start3A_6 = arith.constant 0 : i32
    %dma_start3A_7 = tpu.memref_slice %arg7[%dma_start3A_5, %dma_start3A_6] : memref<126x80xi32, #tpu.memory_space<vmem>> -> memref<1x80xi32, #tpu.memory_space<vmem>>
    %dma_start3A_8 = tpu.memref_squeeze %dma_start3A_7 : memref<1x80xi32, #tpu.memory_space<vmem>> -> memref<80xi32, #tpu.memory_space<vmem>>
    %dma_start3A_9 = arith.constant 0 : i32
    %dma_start3A_10 = arith.constant 0 : i32
    %dma_start3A_11 = tpu.memref_slice %arg6[%dma_start3A, %dma_start3A_9, %dma_start3A_10] : memref<7x20000x128xf32, #tpu.memory_space<hbm>> -> memref<1x20000x128xf32, #tpu.memory_space<hbm>>
    %dma_start3A_12 = tpu.memref_squeeze %dma_start3A_11 : memref<1x20000x128xf32, #tpu.memory_space<hbm>> -> memref<20000x128xf32, #tpu.memory_space<hbm>>
    %dma_start3A_13 = arith.constant 0 : i32
    %dma_start3A_14 = arith.constant 0 : i32
    %dma_start3A_15 = tpu.memref_slice %dma_start3A_12[%dma_start3A_13, %dma_start3A_14] : memref<20000x128xf32, #tpu.memory_space<hbm>> -> memref<20000x128xf32, #tpu.memory_space<hbm>>
    tpu.enqueue_indirect_dma source(%dma_start3A_15 : memref<20000x128xf32, #tpu.memory_space<hbm>>) target(%arg9 : memref<80x128xf32, #tpu.memory_space<vmem>>) offsets(%dma_start3A_8 : memref<80xi32, #tpu.memory_space<vmem>>) semaphore(%arg13 : memref<!tpu.dma_semaphore, #tpu.memory_space<semaphore_mem>>)
    %dma_start3A_16 = arith.constant 0 : i32
    %dma_start3A_17 = arith.constant 1 : i32
    %dma_start3A_18 = arith.constant 0 : i32
    %dma_start3A_19 = tpu.memref_slice %arg7[%dma_start3A_17, %dma_start3A_18] : memref<126x80xi32, #tpu.memory_space<vmem>> -> memref<1x80xi32, #tpu.memory_space<vmem>>
    %dma_start3A_20 = tpu.memref_squeeze %dma_start3A_19 : memref<1x80xi32, #tpu.memory_space<vmem>> -> memref<80xi32, #tpu.memory_space<vmem>>
    %dma_start3A_21 = arith.constant 0 : i32
    %dma_start3A_22 = arith.constant 0 : i32
    %dma_start3A_23 = tpu.memref_slice %arg6[%dma_start3A_16, %dma_start3A_21, %dma_start3A_22] : memref<7x20000x128xf32, #tpu.memory_space<hbm>> -> memref<1x20000x128xf32, #tpu.memory_space<hbm>>
    %dma_start3A_24 = tpu.memref_squeeze %dma_start3A_23 : memref<1x20000x128xf32, #tpu.memory_space<hbm>> -> memref<20000x128xf32, #tpu.memory_space<hbm>>
    %dma_start3A_25 = arith.constant 0 : i32
    %dma_start3A_26 = arith.constant 0 : i32
    %dma_start3A_27 = tpu.memref_slice %dma_start3A_24[%dma_start3A_25, %dma_start3A_26] : memref<20000x128xf32, #tpu.memory_space<hbm>> -> memref<20000x128xf32, #tpu.memory_space<hbm>>
    tpu.enqueue_indirect_dma source(%dma_start3A_27 : memref<20000x128xf32, #tpu.memory_space<hbm>>) target(%arg10 : memref<80x128xf32, #tpu.memory_space<vmem>>) offsets(%dma_start3A_20 : memref<80xi32, #tpu.memory_space<vmem>>) semaphore(%arg14 : memref<!tpu.dma_semaphore, #tpu.memory_space<semaphore_mem>>)
    %scan3A = arith.constant 0 : i32
    %scan3A_28 = arith.constant 0 : i32
    %scan3A_29 = arith.constant 41 : i32
    %scan3A_30 = arith.addi %scan3A_28, %scan3A_29 : i32
    %scan3A_31 = arith.constant 1 : i32
    scf.for %scan3A_536 = %scan3A_28 to %scan3A_30 step %scan3A_31  : i32 {
      %mul3A_537 = arith.constant 3 : i32
      %mul3A_538 = arith.muli %mul3A_537, %scan3A_536 : i32
      %add3A_539 = arith.constant 2 : i32
      %add3A_540 = arith.addi %mul3A_538, %add3A_539 : i32
      %dma_start3A_541 = arith.constant 0 : i32
      %dma_start3A_542 = arith.constant 0 : i32
      %dma_start3A_543 = tpu.memref_slice %arg7[%add3A_540, %dma_start3A_542] : memref<126x80xi32, #tpu.memory_space<vmem>> -> memref<1x80xi32, #tpu.memory_space<vmem>>
      %dma_start3A_544 = tpu.memref_squeeze %dma_start3A_543 : memref<1x80xi32, #tpu.memory_space<vmem>> -> memref<80xi32, #tpu.memory_space<vmem>>
      %dma_start3A_545 = arith.constant 0 : i32
      %dma_start3A_546 = arith.constant 0 : i32
      %dma_start3A_547 = tpu.memref_slice %arg6[%dma_start3A_541, %dma_start3A_545, %dma_start3A_546] : memref<7x20000x128xf32, #tpu.memory_space<hbm>> -> memref<1x20000x128xf32, #tpu.memory_space<hbm>>
      %dma_start3A_548 = tpu.memref_squeeze %dma_start3A_547 : memref<1x20000x128xf32, #tpu.memory_space<hbm>> -> memref<20000x128xf32, #tpu.memory_space<hbm>>
      %dma_start3A_549 = arith.constant 0 : i32
      %dma_start3A_550 = arith.constant 0 : i32
      %dma_start3A_551 = tpu.memref_slice %dma_start3A_548[%dma_start3A_549, %dma_start3A_550] : memref<20000x128xf32, #tpu.memory_space<hbm>> -> memref<20000x128xf32, #tpu.memory_space<hbm>>
      tpu.enqueue_indirect_dma source(%dma_start3A_551 : memref<20000x128xf32, #tpu.memory_space<hbm>>) target(%arg11 : memref<80x128xf32, #tpu.memory_space<vmem>>) offsets(%dma_start3A_544 : memref<80xi32, #tpu.memory_space<vmem>>) semaphore(%arg15 : memref<!tpu.dma_semaphore, #tpu.memory_space<semaphore_mem>>)
      %dma_wait3A_552 = arith.constant 0 : i32
      %dma_wait3A_553 = arith.constant 0 : i32
      %dma_wait3A_554 = tpu.memref_slice %arg7[%mul3A_538, %dma_wait3A_553] : memref<126x80xi32, #tpu.memory_space<vmem>> -> memref<1x80xi32, #tpu.memory_space<vmem>>
      %dma_wait3A_555 = tpu.memref_squeeze %dma_wait3A_554 : memref<1x80xi32, #tpu.memory_space<vmem>> -> memref<80xi32, #tpu.memory_space<vmem>>
      %dma_wait3A_556 = arith.constant 0 : i32
      %dma_wait3A_557 = arith.constant 0 : i32
      %dma_wait3A_558 = tpu.memref_slice %arg6[%dma_wait3A_552, %dma_wait3A_556, %dma_wait3A_557] : memref<7x20000x128xf32, #tpu.memory_space<hbm>> -> memref<1x20000x128xf32, #tpu.memory_space<hbm>>
      %dma_wait3A_559 = tpu.memref_squeeze %dma_wait3A_558 : memref<1x20000x128xf32, #tpu.memory_space<hbm>> -> memref<20000x128xf32, #tpu.memory_space<hbm>>
      %dma_wait3A_560 = arith.constant 0 : i32
      %dma_wait3A_561 = arith.constant 0 : i32
      %dma_wait3A_562 = tpu.memref_slice %dma_wait3A_559[%dma_wait3A_560, %dma_wait3A_561] : memref<20000x128xf32, #tpu.memory_space<hbm>> -> memref<20000x128xf32, #tpu.memory_space<hbm>>
      tpu.wait_indirect_dma semaphore(%arg13 : memref<!tpu.dma_semaphore, #tpu.memory_space<semaphore_mem>>) src(%dma_wait3A_562 : memref<20000x128xf32, #tpu.memory_space<hbm>>) dst(%arg9 : memref<80x128xf32, #tpu.memory_space<vmem>>)
      "tpu.region"() ({
        %run_scoped3A_619 = tpu.sem_alloc : memref<!tpu.dma_semaphore, #tpu.memory_space<semaphore_mem>>
        %dma_start3A_620 = arith.constant 0 : i32
        %dma_start3A_621 = tpu.memref_slice %arg8[%mul3A_538, %dma_start3A_620] : memref<126x80xi32, #tpu.memory_space<vmem>> -> memref<1x80xi32, #tpu.memory_space<vmem>>
        %dma_start3A_622 = tpu.memref_squeeze %dma_start3A_621 : memref<1x80xi32, #tpu.memory_space<vmem>> -> memref<80xi32, #tpu.memory_space<vmem>>
        %dma_start3A_623 = arith.constant 0 : i32
        %dma_start3A_624 = arith.constant 0 : i32
        %dma_start3A_625 = tpu.memref_slice %arg12[%dma_start3A_623, %dma_start3A_624] : memref<10008x128xf32, #tpu.memory_space<vmem_shared>> -> memref<10008x128xf32, #tpu.memory_space<vmem_shared>>
        tpu.enqueue_indirect_dma source(%arg9 : memref<80x128xf32, #tpu.memory_space<vmem>>) target(%dma_start3A_625 : memref<10008x128xf32, #tpu.memory_space<vmem_shared>>) offsets(%dma_start3A_622 : memref<80xi32, #tpu.memory_space<vmem>>) semaphore(%run_scoped3A_619 : memref<!tpu.dma_semaphore, #tpu.memory_space<semaphore_mem>>) {add = true}
        %dma_wait3A_626 = arith.constant 0 : i32
        %dma_wait3A_627 = tpu.memref_slice %arg8[%mul3A_538, %dma_wait3A_626] : memref<126x80xi32, #tpu.memory_space<vmem>> -> memref<1x80xi32, #tpu.memory_space<vmem>>
        %dma_wait3A_628 = tpu.memref_squeeze %dma_wait3A_627 : memref<1x80xi32, #tpu.memory_space<vmem>> -> memref<80xi32, #tpu.memory_space<vmem>>
        %dma_wait3A_629 = arith.constant 0 : i32
        %dma_wait3A_630 = arith.constant 0 : i32
        %dma_wait3A_631 = tpu.memref_slice %arg12[%dma_wait3A_629, %dma_wait3A_630] : memref<10008x128xf32, #tpu.memory_space<vmem_shared>> -> memref<10008x128xf32, #tpu.memory_space<vmem_shared>>
        tpu.wait_indirect_dma semaphore(%run_scoped3A_619 : memref<!tpu.dma_semaphore, #tpu.memory_space<semaphore_mem>>) src(%arg9 : memref<80x128xf32, #tpu.memory_space<vmem>>) dst(%dma_wait3A_631 : memref<10008x128xf32, #tpu.memory_space<vmem_shared>>)
        tpu.yield
      }) : () -> ()
      %add3A_563 = arith.constant 3 : i32
      %add3A_564 = arith.addi %mul3A_538, %add3A_563 : i32
      %dma_start3A_565 = arith.constant 0 : i32
      %dma_start3A_566 = arith.constant 0 : i32
      %dma_start3A_567 = tpu.memref_slice %arg7[%add3A_564, %dma_start3A_566] : memref<126x80xi32, #tpu.memory_space<vmem>> -> memref<1x80xi32, #tpu.memory_space<vmem>>
      %dma_start3A_568 = tpu.memref_squeeze %dma_start3A_567 : memref<1x80xi32, #tpu.memory_space<vmem>> -> memref<80xi32, #tpu.memory_space<vmem>>
      %dma_start3A_569 = arith.constant 0 : i32
      %dma_start3A_570 = arith.constant 0 : i32
      %dma_start3A_571 = tpu.memref_slice %arg6[%dma_start3A_565, %dma_start3A_569, %dma_start3A_570] : memref<7x20000x128xf32, #tpu.memory_space<hbm>> -> memref<1x20000x128xf32, #tpu.memory_space<hbm>>
      %dma_start3A_572 = tpu.memref_squeeze %dma_start3A_571 : memref<1x20000x128xf32, #tpu.memory_space<hbm>> -> memref<20000x128xf32, #tpu.memory_space<hbm>>
      %dma_start3A_573 = arith.constant 0 : i32
      %dma_start3A_574 = arith.constant 0 : i32
      %dma_start3A_575 = tpu.memref_slice %dma_start3A_572[%dma_start3A_573, %dma_start3A_574] : memref<20000x128xf32, #tpu.memory_space<hbm>> -> memref<20000x128xf32, #tpu.memory_space<hbm>>
      tpu.enqueue_indirect_dma source(%dma_start3A_575 : memref<20000x128xf32, #tpu.memory_space<hbm>>) target(%arg9 : memref<80x128xf32, #tpu.memory_space<vmem>>) offsets(%dma_start3A_568 : memref<80xi32, #tpu.memory_space<vmem>>) semaphore(%arg13 : memref<!tpu.dma_semaphore, #tpu.memory_space<semaphore_mem>>)
      %add3A_576 = arith.constant 1 : i32
      %add3A_577 = arith.addi %mul3A_538, %add3A_576 : i32
      %dma_wait3A_578 = arith.constant 0 : i32
      %dma_wait3A_579 = arith.constant 0 : i32
      %dma_wait3A_580 = tpu.memref_slice %arg7[%add3A_577, %dma_wait3A_579] : memref<126x80xi32, #tpu.memory_space<vmem>> -> memref<1x80xi32, #tpu.memory_space<vmem>>
      %dma_wait3A_581 = tpu.memref_squeeze %dma_wait3A_580 : memref<1x80xi32, #tpu.memory_space<vmem>> -> memref<80xi32, #tpu.memory_space<vmem>>
      %dma_wait3A_582 = arith.constant 0 : i32
      %dma_wait3A_583 = arith.constant 0 : i32
      %dma_wait3A_584 = tpu.memref_slice %arg6[%dma_wait3A_578, %dma_wait3A_582, %dma_wait3A_583] : memref<7x20000x128xf32, #tpu.memory_space<hbm>> -> memref<1x20000x128xf32, #tpu.memory_space<hbm>>
      %dma_wait3A_585 = tpu.memref_squeeze %dma_wait3A_584 : memref<1x20000x128xf32, #tpu.memory_space<hbm>> -> memref<20000x128xf32, #tpu.memory_space<hbm>>
      %dma_wait3A_586 = arith.constant 0 : i32
      %dma_wait3A_587 = arith.constant 0 : i32
      %dma_wait3A_588 = tpu.memref_slice %dma_wait3A_585[%dma_wait3A_586, %dma_wait3A_587] : memref<20000x128xf32, #tpu.memory_space<hbm>> -> memref<20000x128xf32, #tpu.memory_space<hbm>>
      tpu.wait_indirect_dma semaphore(%arg14 : memref<!tpu.dma_semaphore, #tpu.memory_space<semaphore_mem>>) src(%dma_wait3A_588 : memref<20000x128xf32, #tpu.memory_space<hbm>>) dst(%arg10 : memref<80x128xf32, #tpu.memory_space<vmem>>)
      %add3A_589 = arith.constant 1 : i32
      %add3A_590 = arith.addi %mul3A_538, %add3A_589 : i32
      "tpu.region"() ({
        %run_scoped3A_619 = tpu.sem_alloc : memref<!tpu.dma_semaphore, #tpu.memory_space<semaphore_mem>>
        %dma_start3A_620 = arith.constant 0 : i32
        %dma_start3A_621 = tpu.memref_slice %arg8[%add3A_590, %dma_start3A_620] : memref<126x80xi32, #tpu.memory_space<vmem>> -> memref<1x80xi32, #tpu.memory_space<vmem>>
        %dma_start3A_622 = tpu.memref_squeeze %dma_start3A_621 : memref<1x80xi32, #tpu.memory_space<vmem>> -> memref<80xi32, #tpu.memory_space<vmem>>
        %dma_start3A_623 = arith.constant 0 : i32
        %dma_start3A_624 = arith.constant 0 : i32
        %dma_start3A_625 = tpu.memref_slice %arg12[%dma_start3A_623, %dma_start3A_624] : memref<10008x128xf32, #tpu.memory_space<vmem_shared>> -> memref<10008x128xf32, #tpu.memory_space<vmem_shared>>
        tpu.enqueue_indirect_dma source(%arg10 : memref<80x128xf32, #tpu.memory_space<vmem>>) target(%dma_start3A_625 : memref<10008x128xf32, #tpu.memory_space<vmem_shared>>) offsets(%dma_start3A_622 : memref<80xi32, #tpu.memory_space<vmem>>) semaphore(%run_scoped3A_619 : memref<!tpu.dma_semaphore, #tpu.memory_space<semaphore_mem>>) {add = true}
        %dma_wait3A_626 = arith.constant 0 : i32
        %dma_wait3A_627 = tpu.memref_slice %arg8[%add3A_590, %dma_wait3A_626] : memref<126x80xi32, #tpu.memory_space<vmem>> -> memref<1x80xi32, #tpu.memory_space<vmem>>
        %dma_wait3A_628 = tpu.memref_squeeze %dma_wait3A_627 : memref<1x80xi32, #tpu.memory_space<vmem>> -> memref<80xi32, #tpu.memory_space<vmem>>
        %dma_wait3A_629 = arith.constant 0 : i32
        %dma_wait3A_630 = arith.constant 0 : i32
        %dma_wait3A_631 = tpu.memref_slice %arg12[%dma_wait3A_629, %dma_wait3A_630] : memref<10008x128xf32, #tpu.memory_space<vmem_shared>> -> memref<10008x128xf32, #tpu.memory_space<vmem_shared>>
        tpu.wait_indirect_dma semaphore(%run_scoped3A_619 : memref<!tpu.dma_semaphore, #tpu.memory_space<semaphore_mem>>) src(%arg10 : memref<80x128xf32, #tpu.memory_space<vmem>>) dst(%dma_wait3A_631 : memref<10008x128xf32, #tpu.memory_space<vmem_shared>>)
        tpu.yield
      }) : () -> ()
      %add3A_591 = arith.constant 4 : i32
      %add3A_592 = arith.addi %mul3A_538, %add3A_591 : i32
      %dma_start3A_593 = arith.constant 0 : i32
      %dma_start3A_594 = arith.constant 0 : i32
      %dma_start3A_595 = tpu.memref_slice %arg7[%add3A_592, %dma_start3A_594] : memref<126x80xi32, #tpu.memory_space<vmem>> -> memref<1x80xi32, #tpu.memory_space<vmem>>
      %dma_start3A_596 = tpu.memref_squeeze %dma_start3A_595 : memref<1x80xi32, #tpu.memory_space<vmem>> -> memref<80xi32, #tpu.memory_space<vmem>>
      %dma_start3A_597 = arith.constant 0 : i32
      %dma_start3A_598 = arith.constant 0 : i32
      %dma_start3A_599 = tpu.memref_slice %arg6[%dma_start3A_593, %dma_start3A_597, %dma_start3A_598] : memref<7x20000x128xf32, #tpu.memory_space<hbm>> -> memref<1x20000x128xf32, #tpu.memory_space<hbm>>
      %dma_start3A_600 = tpu.memref_squeeze %dma_start3A_599 : memref<1x20000x128xf32, #tpu.memory_space<hbm>> -> memref<20000x128xf32, #tpu.memory_space<hbm>>
      %dma_start3A_601 = arith.constant 0 : i32
      %dma_start3A_602 = arith.constant 0 : i32
      %dma_start3A_603 = tpu.memref_slice %dma_start3A_600[%dma_start3A_601, %dma_start3A_602] : memref<20000x128xf32, #tpu.memory_space<hbm>> -> memref<20000x128xf32, #tpu.memory_space<hbm>>
      tpu.enqueue_indirect_dma source(%dma_start3A_603 : memref<20000x128xf32, #tpu.memory_space<hbm>>) target(%arg10 : memref<80x128xf32, #tpu.memory_space<vmem>>) offsets(%dma_start3A_596 : memref<80xi32, #tpu.memory_space<vmem>>) semaphore(%arg14 : memref<!tpu.dma_semaphore, #tpu.memory_space<semaphore_mem>>)
      %add3A_604 = arith.constant 2 : i32
      %add3A_605 = arith.addi %mul3A_538, %add3A_604 : i32
      %dma_wait3A_606 = arith.constant 0 : i32
      %dma_wait3A_607 = arith.constant 0 : i32
      %dma_wait3A_608 = tpu.memref_slice %arg7[%add3A_605, %dma_wait3A_607] : memref<126x80xi32, #tpu.memory_space<vmem>> -> memref<1x80xi32, #tpu.memory_space<vmem>>
      %dma_wait3A_609 = tpu.memref_squeeze %dma_wait3A_608 : memref<1x80xi32, #tpu.memory_space<vmem>> -> memref<80xi32, #tpu.memory_space<vmem>>
      %dma_wait3A_610 = arith.constant 0 : i32
      %dma_wait3A_611 = arith.constant 0 : i32
      %dma_wait3A_612 = tpu.memref_slice %arg6[%dma_wait3A_606, %dma_wait3A_610, %dma_wait3A_611] : memref<7x20000x128xf32, #tpu.memory_space<hbm>> -> memref<1x20000x128xf32, #tpu.memory_space<hbm>>
      %dma_wait3A_613 = tpu.memref_squeeze %dma_wait3A_612 : memref<1x20000x128xf32, #tpu.memory_space<hbm>> -> memref<20000x128xf32, #tpu.memory_space<hbm>>
      %dma_wait3A_614 = arith.constant 0 : i32
      %dma_wait3A_615 = arith.constant 0 : i32
      %dma_wait3A_616 = tpu.memref_slice %dma_wait3A_613[%dma_wait3A_614, %dma_wait3A_615] : memref<20000x128xf32, #tpu.memory_space<hbm>> -> memref<20000x128xf32, #tpu.memory_space<hbm>>
      tpu.wait_indirect_dma semaphore(%arg15 : memref<!tpu.dma_semaphore, #tpu.memory_space<semaphore_mem>>) src(%dma_wait3A_616 : memref<20000x128xf32, #tpu.memory_space<hbm>>) dst(%arg11 : memref<80x128xf32, #tpu.memory_space<vmem>>)
      %add3A_617 = arith.constant 2 : i32
      %add3A_618 = arith.addi %mul3A_538, %add3A_617 : i32
      "tpu.region"() ({
        %run_scoped3A_619 = tpu.sem_alloc : memref<!tpu.dma_semaphore, #tpu.memory_space<semaphore_mem>>
        %dma_start3A_620 = arith.constant 0 : i32
        %dma_start3A_621 = tpu.memref_slice %arg8[%add3A_618, %dma_start3A_620] : memref<126x80xi32, #tpu.memory_space<vmem>> -> memref<1x80xi32, #tpu.memory_space<vmem>>
        %dma_start3A_622 = tpu.memref_squeeze %dma_start3A_621 : memref<1x80xi32, #tpu.memory_space<vmem>> -> memref<80xi32, #tpu.memory_space<vmem>>
        %dma_start3A_623 = arith.constant 0 : i32
        %dma_start3A_624 = arith.constant 0 : i32
        %dma_start3A_625 = tpu.memref_slice %arg12[%dma_start3A_623, %dma_start3A_624] : memref<10008x128xf32, #tpu.memory_space<vmem_shared>> -> memref<10008x128xf32, #tpu.memory_space<vmem_shared>>
        tpu.enqueue_indirect_dma source(%arg11 : memref<80x128xf32, #tpu.memory_space<vmem>>) target(%dma_start3A_625 : memref<10008x128xf32, #tpu.memory_space<vmem_shared>>) offsets(%dma_start3A_622 : memref<80xi32, #tpu.memory_space<vmem>>) semaphore(%run_scoped3A_619 : memref<!tpu.dma_semaphore, #tpu.memory_space<semaphore_mem>>) {add = true}
        %dma_wait3A_626 = arith.constant 0 : i32
        %dma_wait3A_627 = tpu.memref_slice %arg8[%add3A_618, %dma_wait3A_626] : memref<126x80xi32, #tpu.memory_space<vmem>> -> memref<1x80xi32, #tpu.memory_space<vmem>>
        %dma_wait3A_628 = tpu.memref_squeeze %dma_wait3A_627 : memref<1x80xi32, #tpu.memory_space<vmem>> -> memref<80xi32, #tpu.memory_space<vmem>>
        %dma_wait3A_629 = arith.constant 0 : i32
        %dma_wait3A_630 = arith.constant 0 : i32
        %dma_wait3A_631 = tpu.memref_slice %arg12[%dma_wait3A_629, %dma_wait3A_630] : memref<10008x128xf32, #tpu.memory_space<vmem_shared>> -> memref<10008x128xf32, #tpu.memory_space<vmem_shared>>
        tpu.wait_indirect_dma semaphore(%run_scoped3A_619 : memref<!tpu.dma_semaphore, #tpu.memory_space<semaphore_mem>>) src(%arg11 : memref<80x128xf32, #tpu.memory_space<vmem>>) dst(%dma_wait3A_631 : memref<10008x128xf32, #tpu.memory_space<vmem_shared>>)
        tpu.yield
      }) : () -> ()
    }
    %scan3A_32 = arith.constant 41 : i32
    %dma_start3A_33 = arith.constant 0 : i32
    %dma_start3A_34 = arith.constant 125 : i32
    %dma_start3A_35 = arith.constant 0 : i32
    %dma_start3A_36 = tpu.memref_slice %arg7[%dma_start3A_34, %dma_start3A_35] : memref<126x80xi32, #tpu.memory_space<vmem>> -> memref<1x80xi32, #tpu.memory_space<vmem>>
    %dma_start3A_37 = tpu.memref_squeeze %dma_start3A_36 : memref<1x80xi32, #tpu.memory_space<vmem>> -> memref<80xi32, #tpu.memory_space<vmem>>
    %dma_start3A_38 = arith.constant 0 : i32
    %dma_start3A_39 = arith.constant 0 : i32
    %dma_start3A_40 = tpu.memref_slice %arg6[%dma_start3A_33, %dma_start3A_38, %dma_start3A_39] : memref<7x20000x128xf32, #tpu.memory_space<hbm>> -> memref<1x20000x128xf32, #tpu.memory_space<hbm>>
    %dma_start3A_41 = tpu.memref_squeeze %dma_start3A_40 : memref<1x20000x128xf32, #tpu.memory_space<hbm>> -> memref<20000x128xf32, #tpu.memory_space<hbm>>
    %dma_start3A_42 = arith.constant 0 : i32
    %dma_start3A_43 = arith.constant 0 : i32
    %dma_start3A_44 = tpu.memref_slice %dma_start3A_41[%dma_start3A_42, %dma_start3A_43] : memref<20000x128xf32, #tpu.memory_space<hbm>> -> memref<20000x128xf32, #tpu.memory_space<hbm>>
    tpu.enqueue_indirect_dma source(%dma_start3A_44 : memref<20000x128xf32, #tpu.memory_space<hbm>>) target(%arg11 : memref<80x128xf32, #tpu.memory_space<vmem>>) offsets(%dma_start3A_37 : memref<80xi32, #tpu.memory_space<vmem>>) semaphore(%arg15 : memref<!tpu.dma_semaphore, #tpu.memory_space<semaphore_mem>>)
    %dma_wait3A = arith.constant 0 : i32
    %dma_wait3A_45 = arith.constant 123 : i32
    %dma_wait3A_46 = arith.constant 0 : i32
    %dma_wait3A_47 = tpu.memref_slice %arg7[%dma_wait3A_45, %dma_wait3A_46] : memref<126x80xi32, #tpu.memory_space<vmem>> -> memref<1x80xi32, #tpu.memory_space<vmem>>
    %dma_wait3A_48 = tpu.memref_squeeze %dma_wait3A_47 : memref<1x80xi32, #tpu.memory_space<vmem>> -> memref<80xi32, #tpu.memory_space<vmem>>
    %dma_wait3A_49 = arith.constant 0 : i32
    %dma_wait3A_50 = arith.constant 0 : i32
    %dma_wait3A_51 = tpu.memref_slice %arg6[%dma_wait3A, %dma_wait3A_49, %dma_wait3A_50] : memref<7x20000x128xf32, #tpu.memory_space<hbm>> -> memref<1x20000x128xf32, #tpu.memory_space<hbm>>
    %dma_wait3A_52 = tpu.memref_squeeze %dma_wait3A_51 : memref<1x20000x128xf32, #tpu.memory_space<hbm>> -> memref<20000x128xf32, #tpu.memory_space<hbm>>
    %dma_wait3A_53 = arith.constant 0 : i32
    %dma_wait3A_54 = arith.constant 0 : i32
    %dma_wait3A_55 = tpu.memref_slice %dma_wait3A_52[%dma_wait3A_53, %dma_wait3A_54] : memref<20000x128xf32, #tpu.memory_space<hbm>> -> memref<20000x128xf32, #tpu.memory_space<hbm>>
    tpu.wait_indirect_dma semaphore(%arg13 : memref<!tpu.dma_semaphore, #tpu.memory_space<semaphore_mem>>) src(%dma_wait3A_55 : memref<20000x128xf32, #tpu.memory_space<hbm>>) dst(%arg9 : memref<80x128xf32, #tpu.memory_space<vmem>>)
    %run_scoped3A_56 = arith.constant 123 : i32
    "tpu.region"() ({
      %run_scoped3A_536 = tpu.sem_alloc : memref<!tpu.dma_semaphore, #tpu.memory_space<semaphore_mem>>
      %dma_start3A_537 = arith.constant 0 : i32
      %dma_start3A_538 = tpu.memref_slice %arg8[%run_scoped3A_56, %dma_start3A_537] : memref<126x80xi32, #tpu.memory_space<vmem>> -> memref<1x80xi32, #tpu.memory_space<vmem>>
      %dma_start3A_539 = tpu.memref_squeeze %dma_start3A_538 : memref<1x80xi32, #tpu.memory_space<vmem>> -> memref<80xi32, #tpu.memory_space<vmem>>
      %dma_start3A_540 = arith.constant 0 : i32
      %dma_start3A_541 = arith.constant 0 : i32
      %dma_start3A_542 = tpu.memref_slice %arg12[%dma_start3A_540, %dma_start3A_541] : memref<10008x128xf32, #tpu.memory_space<vmem_shared>> -> memref<10008x128xf32, #tpu.memory_space<vmem_shared>>
      tpu.enqueue_indirect_dma source(%arg9 : memref<80x128xf32, #tpu.memory_space<vmem>>) target(%dma_start3A_542 : memref<10008x128xf32, #tpu.memory_space<vmem_shared>>) offsets(%dma_start3A_539 : memref<80xi32, #tpu.memory_space<vmem>>) semaphore(%run_scoped3A_536 : memref<!tpu.dma_semaphore, #tpu.memory_space<semaphore_mem>>) {add = true}
      %dma_wait3A_543 = arith.constant 0 : i32
      %dma_wait3A_544 = tpu.memref_slice %arg8[%run_scoped3A_56, %dma_wait3A_543] : memref<126x80xi32, #tpu.memory_space<vmem>> -> memref<1x80xi32, #tpu.memory_space<vmem>>
      %dma_wait3A_545 = tpu.memref_squeeze %dma_wait3A_544 : memref<1x80xi32, #tpu.memory_space<vmem>> -> memref<80xi32, #tpu.memory_space<vmem>>
      %dma_wait3A_546 = arith.constant 0 : i32
      %dma_wait3A_547 = arith.constant 0 : i32
      %dma_wait3A_548 = tpu.memref_slice %arg12[%dma_wait3A_546, %dma_wait3A_547] : memref<10008x128xf32, #tpu.memory_space<vmem_shared>> -> memref<10008x128xf32, #tpu.memory_space<vmem_shared>>
      tpu.wait_indirect_dma semaphore(%run_scoped3A_536 : memref<!tpu.dma_semaphore, #tpu.memory_space<semaphore_mem>>) src(%arg9 : memref<80x128xf32, #tpu.memory_space<vmem>>) dst(%dma_wait3A_548 : memref<10008x128xf32, #tpu.memory_space<vmem_shared>>)
      tpu.yield
    }) : () -> ()
    %dma_wait3A_57 = arith.constant 0 : i32
    %dma_wait3A_58 = arith.constant 124 : i32
    %dma_wait3A_59 = arith.constant 0 : i32
    %dma_wait3A_60 = tpu.memref_slice %arg7[%dma_wait3A_58, %dma_wait3A_59] : memref<126x80xi32, #tpu.memory_space<vmem>> -> memref<1x80xi32, #tpu.memory_space<vmem>>
    %dma_wait3A_61 = tpu.memref_squeeze %dma_wait3A_60 : memref<1x80xi32, #tpu.memory_space<vmem>> -> memref<80xi32, #tpu.memory_space<vmem>>
    %dma_wait3A_62 = arith.constant 0 : i32
    %dma_wait3A_63 = arith.constant 0 : i32
    %dma_wait3A_64 = tpu.memref_slice %arg6[%dma_wait3A_57, %dma_wait3A_62, %dma_wait3A_63] : memref<7x20000x128xf32, #tpu.memory_space<hbm>> -> memref<1x20000x128xf32, #tpu.memory_space<hbm>>
    %dma_wait3A_65 = tpu.memref_squeeze %dma_wait3A_64 : memref<1x20000x128xf32, #tpu.memory_space<hbm>> -> memref<20000x128xf32, #tpu.memory_space<hbm>>
    %dma_wait3A_66 = arith.constant 0 : i32
    %dma_wait3A_67 = arith.constant 0 : i32
    %dma_wait3A_68 = tpu.memref_slice %dma_wait3A_65[%dma_wait3A_66, %dma_wait3A_67] : memref<20000x128xf32, #tpu.memory_space<hbm>> -> memref<20000x128xf32, #tpu.memory_space<hbm>>
    tpu.wait_indirect_dma semaphore(%arg14 : memref<!tpu.dma_semaphore, #tpu.memory_space<semaphore_mem>>) src(%dma_wait3A_68 : memref<20000x128xf32, #tpu.memory_space<hbm>>) dst(%arg10 : memref<80x128xf32, #tpu.memory_space<vmem>>)
    %run_scoped3A_69 = arith.constant 124 : i32
    "tpu.region"() ({
      %run_scoped3A_536 = tpu.sem_alloc : memref<!tpu.dma_semaphore, #tpu.memory_space<semaphore_mem>>
      %dma_start3A_537 = arith.constant 0 : i32
      %dma_start3A_538 = tpu.memref_slice %arg8[%run_scoped3A_69, %dma_start3A_537] : memref<126x80xi32, #tpu.memory_space<vmem>> -> memref<1x80xi32, #tpu.memory_space<vmem>>
      %dma_start3A_539 = tpu.memref_squeeze %dma_start3A_538 : memref<1x80xi32, #tpu.memory_space<vmem>> -> memref<80xi32, #tpu.memory_space<vmem>>
      %dma_start3A_540 = arith.constant 0 : i32
      %dma_start3A_541 = arith.constant 0 : i32
      %dma_start3A_542 = tpu.memref_slice %arg12[%dma_start3A_540, %dma_start3A_541] : memref<10008x128xf32, #tpu.memory_space<vmem_shared>> -> memref<10008x128xf32, #tpu.memory_space<vmem_shared>>
      tpu.enqueue_indirect_dma source(%arg10 : memref<80x128xf32, #tpu.memory_space<vmem>>) target(%dma_start3A_542 : memref<10008x128xf32, #tpu.memory_space<vmem_shared>>) offsets(%dma_start3A_539 : memref<80xi32, #tpu.memory_space<vmem>>) semaphore(%run_scoped3A_536 : memref<!tpu.dma_semaphore, #tpu.memory_space<semaphore_mem>>) {add = true}
      %dma_wait3A_543 = arith.constant 0 : i32
      %dma_wait3A_544 = tpu.memref_slice %arg8[%run_scoped3A_69, %dma_wait3A_543] : memref<126x80xi32, #tpu.memory_space<vmem>> -> memref<1x80xi32, #tpu.memory_space<vmem>>
      %dma_wait3A_545 = tpu.memref_squeeze %dma_wait3A_544 : memref<1x80xi32, #tpu.memory_space<vmem>> -> memref<80xi32, #tpu.memory_space<vmem>>
      %dma_wait3A_546 = arith.constant 0 : i32
      %dma_wait3A_547 = arith.constant 0 : i32
      %dma_wait3A_548 = tpu.memref_slice %arg12[%dma_wait3A_546, %dma_wait3A_547] : memref<10008x128xf32, #tpu.memory_space<vmem_shared>> -> memref<10008x128xf32, #tpu.memory_space<vmem_shared>>
      tpu.wait_indirect_dma semaphore(%run_scoped3A_536 : memref<!tpu.dma_semaphore, #tpu.memory_space<semaphore_mem>>) src(%arg10 : memref<80x128xf32, #tpu.memory_space<vmem>>) dst(%dma_wait3A_548 : memref<10008x128xf32, #tpu.memory_space<vmem_shared>>)
      tpu.yield
    }) : () -> ()
    %dma_wait3A_70 = arith.constant 0 : i32
    %dma_wait3A_71 = arith.constant 125 : i32
    %dma_wait3A_72 = arith.constant 0 : i32
    %dma_wait3A_73 = tpu.memref_slice %arg7[%dma_wait3A_71, %dma_wait3A_72] : memref<126x80xi32, #tpu.memory_space<vmem>> -> memref<1x80xi32, #tpu.memory_space<vmem>>
    %dma_wait3A_74 = tpu.memref_squeeze %dma_wait3A_73 : memref<1x80xi32, #tpu.memory_space<vmem>> -> memref<80xi32, #tpu.memory_space<vmem>>
    %dma_wait3A_75 = arith.constant 0 : i32
    %dma_wait3A_76 = arith.constant 0 : i32
    %dma_wait3A_77 = tpu.memref_slice %arg6[%dma_wait3A_70, %dma_wait3A_75, %dma_wait3A_76] : memref<7x20000x128xf32, #tpu.memory_space<hbm>> -> memref<1x20000x128xf32, #tpu.memory_space<hbm>>
    %dma_wait3A_78 = tpu.memref_squeeze %dma_wait3A_77 : memref<1x20000x128xf32, #tpu.memory_space<hbm>> -> memref<20000x128xf32, #tpu.memory_space<hbm>>
    %dma_wait3A_79 = arith.constant 0 : i32
    %dma_wait3A_80 = arith.constant 0 : i32
    %dma_wait3A_81 = tpu.memref_slice %dma_wait3A_78[%dma_wait3A_79, %dma_wait3A_80] : memref<20000x128xf32, #tpu.memory_space<hbm>> -> memref<20000x128xf32, #tpu.memory_space<hbm>>
    tpu.wait_indirect_dma semaphore(%arg15 : memref<!tpu.dma_semaphore, #tpu.memory_space<semaphore_mem>>) src(%dma_wait3A_81 : memref<20000x128xf32, #tpu.memory_space<hbm>>) dst(%arg11 : memref<80x128xf32, #tpu.memory_space<vmem>>)
    %run_scoped3A_82 = arith.constant 125 : i32
    "tpu.region"() ({
      %run_scoped3A_536 = tpu.sem_alloc : memref<!tpu.dma_semaphore, #tpu.memory_space<semaphore_mem>>
      %dma_start3A_537 = arith.constant 0 : i32
      %dma_start3A_538 = tpu.memref_slice %arg8[%run_scoped3A_82, %dma_start3A_537] : memref<126x80xi32, #tpu.memory_space<vmem>> -> memref<1x80xi32, #tpu.memory_space<vmem>>
      %dma_start3A_539 = tpu.memref_squeeze %dma_start3A_538 : memref<1x80xi32, #tpu.memory_space<vmem>> -> memref<80xi32, #tpu.memory_space<vmem>>
      %dma_start3A_540 = arith.constant 0 : i32
      %dma_start3A_541 = arith.constant 0 : i32
      %dma_start3A_542 = tpu.memref_slice %arg12[%dma_start3A_540, %dma_start3A_541] : memref<10008x128xf32, #tpu.memory_space<vmem_shared>> -> memref<10008x128xf32, #tpu.memory_space<vmem_shared>>
      tpu.enqueue_indirect_dma source(%arg11 : memref<80x128xf32, #tpu.memory_space<vmem>>) target(%dma_start3A_542 : memref<10008x128xf32, #tpu.memory_space<vmem_shared>>) offsets(%dma_start3A_539 : memref<80xi32, #tpu.memory_space<vmem>>) semaphore(%run_scoped3A_536 : memref<!tpu.dma_semaphore, #tpu.memory_space<semaphore_mem>>) {add = true}
      %dma_wait3A_543 = arith.constant 0 : i32
      %dma_wait3A_544 = tpu.memref_slice %arg8[%run_scoped3A_82, %dma_wait3A_543] : memref<126x80xi32, #tpu.memory_space<vmem>> -> memref<1x80xi32, #tpu.memory_space<vmem>>
      %dma_wait3A_545 = tpu.memref_squeeze %dma_wait3A_544 : memref<1x80xi32, #tpu.memory_space<vmem>> -> memref<80xi32, #tpu.memory_space<vmem>>
      %dma_wait3A_546 = arith.constant 0 : i32
      %dma_wait3A_547 = arith.constant 0 : i32
      %dma_wait3A_548 = tpu.memref_slice %arg12[%dma_wait3A_546, %dma_wait3A_547] : memref<10008x128xf32, #tpu.memory_space<vmem_shared>> -> memref<10008x128xf32, #tpu.memory_space<vmem_shared>>
      tpu.wait_indirect_dma semaphore(%run_scoped3A_536 : memref<!tpu.dma_semaphore, #tpu.memory_space<semaphore_mem>>) src(%arg11 : memref<80x128xf32, #tpu.memory_space<vmem>>) dst(%dma_wait3A_548 : memref<10008x128xf32, #tpu.memory_space<vmem_shared>>)
      tpu.yield
    }) : () -> ()
    %barrier3A_83 = arith.constant 0 : index
    tpu.barrier barrier_id(%barrier3A_83)
    %scan3A_84 = arith.constant 0 : i32
    %scan3A_85 = arith.constant 0 : i32
    %scan3A_86 = arith.constant 25 : i32
    %scan3A_87 = arith.addi %scan3A_85, %scan3A_86 : i32
    %scan3A_88 = arith.constant 1 : i32
    scf.for %scan3A_536 = %scan3A_85 to %scan3A_87 step %scan3A_88  : i32 {
      %mul3A_537 = arith.constant 25 : i32
      %mul3A_538 = arith.muli %scan3A_536, %mul3A_537 : i32
      %add3A_539 = arith.addi %mul3A_2, %mul3A_538 : i32
      "tpu.region"() ({
        %run_scoped3A_548 = tpu.sem_alloc : memref<!tpu.dma_semaphore, #tpu.memory_space<semaphore_mem>>
        %dma_start3A_549 = arith.constant 0 : i32
        %dma_start3A_550 = arith.constant 0 : i32
        %dma_start3A_551 = tpu.memref_slice %arg10[%dma_start3A_549, %dma_start3A_550] : memref<80x128xf32, #tpu.memory_space<vmem>> -> memref<25x128xf32, #tpu.memory_space<vmem>>
        %dma_start3A_552 = arith.constant 0 : i32
        %dma_start3A_553 = tpu.memref_slice %arg12[%add3A_539, %dma_start3A_552] : memref<10008x128xf32, #tpu.memory_space<vmem_shared>> -> memref<25x128xf32, #tpu.memory_space<vmem_shared>>
        %dma_start3A_554 = arith.constant 0 : i32
        %dma_start3A_555 = arith.constant 0 : i32
        %dma_start3A_556 = tpu.memref_slice %arg10[%dma_start3A_554, %dma_start3A_555] : memref<80x128xf32, #tpu.memory_space<vmem>> -> memref<25x128xf32, #tpu.memory_space<vmem>>
        %dma_start3A_557 = arith.constant 0 : i32
        %dma_start3A_558 = tpu.memref_slice %arg12[%add3A_539, %dma_start3A_557] : memref<10008x128xf32, #tpu.memory_space<vmem_shared>> -> memref<25x128xf32, #tpu.memory_space<vmem_shared>>
        tpu.enqueue_dma source(%dma_start3A_558 : memref<25x128xf32, #tpu.memory_space<vmem_shared>>) target(%dma_start3A_556 : memref<25x128xf32, #tpu.memory_space<vmem>>) target_semaphore(%run_scoped3A_548 : memref<!tpu.dma_semaphore, #tpu.memory_space<semaphore_mem>>)
        %dma_wait3A_559 = arith.constant 0 : i32
        %dma_wait3A_560 = arith.constant 0 : i32
        %dma_wait3A_561 = tpu.memref_slice %arg10[%dma_wait3A_559, %dma_wait3A_560] : memref<80x128xf32, #tpu.memory_space<vmem>> -> memref<25x128xf32, #tpu.memory_space<vmem>>
        %dma_wait3A_562 = arith.constant 0 : i32
        %dma_wait3A_563 = tpu.memref_slice %arg12[%add3A_539, %dma_wait3A_562] : memref<10008x128xf32, #tpu.memory_space<vmem_shared>> -> memref<25x128xf32, #tpu.memory_space<vmem_shared>>
        %dma_wait3A_564 = arith.constant 0 : i32
        %dma_wait3A_565 = arith.constant 0 : i32
        %dma_wait3A_566 = tpu.memref_slice %arg10[%dma_wait3A_564, %dma_wait3A_565] : memref<80x128xf32, #tpu.memory_space<vmem>> -> memref<25x128xf32, #tpu.memory_space<vmem>>
        %dma_wait3A_567 = arith.constant 0 : i32
        %dma_wait3A_568 = tpu.memref_slice %arg12[%add3A_539, %dma_wait3A_567] : memref<10008x128xf32, #tpu.memory_space<vmem_shared>> -> memref<25x128xf32, #tpu.memory_space<vmem_shared>>
        tpu.wait_dma2 semaphore(%run_scoped3A_548 : memref<!tpu.dma_semaphore, #tpu.memory_space<semaphore_mem>>) src(%dma_wait3A_568 : memref<25x128xf32, #tpu.memory_space<vmem_shared>>) dst(%dma_wait3A_566 : memref<25x128xf32, #tpu.memory_space<vmem>>)
        tpu.yield
      }) : () -> ()
      "tpu.region"() ({
        %run_scoped3A_548 = tpu.sem_alloc : memref<!tpu.dma_semaphore, #tpu.memory_space<semaphore_mem>>
        %dma_start3A_549 = arith.constant 0 : i32
        %dma_start3A_550 = arith.constant 0 : i32
        %dma_start3A_551 = tpu.memref_slice %arg9[%dma_start3A_549, %dma_start3A_550] : memref<80x128xf32, #tpu.memory_space<vmem>> -> memref<25x128xf32, #tpu.memory_space<vmem>>
        %dma_start3A_552 = arith.constant 0 : i32
        %dma_start3A_553 = tpu.memref_slice %arg5[%add3A_539, %dma_start3A_552] : memref<10000x128xf32, #tpu.memory_space<hbm>> -> memref<25x128xf32, #tpu.memory_space<hbm>>
        %dma_start3A_554 = arith.constant 0 : i32
        %dma_start3A_555 = arith.constant 0 : i32
        %dma_start3A_556 = tpu.memref_slice %arg9[%dma_start3A_554, %dma_start3A_555] : memref<80x128xf32, #tpu.memory_space<vmem>> -> memref<25x128xf32, #tpu.memory_space<vmem>>
        %dma_start3A_557 = arith.constant 0 : i32
        %dma_start3A_558 = tpu.memref_slice %arg5[%add3A_539, %dma_start3A_557] : memref<10000x128xf32, #tpu.memory_space<hbm>> -> memref<25x128xf32, #tpu.memory_space<hbm>>
        tpu.enqueue_dma source(%dma_start3A_558 : memref<25x128xf32, #tpu.memory_space<hbm>>) target(%dma_start3A_556 : memref<25x128xf32, #tpu.memory_space<vmem>>) target_semaphore(%run_scoped3A_548 : memref<!tpu.dma_semaphore, #tpu.memory_space<semaphore_mem>>)
        %dma_wait3A_559 = arith.constant 0 : i32
        %dma_wait3A_560 = arith.constant 0 : i32
        %dma_wait3A_561 = tpu.memref_slice %arg9[%dma_wait3A_559, %dma_wait3A_560] : memref<80x128xf32, #tpu.memory_space<vmem>> -> memref<25x128xf32, #tpu.memory_space<vmem>>
        %dma_wait3A_562 = arith.constant 0 : i32
        %dma_wait3A_563 = tpu.memref_slice %arg5[%add3A_539, %dma_wait3A_562] : memref<10000x128xf32, #tpu.memory_space<hbm>> -> memref<25x128xf32, #tpu.memory_space<hbm>>
        %dma_wait3A_564 = arith.constant 0 : i32
        %dma_wait3A_565 = arith.constant 0 : i32
        %dma_wait3A_566 = tpu.memref_slice %arg9[%dma_wait3A_564, %dma_wait3A_565] : memref<80x128xf32, #tpu.memory_space<vmem>> -> memref<25x128xf32, #tpu.memory_space<vmem>>
        %dma_wait3A_567 = arith.constant 0 : i32
        %dma_wait3A_568 = tpu.memref_slice %arg5[%add3A_539, %dma_wait3A_567] : memref<10000x128xf32, #tpu.memory_space<hbm>> -> memref<25x128xf32, #tpu.memory_space<hbm>>
        tpu.wait_dma2 semaphore(%run_scoped3A_548 : memref<!tpu.dma_semaphore, #tpu.memory_space<semaphore_mem>>) src(%dma_wait3A_568 : memref<25x128xf32, #tpu.memory_space<hbm>>) dst(%dma_wait3A_566 : memref<25x128xf32, #tpu.memory_space<vmem>>)
        tpu.yield
      }) : () -> ()
      %scan3A_540 = arith.constant 0 : i32
      %scan3A_541 = arith.constant 0 : i32
      %scan3A_542 = arith.constant 25 : i32
      %scan3A_543 = arith.addi %scan3A_541, %scan3A_542 : i32
      %scan3A_544 = arith.constant 1 : i32
      scf.for %scan3A_548 = %scan3A_541 to %scan3A_543 step %scan3A_544  : i32 {
        %get3A = arith.index_cast %scan3A_548 : i32 to index
        %get3A_549 = arith.constant 0 : index
        %get3A_550 = tpu.vector_load %arg10[%get3A, %get3A_549] {strides = array<i32>} : memref<80x128xf32, #tpu.memory_space<vmem>>, vector<1x16xf32>,
        %get3A_551 = vector.shape_cast %get3A_550 : vector<1x16xf32> to vector<16xf32>
        %get3A_552 = arith.index_cast %scan3A_548 : i32 to index
        %get3A_553 = arith.constant 0 : index
        %get3A_554 = tpu.vector_load %arg9[%get3A_552, %get3A_553] {strides = array<i32>} : memref<80x128xf32, #tpu.memory_space<vmem>>, vector<1x16xf32>,
        %get3A_555 = vector.shape_cast %get3A_554 : vector<1x16xf32> to vector<16xf32>
        %mul3A_556 = arith.mulf %get3A_551, %get3A_555 : vector<16xf32>
        %swap3A = arith.index_cast %scan3A_548 : i32 to index
        %swap3A_557 = arith.constant 0 : index
        %swap3A_558 = tpu.vector_load %arg10[%swap3A, %swap3A_557] {strides = array<i32>} : memref<80x128xf32, #tpu.memory_space<vmem>>, vector<1x16xf32>,
        %swap3A_559 = vector.shape_cast %swap3A_558 : vector<1x16xf32> to vector<16xf32>
        %swap3A_560 = vector.shape_cast %mul3A_556 : vector<16xf32> to vector<1x16xf32>
        tpu.vector_store %arg10[%swap3A, %swap3A_557], %swap3A_560 {strides = array<i32>} : memref<80x128xf32, #tpu.memory_space<vmem>>, vector<1x16xf32>,
        %get3A_561 = arith.index_cast %scan3A_548 : i32 to index
        %get3A_562 = arith.constant 16 : index
        %get3A_563 = tpu.vector_load %arg10[%get3A_561, %get3A_562] {strides = array<i32>} : memref<80x128xf32, #tpu.memory_space<vmem>>, vector<1x16xf32>,
        %get3A_564 = vector.shape_cast %get3A_563 : vector<1x16xf32> to vector<16xf32>
        %get3A_565 = arith.index_cast %scan3A_548 : i32 to index
        %get3A_566 = arith.constant 16 : index
        %get3A_567 = tpu.vector_load %arg9[%get3A_565, %get3A_566] {strides = array<i32>} : memref<80x128xf32, #tpu.memory_space<vmem>>, vector<1x16xf32>,
        %get3A_568 = vector.shape_cast %get3A_567 : vector<1x16xf32> to vector<16xf32>
        %mul3A_569 = arith.mulf %get3A_564, %get3A_568 : vector<16xf32>
        %swap3A_570 = arith.index_cast %scan3A_548 : i32 to index
        %swap3A_571 = arith.constant 16 : index
        %swap3A_572 = tpu.vector_load %arg10[%swap3A_570, %swap3A_571] {strides = array<i32>} : memref<80x128xf32, #tpu.memory_space<vmem>>, vector<1x16xf32>,
        %swap3A_573 = vector.shape_cast %swap3A_572 : vector<1x16xf32> to vector<16xf32>
        %swap3A_574 = vector.shape_cast %mul3A_569 : vector<16xf32> to vector<1x16xf32>
        tpu.vector_store %arg10[%swap3A_570, %swap3A_571], %swap3A_574 {strides = array<i32>} : memref<80x128xf32, #tpu.memory_space<vmem>>, vector<1x16xf32>,
        %get3A_575 = arith.index_cast %scan3A_548 : i32 to index
        %get3A_576 = arith.constant 32 : index
        %get3A_577 = tpu.vector_load %arg10[%get3A_575, %get3A_576] {strides = array<i32>} : memref<80x128xf32, #tpu.memory_space<vmem>>, vector<1x16xf32>,
        %get3A_578 = vector.shape_cast %get3A_577 : vector<1x16xf32> to vector<16xf32>
        %get3A_579 = arith.index_cast %scan3A_548 : i32 to index
        %get3A_580 = arith.constant 32 : index
        %get3A_581 = tpu.vector_load %arg9[%get3A_579, %get3A_580] {strides = array<i32>} : memref<80x128xf32, #tpu.memory_space<vmem>>, vector<1x16xf32>,
        %get3A_582 = vector.shape_cast %get3A_581 : vector<1x16xf32> to vector<16xf32>
        %mul3A_583 = arith.mulf %get3A_578, %get3A_582 : vector<16xf32>
        %swap3A_584 = arith.index_cast %scan3A_548 : i32 to index
        %swap3A_585 = arith.constant 32 : index
        %swap3A_586 = tpu.vector_load %arg10[%swap3A_584, %swap3A_585] {strides = array<i32>} : memref<80x128xf32, #tpu.memory_space<vmem>>, vector<1x16xf32>,
        %swap3A_587 = vector.shape_cast %swap3A_586 : vector<1x16xf32> to vector<16xf32>
        %swap3A_588 = vector.shape_cast %mul3A_583 : vector<16xf32> to vector<1x16xf32>
        tpu.vector_store %arg10[%swap3A_584, %swap3A_585], %swap3A_588 {strides = array<i32>} : memref<80x128xf32, #tpu.memory_space<vmem>>, vector<1x16xf32>,
        %get3A_589 = arith.index_cast %scan3A_548 : i32 to index
        %get3A_590 = arith.constant 48 : index
        %get3A_591 = tpu.vector_load %arg10[%get3A_589, %get3A_590] {strides = array<i32>} : memref<80x128xf32, #tpu.memory_space<vmem>>, vector<1x16xf32>,
        %get3A_592 = vector.shape_cast %get3A_591 : vector<1x16xf32> to vector<16xf32>
        %get3A_593 = arith.index_cast %scan3A_548 : i32 to index
        %get3A_594 = arith.constant 48 : index
        %get3A_595 = tpu.vector_load %arg9[%get3A_593, %get3A_594] {strides = array<i32>} : memref<80x128xf32, #tpu.memory_space<vmem>>, vector<1x16xf32>,
        %get3A_596 = vector.shape_cast %get3A_595 : vector<1x16xf32> to vector<16xf32>
        %mul3A_597 = arith.mulf %get3A_592, %get3A_596 : vector<16xf32>
        %swap3A_598 = arith.index_cast %scan3A_548 : i32 to index
        %swap3A_599 = arith.constant 48 : index
        %swap3A_600 = tpu.vector_load %arg10[%swap3A_598, %swap3A_599] {strides = array<i32>} : memref<80x128xf32, #tpu.memory_space<vmem>>, vector<1x16xf32>,
        %swap3A_601 = vector.shape_cast %swap3A_600 : vector<1x16xf32> to vector<16xf32>
        %swap3A_602 = vector.shape_cast %mul3A_597 : vector<16xf32> to vector<1x16xf32>
        tpu.vector_store %arg10[%swap3A_598, %swap3A_599], %swap3A_602 {strides = array<i32>} : memref<80x128xf32, #tpu.memory_space<vmem>>, vector<1x16xf32>,
        %get3A_603 = arith.index_cast %scan3A_548 : i32 to index
        %get3A_604 = arith.constant 64 : index
        %get3A_605 = tpu.vector_load %arg10[%get3A_603, %get3A_604] {strides = array<i32>} : memref<80x128xf32, #tpu.memory_space<vmem>>, vector<1x16xf32>,
        %get3A_606 = vector.shape_cast %get3A_605 : vector<1x16xf32> to vector<16xf32>
        %get3A_607 = arith.index_cast %scan3A_548 : i32 to index
        %get3A_608 = arith.constant 64 : index
        %get3A_609 = tpu.vector_load %arg9[%get3A_607, %get3A_608] {strides = array<i32>} : memref<80x128xf32, #tpu.memory_space<vmem>>, vector<1x16xf32>,
        %get3A_610 = vector.shape_cast %get3A_609 : vector<1x16xf32> to vector<16xf32>
        %mul3A_611 = arith.mulf %get3A_606, %get3A_610 : vector<16xf32>
        %swap3A_612 = arith.index_cast %scan3A_548 : i32 to index
        %swap3A_613 = arith.constant 64 : index
        %swap3A_614 = tpu.vector_load %arg10[%swap3A_612, %swap3A_613] {strides = array<i32>} : memref<80x128xf32, #tpu.memory_space<vmem>>, vector<1x16xf32>,
        %swap3A_615 = vector.shape_cast %swap3A_614 : vector<1x16xf32> to vector<16xf32>
        %swap3A_616 = vector.shape_cast %mul3A_611 : vector<16xf32> to vector<1x16xf32>
        tpu.vector_store %arg10[%swap3A_612, %swap3A_613], %swap3A_616 {strides = array<i32>} : memref<80x128xf32, #tpu.memory_space<vmem>>, vector<1x16xf32>,
        %get3A_617 = arith.index_cast %scan3A_548 : i32 to index
        %get3A_618 = arith.constant 80 : index
        %get3A_619 = tpu.vector_load %arg10[%get3A_617, %get3A_618] {strides = array<i32>} : memref<80x128xf32, #tpu.memory_space<vmem>>, vector<1x16xf32>,
        %get3A_620 = vector.shape_cast %get3A_619 : vector<1x16xf32> to vector<16xf32>
        %get3A_621 = arith.index_cast %scan3A_548 : i32 to index
        %get3A_622 = arith.constant 80 : index
        %get3A_623 = tpu.vector_load %arg9[%get3A_621, %get3A_622] {strides = array<i32>} : memref<80x128xf32, #tpu.memory_space<vmem>>, vector<1x16xf32>,
        %get3A_624 = vector.shape_cast %get3A_623 : vector<1x16xf32> to vector<16xf32>
        %mul3A_625 = arith.mulf %get3A_620, %get3A_624 : vector<16xf32>
        %swap3A_626 = arith.index_cast %scan3A_548 : i32 to index
        %swap3A_627 = arith.constant 80 : index
        %swap3A_628 = tpu.vector_load %arg10[%swap3A_626, %swap3A_627] {strides = array<i32>} : memref<80x128xf32, #tpu.memory_space<vmem>>, vector<1x16xf32>,
        %swap3A_629 = vector.shape_cast %swap3A_628 : vector<1x16xf32> to vector<16xf32>
        %swap3A_630 = vector.shape_cast %mul3A_625 : vector<16xf32> to vector<1x16xf32>
        tpu.vector_store %arg10[%swap3A_626, %swap3A_627], %swap3A_630 {strides = array<i32>} : memref<80x128xf32, #tpu.memory_space<vmem>>, vector<1x16xf32>,
        %get3A_631 = arith.index_cast %scan3A_548 : i32 to index
        %get3A_632 = arith.constant 96 : index
        %get3A_633 = tpu.vector_load %arg10[%get3A_631, %get3A_632] {strides = array<i32>} : memref<80x128xf32, #tpu.memory_space<vmem>>, vector<1x16xf32>,
        %get3A_634 = vector.shape_cast %get3A_633 : vector<1x16xf32> to vector<16xf32>
        %get3A_635 = arith.index_cast %scan3A_548 : i32 to index
        %get3A_636 = arith.constant 96 : index
        %get3A_637 = tpu.vector_load %arg9[%get3A_635, %get3A_636] {strides = array<i32>} : memref<80x128xf32, #tpu.memory_space<vmem>>, vector<1x16xf32>,
        %get3A_638 = vector.shape_cast %get3A_637 : vector<1x16xf32> to vector<16xf32>
        %mul3A_639 = arith.mulf %get3A_634, %get3A_638 : vector<16xf32>
        %swap3A_640 = arith.index_cast %scan3A_548 : i32 to index
        %swap3A_641 = arith.constant 96 : index
        %swap3A_642 = tpu.vector_load %arg10[%swap3A_640, %swap3A_641] {strides = array<i32>} : memref<80x128xf32, #tpu.memory_space<vmem>>, vector<1x16xf32>,
        %swap3A_643 = vector.shape_cast %swap3A_642 : vector<1x16xf32> to vector<16xf32>
        %swap3A_644 = vector.shape_cast %mul3A_639 : vector<16xf32> to vector<1x16xf32>
        tpu.vector_store %arg10[%swap3A_640, %swap3A_641], %swap3A_644 {strides = array<i32>} : memref<80x128xf32, #tpu.memory_space<vmem>>, vector<1x16xf32>,
        %get3A_645 = arith.index_cast %scan3A_548 : i32 to index
        %get3A_646 = arith.constant 112 : index
        %get3A_647 = tpu.vector_load %arg10[%get3A_645, %get3A_646] {strides = array<i32>} : memref<80x128xf32, #tpu.memory_space<vmem>>, vector<1x16xf32>,
        %get3A_648 = vector.shape_cast %get3A_647 : vector<1x16xf32> to vector<16xf32>
        %get3A_649 = arith.index_cast %scan3A_548 : i32 to index
        %get3A_650 = arith.constant 112 : index
        %get3A_651 = tpu.vector_load %arg9[%get3A_649, %get3A_650] {strides = array<i32>} : memref<80x128xf32, #tpu.memory_space<vmem>>, vector<1x16xf32>,
        %get3A_652 = vector.shape_cast %get3A_651 : vector<1x16xf32> to vector<16xf32>
        %mul3A_653 = arith.mulf %get3A_648, %get3A_652 : vector<16xf32>
        %swap3A_654 = arith.index_cast %scan3A_548 : i32 to index
        %swap3A_655 = arith.constant 112 : index
        %swap3A_656 = tpu.vector_load %arg10[%swap3A_654, %swap3A_655] {strides = array<i32>} : memref<80x128xf32, #tpu.memory_space<vmem>>, vector<1x16xf32>,
        %swap3A_657 = vector.shape_cast %swap3A_656 : vector<1x16xf32> to vector<16xf32>
        %swap3A_658 = vector.shape_cast %mul3A_653 : vector<16xf32> to vector<1x16xf32>
        tpu.vector_store %arg10[%swap3A_654, %swap3A_655], %swap3A_658 {strides = array<i32>} : memref<80x128xf32, #tpu.memory_space<vmem>>, vector<1x16xf32>,
      }
      %scan3A_545 = arith.constant 25 : i32
      %add3A_546 = arith.addi %mul3A_0, %add3A_539 : i32
      %run_scoped3A_547 = arith.constant 1 : i32
      "tpu.region"() ({
        %run_scoped3A_548 = tpu.sem_alloc : memref<!tpu.dma_semaphore, #tpu.memory_space<semaphore_mem>>
        %dma_start3A_549 = arith.constant 0 : i32
        %dma_start3A_550 = arith.constant 0 : i32
        %dma_start3A_551 = tpu.memref_slice %arg10[%dma_start3A_549, %dma_start3A_550] : memref<80x128xf32, #tpu.memory_space<vmem>> -> memref<25x128xf32, #tpu.memory_space<vmem>>
        %dma_start3A_552 = arith.constant 0 : i32
        %dma_start3A_553 = tpu.memref_slice %arg6[%run_scoped3A_547, %add3A_546, %dma_start3A_552] : memref<7x20000x128xf32, #tpu.memory_space<hbm>> -> memref<1x25x128xf32, #tpu.memory_space<hbm>>
        %dma_start3A_554 = tpu.memref_squeeze %dma_start3A_553 : memref<1x25x128xf32, #tpu.memory_space<hbm>> -> memref<25x128xf32, #tpu.memory_space<hbm>>
        %dma_start3A_555 = arith.constant 0 : i32
        %dma_start3A_556 = tpu.memref_slice %arg6[%run_scoped3A_547, %add3A_546, %dma_start3A_555] : memref<7x20000x128xf32, #tpu.memory_space<hbm>> -> memref<1x25x128xf32, #tpu.memory_space<hbm>>
        %dma_start3A_557 = tpu.memref_squeeze %dma_start3A_556 : memref<1x25x128xf32, #tpu.memory_space<hbm>> -> memref<25x128xf32, #tpu.memory_space<hbm>>
        %dma_start3A_558 = arith.constant 0 : i32
        %dma_start3A_559 = arith.constant 0 : i32
        %dma_start3A_560 = tpu.memref_slice %arg10[%dma_start3A_558, %dma_start3A_559] : memref<80x128xf32, #tpu.memory_space<vmem>> -> memref<25x128xf32, #tpu.memory_space<vmem>>
        tpu.enqueue_dma source(%dma_start3A_560 : memref<25x128xf32, #tpu.memory_space<vmem>>) target(%dma_start3A_557 : memref<25x128xf32, #tpu.memory_space<hbm>>) target_semaphore(%run_scoped3A_548 : memref<!tpu.dma_semaphore, #tpu.memory_space<semaphore_mem>>)
        %dma_wait3A_561 = arith.constant 0 : i32
        %dma_wait3A_562 = arith.constant 0 : i32
        %dma_wait3A_563 = tpu.memref_slice %arg10[%dma_wait3A_561, %dma_wait3A_562] : memref<80x128xf32, #tpu.memory_space<vmem>> -> memref<25x128xf32, #tpu.memory_space<vmem>>
        %dma_wait3A_564 = arith.constant 0 : i32
        %dma_wait3A_565 = tpu.memref_slice %arg6[%run_scoped3A_547, %add3A_546, %dma_wait3A_564] : memref<7x20000x128xf32, #tpu.memory_space<hbm>> -> memref<1x25x128xf32, #tpu.memory_space<hbm>>
        %dma_wait3A_566 = tpu.memref_squeeze %dma_wait3A_565 : memref<1x25x128xf32, #tpu.memory_space<hbm>> -> memref<25x128xf32, #tpu.memory_space<hbm>>
        %dma_wait3A_567 = arith.constant 0 : i32
        %dma_wait3A_568 = tpu.memref_slice %arg6[%run_scoped3A_547, %add3A_546, %dma_wait3A_567] : memref<7x20000x128xf32, #tpu.memory_space<hbm>> -> memref<1x25x128xf32, #tpu.memory_space<hbm>>
        %dma_wait3A_569 = tpu.memref_squeeze %dma_wait3A_568 : memref<1x25x128xf32, #tpu.memory_space<hbm>> -> memref<25x128xf32, #tpu.memory_space<hbm>>
        %dma_wait3A_570 = arith.constant 0 : i32
        %dma_wait3A_571 = arith.constant 0 : i32
        %dma_wait3A_572 = tpu.memref_slice %arg10[%dma_wait3A_570, %dma_wait3A_571] : memref<80x128xf32, #tpu.memory_space<vmem>> -> memref<25x128xf32, #tpu.memory_space<vmem>>
        tpu.wait_dma2 semaphore(%run_scoped3A_548 : memref<!tpu.dma_semaphore, #tpu.memory_space<semaphore_mem>>) src(%dma_wait3A_572 : memref<25x128xf32, #tpu.memory_space<vmem>>) dst(%dma_wait3A_569 : memref<25x128xf32, #tpu.memory_space<hbm>>)
        tpu.yield
      }) : () -> ()
      "tpu.region"() ({
        %run_scoped3A_548 = tpu.sem_alloc : memref<!tpu.dma_semaphore, #tpu.memory_space<semaphore_mem>>
        %dma_start3A_549 = arith.constant 0 : i32
        %dma_start3A_550 = arith.constant 0 : i32
        %dma_start3A_551 = tpu.memref_slice %arg10[%dma_start3A_549, %dma_start3A_550] : memref<80x128xf32, #tpu.memory_space<vmem>> -> memref<25x128xf32, #tpu.memory_space<vmem>>
        %dma_start3A_552 = arith.constant 0 : i32
        %dma_start3A_553 = tpu.memref_slice %arg12[%add3A_539, %dma_start3A_552] : memref<10008x128xf32, #tpu.memory_space<vmem_shared>> -> memref<25x128xf32, #tpu.memory_space<vmem_shared>>
        %dma_start3A_554 = arith.constant 0 : i32
        %dma_start3A_555 = tpu.memref_slice %arg12[%add3A_539, %dma_start3A_554] : memref<10008x128xf32, #tpu.memory_space<vmem_shared>> -> memref<25x128xf32, #tpu.memory_space<vmem_shared>>
        %dma_start3A_556 = arith.constant 0 : i32
        %dma_start3A_557 = arith.constant 0 : i32
        %dma_start3A_558 = tpu.memref_slice %arg10[%dma_start3A_556, %dma_start3A_557] : memref<80x128xf32, #tpu.memory_space<vmem>> -> memref<25x128xf32, #tpu.memory_space<vmem>>
        tpu.enqueue_dma source(%dma_start3A_558 : memref<25x128xf32, #tpu.memory_space<vmem>>) target(%dma_start3A_555 : memref<25x128xf32, #tpu.memory_space<vmem_shared>>) target_semaphore(%run_scoped3A_548 : memref<!tpu.dma_semaphore, #tpu.memory_space<semaphore_mem>>)
        %dma_wait3A_559 = arith.constant 0 : i32
        %dma_wait3A_560 = arith.constant 0 : i32
        %dma_wait3A_561 = tpu.memref_slice %arg10[%dma_wait3A_559, %dma_wait3A_560] : memref<80x128xf32, #tpu.memory_space<vmem>> -> memref<25x128xf32, #tpu.memory_space<vmem>>
        %dma_wait3A_562 = arith.constant 0 : i32
        %dma_wait3A_563 = tpu.memref_slice %arg12[%add3A_539, %dma_wait3A_562] : memref<10008x128xf32, #tpu.memory_space<vmem_shared>> -> memref<25x128xf32, #tpu.memory_space<vmem_shared>>
        %dma_wait3A_564 = arith.constant 0 : i32
        %dma_wait3A_565 = tpu.memref_slice %arg12[%add3A_539, %dma_wait3A_564] : memref<10008x128xf32, #tpu.memory_space<vmem_shared>> -> memref<25x128xf32, #tpu.memory_space<vmem_shared>>
        %dma_wait3A_566 = arith.constant 0 : i32
        %dma_wait3A_567 = arith.constant 0 : i32
        %dma_wait3A_568 = tpu.memref_slice %arg10[%dma_wait3A_566, %dma_wait3A_567] : memref<80x128xf32, #tpu.memory_space<vmem>> -> memref<25x128xf32, #tpu.memory_space<vmem>>
        tpu.wait_dma2 semaphore(%run_scoped3A_548 : memref<!tpu.dma_semaphore, #tpu.memory_space<semaphore_mem>>) src(%dma_wait3A_568 : memref<25x128xf32, #tpu.memory_space<vmem>>) dst(%dma_wait3A_565 : memref<25x128xf32, #tpu.memory_space<vmem_shared>>)
        tpu.yield
      }) : () -> ()
    }
    %scan3A_89 = arith.constant 25 : i32
    %barrier3A_90 = arith.constant 0 : index
    tpu.barrier barrier_id(%barrier3A_90)
    %dma_start3A_91 = arith.constant 1 : i32
    %dma_start3A_92 = arith.constant 0 : i32
    %dma_start3A_93 = arith.constant 0 : i32
    %dma_start3A_94 = tpu.memref_slice %arg7[%dma_start3A_92, %dma_start3A_93] : memref<126x80xi32, #tpu.memory_space<vmem>> -> memref<1x80xi32, #tpu.memory_space<vmem>>
    %dma_start3A_95 = tpu.memref_squeeze %dma_start3A_94 : memref<1x80xi32, #tpu.memory_space<vmem>> -> memref<80xi32, #tpu.memory_space<vmem>>
    %dma_start3A_96 = arith.constant 0 : i32
    %dma_start3A_97 = arith.constant 0 : i32
    %dma_start3A_98 = tpu.memref_slice %arg6[%dma_start3A_91, %dma_start3A_96, %dma_start3A_97] : memref<7x20000x128xf32, #tpu.memory_space<hbm>> -> memref<1x20000x128xf32, #tpu.memory_space<hbm>>
    %dma_start3A_99 = tpu.memref_squeeze %dma_start3A_98 : memref<1x20000x128xf32, #tpu.memory_space<hbm>> -> memref<20000x128xf32, #tpu.memory_space<hbm>>
    %dma_start3A_100 = arith.constant 0 : i32
    %dma_start3A_101 = arith.constant 0 : i32
    %dma_start3A_102 = tpu.memref_slice %dma_start3A_99[%dma_start3A_100, %dma_start3A_101] : memref<20000x128xf32, #tpu.memory_space<hbm>> -> memref<20000x128xf32, #tpu.memory_space<hbm>>
    tpu.enqueue_indirect_dma source(%dma_start3A_102 : memref<20000x128xf32, #tpu.memory_space<hbm>>) target(%arg9 : memref<80x128xf32, #tpu.memory_space<vmem>>) offsets(%dma_start3A_95 : memref<80xi32, #tpu.memory_space<vmem>>) semaphore(%arg13 : memref<!tpu.dma_semaphore, #tpu.memory_space<semaphore_mem>>)
    %dma_start3A_103 = arith.constant 1 : i32
    %dma_start3A_104 = arith.constant 1 : i32
    %dma_start3A_105 = arith.constant 0 : i32
    %dma_start3A_106 = tpu.memref_slice %arg7[%dma_start3A_104, %dma_start3A_105] : memref<126x80xi32, #tpu.memory_space<vmem>> -> memref<1x80xi32, #tpu.memory_space<vmem>>
    %dma_start3A_107 = tpu.memref_squeeze %dma_start3A_106 : memref<1x80xi32, #tpu.memory_space<vmem>> -> memref<80xi32, #tpu.memory_space<vmem>>
    %dma_start3A_108 = arith.constant 0 : i32
    %dma_start3A_109 = arith.constant 0 : i32
    %dma_start3A_110 = tpu.memref_slice %arg6[%dma_start3A_103, %dma_start3A_108, %dma_start3A_109] : memref<7x20000x128xf32, #tpu.memory_space<hbm>> -> memref<1x20000x128xf32, #tpu.memory_space<hbm>>
    %dma_start3A_111 = tpu.memref_squeeze %dma_start3A_110 : memref<1x20000x128xf32, #tpu.memory_space<hbm>> -> memref<20000x128xf32, #tpu.memory_space<hbm>>
    %dma_start3A_112 = arith.constant 0 : i32
    %dma_start3A_113 = arith.constant 0 : i32
    %dma_start3A_114 = tpu.memref_slice %dma_start3A_111[%dma_start3A_112, %dma_start3A_113] : memref<20000x128xf32, #tpu.memory_space<hbm>> -> memref<20000x128xf32, #tpu.memory_space<hbm>>
    tpu.enqueue_indirect_dma source(%dma_start3A_114 : memref<20000x128xf32, #tpu.memory_space<hbm>>) target(%arg10 : memref<80x128xf32, #tpu.memory_space<vmem>>) offsets(%dma_start3A_107 : memref<80xi32, #tpu.memory_space<vmem>>) semaphore(%arg14 : memref<!tpu.dma_semaphore, #tpu.memory_space<semaphore_mem>>)
    %scan3A_115 = arith.constant 0 : i32
    %scan3A_116 = arith.constant 0 : i32
    %scan3A_117 = arith.constant 41 : i32
    %scan3A_118 = arith.addi %scan3A_116, %scan3A_117 : i32
    %scan3A_119 = arith.constant 1 : i32
    scf.for %scan3A_536 = %scan3A_116 to %scan3A_118 step %scan3A_119  : i32 {
      %mul3A_537 = arith.constant 3 : i32
      %mul3A_538 = arith.muli %mul3A_537, %scan3A_536 : i32
      %add3A_539 = arith.constant 2 : i32
      %add3A_540 = arith.addi %mul3A_538, %add3A_539 : i32
      %dma_start3A_541 = arith.constant 1 : i32
      %dma_start3A_542 = arith.constant 0 : i32
      %dma_start3A_543 = tpu.memref_slice %arg7[%add3A_540, %dma_start3A_542] : memref<126x80xi32, #tpu.memory_space<vmem>> -> memref<1x80xi32, #tpu.memory_space<vmem>>
      %dma_start3A_544 = tpu.memref_squeeze %dma_start3A_543 : memref<1x80xi32, #tpu.memory_space<vmem>> -> memref<80xi32, #tpu.memory_space<vmem>>
      %dma_start3A_545 = arith.constant 0 : i32
      %dma_start3A_546 = arith.constant 0 : i32
      %dma_start3A_547 = tpu.memref_slice %arg6[%dma_start3A_541, %dma_start3A_545, %dma_start3A_546] : memref<7x20000x128xf32, #tpu.memory_space<hbm>> -> memref<1x20000x128xf32, #tpu.memory_space<hbm>>
      %dma_start3A_548 = tpu.memref_squeeze %dma_start3A_547 : memref<1x20000x128xf32, #tpu.memory_space<hbm>> -> memref<20000x128xf32, #tpu.memory_space<hbm>>
      %dma_start3A_549 = arith.constant 0 : i32
      %dma_start3A_550 = arith.constant 0 : i32
      %dma_start3A_551 = tpu.memref_slice %dma_start3A_548[%dma_start3A_549, %dma_start3A_550] : memref<20000x128xf32, #tpu.memory_space<hbm>> -> memref<20000x128xf32, #tpu.memory_space<hbm>>
      tpu.enqueue_indirect_dma source(%dma_start3A_551 : memref<20000x128xf32, #tpu.memory_space<hbm>>) target(%arg11 : memref<80x128xf32, #tpu.memory_space<vmem>>) offsets(%dma_start3A_544 : memref<80xi32, #tpu.memory_space<vmem>>) semaphore(%arg15 : memref<!tpu.dma_semaphore, #tpu.memory_space<semaphore_mem>>)
      %dma_wait3A_552 = arith.constant 1 : i32
      %dma_wait3A_553 = arith.constant 0 : i32
      %dma_wait3A_554 = tpu.memref_slice %arg7[%mul3A_538, %dma_wait3A_553] : memref<126x80xi32, #tpu.memory_space<vmem>> -> memref<1x80xi32, #tpu.memory_space<vmem>>
      %dma_wait3A_555 = tpu.memref_squeeze %dma_wait3A_554 : memref<1x80xi32, #tpu.memory_space<vmem>> -> memref<80xi32, #tpu.memory_space<vmem>>
      %dma_wait3A_556 = arith.constant 0 : i32
      %dma_wait3A_557 = arith.constant 0 : i32
      %dma_wait3A_558 = tpu.memref_slice %arg6[%dma_wait3A_552, %dma_wait3A_556, %dma_wait3A_557] : memref<7x20000x128xf32, #tpu.memory_space<hbm>> -> memref<1x20000x128xf32, #tpu.memory_space<hbm>>
      %dma_wait3A_559 = tpu.memref_squeeze %dma_wait3A_558 : memref<1x20000x128xf32, #tpu.memory_space<hbm>> -> memref<20000x128xf32, #tpu.memory_space<hbm>>
      %dma_wait3A_560 = arith.constant 0 : i32
      %dma_wait3A_561 = arith.constant 0 : i32
      %dma_wait3A_562 = tpu.memref_slice %dma_wait3A_559[%dma_wait3A_560, %dma_wait3A_561] : memref<20000x128xf32, #tpu.memory_space<hbm>> -> memref<20000x128xf32, #tpu.memory_space<hbm>>
      tpu.wait_indirect_dma semaphore(%arg13 : memref<!tpu.dma_semaphore, #tpu.memory_space<semaphore_mem>>) src(%dma_wait3A_562 : memref<20000x128xf32, #tpu.memory_space<hbm>>) dst(%arg9 : memref<80x128xf32, #tpu.memory_space<vmem>>)
      "tpu.region"() ({
        %run_scoped3A_619 = tpu.sem_alloc : memref<!tpu.dma_semaphore, #tpu.memory_space<semaphore_mem>>
        %dma_start3A_620 = arith.constant 0 : i32
        %dma_start3A_621 = tpu.memref_slice %arg8[%mul3A_538, %dma_start3A_620] : memref<126x80xi32, #tpu.memory_space<vmem>> -> memref<1x80xi32, #tpu.memory_space<vmem>>
        %dma_start3A_622 = tpu.memref_squeeze %dma_start3A_621 : memref<1x80xi32, #tpu.memory_space<vmem>> -> memref<80xi32, #tpu.memory_space<vmem>>
        %dma_start3A_623 = arith.constant 0 : i32
        %dma_start3A_624 = arith.constant 0 : i32
        %dma_start3A_625 = tpu.memref_slice %arg12[%dma_start3A_623, %dma_start3A_624] : memref<10008x128xf32, #tpu.memory_space<vmem_shared>> -> memref<10008x128xf32, #tpu.memory_space<vmem_shared>>
        tpu.enqueue_indirect_dma source(%arg9 : memref<80x128xf32, #tpu.memory_space<vmem>>) target(%dma_start3A_625 : memref<10008x128xf32, #tpu.memory_space<vmem_shared>>) offsets(%dma_start3A_622 : memref<80xi32, #tpu.memory_space<vmem>>) semaphore(%run_scoped3A_619 : memref<!tpu.dma_semaphore, #tpu.memory_space<semaphore_mem>>) {add = true}
        %dma_wait3A_626 = arith.constant 0 : i32
        %dma_wait3A_627 = tpu.memref_slice %arg8[%mul3A_538, %dma_wait3A_626] : memref<126x80xi32, #tpu.memory_space<vmem>> -> memref<1x80xi32, #tpu.memory_space<vmem>>
        %dma_wait3A_628 = tpu.memref_squeeze %dma_wait3A_627 : memref<1x80xi32, #tpu.memory_space<vmem>> -> memref<80xi32, #tpu.memory_space<vmem>>
        %dma_wait3A_629 = arith.constant 0 : i32
        %dma_wait3A_630 = arith.constant 0 : i32
        %dma_wait3A_631 = tpu.memref_slice %arg12[%dma_wait3A_629, %dma_wait3A_630] : memref<10008x128xf32, #tpu.memory_space<vmem_shared>> -> memref<10008x128xf32, #tpu.memory_space<vmem_shared>>
        tpu.wait_indirect_dma semaphore(%run_scoped3A_619 : memref<!tpu.dma_semaphore, #tpu.memory_space<semaphore_mem>>) src(%arg9 : memref<80x128xf32, #tpu.memory_space<vmem>>) dst(%dma_wait3A_631 : memref<10008x128xf32, #tpu.memory_space<vmem_shared>>)
        tpu.yield
      }) : () -> ()
      %add3A_563 = arith.constant 3 : i32
      %add3A_564 = arith.addi %mul3A_538, %add3A_563 : i32
      %dma_start3A_565 = arith.constant 1 : i32
      %dma_start3A_566 = arith.constant 0 : i32
      %dma_start3A_567 = tpu.memref_slice %arg7[%add3A_564, %dma_start3A_566] : memref<126x80xi32, #tpu.memory_space<vmem>> -> memref<1x80xi32, #tpu.memory_space<vmem>>
      %dma_start3A_568 = tpu.memref_squeeze %dma_start3A_567 : memref<1x80xi32, #tpu.memory_space<vmem>> -> memref<80xi32, #tpu.memory_space<vmem>>
      %dma_start3A_569 = arith.constant 0 : i32
      %dma_start3A_570 = arith.constant 0 : i32
      %dma_start3A_571 = tpu.memref_slice %arg6[%dma_start3A_565, %dma_start3A_569, %dma_start3A_570] : memref<7x20000x128xf32, #tpu.memory_space<hbm>> -> memref<1x20000x128xf32, #tpu.memory_space<hbm>>
      %dma_start3A_572 = tpu.memref_squeeze %dma_start3A_571 : memref<1x20000x128xf32, #tpu.memory_space<hbm>> -> memref<20000x128xf32, #tpu.memory_space<hbm>>
      %dma_start3A_573 = arith.constant 0 : i32
      %dma_start3A_574 = arith.constant 0 : i32
      %dma_start3A_575 = tpu.memref_slice %dma_start3A_572[%dma_start3A_573, %dma_start3A_574] : memref<20000x128xf32, #tpu.memory_space<hbm>> -> memref<20000x128xf32, #tpu.memory_space<hbm>>
      tpu.enqueue_indirect_dma source(%dma_start3A_575 : memref<20000x128xf32, #tpu.memory_space<hbm>>) target(%arg9 : memref<80x128xf32, #tpu.memory_space<vmem>>) offsets(%dma_start3A_568 : memref<80xi32, #tpu.memory_space<vmem>>) semaphore(%arg13 : memref<!tpu.dma_semaphore, #tpu.memory_space<semaphore_mem>>)
      %add3A_576 = arith.constant 1 : i32
      %add3A_577 = arith.addi %mul3A_538, %add3A_576 : i32
      %dma_wait3A_578 = arith.constant 1 : i32
      %dma_wait3A_579 = arith.constant 0 : i32
      %dma_wait3A_580 = tpu.memref_slice %arg7[%add3A_577, %dma_wait3A_579] : memref<126x80xi32, #tpu.memory_space<vmem>> -> memref<1x80xi32, #tpu.memory_space<vmem>>
      %dma_wait3A_581 = tpu.memref_squeeze %dma_wait3A_580 : memref<1x80xi32, #tpu.memory_space<vmem>> -> memref<80xi32, #tpu.memory_space<vmem>>
      %dma_wait3A_582 = arith.constant 0 : i32
      %dma_wait3A_583 = arith.constant 0 : i32
      %dma_wait3A_584 = tpu.memref_slice %arg6[%dma_wait3A_578, %dma_wait3A_582, %dma_wait3A_583] : memref<7x20000x128xf32, #tpu.memory_space<hbm>> -> memref<1x20000x128xf32, #tpu.memory_space<hbm>>
      %dma_wait3A_585 = tpu.memref_squeeze %dma_wait3A_584 : memref<1x20000x128xf32, #tpu.memory_space<hbm>> -> memref<20000x128xf32, #tpu.memory_space<hbm>>
      %dma_wait3A_586 = arith.constant 0 : i32
      %dma_wait3A_587 = arith.constant 0 : i32
      %dma_wait3A_588 = tpu.memref_slice %dma_wait3A_585[%dma_wait3A_586, %dma_wait3A_587] : memref<20000x128xf32, #tpu.memory_space<hbm>> -> memref<20000x128xf32, #tpu.memory_space<hbm>>
      tpu.wait_indirect_dma semaphore(%arg14 : memref<!tpu.dma_semaphore, #tpu.memory_space<semaphore_mem>>) src(%dma_wait3A_588 : memref<20000x128xf32, #tpu.memory_space<hbm>>) dst(%arg10 : memref<80x128xf32, #tpu.memory_space<vmem>>)
      %add3A_589 = arith.constant 1 : i32
      %add3A_590 = arith.addi %mul3A_538, %add3A_589 : i32
      "tpu.region"() ({
        %run_scoped3A_619 = tpu.sem_alloc : memref<!tpu.dma_semaphore, #tpu.memory_space<semaphore_mem>>
        %dma_start3A_620 = arith.constant 0 : i32
        %dma_start3A_621 = tpu.memref_slice %arg8[%add3A_590, %dma_start3A_620] : memref<126x80xi32, #tpu.memory_space<vmem>> -> memref<1x80xi32, #tpu.memory_space<vmem>>
        %dma_start3A_622 = tpu.memref_squeeze %dma_start3A_621 : memref<1x80xi32, #tpu.memory_space<vmem>> -> memref<80xi32, #tpu.memory_space<vmem>>
        %dma_start3A_623 = arith.constant 0 : i32
        %dma_start3A_624 = arith.constant 0 : i32
        %dma_start3A_625 = tpu.memref_slice %arg12[%dma_start3A_623, %dma_start3A_624] : memref<10008x128xf32, #tpu.memory_space<vmem_shared>> -> memref<10008x128xf32, #tpu.memory_space<vmem_shared>>
        tpu.enqueue_indirect_dma source(%arg10 : memref<80x128xf32, #tpu.memory_space<vmem>>) target(%dma_start3A_625 : memref<10008x128xf32, #tpu.memory_space<vmem_shared>>) offsets(%dma_start3A_622 : memref<80xi32, #tpu.memory_space<vmem>>) semaphore(%run_scoped3A_619 : memref<!tpu.dma_semaphore, #tpu.memory_space<semaphore_mem>>) {add = true}
        %dma_wait3A_626 = arith.constant 0 : i32
        %dma_wait3A_627 = tpu.memref_slice %arg8[%add3A_590, %dma_wait3A_626] : memref<126x80xi32, #tpu.memory_space<vmem>> -> memref<1x80xi32, #tpu.memory_space<vmem>>
        %dma_wait3A_628 = tpu.memref_squeeze %dma_wait3A_627 : memref<1x80xi32, #tpu.memory_space<vmem>> -> memref<80xi32, #tpu.memory_space<vmem>>
        %dma_wait3A_629 = arith.constant 0 : i32
        %dma_wait3A_630 = arith.constant 0 : i32
        %dma_wait3A_631 = tpu.memref_slice %arg12[%dma_wait3A_629, %dma_wait3A_630] : memref<10008x128xf32, #tpu.memory_space<vmem_shared>> -> memref<10008x128xf32, #tpu.memory_space<vmem_shared>>
        tpu.wait_indirect_dma semaphore(%run_scoped3A_619 : memref<!tpu.dma_semaphore, #tpu.memory_space<semaphore_mem>>) src(%arg10 : memref<80x128xf32, #tpu.memory_space<vmem>>) dst(%dma_wait3A_631 : memref<10008x128xf32, #tpu.memory_space<vmem_shared>>)
        tpu.yield
      }) : () -> ()
      %add3A_591 = arith.constant 4 : i32
      %add3A_592 = arith.addi %mul3A_538, %add3A_591 : i32
      %dma_start3A_593 = arith.constant 1 : i32
      %dma_start3A_594 = arith.constant 0 : i32
      %dma_start3A_595 = tpu.memref_slice %arg7[%add3A_592, %dma_start3A_594] : memref<126x80xi32, #tpu.memory_space<vmem>> -> memref<1x80xi32, #tpu.memory_space<vmem>>
      %dma_start3A_596 = tpu.memref_squeeze %dma_start3A_595 : memref<1x80xi32, #tpu.memory_space<vmem>> -> memref<80xi32, #tpu.memory_space<vmem>>
      %dma_start3A_597 = arith.constant 0 : i32
      %dma_start3A_598 = arith.constant 0 : i32
      %dma_start3A_599 = tpu.memref_slice %arg6[%dma_start3A_593, %dma_start3A_597, %dma_start3A_598] : memref<7x20000x128xf32, #tpu.memory_space<hbm>> -> memref<1x20000x128xf32, #tpu.memory_space<hbm>>
      %dma_start3A_600 = tpu.memref_squeeze %dma_start3A_599 : memref<1x20000x128xf32, #tpu.memory_space<hbm>> -> memref<20000x128xf32, #tpu.memory_space<hbm>>
      %dma_start3A_601 = arith.constant 0 : i32
      %dma_start3A_602 = arith.constant 0 : i32
      %dma_start3A_603 = tpu.memref_slice %dma_start3A_600[%dma_start3A_601, %dma_start3A_602] : memref<20000x128xf32, #tpu.memory_space<hbm>> -> memref<20000x128xf32, #tpu.memory_space<hbm>>
      tpu.enqueue_indirect_dma source(%dma_start3A_603 : memref<20000x128xf32, #tpu.memory_space<hbm>>) target(%arg10 : memref<80x128xf32, #tpu.memory_space<vmem>>) offsets(%dma_start3A_596 : memref<80xi32, #tpu.memory_space<vmem>>) semaphore(%arg14 : memref<!tpu.dma_semaphore, #tpu.memory_space<semaphore_mem>>)
      %add3A_604 = arith.constant 2 : i32
      %add3A_605 = arith.addi %mul3A_538, %add3A_604 : i32
      %dma_wait3A_606 = arith.constant 1 : i32
      %dma_wait3A_607 = arith.constant 0 : i32
      %dma_wait3A_608 = tpu.memref_slice %arg7[%add3A_605, %dma_wait3A_607] : memref<126x80xi32, #tpu.memory_space<vmem>> -> memref<1x80xi32, #tpu.memory_space<vmem>>
      %dma_wait3A_609 = tpu.memref_squeeze %dma_wait3A_608 : memref<1x80xi32, #tpu.memory_space<vmem>> -> memref<80xi32, #tpu.memory_space<vmem>>
      %dma_wait3A_610 = arith.constant 0 : i32
      %dma_wait3A_611 = arith.constant 0 : i32
      %dma_wait3A_612 = tpu.memref_slice %arg6[%dma_wait3A_606, %dma_wait3A_610, %dma_wait3A_611] : memref<7x20000x128xf32, #tpu.memory_space<hbm>> -> memref<1x20000x128xf32, #tpu.memory_space<hbm>>
      %dma_wait3A_613 = tpu.memref_squeeze %dma_wait3A_612 : memref<1x20000x128xf32, #tpu.memory_space<hbm>> -> memref<20000x128xf32, #tpu.memory_space<hbm>>
      %dma_wait3A_614 = arith.constant 0 : i32
      %dma_wait3A_615 = arith.constant 0 : i32
      %dma_wait3A_616 = tpu.memref_slice %dma_wait3A_613[%dma_wait3A_614, %dma_wait3A_615] : memref<20000x128xf32, #tpu.memory_space<hbm>> -> memref<20000x128xf32, #tpu.memory_space<hbm>>
      tpu.wait_indirect_dma semaphore(%arg15 : memref<!tpu.dma_semaphore, #tpu.memory_space<semaphore_mem>>) src(%dma_wait3A_616 : memref<20000x128xf32, #tpu.memory_space<hbm>>) dst(%arg11 : memref<80x128xf32, #tpu.memory_space<vmem>>)
      %add3A_617 = arith.constant 2 : i32
      %add3A_618 = arith.addi %mul3A_538, %add3A_617 : i32
      "tpu.region"() ({
        %run_scoped3A_619 = tpu.sem_alloc : memref<!tpu.dma_semaphore, #tpu.memory_space<semaphore_mem>>
        %dma_start3A_620 = arith.constant 0 : i32
        %dma_start3A_621 = tpu.memref_slice %arg8[%add3A_618, %dma_start3A_620] : memref<126x80xi32, #tpu.memory_space<vmem>> -> memref<1x80xi32, #tpu.memory_space<vmem>>
        %dma_start3A_622 = tpu.memref_squeeze %dma_start3A_621 : memref<1x80xi32, #tpu.memory_space<vmem>> -> memref<80xi32, #tpu.memory_space<vmem>>
        %dma_start3A_623 = arith.constant 0 : i32
        %dma_start3A_624 = arith.constant 0 : i32
        %dma_start3A_625 = tpu.memref_slice %arg12[%dma_start3A_623, %dma_start3A_624] : memref<10008x128xf32, #tpu.memory_space<vmem_shared>> -> memref<10008x128xf32, #tpu.memory_space<vmem_shared>>
        tpu.enqueue_indirect_dma source(%arg11 : memref<80x128xf32, #tpu.memory_space<vmem>>) target(%dma_start3A_625 : memref<10008x128xf32, #tpu.memory_space<vmem_shared>>) offsets(%dma_start3A_622 : memref<80xi32, #tpu.memory_space<vmem>>) semaphore(%run_scoped3A_619 : memref<!tpu.dma_semaphore, #tpu.memory_space<semaphore_mem>>) {add = true}
        %dma_wait3A_626 = arith.constant 0 : i32
        %dma_wait3A_627 = tpu.memref_slice %arg8[%add3A_618, %dma_wait3A_626] : memref<126x80xi32, #tpu.memory_space<vmem>> -> memref<1x80xi32, #tpu.memory_space<vmem>>
        %dma_wait3A_628 = tpu.memref_squeeze %dma_wait3A_627 : memref<1x80xi32, #tpu.memory_space<vmem>> -> memref<80xi32, #tpu.memory_space<vmem>>
        %dma_wait3A_629 = arith.constant 0 : i32
        %dma_wait3A_630 = arith.constant 0 : i32
        %dma_wait3A_631 = tpu.memref_slice %arg12[%dma_wait3A_629, %dma_wait3A_630] : memref<10008x128xf32, #tpu.memory_space<vmem_shared>> -> memref<10008x128xf32, #tpu.memory_space<vmem_shared>>
        tpu.wait_indirect_dma semaphore(%run_scoped3A_619 : memref<!tpu.dma_semaphore, #tpu.memory_space<semaphore_mem>>) src(%arg11 : memref<80x128xf32, #tpu.memory_space<vmem>>) dst(%dma_wait3A_631 : memref<10008x128xf32, #tpu.memory_space<vmem_shared>>)
        tpu.yield
      }) : () -> ()
    }
    %scan3A_120 = arith.constant 41 : i32
    %dma_start3A_121 = arith.constant 1 : i32
    %dma_start3A_122 = arith.constant 125 : i32
    %dma_start3A_123 = arith.constant 0 : i32
    %dma_start3A_124 = tpu.memref_slice %arg7[%dma_start3A_122, %dma_start3A_123] : memref<126x80xi32, #tpu.memory_space<vmem>> -> memref<1x80xi32, #tpu.memory_space<vmem>>
    %dma_start3A_125 = tpu.memref_squeeze %dma_start3A_124 : memref<1x80xi32, #tpu.memory_space<vmem>> -> memref<80xi32, #tpu.memory_space<vmem>>
    %dma_start3A_126 = arith.constant 0 : i32
    %dma_start3A_127 = arith.constant 0 : i32
    %dma_start3A_128 = tpu.memref_slice %arg6[%dma_start3A_121, %dma_start3A_126, %dma_start3A_127] : memref<7x20000x128xf32, #tpu.memory_space<hbm>> -> memref<1x20000x128xf32, #tpu.memory_space<hbm>>
    %dma_start3A_129 = tpu.memref_squeeze %dma_start3A_128 : memref<1x20000x128xf32, #tpu.memory_space<hbm>> -> memref<20000x128xf32, #tpu.memory_space<hbm>>
    %dma_start3A_130 = arith.constant 0 : i32
    %dma_start3A_131 = arith.constant 0 : i32
    %dma_start3A_132 = tpu.memref_slice %dma_start3A_129[%dma_start3A_130, %dma_start3A_131] : memref<20000x128xf32, #tpu.memory_space<hbm>> -> memref<20000x128xf32, #tpu.memory_space<hbm>>
    tpu.enqueue_indirect_dma source(%dma_start3A_132 : memref<20000x128xf32, #tpu.memory_space<hbm>>) target(%arg11 : memref<80x128xf32, #tpu.memory_space<vmem>>) offsets(%dma_start3A_125 : memref<80xi32, #tpu.memory_space<vmem>>) semaphore(%arg15 : memref<!tpu.dma_semaphore, #tpu.memory_space<semaphore_mem>>)
    %dma_wait3A_133 = arith.constant 1 : i32
    %dma_wait3A_134 = arith.constant 123 : i32
    %dma_wait3A_135 = arith.constant 0 : i32
    %dma_wait3A_136 = tpu.memref_slice %arg7[%dma_wait3A_134, %dma_wait3A_135] : memref<126x80xi32, #tpu.memory_space<vmem>> -> memref<1x80xi32, #tpu.memory_space<vmem>>
    %dma_wait3A_137 = tpu.memref_squeeze %dma_wait3A_136 : memref<1x80xi32, #tpu.memory_space<vmem>> -> memref<80xi32, #tpu.memory_space<vmem>>
    %dma_wait3A_138 = arith.constant 0 : i32
    %dma_wait3A_139 = arith.constant 0 : i32
    %dma_wait3A_140 = tpu.memref_slice %arg6[%dma_wait3A_133, %dma_wait3A_138, %dma_wait3A_139] : memref<7x20000x128xf32, #tpu.memory_space<hbm>> -> memref<1x20000x128xf32, #tpu.memory_space<hbm>>
    %dma_wait3A_141 = tpu.memref_squeeze %dma_wait3A_140 : memref<1x20000x128xf32, #tpu.memory_space<hbm>> -> memref<20000x128xf32, #tpu.memory_space<hbm>>
    %dma_wait3A_142 = arith.constant 0 : i32
    %dma_wait3A_143 = arith.constant 0 : i32
    %dma_wait3A_144 = tpu.memref_slice %dma_wait3A_141[%dma_wait3A_142, %dma_wait3A_143] : memref<20000x128xf32, #tpu.memory_space<hbm>> -> memref<20000x128xf32, #tpu.memory_space<hbm>>
    tpu.wait_indirect_dma semaphore(%arg13 : memref<!tpu.dma_semaphore, #tpu.memory_space<semaphore_mem>>) src(%dma_wait3A_144 : memref<20000x128xf32, #tpu.memory_space<hbm>>) dst(%arg9 : memref<80x128xf32, #tpu.memory_space<vmem>>)
    %run_scoped3A_145 = arith.constant 123 : i32
    "tpu.region"() ({
      %run_scoped3A_536 = tpu.sem_alloc : memref<!tpu.dma_semaphore, #tpu.memory_space<semaphore_mem>>
      %dma_start3A_537 = arith.constant 0 : i32
      %dma_start3A_538 = tpu.memref_slice %arg8[%run_scoped3A_145, %dma_start3A_537] : memref<126x80xi32, #tpu.memory_space<vmem>> -> memref<1x80xi32, #tpu.memory_space<vmem>>
      %dma_start3A_539 = tpu.memref_squeeze %dma_start3A_538 : memref<1x80xi32, #tpu.memory_space<vmem>> -> memref<80xi32, #tpu.memory_space<vmem>>
      %dma_start3A_540 = arith.constant 0 : i32
      %dma_start3A_541 = arith.constant 0 : i32
      %dma_start3A_542 = tpu.memref_slice %arg12[%dma_start3A_540, %dma_start3A_541] : memref<10008x128xf32, #tpu.memory_space<vmem_shared>> -> memref<10008x128xf32, #tpu.memory_space<vmem_shared>>
      tpu.enqueue_indirect_dma source(%arg9 : memref<80x128xf32, #tpu.memory_space<vmem>>) target(%dma_start3A_542 : memref<10008x128xf32, #tpu.memory_space<vmem_shared>>) offsets(%dma_start3A_539 : memref<80xi32, #tpu.memory_space<vmem>>) semaphore(%run_scoped3A_536 : memref<!tpu.dma_semaphore, #tpu.memory_space<semaphore_mem>>) {add = true}
      %dma_wait3A_543 = arith.constant 0 : i32
      %dma_wait3A_544 = tpu.memref_slice %arg8[%run_scoped3A_145, %dma_wait3A_543] : memref<126x80xi32, #tpu.memory_space<vmem>> -> memref<1x80xi32, #tpu.memory_space<vmem>>
      %dma_wait3A_545 = tpu.memref_squeeze %dma_wait3A_544 : memref<1x80xi32, #tpu.memory_space<vmem>> -> memref<80xi32, #tpu.memory_space<vmem>>
      %dma_wait3A_546 = arith.constant 0 : i32
      %dma_wait3A_547 = arith.constant 0 : i32
      %dma_wait3A_548 = tpu.memref_slice %arg12[%dma_wait3A_546, %dma_wait3A_547] : memref<10008x128xf32, #tpu.memory_space<vmem_shared>> -> memref<10008x128xf32, #tpu.memory_space<vmem_shared>>
      tpu.wait_indirect_dma semaphore(%run_scoped3A_536 : memref<!tpu.dma_semaphore, #tpu.memory_space<semaphore_mem>>) src(%arg9 : memref<80x128xf32, #tpu.memory_space<vmem>>) dst(%dma_wait3A_548 : memref<10008x128xf32, #tpu.memory_space<vmem_shared>>)
      tpu.yield
    }) : () -> ()
    %dma_wait3A_146 = arith.constant 1 : i32
    %dma_wait3A_147 = arith.constant 124 : i32
    %dma_wait3A_148 = arith.constant 0 : i32
    %dma_wait3A_149 = tpu.memref_slice %arg7[%dma_wait3A_147, %dma_wait3A_148] : memref<126x80xi32, #tpu.memory_space<vmem>> -> memref<1x80xi32, #tpu.memory_space<vmem>>
    %dma_wait3A_150 = tpu.memref_squeeze %dma_wait3A_149 : memref<1x80xi32, #tpu.memory_space<vmem>> -> memref<80xi32, #tpu.memory_space<vmem>>
    %dma_wait3A_151 = arith.constant 0 : i32
    %dma_wait3A_152 = arith.constant 0 : i32
    %dma_wait3A_153 = tpu.memref_slice %arg6[%dma_wait3A_146, %dma_wait3A_151, %dma_wait3A_152] : memref<7x20000x128xf32, #tpu.memory_space<hbm>> -> memref<1x20000x128xf32, #tpu.memory_space<hbm>>
    %dma_wait3A_154 = tpu.memref_squeeze %dma_wait3A_153 : memref<1x20000x128xf32, #tpu.memory_space<hbm>> -> memref<20000x128xf32, #tpu.memory_space<hbm>>
    %dma_wait3A_155 = arith.constant 0 : i32
    %dma_wait3A_156 = arith.constant 0 : i32
    %dma_wait3A_157 = tpu.memref_slice %dma_wait3A_154[%dma_wait3A_155, %dma_wait3A_156] : memref<20000x128xf32, #tpu.memory_space<hbm>> -> memref<20000x128xf32, #tpu.memory_space<hbm>>
    tpu.wait_indirect_dma semaphore(%arg14 : memref<!tpu.dma_semaphore, #tpu.memory_space<semaphore_mem>>) src(%dma_wait3A_157 : memref<20000x128xf32, #tpu.memory_space<hbm>>) dst(%arg10 : memref<80x128xf32, #tpu.memory_space<vmem>>)
    %run_scoped3A_158 = arith.constant 124 : i32
    "tpu.region"() ({
      %run_scoped3A_536 = tpu.sem_alloc : memref<!tpu.dma_semaphore, #tpu.memory_space<semaphore_mem>>
      %dma_start3A_537 = arith.constant 0 : i32
      %dma_start3A_538 = tpu.memref_slice %arg8[%run_scoped3A_158, %dma_start3A_537] : memref<126x80xi32, #tpu.memory_space<vmem>> -> memref<1x80xi32, #tpu.memory_space<vmem>>
      %dma_start3A_539 = tpu.memref_squeeze %dma_start3A_538 : memref<1x80xi32, #tpu.memory_space<vmem>> -> memref<80xi32, #tpu.memory_space<vmem>>
      %dma_start3A_540 = arith.constant 0 : i32
      %dma_start3A_541 = arith.constant 0 : i32
      %dma_start3A_542 = tpu.memref_slice %arg12[%dma_start3A_540, %dma_start3A_541] : memref<10008x128xf32, #tpu.memory_space<vmem_shared>> -> memref<10008x128xf32, #tpu.memory_space<vmem_shared>>
      tpu.enqueue_indirect_dma source(%arg10 : memref<80x128xf32, #tpu.memory_space<vmem>>) target(%dma_start3A_542 : memref<10008x128xf32, #tpu.memory_space<vmem_shared>>) offsets(%dma_start3A_539 : memref<80xi32, #tpu.memory_space<vmem>>) semaphore(%run_scoped3A_536 : memref<!tpu.dma_semaphore, #tpu.memory_space<semaphore_mem>>) {add = true}
      %dma_wait3A_543 = arith.constant 0 : i32
      %dma_wait3A_544 = tpu.memref_slice %arg8[%run_scoped3A_158, %dma_wait3A_543] : memref<126x80xi32, #tpu.memory_space<vmem>> -> memref<1x80xi32, #tpu.memory_space<vmem>>
      %dma_wait3A_545 = tpu.memref_squeeze %dma_wait3A_544 : memref<1x80xi32, #tpu.memory_space<vmem>> -> memref<80xi32, #tpu.memory_space<vmem>>
      %dma_wait3A_546 = arith.constant 0 : i32
      %dma_wait3A_547 = arith.constant 0 : i32
      %dma_wait3A_548 = tpu.memref_slice %arg12[%dma_wait3A_546, %dma_wait3A_547] : memref<10008x128xf32, #tpu.memory_space<vmem_shared>> -> memref<10008x128xf32, #tpu.memory_space<vmem_shared>>
      tpu.wait_indirect_dma semaphore(%run_scoped3A_536 : memref<!tpu.dma_semaphore, #tpu.memory_space<semaphore_mem>>) src(%arg10 : memref<80x128xf32, #tpu.memory_space<vmem>>) dst(%dma_wait3A_548 : memref<10008x128xf32, #tpu.memory_space<vmem_shared>>)
      tpu.yield
    }) : () -> ()
    %dma_wait3A_159 = arith.constant 1 : i32
    %dma_wait3A_160 = arith.constant 125 : i32
    %dma_wait3A_161 = arith.constant 0 : i32
    %dma_wait3A_162 = tpu.memref_slice %arg7[%dma_wait3A_160, %dma_wait3A_161] : memref<126x80xi32, #tpu.memory_space<vmem>> -> memref<1x80xi32, #tpu.memory_space<vmem>>
    %dma_wait3A_163 = tpu.memref_squeeze %dma_wait3A_162 : memref<1x80xi32, #tpu.memory_space<vmem>> -> memref<80xi32, #tpu.memory_space<vmem>>
    %dma_wait3A_164 = arith.constant 0 : i32
    %dma_wait3A_165 = arith.constant 0 : i32
    %dma_wait3A_166 = tpu.memref_slice %arg6[%dma_wait3A_159, %dma_wait3A_164, %dma_wait3A_165] : memref<7x20000x128xf32, #tpu.memory_space<hbm>> -> memref<1x20000x128xf32, #tpu.memory_space<hbm>>
    %dma_wait3A_167 = tpu.memref_squeeze %dma_wait3A_166 : memref<1x20000x128xf32, #tpu.memory_space<hbm>> -> memref<20000x128xf32, #tpu.memory_space<hbm>>
    %dma_wait3A_168 = arith.constant 0 : i32
    %dma_wait3A_169 = arith.constant 0 : i32
    %dma_wait3A_170 = tpu.memref_slice %dma_wait3A_167[%dma_wait3A_168, %dma_wait3A_169] : memref<20000x128xf32, #tpu.memory_space<hbm>> -> memref<20000x128xf32, #tpu.memory_space<hbm>>
    tpu.wait_indirect_dma semaphore(%arg15 : memref<!tpu.dma_semaphore, #tpu.memory_space<semaphore_mem>>) src(%dma_wait3A_170 : memref<20000x128xf32, #tpu.memory_space<hbm>>) dst(%arg11 : memref<80x128xf32, #tpu.memory_space<vmem>>)
    %run_scoped3A_171 = arith.constant 125 : i32
    "tpu.region"() ({
      %run_scoped3A_536 = tpu.sem_alloc : memref<!tpu.dma_semaphore, #tpu.memory_space<semaphore_mem>>
      %dma_start3A_537 = arith.constant 0 : i32
      %dma_start3A_538 = tpu.memref_slice %arg8[%run_scoped3A_171, %dma_start3A_537] : memref<126x80xi32, #tpu.memory_space<vmem>> -> memref<1x80xi32, #tpu.memory_space<vmem>>
      %dma_start3A_539 = tpu.memref_squeeze %dma_start3A_538 : memref<1x80xi32, #tpu.memory_space<vmem>> -> memref<80xi32, #tpu.memory_space<vmem>>
      %dma_start3A_540 = arith.constant 0 : i32
      %dma_start3A_541 = arith.constant 0 : i32
      %dma_start3A_542 = tpu.memref_slice %arg12[%dma_start3A_540, %dma_start3A_541] : memref<10008x128xf32, #tpu.memory_space<vmem_shared>> -> memref<10008x128xf32, #tpu.memory_space<vmem_shared>>
      tpu.enqueue_indirect_dma source(%arg11 : memref<80x128xf32, #tpu.memory_space<vmem>>) target(%dma_start3A_542 : memref<10008x128xf32, #tpu.memory_space<vmem_shared>>) offsets(%dma_start3A_539 : memref<80xi32, #tpu.memory_space<vmem>>) semaphore(%run_scoped3A_536 : memref<!tpu.dma_semaphore, #tpu.memory_space<semaphore_mem>>) {add = true}
      %dma_wait3A_543 = arith.constant 0 : i32
      %dma_wait3A_544 = tpu.memref_slice %arg8[%run_scoped3A_171, %dma_wait3A_543] : memref<126x80xi32, #tpu.memory_space<vmem>> -> memref<1x80xi32, #tpu.memory_space<vmem>>
      %dma_wait3A_545 = tpu.memref_squeeze %dma_wait3A_544 : memref<1x80xi32, #tpu.memory_space<vmem>> -> memref<80xi32, #tpu.memory_space<vmem>>
      %dma_wait3A_546 = arith.constant 0 : i32
      %dma_wait3A_547 = arith.constant 0 : i32
      %dma_wait3A_548 = tpu.memref_slice %arg12[%dma_wait3A_546, %dma_wait3A_547] : memref<10008x128xf32, #tpu.memory_space<vmem_shared>> -> memref<10008x128xf32, #tpu.memory_space<vmem_shared>>
      tpu.wait_indirect_dma semaphore(%run_scoped3A_536 : memref<!tpu.dma_semaphore, #tpu.memory_space<semaphore_mem>>) src(%arg11 : memref<80x128xf32, #tpu.memory_space<vmem>>) dst(%dma_wait3A_548 : memref<10008x128xf32, #tpu.memory_space<vmem_shared>>)
      tpu.yield
    }) : () -> ()
    %barrier3A_172 = arith.constant 0 : index
    tpu.barrier barrier_id(%barrier3A_172)
    %scan3A_173 = arith.constant 0 : i32
    %scan3A_174 = arith.constant 0 : i32
    %scan3A_175 = arith.constant 25 : i32
    %scan3A_176 = arith.addi %scan3A_174, %scan3A_175 : i32
    %scan3A_177 = arith.constant 1 : i32
    scf.for %scan3A_536 = %scan3A_174 to %scan3A_176 step %scan3A_177  : i32 {
      %mul3A_537 = arith.constant 25 : i32
      %mul3A_538 = arith.muli %scan3A_536, %mul3A_537 : i32
      %add3A_539 = arith.addi %mul3A_2, %mul3A_538 : i32
      "tpu.region"() ({
        %run_scoped3A_548 = tpu.sem_alloc : memref<!tpu.dma_semaphore, #tpu.memory_space<semaphore_mem>>
        %dma_start3A_549 = arith.constant 0 : i32
        %dma_start3A_550 = arith.constant 0 : i32
        %dma_start3A_551 = tpu.memref_slice %arg10[%dma_start3A_549, %dma_start3A_550] : memref<80x128xf32, #tpu.memory_space<vmem>> -> memref<25x128xf32, #tpu.memory_space<vmem>>
        %dma_start3A_552 = arith.constant 0 : i32
        %dma_start3A_553 = tpu.memref_slice %arg12[%add3A_539, %dma_start3A_552] : memref<10008x128xf32, #tpu.memory_space<vmem_shared>> -> memref<25x128xf32, #tpu.memory_space<vmem_shared>>
        %dma_start3A_554 = arith.constant 0 : i32
        %dma_start3A_555 = arith.constant 0 : i32
        %dma_start3A_556 = tpu.memref_slice %arg10[%dma_start3A_554, %dma_start3A_555] : memref<80x128xf32, #tpu.memory_space<vmem>> -> memref<25x128xf32, #tpu.memory_space<vmem>>
        %dma_start3A_557 = arith.constant 0 : i32
        %dma_start3A_558 = tpu.memref_slice %arg12[%add3A_539, %dma_start3A_557] : memref<10008x128xf32, #tpu.memory_space<vmem_shared>> -> memref<25x128xf32, #tpu.memory_space<vmem_shared>>
        tpu.enqueue_dma source(%dma_start3A_558 : memref<25x128xf32, #tpu.memory_space<vmem_shared>>) target(%dma_start3A_556 : memref<25x128xf32, #tpu.memory_space<vmem>>) target_semaphore(%run_scoped3A_548 : memref<!tpu.dma_semaphore, #tpu.memory_space<semaphore_mem>>)
        %dma_wait3A_559 = arith.constant 0 : i32
        %dma_wait3A_560 = arith.constant 0 : i32
        %dma_wait3A_561 = tpu.memref_slice %arg10[%dma_wait3A_559, %dma_wait3A_560] : memref<80x128xf32, #tpu.memory_space<vmem>> -> memref<25x128xf32, #tpu.memory_space<vmem>>
        %dma_wait3A_562 = arith.constant 0 : i32
        %dma_wait3A_563 = tpu.memref_slice %arg12[%add3A_539, %dma_wait3A_562] : memref<10008x128xf32, #tpu.memory_space<vmem_shared>> -> memref<25x128xf32, #tpu.memory_space<vmem_shared>>
        %dma_wait3A_564 = arith.constant 0 : i32
        %dma_wait3A_565 = arith.constant 0 : i32
        %dma_wait3A_566 = tpu.memref_slice %arg10[%dma_wait3A_564, %dma_wait3A_565] : memref<80x128xf32, #tpu.memory_space<vmem>> -> memref<25x128xf32, #tpu.memory_space<vmem>>
        %dma_wait3A_567 = arith.constant 0 : i32
        %dma_wait3A_568 = tpu.memref_slice %arg12[%add3A_539, %dma_wait3A_567] : memref<10008x128xf32, #tpu.memory_space<vmem_shared>> -> memref<25x128xf32, #tpu.memory_space<vmem_shared>>
        tpu.wait_dma2 semaphore(%run_scoped3A_548 : memref<!tpu.dma_semaphore, #tpu.memory_space<semaphore_mem>>) src(%dma_wait3A_568 : memref<25x128xf32, #tpu.memory_space<vmem_shared>>) dst(%dma_wait3A_566 : memref<25x128xf32, #tpu.memory_space<vmem>>)
        tpu.yield
      }) : () -> ()
      "tpu.region"() ({
        %run_scoped3A_548 = tpu.sem_alloc : memref<!tpu.dma_semaphore, #tpu.memory_space<semaphore_mem>>
        %dma_start3A_549 = arith.constant 0 : i32
        %dma_start3A_550 = arith.constant 0 : i32
        %dma_start3A_551 = tpu.memref_slice %arg9[%dma_start3A_549, %dma_start3A_550] : memref<80x128xf32, #tpu.memory_space<vmem>> -> memref<25x128xf32, #tpu.memory_space<vmem>>
        %dma_start3A_552 = arith.constant 0 : i32
        %dma_start3A_553 = tpu.memref_slice %arg5[%add3A_539, %dma_start3A_552] : memref<10000x128xf32, #tpu.memory_space<hbm>> -> memref<25x128xf32, #tpu.memory_space<hbm>>
        %dma_start3A_554 = arith.constant 0 : i32
        %dma_start3A_555 = arith.constant 0 : i32
        %dma_start3A_556 = tpu.memref_slice %arg9[%dma_start3A_554, %dma_start3A_555] : memref<80x128xf32, #tpu.memory_space<vmem>> -> memref<25x128xf32, #tpu.memory_space<vmem>>
        %dma_start3A_557 = arith.constant 0 : i32
        %dma_start3A_558 = tpu.memref_slice %arg5[%add3A_539, %dma_start3A_557] : memref<10000x128xf32, #tpu.memory_space<hbm>> -> memref<25x128xf32, #tpu.memory_space<hbm>>
        tpu.enqueue_dma source(%dma_start3A_558 : memref<25x128xf32, #tpu.memory_space<hbm>>) target(%dma_start3A_556 : memref<25x128xf32, #tpu.memory_space<vmem>>) target_semaphore(%run_scoped3A_548 : memref<!tpu.dma_semaphore, #tpu.memory_space<semaphore_mem>>)
        %dma_wait3A_559 = arith.constant 0 : i32
        %dma_wait3A_560 = arith.constant 0 : i32
        %dma_wait3A_561 = tpu.memref_slice %arg9[%dma_wait3A_559, %dma_wait3A_560] : memref<80x128xf32, #tpu.memory_space<vmem>> -> memref<25x128xf32, #tpu.memory_space<vmem>>
        %dma_wait3A_562 = arith.constant 0 : i32
        %dma_wait3A_563 = tpu.memref_slice %arg5[%add3A_539, %dma_wait3A_562] : memref<10000x128xf32, #tpu.memory_space<hbm>> -> memref<25x128xf32, #tpu.memory_space<hbm>>
        %dma_wait3A_564 = arith.constant 0 : i32
        %dma_wait3A_565 = arith.constant 0 : i32
        %dma_wait3A_566 = tpu.memref_slice %arg9[%dma_wait3A_564, %dma_wait3A_565] : memref<80x128xf32, #tpu.memory_space<vmem>> -> memref<25x128xf32, #tpu.memory_space<vmem>>
        %dma_wait3A_567 = arith.constant 0 : i32
        %dma_wait3A_568 = tpu.memref_slice %arg5[%add3A_539, %dma_wait3A_567] : memref<10000x128xf32, #tpu.memory_space<hbm>> -> memref<25x128xf32, #tpu.memory_space<hbm>>
        tpu.wait_dma2 semaphore(%run_scoped3A_548 : memref<!tpu.dma_semaphore, #tpu.memory_space<semaphore_mem>>) src(%dma_wait3A_568 : memref<25x128xf32, #tpu.memory_space<hbm>>) dst(%dma_wait3A_566 : memref<25x128xf32, #tpu.memory_space<vmem>>)
        tpu.yield
      }) : () -> ()
      %scan3A_540 = arith.constant 0 : i32
      %scan3A_541 = arith.constant 0 : i32
      %scan3A_542 = arith.constant 25 : i32
      %scan3A_543 = arith.addi %scan3A_541, %scan3A_542 : i32
      %scan3A_544 = arith.constant 1 : i32
      scf.for %scan3A_548 = %scan3A_541 to %scan3A_543 step %scan3A_544  : i32 {
        %get3A = arith.index_cast %scan3A_548 : i32 to index
        %get3A_549 = arith.constant 0 : index
        %get3A_550 = tpu.vector_load %arg10[%get3A, %get3A_549] {strides = array<i32>} : memref<80x128xf32, #tpu.memory_space<vmem>>, vector<1x16xf32>,
        %get3A_551 = vector.shape_cast %get3A_550 : vector<1x16xf32> to vector<16xf32>
        %get3A_552 = arith.index_cast %scan3A_548 : i32 to index
        %get3A_553 = arith.constant 0 : index
        %get3A_554 = tpu.vector_load %arg9[%get3A_552, %get3A_553] {strides = array<i32>} : memref<80x128xf32, #tpu.memory_space<vmem>>, vector<1x16xf32>,
        %get3A_555 = vector.shape_cast %get3A_554 : vector<1x16xf32> to vector<16xf32>
        %mul3A_556 = arith.mulf %get3A_551, %get3A_555 : vector<16xf32>
        %swap3A = arith.index_cast %scan3A_548 : i32 to index
        %swap3A_557 = arith.constant 0 : index
        %swap3A_558 = tpu.vector_load %arg10[%swap3A, %swap3A_557] {strides = array<i32>} : memref<80x128xf32, #tpu.memory_space<vmem>>, vector<1x16xf32>,
        %swap3A_559 = vector.shape_cast %swap3A_558 : vector<1x16xf32> to vector<16xf32>
        %swap3A_560 = vector.shape_cast %mul3A_556 : vector<16xf32> to vector<1x16xf32>
        tpu.vector_store %arg10[%swap3A, %swap3A_557], %swap3A_560 {strides = array<i32>} : memref<80x128xf32, #tpu.memory_space<vmem>>, vector<1x16xf32>,
        %get3A_561 = arith.index_cast %scan3A_548 : i32 to index
        %get3A_562 = arith.constant 16 : index
        %get3A_563 = tpu.vector_load %arg10[%get3A_561, %get3A_562] {strides = array<i32>} : memref<80x128xf32, #tpu.memory_space<vmem>>, vector<1x16xf32>,
        %get3A_564 = vector.shape_cast %get3A_563 : vector<1x16xf32> to vector<16xf32>
        %get3A_565 = arith.index_cast %scan3A_548 : i32 to index
        %get3A_566 = arith.constant 16 : index
        %get3A_567 = tpu.vector_load %arg9[%get3A_565, %get3A_566] {strides = array<i32>} : memref<80x128xf32, #tpu.memory_space<vmem>>, vector<1x16xf32>,
        %get3A_568 = vector.shape_cast %get3A_567 : vector<1x16xf32> to vector<16xf32>
        %mul3A_569 = arith.mulf %get3A_564, %get3A_568 : vector<16xf32>
        %swap3A_570 = arith.index_cast %scan3A_548 : i32 to index
        %swap3A_571 = arith.constant 16 : index
        %swap3A_572 = tpu.vector_load %arg10[%swap3A_570, %swap3A_571] {strides = array<i32>} : memref<80x128xf32, #tpu.memory_space<vmem>>, vector<1x16xf32>,
        %swap3A_573 = vector.shape_cast %swap3A_572 : vector<1x16xf32> to vector<16xf32>
        %swap3A_574 = vector.shape_cast %mul3A_569 : vector<16xf32> to vector<1x16xf32>
        tpu.vector_store %arg10[%swap3A_570, %swap3A_571], %swap3A_574 {strides = array<i32>} : memref<80x128xf32, #tpu.memory_space<vmem>>, vector<1x16xf32>,
        %get3A_575 = arith.index_cast %scan3A_548 : i32 to index
        %get3A_576 = arith.constant 32 : index
        %get3A_577 = tpu.vector_load %arg10[%get3A_575, %get3A_576] {strides = array<i32>} : memref<80x128xf32, #tpu.memory_space<vmem>>, vector<1x16xf32>,
        %get3A_578 = vector.shape_cast %get3A_577 : vector<1x16xf32> to vector<16xf32>
        %get3A_579 = arith.index_cast %scan3A_548 : i32 to index
        %get3A_580 = arith.constant 32 : index
        %get3A_581 = tpu.vector_load %arg9[%get3A_579, %get3A_580] {strides = array<i32>} : memref<80x128xf32, #tpu.memory_space<vmem>>, vector<1x16xf32>,
        %get3A_582 = vector.shape_cast %get3A_581 : vector<1x16xf32> to vector<16xf32>
        %mul3A_583 = arith.mulf %get3A_578, %get3A_582 : vector<16xf32>
        %swap3A_584 = arith.index_cast %scan3A_548 : i32 to index
        %swap3A_585 = arith.constant 32 : index
        %swap3A_586 = tpu.vector_load %arg10[%swap3A_584, %swap3A_585] {strides = array<i32>} : memref<80x128xf32, #tpu.memory_space<vmem>>, vector<1x16xf32>,
        %swap3A_587 = vector.shape_cast %swap3A_586 : vector<1x16xf32> to vector<16xf32>
        %swap3A_588 = vector.shape_cast %mul3A_583 : vector<16xf32> to vector<1x16xf32>
        tpu.vector_store %arg10[%swap3A_584, %swap3A_585], %swap3A_588 {strides = array<i32>} : memref<80x128xf32, #tpu.memory_space<vmem>>, vector<1x16xf32>,
        %get3A_589 = arith.index_cast %scan3A_548 : i32 to index
        %get3A_590 = arith.constant 48 : index
        %get3A_591 = tpu.vector_load %arg10[%get3A_589, %get3A_590] {strides = array<i32>} : memref<80x128xf32, #tpu.memory_space<vmem>>, vector<1x16xf32>,
        %get3A_592 = vector.shape_cast %get3A_591 : vector<1x16xf32> to vector<16xf32>
        %get3A_593 = arith.index_cast %scan3A_548 : i32 to index
        %get3A_594 = arith.constant 48 : index
        %get3A_595 = tpu.vector_load %arg9[%get3A_593, %get3A_594] {strides = array<i32>} : memref<80x128xf32, #tpu.memory_space<vmem>>, vector<1x16xf32>,
        %get3A_596 = vector.shape_cast %get3A_595 : vector<1x16xf32> to vector<16xf32>
        %mul3A_597 = arith.mulf %get3A_592, %get3A_596 : vector<16xf32>
        %swap3A_598 = arith.index_cast %scan3A_548 : i32 to index
        %swap3A_599 = arith.constant 48 : index
        %swap3A_600 = tpu.vector_load %arg10[%swap3A_598, %swap3A_599] {strides = array<i32>} : memref<80x128xf32, #tpu.memory_space<vmem>>, vector<1x16xf32>,
        %swap3A_601 = vector.shape_cast %swap3A_600 : vector<1x16xf32> to vector<16xf32>
        %swap3A_602 = vector.shape_cast %mul3A_597 : vector<16xf32> to vector<1x16xf32>
        tpu.vector_store %arg10[%swap3A_598, %swap3A_599], %swap3A_602 {strides = array<i32>} : memref<80x128xf32, #tpu.memory_space<vmem>>, vector<1x16xf32>,
        %get3A_603 = arith.index_cast %scan3A_548 : i32 to index
        %get3A_604 = arith.constant 64 : index
        %get3A_605 = tpu.vector_load %arg10[%get3A_603, %get3A_604] {strides = array<i32>} : memref<80x128xf32, #tpu.memory_space<vmem>>, vector<1x16xf32>,
        %get3A_606 = vector.shape_cast %get3A_605 : vector<1x16xf32> to vector<16xf32>
        %get3A_607 = arith.index_cast %scan3A_548 : i32 to index
        %get3A_608 = arith.constant 64 : index
        %get3A_609 = tpu.vector_load %arg9[%get3A_607, %get3A_608] {strides = array<i32>} : memref<80x128xf32, #tpu.memory_space<vmem>>, vector<1x16xf32>,
        %get3A_610 = vector.shape_cast %get3A_609 : vector<1x16xf32> to vector<16xf32>
        %mul3A_611 = arith.mulf %get3A_606, %get3A_610 : vector<16xf32>
        %swap3A_612 = arith.index_cast %scan3A_548 : i32 to index
        %swap3A_613 = arith.constant 64 : index
        %swap3A_614 = tpu.vector_load %arg10[%swap3A_612, %swap3A_613] {strides = array<i32>} : memref<80x128xf32, #tpu.memory_space<vmem>>, vector<1x16xf32>,
        %swap3A_615 = vector.shape_cast %swap3A_614 : vector<1x16xf32> to vector<16xf32>
        %swap3A_616 = vector.shape_cast %mul3A_611 : vector<16xf32> to vector<1x16xf32>
        tpu.vector_store %arg10[%swap3A_612, %swap3A_613], %swap3A_616 {strides = array<i32>} : memref<80x128xf32, #tpu.memory_space<vmem>>, vector<1x16xf32>,
        %get3A_617 = arith.index_cast %scan3A_548 : i32 to index
        %get3A_618 = arith.constant 80 : index
        %get3A_619 = tpu.vector_load %arg10[%get3A_617, %get3A_618] {strides = array<i32>} : memref<80x128xf32, #tpu.memory_space<vmem>>, vector<1x16xf32>,
        %get3A_620 = vector.shape_cast %get3A_619 : vector<1x16xf32> to vector<16xf32>
        %get3A_621 = arith.index_cast %scan3A_548 : i32 to index
        %get3A_622 = arith.constant 80 : index
        %get3A_623 = tpu.vector_load %arg9[%get3A_621, %get3A_622] {strides = array<i32>} : memref<80x128xf32, #tpu.memory_space<vmem>>, vector<1x16xf32>,
        %get3A_624 = vector.shape_cast %get3A_623 : vector<1x16xf32> to vector<16xf32>
        %mul3A_625 = arith.mulf %get3A_620, %get3A_624 : vector<16xf32>
        %swap3A_626 = arith.index_cast %scan3A_548 : i32 to index
        %swap3A_627 = arith.constant 80 : index
        %swap3A_628 = tpu.vector_load %arg10[%swap3A_626, %swap3A_627] {strides = array<i32>} : memref<80x128xf32, #tpu.memory_space<vmem>>, vector<1x16xf32>,
        %swap3A_629 = vector.shape_cast %swap3A_628 : vector<1x16xf32> to vector<16xf32>
        %swap3A_630 = vector.shape_cast %mul3A_625 : vector<16xf32> to vector<1x16xf32>
        tpu.vector_store %arg10[%swap3A_626, %swap3A_627], %swap3A_630 {strides = array<i32>} : memref<80x128xf32, #tpu.memory_space<vmem>>, vector<1x16xf32>,
        %get3A_631 = arith.index_cast %scan3A_548 : i32 to index
        %get3A_632 = arith.constant 96 : index
        %get3A_633 = tpu.vector_load %arg10[%get3A_631, %get3A_632] {strides = array<i32>} : memref<80x128xf32, #tpu.memory_space<vmem>>, vector<1x16xf32>,
        %get3A_634 = vector.shape_cast %get3A_633 : vector<1x16xf32> to vector<16xf32>
        %get3A_635 = arith.index_cast %scan3A_548 : i32 to index
        %get3A_636 = arith.constant 96 : index
        %get3A_637 = tpu.vector_load %arg9[%get3A_635, %get3A_636] {strides = array<i32>} : memref<80x128xf32, #tpu.memory_space<vmem>>, vector<1x16xf32>,
        %get3A_638 = vector.shape_cast %get3A_637 : vector<1x16xf32> to vector<16xf32>
        %mul3A_639 = arith.mulf %get3A_634, %get3A_638 : vector<16xf32>
        %swap3A_640 = arith.index_cast %scan3A_548 : i32 to index
        %swap3A_641 = arith.constant 96 : index
        %swap3A_642 = tpu.vector_load %arg10[%swap3A_640, %swap3A_641] {strides = array<i32>} : memref<80x128xf32, #tpu.memory_space<vmem>>, vector<1x16xf32>,
        %swap3A_643 = vector.shape_cast %swap3A_642 : vector<1x16xf32> to vector<16xf32>
        %swap3A_644 = vector.shape_cast %mul3A_639 : vector<16xf32> to vector<1x16xf32>
        tpu.vector_store %arg10[%swap3A_640, %swap3A_641], %swap3A_644 {strides = array<i32>} : memref<80x128xf32, #tpu.memory_space<vmem>>, vector<1x16xf32>,
        %get3A_645 = arith.index_cast %scan3A_548 : i32 to index
        %get3A_646 = arith.constant 112 : index
        %get3A_647 = tpu.vector_load %arg10[%get3A_645, %get3A_646] {strides = array<i32>} : memref<80x128xf32, #tpu.memory_space<vmem>>, vector<1x16xf32>,
        %get3A_648 = vector.shape_cast %get3A_647 : vector<1x16xf32> to vector<16xf32>
        %get3A_649 = arith.index_cast %scan3A_548 : i32 to index
        %get3A_650 = arith.constant 112 : index
        %get3A_651 = tpu.vector_load %arg9[%get3A_649, %get3A_650] {strides = array<i32>} : memref<80x128xf32, #tpu.memory_space<vmem>>, vector<1x16xf32>,
        %get3A_652 = vector.shape_cast %get3A_651 : vector<1x16xf32> to vector<16xf32>
        %mul3A_653 = arith.mulf %get3A_648, %get3A_652 : vector<16xf32>
        %swap3A_654 = arith.index_cast %scan3A_548 : i32 to index
        %swap3A_655 = arith.constant 112 : index
        %swap3A_656 = tpu.vector_load %arg10[%swap3A_654, %swap3A_655] {strides = array<i32>} : memref<80x128xf32, #tpu.memory_space<vmem>>, vector<1x16xf32>,
        %swap3A_657 = vector.shape_cast %swap3A_656 : vector<1x16xf32> to vector<16xf32>
        %swap3A_658 = vector.shape_cast %mul3A_653 : vector<16xf32> to vector<1x16xf32>
        tpu.vector_store %arg10[%swap3A_654, %swap3A_655], %swap3A_658 {strides = array<i32>} : memref<80x128xf32, #tpu.memory_space<vmem>>, vector<1x16xf32>,
      }
      %scan3A_545 = arith.constant 25 : i32
      %add3A_546 = arith.addi %mul3A_0, %add3A_539 : i32
      %run_scoped3A_547 = arith.constant 2 : i32
      "tpu.region"() ({
        %run_scoped3A_548 = tpu.sem_alloc : memref<!tpu.dma_semaphore, #tpu.memory_space<semaphore_mem>>
        %dma_start3A_549 = arith.constant 0 : i32
        %dma_start3A_550 = arith.constant 0 : i32
        %dma_start3A_551 = tpu.memref_slice %arg10[%dma_start3A_549, %dma_start3A_550] : memref<80x128xf32, #tpu.memory_space<vmem>> -> memref<25x128xf32, #tpu.memory_space<vmem>>
        %dma_start3A_552 = arith.constant 0 : i32
        %dma_start3A_553 = tpu.memref_slice %arg6[%run_scoped3A_547, %add3A_546, %dma_start3A_552] : memref<7x20000x128xf32, #tpu.memory_space<hbm>> -> memref<1x25x128xf32, #tpu.memory_space<hbm>>
        %dma_start3A_554 = tpu.memref_squeeze %dma_start3A_553 : memref<1x25x128xf32, #tpu.memory_space<hbm>> -> memref<25x128xf32, #tpu.memory_space<hbm>>
        %dma_start3A_555 = arith.constant 0 : i32
        %dma_start3A_556 = tpu.memref_slice %arg6[%run_scoped3A_547, %add3A_546, %dma_start3A_555] : memref<7x20000x128xf32, #tpu.memory_space<hbm>> -> memref<1x25x128xf32, #tpu.memory_space<hbm>>
        %dma_start3A_557 = tpu.memref_squeeze %dma_start3A_556 : memref<1x25x128xf32, #tpu.memory_space<hbm>> -> memref<25x128xf32, #tpu.memory_space<hbm>>
        %dma_start3A_558 = arith.constant 0 : i32
        %dma_start3A_559 = arith.constant 0 : i32
        %dma_start3A_560 = tpu.memref_slice %arg10[%dma_start3A_558, %dma_start3A_559] : memref<80x128xf32, #tpu.memory_space<vmem>> -> memref<25x128xf32, #tpu.memory_space<vmem>>
        tpu.enqueue_dma source(%dma_start3A_560 : memref<25x128xf32, #tpu.memory_space<vmem>>) target(%dma_start3A_557 : memref<25x128xf32, #tpu.memory_space<hbm>>) target_semaphore(%run_scoped3A_548 : memref<!tpu.dma_semaphore, #tpu.memory_space<semaphore_mem>>)
        %dma_wait3A_561 = arith.constant 0 : i32
        %dma_wait3A_562 = arith.constant 0 : i32
        %dma_wait3A_563 = tpu.memref_slice %arg10[%dma_wait3A_561, %dma_wait3A_562] : memref<80x128xf32, #tpu.memory_space<vmem>> -> memref<25x128xf32, #tpu.memory_space<vmem>>
        %dma_wait3A_564 = arith.constant 0 : i32
        %dma_wait3A_565 = tpu.memref_slice %arg6[%run_scoped3A_547, %add3A_546, %dma_wait3A_564] : memref<7x20000x128xf32, #tpu.memory_space<hbm>> -> memref<1x25x128xf32, #tpu.memory_space<hbm>>
        %dma_wait3A_566 = tpu.memref_squeeze %dma_wait3A_565 : memref<1x25x128xf32, #tpu.memory_space<hbm>> -> memref<25x128xf32, #tpu.memory_space<hbm>>
        %dma_wait3A_567 = arith.constant 0 : i32
        %dma_wait3A_568 = tpu.memref_slice %arg6[%run_scoped3A_547, %add3A_546, %dma_wait3A_567] : memref<7x20000x128xf32, #tpu.memory_space<hbm>> -> memref<1x25x128xf32, #tpu.memory_space<hbm>>
        %dma_wait3A_569 = tpu.memref_squeeze %dma_wait3A_568 : memref<1x25x128xf32, #tpu.memory_space<hbm>> -> memref<25x128xf32, #tpu.memory_space<hbm>>
        %dma_wait3A_570 = arith.constant 0 : i32
        %dma_wait3A_571 = arith.constant 0 : i32
        %dma_wait3A_572 = tpu.memref_slice %arg10[%dma_wait3A_570, %dma_wait3A_571] : memref<80x128xf32, #tpu.memory_space<vmem>> -> memref<25x128xf32, #tpu.memory_space<vmem>>
        tpu.wait_dma2 semaphore(%run_scoped3A_548 : memref<!tpu.dma_semaphore, #tpu.memory_space<semaphore_mem>>) src(%dma_wait3A_572 : memref<25x128xf32, #tpu.memory_space<vmem>>) dst(%dma_wait3A_569 : memref<25x128xf32, #tpu.memory_space<hbm>>)
        tpu.yield
      }) : () -> ()
      "tpu.region"() ({
        %run_scoped3A_548 = tpu.sem_alloc : memref<!tpu.dma_semaphore, #tpu.memory_space<semaphore_mem>>
        %dma_start3A_549 = arith.constant 0 : i32
        %dma_start3A_550 = arith.constant 0 : i32
        %dma_start3A_551 = tpu.memref_slice %arg10[%dma_start3A_549, %dma_start3A_550] : memref<80x128xf32, #tpu.memory_space<vmem>> -> memref<25x128xf32, #tpu.memory_space<vmem>>
        %dma_start3A_552 = arith.constant 0 : i32
        %dma_start3A_553 = tpu.memref_slice %arg12[%add3A_539, %dma_start3A_552] : memref<10008x128xf32, #tpu.memory_space<vmem_shared>> -> memref<25x128xf32, #tpu.memory_space<vmem_shared>>
        %dma_start3A_554 = arith.constant 0 : i32
        %dma_start3A_555 = tpu.memref_slice %arg12[%add3A_539, %dma_start3A_554] : memref<10008x128xf32, #tpu.memory_space<vmem_shared>> -> memref<25x128xf32, #tpu.memory_space<vmem_shared>>
        %dma_start3A_556 = arith.constant 0 : i32
        %dma_start3A_557 = arith.constant 0 : i32
        %dma_start3A_558 = tpu.memref_slice %arg10[%dma_start3A_556, %dma_start3A_557] : memref<80x128xf32, #tpu.memory_space<vmem>> -> memref<25x128xf32, #tpu.memory_space<vmem>>
        tpu.enqueue_dma source(%dma_start3A_558 : memref<25x128xf32, #tpu.memory_space<vmem>>) target(%dma_start3A_555 : memref<25x128xf32, #tpu.memory_space<vmem_shared>>) target_semaphore(%run_scoped3A_548 : memref<!tpu.dma_semaphore, #tpu.memory_space<semaphore_mem>>)
        %dma_wait3A_559 = arith.constant 0 : i32
        %dma_wait3A_560 = arith.constant 0 : i32
        %dma_wait3A_561 = tpu.memref_slice %arg10[%dma_wait3A_559, %dma_wait3A_560] : memref<80x128xf32, #tpu.memory_space<vmem>> -> memref<25x128xf32, #tpu.memory_space<vmem>>
        %dma_wait3A_562 = arith.constant 0 : i32
        %dma_wait3A_563 = tpu.memref_slice %arg12[%add3A_539, %dma_wait3A_562] : memref<10008x128xf32, #tpu.memory_space<vmem_shared>> -> memref<25x128xf32, #tpu.memory_space<vmem_shared>>
        %dma_wait3A_564 = arith.constant 0 : i32
        %dma_wait3A_565 = tpu.memref_slice %arg12[%add3A_539, %dma_wait3A_564] : memref<10008x128xf32, #tpu.memory_space<vmem_shared>> -> memref<25x128xf32, #tpu.memory_space<vmem_shared>>
        %dma_wait3A_566 = arith.constant 0 : i32
        %dma_wait3A_567 = arith.constant 0 : i32
        %dma_wait3A_568 = tpu.memref_slice %arg10[%dma_wait3A_566, %dma_wait3A_567] : memref<80x128xf32, #tpu.memory_space<vmem>> -> memref<25x128xf32, #tpu.memory_space<vmem>>
        tpu.wait_dma2 semaphore(%run_scoped3A_548 : memref<!tpu.dma_semaphore, #tpu.memory_space<semaphore_mem>>) src(%dma_wait3A_568 : memref<25x128xf32, #tpu.memory_space<vmem>>) dst(%dma_wait3A_565 : memref<25x128xf32, #tpu.memory_space<vmem_shared>>)
        tpu.yield
      }) : () -> ()
    }
    %scan3A_178 = arith.constant 25 : i32
    %barrier3A_179 = arith.constant 0 : index
    tpu.barrier barrier_id(%barrier3A_179)
    %dma_start3A_180 = arith.constant 2 : i32
    %dma_start3A_181 = arith.constant 0 : i32
    %dma_start3A_182 = arith.constant 0 : i32
    %dma_start3A_183 = tpu.memref_slice %arg7[%dma_start3A_181, %dma_start3A_182] : memref<126x80xi32, #tpu.memory_space<vmem>> -> memref<1x80xi32, #tpu.memory_space<vmem>>
    %dma_start3A_184 = tpu.memref_squeeze %dma_start3A_183 : memref<1x80xi32, #tpu.memory_space<vmem>> -> memref<80xi32, #tpu.memory_space<vmem>>
    %dma_start3A_185 = arith.constant 0 : i32
    %dma_start3A_186 = arith.constant 0 : i32
    %dma_start3A_187 = tpu.memref_slice %arg6[%dma_start3A_180, %dma_start3A_185, %dma_start3A_186] : memref<7x20000x128xf32, #tpu.memory_space<hbm>> -> memref<1x20000x128xf32, #tpu.memory_space<hbm>>
    %dma_start3A_188 = tpu.memref_squeeze %dma_start3A_187 : memref<1x20000x128xf32, #tpu.memory_space<hbm>> -> memref<20000x128xf32, #tpu.memory_space<hbm>>
    %dma_start3A_189 = arith.constant 0 : i32
    %dma_start3A_190 = arith.constant 0 : i32
    %dma_start3A_191 = tpu.memref_slice %dma_start3A_188[%dma_start3A_189, %dma_start3A_190] : memref<20000x128xf32, #tpu.memory_space<hbm>> -> memref<20000x128xf32, #tpu.memory_space<hbm>>
    tpu.enqueue_indirect_dma source(%dma_start3A_191 : memref<20000x128xf32, #tpu.memory_space<hbm>>) target(%arg9 : memref<80x128xf32, #tpu.memory_space<vmem>>) offsets(%dma_start3A_184 : memref<80xi32, #tpu.memory_space<vmem>>) semaphore(%arg13 : memref<!tpu.dma_semaphore, #tpu.memory_space<semaphore_mem>>)
    %dma_start3A_192 = arith.constant 2 : i32
    %dma_start3A_193 = arith.constant 1 : i32
    %dma_start3A_194 = arith.constant 0 : i32
    %dma_start3A_195 = tpu.memref_slice %arg7[%dma_start3A_193, %dma_start3A_194] : memref<126x80xi32, #tpu.memory_space<vmem>> -> memref<1x80xi32, #tpu.memory_space<vmem>>
    %dma_start3A_196 = tpu.memref_squeeze %dma_start3A_195 : memref<1x80xi32, #tpu.memory_space<vmem>> -> memref<80xi32, #tpu.memory_space<vmem>>
    %dma_start3A_197 = arith.constant 0 : i32
    %dma_start3A_198 = arith.constant 0 : i32
    %dma_start3A_199 = tpu.memref_slice %arg6[%dma_start3A_192, %dma_start3A_197, %dma_start3A_198] : memref<7x20000x128xf32, #tpu.memory_space<hbm>> -> memref<1x20000x128xf32, #tpu.memory_space<hbm>>
    %dma_start3A_200 = tpu.memref_squeeze %dma_start3A_199 : memref<1x20000x128xf32, #tpu.memory_space<hbm>> -> memref<20000x128xf32, #tpu.memory_space<hbm>>
    %dma_start3A_201 = arith.constant 0 : i32
    %dma_start3A_202 = arith.constant 0 : i32
    %dma_start3A_203 = tpu.memref_slice %dma_start3A_200[%dma_start3A_201, %dma_start3A_202] : memref<20000x128xf32, #tpu.memory_space<hbm>> -> memref<20000x128xf32, #tpu.memory_space<hbm>>
    tpu.enqueue_indirect_dma source(%dma_start3A_203 : memref<20000x128xf32, #tpu.memory_space<hbm>>) target(%arg10 : memref<80x128xf32, #tpu.memory_space<vmem>>) offsets(%dma_start3A_196 : memref<80xi32, #tpu.memory_space<vmem>>) semaphore(%arg14 : memref<!tpu.dma_semaphore, #tpu.memory_space<semaphore_mem>>)
    %scan3A_204 = arith.constant 0 : i32
    %scan3A_205 = arith.constant 0 : i32
    %scan3A_206 = arith.constant 41 : i32
    %scan3A_207 = arith.addi %scan3A_205, %scan3A_206 : i32
    %scan3A_208 = arith.constant 1 : i32
    scf.for %scan3A_536 = %scan3A_205 to %scan3A_207 step %scan3A_208  : i32 {
      %mul3A_537 = arith.constant 3 : i32
      %mul3A_538 = arith.muli %mul3A_537, %scan3A_536 : i32
      %add3A_539 = arith.constant 2 : i32
      %add3A_540 = arith.addi %mul3A_538, %add3A_539 : i32
      %dma_start3A_541 = arith.constant 2 : i32
      %dma_start3A_542 = arith.constant 0 : i32
      %dma_start3A_543 = tpu.memref_slice %arg7[%add3A_540, %dma_start3A_542] : memref<126x80xi32, #tpu.memory_space<vmem>> -> memref<1x80xi32, #tpu.memory_space<vmem>>
      %dma_start3A_544 = tpu.memref_squeeze %dma_start3A_543 : memref<1x80xi32, #tpu.memory_space<vmem>> -> memref<80xi32, #tpu.memory_space<vmem>>
      %dma_start3A_545 = arith.constant 0 : i32
      %dma_start3A_546 = arith.constant 0 : i32
      %dma_start3A_547 = tpu.memref_slice %arg6[%dma_start3A_541, %dma_start3A_545, %dma_start3A_546] : memref<7x20000x128xf32, #tpu.memory_space<hbm>> -> memref<1x20000x128xf32, #tpu.memory_space<hbm>>
      %dma_start3A_548 = tpu.memref_squeeze %dma_start3A_547 : memref<1x20000x128xf32, #tpu.memory_space<hbm>> -> memref<20000x128xf32, #tpu.memory_space<hbm>>
      %dma_start3A_549 = arith.constant 0 : i32
      %dma_start3A_550 = arith.constant 0 : i32
      %dma_start3A_551 = tpu.memref_slice %dma_start3A_548[%dma_start3A_549, %dma_start3A_550] : memref<20000x128xf32, #tpu.memory_space<hbm>> -> memref<20000x128xf32, #tpu.memory_space<hbm>>
      tpu.enqueue_indirect_dma source(%dma_start3A_551 : memref<20000x128xf32, #tpu.memory_space<hbm>>) target(%arg11 : memref<80x128xf32, #tpu.memory_space<vmem>>) offsets(%dma_start3A_544 : memref<80xi32, #tpu.memory_space<vmem>>) semaphore(%arg15 : memref<!tpu.dma_semaphore, #tpu.memory_space<semaphore_mem>>)
      %dma_wait3A_552 = arith.constant 2 : i32
      %dma_wait3A_553 = arith.constant 0 : i32
      %dma_wait3A_554 = tpu.memref_slice %arg7[%mul3A_538, %dma_wait3A_553] : memref<126x80xi32, #tpu.memory_space<vmem>> -> memref<1x80xi32, #tpu.memory_space<vmem>>
      %dma_wait3A_555 = tpu.memref_squeeze %dma_wait3A_554 : memref<1x80xi32, #tpu.memory_space<vmem>> -> memref<80xi32, #tpu.memory_space<vmem>>
      %dma_wait3A_556 = arith.constant 0 : i32
      %dma_wait3A_557 = arith.constant 0 : i32
      %dma_wait3A_558 = tpu.memref_slice %arg6[%dma_wait3A_552, %dma_wait3A_556, %dma_wait3A_557] : memref<7x20000x128xf32, #tpu.memory_space<hbm>> -> memref<1x20000x128xf32, #tpu.memory_space<hbm>>
      %dma_wait3A_559 = tpu.memref_squeeze %dma_wait3A_558 : memref<1x20000x128xf32, #tpu.memory_space<hbm>> -> memref<20000x128xf32, #tpu.memory_space<hbm>>
      %dma_wait3A_560 = arith.constant 0 : i32
      %dma_wait3A_561 = arith.constant 0 : i32
      %dma_wait3A_562 = tpu.memref_slice %dma_wait3A_559[%dma_wait3A_560, %dma_wait3A_561] : memref<20000x128xf32, #tpu.memory_space<hbm>> -> memref<20000x128xf32, #tpu.memory_space<hbm>>
      tpu.wait_indirect_dma semaphore(%arg13 : memref<!tpu.dma_semaphore, #tpu.memory_space<semaphore_mem>>) src(%dma_wait3A_562 : memref<20000x128xf32, #tpu.memory_space<hbm>>) dst(%arg9 : memref<80x128xf32, #tpu.memory_space<vmem>>)
      "tpu.region"() ({
        %run_scoped3A_619 = tpu.sem_alloc : memref<!tpu.dma_semaphore, #tpu.memory_space<semaphore_mem>>
        %dma_start3A_620 = arith.constant 0 : i32
        %dma_start3A_621 = tpu.memref_slice %arg8[%mul3A_538, %dma_start3A_620] : memref<126x80xi32, #tpu.memory_space<vmem>> -> memref<1x80xi32, #tpu.memory_space<vmem>>
        %dma_start3A_622 = tpu.memref_squeeze %dma_start3A_621 : memref<1x80xi32, #tpu.memory_space<vmem>> -> memref<80xi32, #tpu.memory_space<vmem>>
        %dma_start3A_623 = arith.constant 0 : i32
        %dma_start3A_624 = arith.constant 0 : i32
        %dma_start3A_625 = tpu.memref_slice %arg12[%dma_start3A_623, %dma_start3A_624] : memref<10008x128xf32, #tpu.memory_space<vmem_shared>> -> memref<10008x128xf32, #tpu.memory_space<vmem_shared>>
        tpu.enqueue_indirect_dma source(%arg9 : memref<80x128xf32, #tpu.memory_space<vmem>>) target(%dma_start3A_625 : memref<10008x128xf32, #tpu.memory_space<vmem_shared>>) offsets(%dma_start3A_622 : memref<80xi32, #tpu.memory_space<vmem>>) semaphore(%run_scoped3A_619 : memref<!tpu.dma_semaphore, #tpu.memory_space<semaphore_mem>>) {add = true}
        %dma_wait3A_626 = arith.constant 0 : i32
        %dma_wait3A_627 = tpu.memref_slice %arg8[%mul3A_538, %dma_wait3A_626] : memref<126x80xi32, #tpu.memory_space<vmem>> -> memref<1x80xi32, #tpu.memory_space<vmem>>
        %dma_wait3A_628 = tpu.memref_squeeze %dma_wait3A_627 : memref<1x80xi32, #tpu.memory_space<vmem>> -> memref<80xi32, #tpu.memory_space<vmem>>
        %dma_wait3A_629 = arith.constant 0 : i32
        %dma_wait3A_630 = arith.constant 0 : i32
        %dma_wait3A_631 = tpu.memref_slice %arg12[%dma_wait3A_629, %dma_wait3A_630] : memref<10008x128xf32, #tpu.memory_space<vmem_shared>> -> memref<10008x128xf32, #tpu.memory_space<vmem_shared>>
        tpu.wait_indirect_dma semaphore(%run_scoped3A_619 : memref<!tpu.dma_semaphore, #tpu.memory_space<semaphore_mem>>) src(%arg9 : memref<80x128xf32, #tpu.memory_space<vmem>>) dst(%dma_wait3A_631 : memref<10008x128xf32, #tpu.memory_space<vmem_shared>>)
        tpu.yield
      }) : () -> ()
      %add3A_563 = arith.constant 3 : i32
      %add3A_564 = arith.addi %mul3A_538, %add3A_563 : i32
      %dma_start3A_565 = arith.constant 2 : i32
      %dma_start3A_566 = arith.constant 0 : i32
      %dma_start3A_567 = tpu.memref_slice %arg7[%add3A_564, %dma_start3A_566] : memref<126x80xi32, #tpu.memory_space<vmem>> -> memref<1x80xi32, #tpu.memory_space<vmem>>
      %dma_start3A_568 = tpu.memref_squeeze %dma_start3A_567 : memref<1x80xi32, #tpu.memory_space<vmem>> -> memref<80xi32, #tpu.memory_space<vmem>>
      %dma_start3A_569 = arith.constant 0 : i32
      %dma_start3A_570 = arith.constant 0 : i32
      %dma_start3A_571 = tpu.memref_slice %arg6[%dma_start3A_565, %dma_start3A_569, %dma_start3A_570] : memref<7x20000x128xf32, #tpu.memory_space<hbm>> -> memref<1x20000x128xf32, #tpu.memory_space<hbm>>
      %dma_start3A_572 = tpu.memref_squeeze %dma_start3A_571 : memref<1x20000x128xf32, #tpu.memory_space<hbm>> -> memref<20000x128xf32, #tpu.memory_space<hbm>>
      %dma_start3A_573 = arith.constant 0 : i32
      %dma_start3A_574 = arith.constant 0 : i32
      %dma_start3A_575 = tpu.memref_slice %dma_start3A_572[%dma_start3A_573, %dma_start3A_574] : memref<20000x128xf32, #tpu.memory_space<hbm>> -> memref<20000x128xf32, #tpu.memory_space<hbm>>
      tpu.enqueue_indirect_dma source(%dma_start3A_575 : memref<20000x128xf32, #tpu.memory_space<hbm>>) target(%arg9 : memref<80x128xf32, #tpu.memory_space<vmem>>) offsets(%dma_start3A_568 : memref<80xi32, #tpu.memory_space<vmem>>) semaphore(%arg13 : memref<!tpu.dma_semaphore, #tpu.memory_space<semaphore_mem>>)
      %add3A_576 = arith.constant 1 : i32
      %add3A_577 = arith.addi %mul3A_538, %add3A_576 : i32
      %dma_wait3A_578 = arith.constant 2 : i32
      %dma_wait3A_579 = arith.constant 0 : i32
      %dma_wait3A_580 = tpu.memref_slice %arg7[%add3A_577, %dma_wait3A_579] : memref<126x80xi32, #tpu.memory_space<vmem>> -> memref<1x80xi32, #tpu.memory_space<vmem>>
      %dma_wait3A_581 = tpu.memref_squeeze %dma_wait3A_580 : memref<1x80xi32, #tpu.memory_space<vmem>> -> memref<80xi32, #tpu.memory_space<vmem>>
      %dma_wait3A_582 = arith.constant 0 : i32
      %dma_wait3A_583 = arith.constant 0 : i32
      %dma_wait3A_584 = tpu.memref_slice %arg6[%dma_wait3A_578, %dma_wait3A_582, %dma_wait3A_583] : memref<7x20000x128xf32, #tpu.memory_space<hbm>> -> memref<1x20000x128xf32, #tpu.memory_space<hbm>>
      %dma_wait3A_585 = tpu.memref_squeeze %dma_wait3A_584 : memref<1x20000x128xf32, #tpu.memory_space<hbm>> -> memref<20000x128xf32, #tpu.memory_space<hbm>>
      %dma_wait3A_586 = arith.constant 0 : i32
      %dma_wait3A_587 = arith.constant 0 : i32
      %dma_wait3A_588 = tpu.memref_slice %dma_wait3A_585[%dma_wait3A_586, %dma_wait3A_587] : memref<20000x128xf32, #tpu.memory_space<hbm>> -> memref<20000x128xf32, #tpu.memory_space<hbm>>
      tpu.wait_indirect_dma semaphore(%arg14 : memref<!tpu.dma_semaphore, #tpu.memory_space<semaphore_mem>>) src(%dma_wait3A_588 : memref<20000x128xf32, #tpu.memory_space<hbm>>) dst(%arg10 : memref<80x128xf32, #tpu.memory_space<vmem>>)
      %add3A_589 = arith.constant 1 : i32
      %add3A_590 = arith.addi %mul3A_538, %add3A_589 : i32
      "tpu.region"() ({
        %run_scoped3A_619 = tpu.sem_alloc : memref<!tpu.dma_semaphore, #tpu.memory_space<semaphore_mem>>
        %dma_start3A_620 = arith.constant 0 : i32
        %dma_start3A_621 = tpu.memref_slice %arg8[%add3A_590, %dma_start3A_620] : memref<126x80xi32, #tpu.memory_space<vmem>> -> memref<1x80xi32, #tpu.memory_space<vmem>>
        %dma_start3A_622 = tpu.memref_squeeze %dma_start3A_621 : memref<1x80xi32, #tpu.memory_space<vmem>> -> memref<80xi32, #tpu.memory_space<vmem>>
        %dma_start3A_623 = arith.constant 0 : i32
        %dma_start3A_624 = arith.constant 0 : i32
        %dma_start3A_625 = tpu.memref_slice %arg12[%dma_start3A_623, %dma_start3A_624] : memref<10008x128xf32, #tpu.memory_space<vmem_shared>> -> memref<10008x128xf32, #tpu.memory_space<vmem_shared>>
        tpu.enqueue_indirect_dma source(%arg10 : memref<80x128xf32, #tpu.memory_space<vmem>>) target(%dma_start3A_625 : memref<10008x128xf32, #tpu.memory_space<vmem_shared>>) offsets(%dma_start3A_622 : memref<80xi32, #tpu.memory_space<vmem>>) semaphore(%run_scoped3A_619 : memref<!tpu.dma_semaphore, #tpu.memory_space<semaphore_mem>>) {add = true}
        %dma_wait3A_626 = arith.constant 0 : i32
        %dma_wait3A_627 = tpu.memref_slice %arg8[%add3A_590, %dma_wait3A_626] : memref<126x80xi32, #tpu.memory_space<vmem>> -> memref<1x80xi32, #tpu.memory_space<vmem>>
        %dma_wait3A_628 = tpu.memref_squeeze %dma_wait3A_627 : memref<1x80xi32, #tpu.memory_space<vmem>> -> memref<80xi32, #tpu.memory_space<vmem>>
        %dma_wait3A_629 = arith.constant 0 : i32
        %dma_wait3A_630 = arith.constant 0 : i32
        %dma_wait3A_631 = tpu.memref_slice %arg12[%dma_wait3A_629, %dma_wait3A_630] : memref<10008x128xf32, #tpu.memory_space<vmem_shared>> -> memref<10008x128xf32, #tpu.memory_space<vmem_shared>>
        tpu.wait_indirect_dma semaphore(%run_scoped3A_619 : memref<!tpu.dma_semaphore, #tpu.memory_space<semaphore_mem>>) src(%arg10 : memref<80x128xf32, #tpu.memory_space<vmem>>) dst(%dma_wait3A_631 : memref<10008x128xf32, #tpu.memory_space<vmem_shared>>)
        tpu.yield
      }) : () -> ()
      %add3A_591 = arith.constant 4 : i32
      %add3A_592 = arith.addi %mul3A_538, %add3A_591 : i32
      %dma_start3A_593 = arith.constant 2 : i32
      %dma_start3A_594 = arith.constant 0 : i32
      %dma_start3A_595 = tpu.memref_slice %arg7[%add3A_592, %dma_start3A_594] : memref<126x80xi32, #tpu.memory_space<vmem>> -> memref<1x80xi32, #tpu.memory_space<vmem>>
      %dma_start3A_596 = tpu.memref_squeeze %dma_start3A_595 : memref<1x80xi32, #tpu.memory_space<vmem>> -> memref<80xi32, #tpu.memory_space<vmem>>
      %dma_start3A_597 = arith.constant 0 : i32
      %dma_start3A_598 = arith.constant 0 : i32
      %dma_start3A_599 = tpu.memref_slice %arg6[%dma_start3A_593, %dma_start3A_597, %dma_start3A_598] : memref<7x20000x128xf32, #tpu.memory_space<hbm>> -> memref<1x20000x128xf32, #tpu.memory_space<hbm>>
      %dma_start3A_600 = tpu.memref_squeeze %dma_start3A_599 : memref<1x20000x128xf32, #tpu.memory_space<hbm>> -> memref<20000x128xf32, #tpu.memory_space<hbm>>
      %dma_start3A_601 = arith.constant 0 : i32
      %dma_start3A_602 = arith.constant 0 : i32
      %dma_start3A_603 = tpu.memref_slice %dma_start3A_600[%dma_start3A_601, %dma_start3A_602] : memref<20000x128xf32, #tpu.memory_space<hbm>> -> memref<20000x128xf32, #tpu.memory_space<hbm>>
      tpu.enqueue_indirect_dma source(%dma_start3A_603 : memref<20000x128xf32, #tpu.memory_space<hbm>>) target(%arg10 : memref<80x128xf32, #tpu.memory_space<vmem>>) offsets(%dma_start3A_596 : memref<80xi32, #tpu.memory_space<vmem>>) semaphore(%arg14 : memref<!tpu.dma_semaphore, #tpu.memory_space<semaphore_mem>>)
      %add3A_604 = arith.constant 2 : i32
      %add3A_605 = arith.addi %mul3A_538, %add3A_604 : i32
      %dma_wait3A_606 = arith.constant 2 : i32
      %dma_wait3A_607 = arith.constant 0 : i32
      %dma_wait3A_608 = tpu.memref_slice %arg7[%add3A_605, %dma_wait3A_607] : memref<126x80xi32, #tpu.memory_space<vmem>> -> memref<1x80xi32, #tpu.memory_space<vmem>>
      %dma_wait3A_609 = tpu.memref_squeeze %dma_wait3A_608 : memref<1x80xi32, #tpu.memory_space<vmem>> -> memref<80xi32, #tpu.memory_space<vmem>>
      %dma_wait3A_610 = arith.constant 0 : i32
      %dma_wait3A_611 = arith.constant 0 : i32
      %dma_wait3A_612 = tpu.memref_slice %arg6[%dma_wait3A_606, %dma_wait3A_610, %dma_wait3A_611] : memref<7x20000x128xf32, #tpu.memory_space<hbm>> -> memref<1x20000x128xf32, #tpu.memory_space<hbm>>
      %dma_wait3A_613 = tpu.memref_squeeze %dma_wait3A_612 : memref<1x20000x128xf32, #tpu.memory_space<hbm>> -> memref<20000x128xf32, #tpu.memory_space<hbm>>
      %dma_wait3A_614 = arith.constant 0 : i32
      %dma_wait3A_615 = arith.constant 0 : i32
      %dma_wait3A_616 = tpu.memref_slice %dma_wait3A_613[%dma_wait3A_614, %dma_wait3A_615] : memref<20000x128xf32, #tpu.memory_space<hbm>> -> memref<20000x128xf32, #tpu.memory_space<hbm>>
      tpu.wait_indirect_dma semaphore(%arg15 : memref<!tpu.dma_semaphore, #tpu.memory_space<semaphore_mem>>) src(%dma_wait3A_616 : memref<20000x128xf32, #tpu.memory_space<hbm>>) dst(%arg11 : memref<80x128xf32, #tpu.memory_space<vmem>>)
      %add3A_617 = arith.constant 2 : i32
      %add3A_618 = arith.addi %mul3A_538, %add3A_617 : i32
      "tpu.region"() ({
        %run_scoped3A_619 = tpu.sem_alloc : memref<!tpu.dma_semaphore, #tpu.memory_space<semaphore_mem>>
        %dma_start3A_620 = arith.constant 0 : i32
        %dma_start3A_621 = tpu.memref_slice %arg8[%add3A_618, %dma_start3A_620] : memref<126x80xi32, #tpu.memory_space<vmem>> -> memref<1x80xi32, #tpu.memory_space<vmem>>
        %dma_start3A_622 = tpu.memref_squeeze %dma_start3A_621 : memref<1x80xi32, #tpu.memory_space<vmem>> -> memref<80xi32, #tpu.memory_space<vmem>>
        %dma_start3A_623 = arith.constant 0 : i32
        %dma_start3A_624 = arith.constant 0 : i32
        %dma_start3A_625 = tpu.memref_slice %arg12[%dma_start3A_623, %dma_start3A_624] : memref<10008x128xf32, #tpu.memory_space<vmem_shared>> -> memref<10008x128xf32, #tpu.memory_space<vmem_shared>>
        tpu.enqueue_indirect_dma source(%arg11 : memref<80x128xf32, #tpu.memory_space<vmem>>) target(%dma_start3A_625 : memref<10008x128xf32, #tpu.memory_space<vmem_shared>>) offsets(%dma_start3A_622 : memref<80xi32, #tpu.memory_space<vmem>>) semaphore(%run_scoped3A_619 : memref<!tpu.dma_semaphore, #tpu.memory_space<semaphore_mem>>) {add = true}
        %dma_wait3A_626 = arith.constant 0 : i32
        %dma_wait3A_627 = tpu.memref_slice %arg8[%add3A_618, %dma_wait3A_626] : memref<126x80xi32, #tpu.memory_space<vmem>> -> memref<1x80xi32, #tpu.memory_space<vmem>>
        %dma_wait3A_628 = tpu.memref_squeeze %dma_wait3A_627 : memref<1x80xi32, #tpu.memory_space<vmem>> -> memref<80xi32, #tpu.memory_space<vmem>>
        %dma_wait3A_629 = arith.constant 0 : i32
        %dma_wait3A_630 = arith.constant 0 : i32
        %dma_wait3A_631 = tpu.memref_slice %arg12[%dma_wait3A_629, %dma_wait3A_630] : memref<10008x128xf32, #tpu.memory_space<vmem_shared>> -> memref<10008x128xf32, #tpu.memory_space<vmem_shared>>
        tpu.wait_indirect_dma semaphore(%run_scoped3A_619 : memref<!tpu.dma_semaphore, #tpu.memory_space<semaphore_mem>>) src(%arg11 : memref<80x128xf32, #tpu.memory_space<vmem>>) dst(%dma_wait3A_631 : memref<10008x128xf32, #tpu.memory_space<vmem_shared>>)
        tpu.yield
      }) : () -> ()
    }
    %scan3A_209 = arith.constant 41 : i32
    %dma_start3A_210 = arith.constant 2 : i32
    %dma_start3A_211 = arith.constant 125 : i32
    %dma_start3A_212 = arith.constant 0 : i32
    %dma_start3A_213 = tpu.memref_slice %arg7[%dma_start3A_211, %dma_start3A_212] : memref<126x80xi32, #tpu.memory_space<vmem>> -> memref<1x80xi32, #tpu.memory_space<vmem>>
    %dma_start3A_214 = tpu.memref_squeeze %dma_start3A_213 : memref<1x80xi32, #tpu.memory_space<vmem>> -> memref<80xi32, #tpu.memory_space<vmem>>
    %dma_start3A_215 = arith.constant 0 : i32
    %dma_start3A_216 = arith.constant 0 : i32
    %dma_start3A_217 = tpu.memref_slice %arg6[%dma_start3A_210, %dma_start3A_215, %dma_start3A_216] : memref<7x20000x128xf32, #tpu.memory_space<hbm>> -> memref<1x20000x128xf32, #tpu.memory_space<hbm>>
    %dma_start3A_218 = tpu.memref_squeeze %dma_start3A_217 : memref<1x20000x128xf32, #tpu.memory_space<hbm>> -> memref<20000x128xf32, #tpu.memory_space<hbm>>
    %dma_start3A_219 = arith.constant 0 : i32
    %dma_start3A_220 = arith.constant 0 : i32
    %dma_start3A_221 = tpu.memref_slice %dma_start3A_218[%dma_start3A_219, %dma_start3A_220] : memref<20000x128xf32, #tpu.memory_space<hbm>> -> memref<20000x128xf32, #tpu.memory_space<hbm>>
    tpu.enqueue_indirect_dma source(%dma_start3A_221 : memref<20000x128xf32, #tpu.memory_space<hbm>>) target(%arg11 : memref<80x128xf32, #tpu.memory_space<vmem>>) offsets(%dma_start3A_214 : memref<80xi32, #tpu.memory_space<vmem>>) semaphore(%arg15 : memref<!tpu.dma_semaphore, #tpu.memory_space<semaphore_mem>>)
    %dma_wait3A_222 = arith.constant 2 : i32
    %dma_wait3A_223 = arith.constant 123 : i32
    %dma_wait3A_224 = arith.constant 0 : i32
    %dma_wait3A_225 = tpu.memref_slice %arg7[%dma_wait3A_223, %dma_wait3A_224] : memref<126x80xi32, #tpu.memory_space<vmem>> -> memref<1x80xi32, #tpu.memory_space<vmem>>
    %dma_wait3A_226 = tpu.memref_squeeze %dma_wait3A_225 : memref<1x80xi32, #tpu.memory_space<vmem>> -> memref<80xi32, #tpu.memory_space<vmem>>
    %dma_wait3A_227 = arith.constant 0 : i32
    %dma_wait3A_228 = arith.constant 0 : i32
    %dma_wait3A_229 = tpu.memref_slice %arg6[%dma_wait3A_222, %dma_wait3A_227, %dma_wait3A_228] : memref<7x20000x128xf32, #tpu.memory_space<hbm>> -> memref<1x20000x128xf32, #tpu.memory_space<hbm>>
    %dma_wait3A_230 = tpu.memref_squeeze %dma_wait3A_229 : memref<1x20000x128xf32, #tpu.memory_space<hbm>> -> memref<20000x128xf32, #tpu.memory_space<hbm>>
    %dma_wait3A_231 = arith.constant 0 : i32
    %dma_wait3A_232 = arith.constant 0 : i32
    %dma_wait3A_233 = tpu.memref_slice %dma_wait3A_230[%dma_wait3A_231, %dma_wait3A_232] : memref<20000x128xf32, #tpu.memory_space<hbm>> -> memref<20000x128xf32, #tpu.memory_space<hbm>>
    tpu.wait_indirect_dma semaphore(%arg13 : memref<!tpu.dma_semaphore, #tpu.memory_space<semaphore_mem>>) src(%dma_wait3A_233 : memref<20000x128xf32, #tpu.memory_space<hbm>>) dst(%arg9 : memref<80x128xf32, #tpu.memory_space<vmem>>)
    %run_scoped3A_234 = arith.constant 123 : i32
    "tpu.region"() ({
      %run_scoped3A_536 = tpu.sem_alloc : memref<!tpu.dma_semaphore, #tpu.memory_space<semaphore_mem>>
      %dma_start3A_537 = arith.constant 0 : i32
      %dma_start3A_538 = tpu.memref_slice %arg8[%run_scoped3A_234, %dma_start3A_537] : memref<126x80xi32, #tpu.memory_space<vmem>> -> memref<1x80xi32, #tpu.memory_space<vmem>>
      %dma_start3A_539 = tpu.memref_squeeze %dma_start3A_538 : memref<1x80xi32, #tpu.memory_space<vmem>> -> memref<80xi32, #tpu.memory_space<vmem>>
      %dma_start3A_540 = arith.constant 0 : i32
      %dma_start3A_541 = arith.constant 0 : i32
      %dma_start3A_542 = tpu.memref_slice %arg12[%dma_start3A_540, %dma_start3A_541] : memref<10008x128xf32, #tpu.memory_space<vmem_shared>> -> memref<10008x128xf32, #tpu.memory_space<vmem_shared>>
      tpu.enqueue_indirect_dma source(%arg9 : memref<80x128xf32, #tpu.memory_space<vmem>>) target(%dma_start3A_542 : memref<10008x128xf32, #tpu.memory_space<vmem_shared>>) offsets(%dma_start3A_539 : memref<80xi32, #tpu.memory_space<vmem>>) semaphore(%run_scoped3A_536 : memref<!tpu.dma_semaphore, #tpu.memory_space<semaphore_mem>>) {add = true}
      %dma_wait3A_543 = arith.constant 0 : i32
      %dma_wait3A_544 = tpu.memref_slice %arg8[%run_scoped3A_234, %dma_wait3A_543] : memref<126x80xi32, #tpu.memory_space<vmem>> -> memref<1x80xi32, #tpu.memory_space<vmem>>
      %dma_wait3A_545 = tpu.memref_squeeze %dma_wait3A_544 : memref<1x80xi32, #tpu.memory_space<vmem>> -> memref<80xi32, #tpu.memory_space<vmem>>
      %dma_wait3A_546 = arith.constant 0 : i32
      %dma_wait3A_547 = arith.constant 0 : i32
      %dma_wait3A_548 = tpu.memref_slice %arg12[%dma_wait3A_546, %dma_wait3A_547] : memref<10008x128xf32, #tpu.memory_space<vmem_shared>> -> memref<10008x128xf32, #tpu.memory_space<vmem_shared>>
      tpu.wait_indirect_dma semaphore(%run_scoped3A_536 : memref<!tpu.dma_semaphore, #tpu.memory_space<semaphore_mem>>) src(%arg9 : memref<80x128xf32, #tpu.memory_space<vmem>>) dst(%dma_wait3A_548 : memref<10008x128xf32, #tpu.memory_space<vmem_shared>>)
      tpu.yield
    }) : () -> ()
    %dma_wait3A_235 = arith.constant 2 : i32
    %dma_wait3A_236 = arith.constant 124 : i32
    %dma_wait3A_237 = arith.constant 0 : i32
    %dma_wait3A_238 = tpu.memref_slice %arg7[%dma_wait3A_236, %dma_wait3A_237] : memref<126x80xi32, #tpu.memory_space<vmem>> -> memref<1x80xi32, #tpu.memory_space<vmem>>
    %dma_wait3A_239 = tpu.memref_squeeze %dma_wait3A_238 : memref<1x80xi32, #tpu.memory_space<vmem>> -> memref<80xi32, #tpu.memory_space<vmem>>
    %dma_wait3A_240 = arith.constant 0 : i32
    %dma_wait3A_241 = arith.constant 0 : i32
    %dma_wait3A_242 = tpu.memref_slice %arg6[%dma_wait3A_235, %dma_wait3A_240, %dma_wait3A_241] : memref<7x20000x128xf32, #tpu.memory_space<hbm>> -> memref<1x20000x128xf32, #tpu.memory_space<hbm>>
    %dma_wait3A_243 = tpu.memref_squeeze %dma_wait3A_242 : memref<1x20000x128xf32, #tpu.memory_space<hbm>> -> memref<20000x128xf32, #tpu.memory_space<hbm>>
    %dma_wait3A_244 = arith.constant 0 : i32
    %dma_wait3A_245 = arith.constant 0 : i32
    %dma_wait3A_246 = tpu.memref_slice %dma_wait3A_243[%dma_wait3A_244, %dma_wait3A_245] : memref<20000x128xf32, #tpu.memory_space<hbm>> -> memref<20000x128xf32, #tpu.memory_space<hbm>>
    tpu.wait_indirect_dma semaphore(%arg14 : memref<!tpu.dma_semaphore, #tpu.memory_space<semaphore_mem>>) src(%dma_wait3A_246 : memref<20000x128xf32, #tpu.memory_space<hbm>>) dst(%arg10 : memref<80x128xf32, #tpu.memory_space<vmem>>)
    %run_scoped3A_247 = arith.constant 124 : i32
    "tpu.region"() ({
      %run_scoped3A_536 = tpu.sem_alloc : memref<!tpu.dma_semaphore, #tpu.memory_space<semaphore_mem>>
      %dma_start3A_537 = arith.constant 0 : i32
      %dma_start3A_538 = tpu.memref_slice %arg8[%run_scoped3A_247, %dma_start3A_537] : memref<126x80xi32, #tpu.memory_space<vmem>> -> memref<1x80xi32, #tpu.memory_space<vmem>>
      %dma_start3A_539 = tpu.memref_squeeze %dma_start3A_538 : memref<1x80xi32, #tpu.memory_space<vmem>> -> memref<80xi32, #tpu.memory_space<vmem>>
      %dma_start3A_540 = arith.constant 0 : i32
      %dma_start3A_541 = arith.constant 0 : i32
      %dma_start3A_542 = tpu.memref_slice %arg12[%dma_start3A_540, %dma_start3A_541] : memref<10008x128xf32, #tpu.memory_space<vmem_shared>> -> memref<10008x128xf32, #tpu.memory_space<vmem_shared>>
      tpu.enqueue_indirect_dma source(%arg10 : memref<80x128xf32, #tpu.memory_space<vmem>>) target(%dma_start3A_542 : memref<10008x128xf32, #tpu.memory_space<vmem_shared>>) offsets(%dma_start3A_539 : memref<80xi32, #tpu.memory_space<vmem>>) semaphore(%run_scoped3A_536 : memref<!tpu.dma_semaphore, #tpu.memory_space<semaphore_mem>>) {add = true}
      %dma_wait3A_543 = arith.constant 0 : i32
      %dma_wait3A_544 = tpu.memref_slice %arg8[%run_scoped3A_247, %dma_wait3A_543] : memref<126x80xi32, #tpu.memory_space<vmem>> -> memref<1x80xi32, #tpu.memory_space<vmem>>
      %dma_wait3A_545 = tpu.memref_squeeze %dma_wait3A_544 : memref<1x80xi32, #tpu.memory_space<vmem>> -> memref<80xi32, #tpu.memory_space<vmem>>
      %dma_wait3A_546 = arith.constant 0 : i32
      %dma_wait3A_547 = arith.constant 0 : i32
      %dma_wait3A_548 = tpu.memref_slice %arg12[%dma_wait3A_546, %dma_wait3A_547] : memref<10008x128xf32, #tpu.memory_space<vmem_shared>> -> memref<10008x128xf32, #tpu.memory_space<vmem_shared>>
      tpu.wait_indirect_dma semaphore(%run_scoped3A_536 : memref<!tpu.dma_semaphore, #tpu.memory_space<semaphore_mem>>) src(%arg10 : memref<80x128xf32, #tpu.memory_space<vmem>>) dst(%dma_wait3A_548 : memref<10008x128xf32, #tpu.memory_space<vmem_shared>>)
      tpu.yield
    }) : () -> ()
    %dma_wait3A_248 = arith.constant 2 : i32
    %dma_wait3A_249 = arith.constant 125 : i32
    %dma_wait3A_250 = arith.constant 0 : i32
    %dma_wait3A_251 = tpu.memref_slice %arg7[%dma_wait3A_249, %dma_wait3A_250] : memref<126x80xi32, #tpu.memory_space<vmem>> -> memref<1x80xi32, #tpu.memory_space<vmem>>
    %dma_wait3A_252 = tpu.memref_squeeze %dma_wait3A_251 : memref<1x80xi32, #tpu.memory_space<vmem>> -> memref<80xi32, #tpu.memory_space<vmem>>
    %dma_wait3A_253 = arith.constant 0 : i32
    %dma_wait3A_254 = arith.constant 0 : i32
    %dma_wait3A_255 = tpu.memref_slice %arg6[%dma_wait3A_248, %dma_wait3A_253, %dma_wait3A_254] : memref<7x20000x128xf32, #tpu.memory_space<hbm>> -> memref<1x20000x128xf32, #tpu.memory_space<hbm>>
    %dma_wait3A_256 = tpu.memref_squeeze %dma_wait3A_255 : memref<1x20000x128xf32, #tpu.memory_space<hbm>> -> memref<20000x128xf32, #tpu.memory_space<hbm>>
    %dma_wait3A_257 = arith.constant 0 : i32
    %dma_wait3A_258 = arith.constant 0 : i32
    %dma_wait3A_259 = tpu.memref_slice %dma_wait3A_256[%dma_wait3A_257, %dma_wait3A_258] : memref<20000x128xf32, #tpu.memory_space<hbm>> -> memref<20000x128xf32, #tpu.memory_space<hbm>>
    tpu.wait_indirect_dma semaphore(%arg15 : memref<!tpu.dma_semaphore, #tpu.memory_space<semaphore_mem>>) src(%dma_wait3A_259 : memref<20000x128xf32, #tpu.memory_space<hbm>>) dst(%arg11 : memref<80x128xf32, #tpu.memory_space<vmem>>)
    %run_scoped3A_260 = arith.constant 125 : i32
    "tpu.region"() ({
      %run_scoped3A_536 = tpu.sem_alloc : memref<!tpu.dma_semaphore, #tpu.memory_space<semaphore_mem>>
      %dma_start3A_537 = arith.constant 0 : i32
      %dma_start3A_538 = tpu.memref_slice %arg8[%run_scoped3A_260, %dma_start3A_537] : memref<126x80xi32, #tpu.memory_space<vmem>> -> memref<1x80xi32, #tpu.memory_space<vmem>>
      %dma_start3A_539 = tpu.memref_squeeze %dma_start3A_538 : memref<1x80xi32, #tpu.memory_space<vmem>> -> memref<80xi32, #tpu.memory_space<vmem>>
      %dma_start3A_540 = arith.constant 0 : i32
      %dma_start3A_541 = arith.constant 0 : i32
      %dma_start3A_542 = tpu.memref_slice %arg12[%dma_start3A_540, %dma_start3A_541] : memref<10008x128xf32, #tpu.memory_space<vmem_shared>> -> memref<10008x128xf32, #tpu.memory_space<vmem_shared>>
      tpu.enqueue_indirect_dma source(%arg11 : memref<80x128xf32, #tpu.memory_space<vmem>>) target(%dma_start3A_542 : memref<10008x128xf32, #tpu.memory_space<vmem_shared>>) offsets(%dma_start3A_539 : memref<80xi32, #tpu.memory_space<vmem>>) semaphore(%run_scoped3A_536 : memref<!tpu.dma_semaphore, #tpu.memory_space<semaphore_mem>>) {add = true}
      %dma_wait3A_543 = arith.constant 0 : i32
      %dma_wait3A_544 = tpu.memref_slice %arg8[%run_scoped3A_260, %dma_wait3A_543] : memref<126x80xi32, #tpu.memory_space<vmem>> -> memref<1x80xi32, #tpu.memory_space<vmem>>
      %dma_wait3A_545 = tpu.memref_squeeze %dma_wait3A_544 : memref<1x80xi32, #tpu.memory_space<vmem>> -> memref<80xi32, #tpu.memory_space<vmem>>
      %dma_wait3A_546 = arith.constant 0 : i32
      %dma_wait3A_547 = arith.constant 0 : i32
      %dma_wait3A_548 = tpu.memref_slice %arg12[%dma_wait3A_546, %dma_wait3A_547] : memref<10008x128xf32, #tpu.memory_space<vmem_shared>> -> memref<10008x128xf32, #tpu.memory_space<vmem_shared>>
      tpu.wait_indirect_dma semaphore(%run_scoped3A_536 : memref<!tpu.dma_semaphore, #tpu.memory_space<semaphore_mem>>) src(%arg11 : memref<80x128xf32, #tpu.memory_space<vmem>>) dst(%dma_wait3A_548 : memref<10008x128xf32, #tpu.memory_space<vmem_shared>>)
      tpu.yield
    }) : () -> ()
    %barrier3A_261 = arith.constant 0 : index
    tpu.barrier barrier_id(%barrier3A_261)
    %scan3A_262 = arith.constant 0 : i32
    %scan3A_263 = arith.constant 0 : i32
    %scan3A_264 = arith.constant 25 : i32
    %scan3A_265 = arith.addi %scan3A_263, %scan3A_264 : i32
    %scan3A_266 = arith.constant 1 : i32
    scf.for %scan3A_536 = %scan3A_263 to %scan3A_265 step %scan3A_266  : i32 {
      %mul3A_537 = arith.constant 25 : i32
      %mul3A_538 = arith.muli %scan3A_536, %mul3A_537 : i32
      %add3A_539 = arith.addi %mul3A_2, %mul3A_538 : i32
      "tpu.region"() ({
        %run_scoped3A_548 = tpu.sem_alloc : memref<!tpu.dma_semaphore, #tpu.memory_space<semaphore_mem>>
        %dma_start3A_549 = arith.constant 0 : i32
        %dma_start3A_550 = arith.constant 0 : i32
        %dma_start3A_551 = tpu.memref_slice %arg10[%dma_start3A_549, %dma_start3A_550] : memref<80x128xf32, #tpu.memory_space<vmem>> -> memref<25x128xf32, #tpu.memory_space<vmem>>
        %dma_start3A_552 = arith.constant 0 : i32
        %dma_start3A_553 = tpu.memref_slice %arg12[%add3A_539, %dma_start3A_552] : memref<10008x128xf32, #tpu.memory_space<vmem_shared>> -> memref<25x128xf32, #tpu.memory_space<vmem_shared>>
        %dma_start3A_554 = arith.constant 0 : i32
        %dma_start3A_555 = arith.constant 0 : i32
        %dma_start3A_556 = tpu.memref_slice %arg10[%dma_start3A_554, %dma_start3A_555] : memref<80x128xf32, #tpu.memory_space<vmem>> -> memref<25x128xf32, #tpu.memory_space<vmem>>
        %dma_start3A_557 = arith.constant 0 : i32
        %dma_start3A_558 = tpu.memref_slice %arg12[%add3A_539, %dma_start3A_557] : memref<10008x128xf32, #tpu.memory_space<vmem_shared>> -> memref<25x128xf32, #tpu.memory_space<vmem_shared>>
        tpu.enqueue_dma source(%dma_start3A_558 : memref<25x128xf32, #tpu.memory_space<vmem_shared>>) target(%dma_start3A_556 : memref<25x128xf32, #tpu.memory_space<vmem>>) target_semaphore(%run_scoped3A_548 : memref<!tpu.dma_semaphore, #tpu.memory_space<semaphore_mem>>)
        %dma_wait3A_559 = arith.constant 0 : i32
        %dma_wait3A_560 = arith.constant 0 : i32
        %dma_wait3A_561 = tpu.memref_slice %arg10[%dma_wait3A_559, %dma_wait3A_560] : memref<80x128xf32, #tpu.memory_space<vmem>> -> memref<25x128xf32, #tpu.memory_space<vmem>>
        %dma_wait3A_562 = arith.constant 0 : i32
        %dma_wait3A_563 = tpu.memref_slice %arg12[%add3A_539, %dma_wait3A_562] : memref<10008x128xf32, #tpu.memory_space<vmem_shared>> -> memref<25x128xf32, #tpu.memory_space<vmem_shared>>
        %dma_wait3A_564 = arith.constant 0 : i32
        %dma_wait3A_565 = arith.constant 0 : i32
        %dma_wait3A_566 = tpu.memref_slice %arg10[%dma_wait3A_564, %dma_wait3A_565] : memref<80x128xf32, #tpu.memory_space<vmem>> -> memref<25x128xf32, #tpu.memory_space<vmem>>
        %dma_wait3A_567 = arith.constant 0 : i32
        %dma_wait3A_568 = tpu.memref_slice %arg12[%add3A_539, %dma_wait3A_567] : memref<10008x128xf32, #tpu.memory_space<vmem_shared>> -> memref<25x128xf32, #tpu.memory_space<vmem_shared>>
        tpu.wait_dma2 semaphore(%run_scoped3A_548 : memref<!tpu.dma_semaphore, #tpu.memory_space<semaphore_mem>>) src(%dma_wait3A_568 : memref<25x128xf32, #tpu.memory_space<vmem_shared>>) dst(%dma_wait3A_566 : memref<25x128xf32, #tpu.memory_space<vmem>>)
        tpu.yield
      }) : () -> ()
      "tpu.region"() ({
        %run_scoped3A_548 = tpu.sem_alloc : memref<!tpu.dma_semaphore, #tpu.memory_space<semaphore_mem>>
        %dma_start3A_549 = arith.constant 0 : i32
        %dma_start3A_550 = arith.constant 0 : i32
        %dma_start3A_551 = tpu.memref_slice %arg9[%dma_start3A_549, %dma_start3A_550] : memref<80x128xf32, #tpu.memory_space<vmem>> -> memref<25x128xf32, #tpu.memory_space<vmem>>
        %dma_start3A_552 = arith.constant 0 : i32
        %dma_start3A_553 = tpu.memref_slice %arg5[%add3A_539, %dma_start3A_552] : memref<10000x128xf32, #tpu.memory_space<hbm>> -> memref<25x128xf32, #tpu.memory_space<hbm>>
        %dma_start3A_554 = arith.constant 0 : i32
        %dma_start3A_555 = arith.constant 0 : i32
        %dma_start3A_556 = tpu.memref_slice %arg9[%dma_start3A_554, %dma_start3A_555] : memref<80x128xf32, #tpu.memory_space<vmem>> -> memref<25x128xf32, #tpu.memory_space<vmem>>
        %dma_start3A_557 = arith.constant 0 : i32
        %dma_start3A_558 = tpu.memref_slice %arg5[%add3A_539, %dma_start3A_557] : memref<10000x128xf32, #tpu.memory_space<hbm>> -> memref<25x128xf32, #tpu.memory_space<hbm>>
        tpu.enqueue_dma source(%dma_start3A_558 : memref<25x128xf32, #tpu.memory_space<hbm>>) target(%dma_start3A_556 : memref<25x128xf32, #tpu.memory_space<vmem>>) target_semaphore(%run_scoped3A_548 : memref<!tpu.dma_semaphore, #tpu.memory_space<semaphore_mem>>)
        %dma_wait3A_559 = arith.constant 0 : i32
        %dma_wait3A_560 = arith.constant 0 : i32
        %dma_wait3A_561 = tpu.memref_slice %arg9[%dma_wait3A_559, %dma_wait3A_560] : memref<80x128xf32, #tpu.memory_space<vmem>> -> memref<25x128xf32, #tpu.memory_space<vmem>>
        %dma_wait3A_562 = arith.constant 0 : i32
        %dma_wait3A_563 = tpu.memref_slice %arg5[%add3A_539, %dma_wait3A_562] : memref<10000x128xf32, #tpu.memory_space<hbm>> -> memref<25x128xf32, #tpu.memory_space<hbm>>
        %dma_wait3A_564 = arith.constant 0 : i32
        %dma_wait3A_565 = arith.constant 0 : i32
        %dma_wait3A_566 = tpu.memref_slice %arg9[%dma_wait3A_564, %dma_wait3A_565] : memref<80x128xf32, #tpu.memory_space<vmem>> -> memref<25x128xf32, #tpu.memory_space<vmem>>
        %dma_wait3A_567 = arith.constant 0 : i32
        %dma_wait3A_568 = tpu.memref_slice %arg5[%add3A_539, %dma_wait3A_567] : memref<10000x128xf32, #tpu.memory_space<hbm>> -> memref<25x128xf32, #tpu.memory_space<hbm>>
        tpu.wait_dma2 semaphore(%run_scoped3A_548 : memref<!tpu.dma_semaphore, #tpu.memory_space<semaphore_mem>>) src(%dma_wait3A_568 : memref<25x128xf32, #tpu.memory_space<hbm>>) dst(%dma_wait3A_566 : memref<25x128xf32, #tpu.memory_space<vmem>>)
        tpu.yield
      }) : () -> ()
      %scan3A_540 = arith.constant 0 : i32
      %scan3A_541 = arith.constant 0 : i32
      %scan3A_542 = arith.constant 25 : i32
      %scan3A_543 = arith.addi %scan3A_541, %scan3A_542 : i32
      %scan3A_544 = arith.constant 1 : i32
      scf.for %scan3A_548 = %scan3A_541 to %scan3A_543 step %scan3A_544  : i32 {
        %get3A = arith.index_cast %scan3A_548 : i32 to index
        %get3A_549 = arith.constant 0 : index
        %get3A_550 = tpu.vector_load %arg10[%get3A, %get3A_549] {strides = array<i32>} : memref<80x128xf32, #tpu.memory_space<vmem>>, vector<1x16xf32>,
        %get3A_551 = vector.shape_cast %get3A_550 : vector<1x16xf32> to vector<16xf32>
        %get3A_552 = arith.index_cast %scan3A_548 : i32 to index
        %get3A_553 = arith.constant 0 : index
        %get3A_554 = tpu.vector_load %arg9[%get3A_552, %get3A_553] {strides = array<i32>} : memref<80x128xf32, #tpu.memory_space<vmem>>, vector<1x16xf32>,
        %get3A_555 = vector.shape_cast %get3A_554 : vector<1x16xf32> to vector<16xf32>
        %mul3A_556 = arith.mulf %get3A_551, %get3A_555 : vector<16xf32>
        %swap3A = arith.index_cast %scan3A_548 : i32 to index
        %swap3A_557 = arith.constant 0 : index
        %swap3A_558 = tpu.vector_load %arg10[%swap3A, %swap3A_557] {strides = array<i32>} : memref<80x128xf32, #tpu.memory_space<vmem>>, vector<1x16xf32>,
        %swap3A_559 = vector.shape_cast %swap3A_558 : vector<1x16xf32> to vector<16xf32>
        %swap3A_560 = vector.shape_cast %mul3A_556 : vector<16xf32> to vector<1x16xf32>
        tpu.vector_store %arg10[%swap3A, %swap3A_557], %swap3A_560 {strides = array<i32>} : memref<80x128xf32, #tpu.memory_space<vmem>>, vector<1x16xf32>,
        %get3A_561 = arith.index_cast %scan3A_548 : i32 to index
        %get3A_562 = arith.constant 16 : index
        %get3A_563 = tpu.vector_load %arg10[%get3A_561, %get3A_562] {strides = array<i32>} : memref<80x128xf32, #tpu.memory_space<vmem>>, vector<1x16xf32>,
        %get3A_564 = vector.shape_cast %get3A_563 : vector<1x16xf32> to vector<16xf32>
        %get3A_565 = arith.index_cast %scan3A_548 : i32 to index
        %get3A_566 = arith.constant 16 : index
        %get3A_567 = tpu.vector_load %arg9[%get3A_565, %get3A_566] {strides = array<i32>} : memref<80x128xf32, #tpu.memory_space<vmem>>, vector<1x16xf32>,
        %get3A_568 = vector.shape_cast %get3A_567 : vector<1x16xf32> to vector<16xf32>
        %mul3A_569 = arith.mulf %get3A_564, %get3A_568 : vector<16xf32>
        %swap3A_570 = arith.index_cast %scan3A_548 : i32 to index
        %swap3A_571 = arith.constant 16 : index
        %swap3A_572 = tpu.vector_load %arg10[%swap3A_570, %swap3A_571] {strides = array<i32>} : memref<80x128xf32, #tpu.memory_space<vmem>>, vector<1x16xf32>,
        %swap3A_573 = vector.shape_cast %swap3A_572 : vector<1x16xf32> to vector<16xf32>
        %swap3A_574 = vector.shape_cast %mul3A_569 : vector<16xf32> to vector<1x16xf32>
        tpu.vector_store %arg10[%swap3A_570, %swap3A_571], %swap3A_574 {strides = array<i32>} : memref<80x128xf32, #tpu.memory_space<vmem>>, vector<1x16xf32>,
        %get3A_575 = arith.index_cast %scan3A_548 : i32 to index
        %get3A_576 = arith.constant 32 : index
        %get3A_577 = tpu.vector_load %arg10[%get3A_575, %get3A_576] {strides = array<i32>} : memref<80x128xf32, #tpu.memory_space<vmem>>, vector<1x16xf32>,
        %get3A_578 = vector.shape_cast %get3A_577 : vector<1x16xf32> to vector<16xf32>
        %get3A_579 = arith.index_cast %scan3A_548 : i32 to index
        %get3A_580 = arith.constant 32 : index
        %get3A_581 = tpu.vector_load %arg9[%get3A_579, %get3A_580] {strides = array<i32>} : memref<80x128xf32, #tpu.memory_space<vmem>>, vector<1x16xf32>,
        %get3A_582 = vector.shape_cast %get3A_581 : vector<1x16xf32> to vector<16xf32>
        %mul3A_583 = arith.mulf %get3A_578, %get3A_582 : vector<16xf32>
        %swap3A_584 = arith.index_cast %scan3A_548 : i32 to index
        %swap3A_585 = arith.constant 32 : index
        %swap3A_586 = tpu.vector_load %arg10[%swap3A_584, %swap3A_585] {strides = array<i32>} : memref<80x128xf32, #tpu.memory_space<vmem>>, vector<1x16xf32>,
        %swap3A_587 = vector.shape_cast %swap3A_586 : vector<1x16xf32> to vector<16xf32>
        %swap3A_588 = vector.shape_cast %mul3A_583 : vector<16xf32> to vector<1x16xf32>
        tpu.vector_store %arg10[%swap3A_584, %swap3A_585], %swap3A_588 {strides = array<i32>} : memref<80x128xf32, #tpu.memory_space<vmem>>, vector<1x16xf32>,
        %get3A_589 = arith.index_cast %scan3A_548 : i32 to index
        %get3A_590 = arith.constant 48 : index
        %get3A_591 = tpu.vector_load %arg10[%get3A_589, %get3A_590] {strides = array<i32>} : memref<80x128xf32, #tpu.memory_space<vmem>>, vector<1x16xf32>,
        %get3A_592 = vector.shape_cast %get3A_591 : vector<1x16xf32> to vector<16xf32>
        %get3A_593 = arith.index_cast %scan3A_548 : i32 to index
        %get3A_594 = arith.constant 48 : index
        %get3A_595 = tpu.vector_load %arg9[%get3A_593, %get3A_594] {strides = array<i32>} : memref<80x128xf32, #tpu.memory_space<vmem>>, vector<1x16xf32>,
        %get3A_596 = vector.shape_cast %get3A_595 : vector<1x16xf32> to vector<16xf32>
        %mul3A_597 = arith.mulf %get3A_592, %get3A_596 : vector<16xf32>
        %swap3A_598 = arith.index_cast %scan3A_548 : i32 to index
        %swap3A_599 = arith.constant 48 : index
        %swap3A_600 = tpu.vector_load %arg10[%swap3A_598, %swap3A_599] {strides = array<i32>} : memref<80x128xf32, #tpu.memory_space<vmem>>, vector<1x16xf32>,
        %swap3A_601 = vector.shape_cast %swap3A_600 : vector<1x16xf32> to vector<16xf32>
        %swap3A_602 = vector.shape_cast %mul3A_597 : vector<16xf32> to vector<1x16xf32>
        tpu.vector_store %arg10[%swap3A_598, %swap3A_599], %swap3A_602 {strides = array<i32>} : memref<80x128xf32, #tpu.memory_space<vmem>>, vector<1x16xf32>,
        %get3A_603 = arith.index_cast %scan3A_548 : i32 to index
        %get3A_604 = arith.constant 64 : index
        %get3A_605 = tpu.vector_load %arg10[%get3A_603, %get3A_604] {strides = array<i32>} : memref<80x128xf32, #tpu.memory_space<vmem>>, vector<1x16xf32>,
        %get3A_606 = vector.shape_cast %get3A_605 : vector<1x16xf32> to vector<16xf32>
        %get3A_607 = arith.index_cast %scan3A_548 : i32 to index
        %get3A_608 = arith.constant 64 : index
        %get3A_609 = tpu.vector_load %arg9[%get3A_607, %get3A_608] {strides = array<i32>} : memref<80x128xf32, #tpu.memory_space<vmem>>, vector<1x16xf32>,
        %get3A_610 = vector.shape_cast %get3A_609 : vector<1x16xf32> to vector<16xf32>
        %mul3A_611 = arith.mulf %get3A_606, %get3A_610 : vector<16xf32>
        %swap3A_612 = arith.index_cast %scan3A_548 : i32 to index
        %swap3A_613 = arith.constant 64 : index
        %swap3A_614 = tpu.vector_load %arg10[%swap3A_612, %swap3A_613] {strides = array<i32>} : memref<80x128xf32, #tpu.memory_space<vmem>>, vector<1x16xf32>,
        %swap3A_615 = vector.shape_cast %swap3A_614 : vector<1x16xf32> to vector<16xf32>
        %swap3A_616 = vector.shape_cast %mul3A_611 : vector<16xf32> to vector<1x16xf32>
        tpu.vector_store %arg10[%swap3A_612, %swap3A_613], %swap3A_616 {strides = array<i32>} : memref<80x128xf32, #tpu.memory_space<vmem>>, vector<1x16xf32>,
        %get3A_617 = arith.index_cast %scan3A_548 : i32 to index
        %get3A_618 = arith.constant 80 : index
        %get3A_619 = tpu.vector_load %arg10[%get3A_617, %get3A_618] {strides = array<i32>} : memref<80x128xf32, #tpu.memory_space<vmem>>, vector<1x16xf32>,
        %get3A_620 = vector.shape_cast %get3A_619 : vector<1x16xf32> to vector<16xf32>
        %get3A_621 = arith.index_cast %scan3A_548 : i32 to index
        %get3A_622 = arith.constant 80 : index
        %get3A_623 = tpu.vector_load %arg9[%get3A_621, %get3A_622] {strides = array<i32>} : memref<80x128xf32, #tpu.memory_space<vmem>>, vector<1x16xf32>,
        %get3A_624 = vector.shape_cast %get3A_623 : vector<1x16xf32> to vector<16xf32>
        %mul3A_625 = arith.mulf %get3A_620, %get3A_624 : vector<16xf32>
        %swap3A_626 = arith.index_cast %scan3A_548 : i32 to index
        %swap3A_627 = arith.constant 80 : index
        %swap3A_628 = tpu.vector_load %arg10[%swap3A_626, %swap3A_627] {strides = array<i32>} : memref<80x128xf32, #tpu.memory_space<vmem>>, vector<1x16xf32>,
        %swap3A_629 = vector.shape_cast %swap3A_628 : vector<1x16xf32> to vector<16xf32>
        %swap3A_630 = vector.shape_cast %mul3A_625 : vector<16xf32> to vector<1x16xf32>
        tpu.vector_store %arg10[%swap3A_626, %swap3A_627], %swap3A_630 {strides = array<i32>} : memref<80x128xf32, #tpu.memory_space<vmem>>, vector<1x16xf32>,
        %get3A_631 = arith.index_cast %scan3A_548 : i32 to index
        %get3A_632 = arith.constant 96 : index
        %get3A_633 = tpu.vector_load %arg10[%get3A_631, %get3A_632] {strides = array<i32>} : memref<80x128xf32, #tpu.memory_space<vmem>>, vector<1x16xf32>,
        %get3A_634 = vector.shape_cast %get3A_633 : vector<1x16xf32> to vector<16xf32>
        %get3A_635 = arith.index_cast %scan3A_548 : i32 to index
        %get3A_636 = arith.constant 96 : index
        %get3A_637 = tpu.vector_load %arg9[%get3A_635, %get3A_636] {strides = array<i32>} : memref<80x128xf32, #tpu.memory_space<vmem>>, vector<1x16xf32>,
        %get3A_638 = vector.shape_cast %get3A_637 : vector<1x16xf32> to vector<16xf32>
        %mul3A_639 = arith.mulf %get3A_634, %get3A_638 : vector<16xf32>
        %swap3A_640 = arith.index_cast %scan3A_548 : i32 to index
        %swap3A_641 = arith.constant 96 : index
        %swap3A_642 = tpu.vector_load %arg10[%swap3A_640, %swap3A_641] {strides = array<i32>} : memref<80x128xf32, #tpu.memory_space<vmem>>, vector<1x16xf32>,
        %swap3A_643 = vector.shape_cast %swap3A_642 : vector<1x16xf32> to vector<16xf32>
        %swap3A_644 = vector.shape_cast %mul3A_639 : vector<16xf32> to vector<1x16xf32>
        tpu.vector_store %arg10[%swap3A_640, %swap3A_641], %swap3A_644 {strides = array<i32>} : memref<80x128xf32, #tpu.memory_space<vmem>>, vector<1x16xf32>,
        %get3A_645 = arith.index_cast %scan3A_548 : i32 to index
        %get3A_646 = arith.constant 112 : index
        %get3A_647 = tpu.vector_load %arg10[%get3A_645, %get3A_646] {strides = array<i32>} : memref<80x128xf32, #tpu.memory_space<vmem>>, vector<1x16xf32>,
        %get3A_648 = vector.shape_cast %get3A_647 : vector<1x16xf32> to vector<16xf32>
        %get3A_649 = arith.index_cast %scan3A_548 : i32 to index
        %get3A_650 = arith.constant 112 : index
        %get3A_651 = tpu.vector_load %arg9[%get3A_649, %get3A_650] {strides = array<i32>} : memref<80x128xf32, #tpu.memory_space<vmem>>, vector<1x16xf32>,
        %get3A_652 = vector.shape_cast %get3A_651 : vector<1x16xf32> to vector<16xf32>
        %mul3A_653 = arith.mulf %get3A_648, %get3A_652 : vector<16xf32>
        %swap3A_654 = arith.index_cast %scan3A_548 : i32 to index
        %swap3A_655 = arith.constant 112 : index
        %swap3A_656 = tpu.vector_load %arg10[%swap3A_654, %swap3A_655] {strides = array<i32>} : memref<80x128xf32, #tpu.memory_space<vmem>>, vector<1x16xf32>,
        %swap3A_657 = vector.shape_cast %swap3A_656 : vector<1x16xf32> to vector<16xf32>
        %swap3A_658 = vector.shape_cast %mul3A_653 : vector<16xf32> to vector<1x16xf32>
        tpu.vector_store %arg10[%swap3A_654, %swap3A_655], %swap3A_658 {strides = array<i32>} : memref<80x128xf32, #tpu.memory_space<vmem>>, vector<1x16xf32>,
      }
      %scan3A_545 = arith.constant 25 : i32
      %add3A_546 = arith.addi %mul3A_0, %add3A_539 : i32
      %run_scoped3A_547 = arith.constant 3 : i32
      "tpu.region"() ({
        %run_scoped3A_548 = tpu.sem_alloc : memref<!tpu.dma_semaphore, #tpu.memory_space<semaphore_mem>>
        %dma_start3A_549 = arith.constant 0 : i32
        %dma_start3A_550 = arith.constant 0 : i32
        %dma_start3A_551 = tpu.memref_slice %arg10[%dma_start3A_549, %dma_start3A_550] : memref<80x128xf32, #tpu.memory_space<vmem>> -> memref<25x128xf32, #tpu.memory_space<vmem>>
        %dma_start3A_552 = arith.constant 0 : i32
        %dma_start3A_553 = tpu.memref_slice %arg6[%run_scoped3A_547, %add3A_546, %dma_start3A_552] : memref<7x20000x128xf32, #tpu.memory_space<hbm>> -> memref<1x25x128xf32, #tpu.memory_space<hbm>>
        %dma_start3A_554 = tpu.memref_squeeze %dma_start3A_553 : memref<1x25x128xf32, #tpu.memory_space<hbm>> -> memref<25x128xf32, #tpu.memory_space<hbm>>
        %dma_start3A_555 = arith.constant 0 : i32
        %dma_start3A_556 = tpu.memref_slice %arg6[%run_scoped3A_547, %add3A_546, %dma_start3A_555] : memref<7x20000x128xf32, #tpu.memory_space<hbm>> -> memref<1x25x128xf32, #tpu.memory_space<hbm>>
        %dma_start3A_557 = tpu.memref_squeeze %dma_start3A_556 : memref<1x25x128xf32, #tpu.memory_space<hbm>> -> memref<25x128xf32, #tpu.memory_space<hbm>>
        %dma_start3A_558 = arith.constant 0 : i32
        %dma_start3A_559 = arith.constant 0 : i32
        %dma_start3A_560 = tpu.memref_slice %arg10[%dma_start3A_558, %dma_start3A_559] : memref<80x128xf32, #tpu.memory_space<vmem>> -> memref<25x128xf32, #tpu.memory_space<vmem>>
        tpu.enqueue_dma source(%dma_start3A_560 : memref<25x128xf32, #tpu.memory_space<vmem>>) target(%dma_start3A_557 : memref<25x128xf32, #tpu.memory_space<hbm>>) target_semaphore(%run_scoped3A_548 : memref<!tpu.dma_semaphore, #tpu.memory_space<semaphore_mem>>)
        %dma_wait3A_561 = arith.constant 0 : i32
        %dma_wait3A_562 = arith.constant 0 : i32
        %dma_wait3A_563 = tpu.memref_slice %arg10[%dma_wait3A_561, %dma_wait3A_562] : memref<80x128xf32, #tpu.memory_space<vmem>> -> memref<25x128xf32, #tpu.memory_space<vmem>>
        %dma_wait3A_564 = arith.constant 0 : i32
        %dma_wait3A_565 = tpu.memref_slice %arg6[%run_scoped3A_547, %add3A_546, %dma_wait3A_564] : memref<7x20000x128xf32, #tpu.memory_space<hbm>> -> memref<1x25x128xf32, #tpu.memory_space<hbm>>
        %dma_wait3A_566 = tpu.memref_squeeze %dma_wait3A_565 : memref<1x25x128xf32, #tpu.memory_space<hbm>> -> memref<25x128xf32, #tpu.memory_space<hbm>>
        %dma_wait3A_567 = arith.constant 0 : i32
        %dma_wait3A_568 = tpu.memref_slice %arg6[%run_scoped3A_547, %add3A_546, %dma_wait3A_567] : memref<7x20000x128xf32, #tpu.memory_space<hbm>> -> memref<1x25x128xf32, #tpu.memory_space<hbm>>
        %dma_wait3A_569 = tpu.memref_squeeze %dma_wait3A_568 : memref<1x25x128xf32, #tpu.memory_space<hbm>> -> memref<25x128xf32, #tpu.memory_space<hbm>>
        %dma_wait3A_570 = arith.constant 0 : i32
        %dma_wait3A_571 = arith.constant 0 : i32
        %dma_wait3A_572 = tpu.memref_slice %arg10[%dma_wait3A_570, %dma_wait3A_571] : memref<80x128xf32, #tpu.memory_space<vmem>> -> memref<25x128xf32, #tpu.memory_space<vmem>>
        tpu.wait_dma2 semaphore(%run_scoped3A_548 : memref<!tpu.dma_semaphore, #tpu.memory_space<semaphore_mem>>) src(%dma_wait3A_572 : memref<25x128xf32, #tpu.memory_space<vmem>>) dst(%dma_wait3A_569 : memref<25x128xf32, #tpu.memory_space<hbm>>)
        tpu.yield
      }) : () -> ()
      "tpu.region"() ({
        %run_scoped3A_548 = tpu.sem_alloc : memref<!tpu.dma_semaphore, #tpu.memory_space<semaphore_mem>>
        %dma_start3A_549 = arith.constant 0 : i32
        %dma_start3A_550 = arith.constant 0 : i32
        %dma_start3A_551 = tpu.memref_slice %arg10[%dma_start3A_549, %dma_start3A_550] : memref<80x128xf32, #tpu.memory_space<vmem>> -> memref<25x128xf32, #tpu.memory_space<vmem>>
        %dma_start3A_552 = arith.constant 0 : i32
        %dma_start3A_553 = tpu.memref_slice %arg12[%add3A_539, %dma_start3A_552] : memref<10008x128xf32, #tpu.memory_space<vmem_shared>> -> memref<25x128xf32, #tpu.memory_space<vmem_shared>>
        %dma_start3A_554 = arith.constant 0 : i32
        %dma_start3A_555 = tpu.memref_slice %arg12[%add3A_539, %dma_start3A_554] : memref<10008x128xf32, #tpu.memory_space<vmem_shared>> -> memref<25x128xf32, #tpu.memory_space<vmem_shared>>
        %dma_start3A_556 = arith.constant 0 : i32
        %dma_start3A_557 = arith.constant 0 : i32
        %dma_start3A_558 = tpu.memref_slice %arg10[%dma_start3A_556, %dma_start3A_557] : memref<80x128xf32, #tpu.memory_space<vmem>> -> memref<25x128xf32, #tpu.memory_space<vmem>>
        tpu.enqueue_dma source(%dma_start3A_558 : memref<25x128xf32, #tpu.memory_space<vmem>>) target(%dma_start3A_555 : memref<25x128xf32, #tpu.memory_space<vmem_shared>>) target_semaphore(%run_scoped3A_548 : memref<!tpu.dma_semaphore, #tpu.memory_space<semaphore_mem>>)
        %dma_wait3A_559 = arith.constant 0 : i32
        %dma_wait3A_560 = arith.constant 0 : i32
        %dma_wait3A_561 = tpu.memref_slice %arg10[%dma_wait3A_559, %dma_wait3A_560] : memref<80x128xf32, #tpu.memory_space<vmem>> -> memref<25x128xf32, #tpu.memory_space<vmem>>
        %dma_wait3A_562 = arith.constant 0 : i32
        %dma_wait3A_563 = tpu.memref_slice %arg12[%add3A_539, %dma_wait3A_562] : memref<10008x128xf32, #tpu.memory_space<vmem_shared>> -> memref<25x128xf32, #tpu.memory_space<vmem_shared>>
        %dma_wait3A_564 = arith.constant 0 : i32
        %dma_wait3A_565 = tpu.memref_slice %arg12[%add3A_539, %dma_wait3A_564] : memref<10008x128xf32, #tpu.memory_space<vmem_shared>> -> memref<25x128xf32, #tpu.memory_space<vmem_shared>>
        %dma_wait3A_566 = arith.constant 0 : i32
        %dma_wait3A_567 = arith.constant 0 : i32
        %dma_wait3A_568 = tpu.memref_slice %arg10[%dma_wait3A_566, %dma_wait3A_567] : memref<80x128xf32, #tpu.memory_space<vmem>> -> memref<25x128xf32, #tpu.memory_space<vmem>>
        tpu.wait_dma2 semaphore(%run_scoped3A_548 : memref<!tpu.dma_semaphore, #tpu.memory_space<semaphore_mem>>) src(%dma_wait3A_568 : memref<25x128xf32, #tpu.memory_space<vmem>>) dst(%dma_wait3A_565 : memref<25x128xf32, #tpu.memory_space<vmem_shared>>)
        tpu.yield
      }) : () -> ()
    }
    %scan3A_267 = arith.constant 25 : i32
    %barrier3A_268 = arith.constant 0 : index
    tpu.barrier barrier_id(%barrier3A_268)
    %dma_start3A_269 = arith.constant 3 : i32
    %dma_start3A_270 = arith.constant 0 : i32
    %dma_start3A_271 = arith.constant 0 : i32
    %dma_start3A_272 = tpu.memref_slice %arg7[%dma_start3A_270, %dma_start3A_271] : memref<126x80xi32, #tpu.memory_space<vmem>> -> memref<1x80xi32, #tpu.memory_space<vmem>>
    %dma_start3A_273 = tpu.memref_squeeze %dma_start3A_272 : memref<1x80xi32, #tpu.memory_space<vmem>> -> memref<80xi32, #tpu.memory_space<vmem>>
    %dma_start3A_274 = arith.constant 0 : i32
    %dma_start3A_275 = arith.constant 0 : i32
    %dma_start3A_276 = tpu.memref_slice %arg6[%dma_start3A_269, %dma_start3A_274, %dma_start3A_275] : memref<7x20000x128xf32, #tpu.memory_space<hbm>> -> memref<1x20000x128xf32, #tpu.memory_space<hbm>>
    %dma_start3A_277 = tpu.memref_squeeze %dma_start3A_276 : memref<1x20000x128xf32, #tpu.memory_space<hbm>> -> memref<20000x128xf32, #tpu.memory_space<hbm>>
    %dma_start3A_278 = arith.constant 0 : i32
    %dma_start3A_279 = arith.constant 0 : i32
    %dma_start3A_280 = tpu.memref_slice %dma_start3A_277[%dma_start3A_278, %dma_start3A_279] : memref<20000x128xf32, #tpu.memory_space<hbm>> -> memref<20000x128xf32, #tpu.memory_space<hbm>>
    tpu.enqueue_indirect_dma source(%dma_start3A_280 : memref<20000x128xf32, #tpu.memory_space<hbm>>) target(%arg9 : memref<80x128xf32, #tpu.memory_space<vmem>>) offsets(%dma_start3A_273 : memref<80xi32, #tpu.memory_space<vmem>>) semaphore(%arg13 : memref<!tpu.dma_semaphore, #tpu.memory_space<semaphore_mem>>)
    %dma_start3A_281 = arith.constant 3 : i32
    %dma_start3A_282 = arith.constant 1 : i32
    %dma_start3A_283 = arith.constant 0 : i32
    %dma_start3A_284 = tpu.memref_slice %arg7[%dma_start3A_282, %dma_start3A_283] : memref<126x80xi32, #tpu.memory_space<vmem>> -> memref<1x80xi32, #tpu.memory_space<vmem>>
    %dma_start3A_285 = tpu.memref_squeeze %dma_start3A_284 : memref<1x80xi32, #tpu.memory_space<vmem>> -> memref<80xi32, #tpu.memory_space<vmem>>
    %dma_start3A_286 = arith.constant 0 : i32
    %dma_start3A_287 = arith.constant 0 : i32
    %dma_start3A_288 = tpu.memref_slice %arg6[%dma_start3A_281, %dma_start3A_286, %dma_start3A_287] : memref<7x20000x128xf32, #tpu.memory_space<hbm>> -> memref<1x20000x128xf32, #tpu.memory_space<hbm>>
    %dma_start3A_289 = tpu.memref_squeeze %dma_start3A_288 : memref<1x20000x128xf32, #tpu.memory_space<hbm>> -> memref<20000x128xf32, #tpu.memory_space<hbm>>
    %dma_start3A_290 = arith.constant 0 : i32
    %dma_start3A_291 = arith.constant 0 : i32
    %dma_start3A_292 = tpu.memref_slice %dma_start3A_289[%dma_start3A_290, %dma_start3A_291] : memref<20000x128xf32, #tpu.memory_space<hbm>> -> memref<20000x128xf32, #tpu.memory_space<hbm>>
    tpu.enqueue_indirect_dma source(%dma_start3A_292 : memref<20000x128xf32, #tpu.memory_space<hbm>>) target(%arg10 : memref<80x128xf32, #tpu.memory_space<vmem>>) offsets(%dma_start3A_285 : memref<80xi32, #tpu.memory_space<vmem>>) semaphore(%arg14 : memref<!tpu.dma_semaphore, #tpu.memory_space<semaphore_mem>>)
    %scan3A_293 = arith.constant 0 : i32
    %scan3A_294 = arith.constant 0 : i32
    %scan3A_295 = arith.constant 41 : i32
    %scan3A_296 = arith.addi %scan3A_294, %scan3A_295 : i32
    %scan3A_297 = arith.constant 1 : i32
    scf.for %scan3A_536 = %scan3A_294 to %scan3A_296 step %scan3A_297  : i32 {
      %mul3A_537 = arith.constant 3 : i32
      %mul3A_538 = arith.muli %mul3A_537, %scan3A_536 : i32
      %add3A_539 = arith.constant 2 : i32
      %add3A_540 = arith.addi %mul3A_538, %add3A_539 : i32
      %dma_start3A_541 = arith.constant 3 : i32
      %dma_start3A_542 = arith.constant 0 : i32
      %dma_start3A_543 = tpu.memref_slice %arg7[%add3A_540, %dma_start3A_542] : memref<126x80xi32, #tpu.memory_space<vmem>> -> memref<1x80xi32, #tpu.memory_space<vmem>>
      %dma_start3A_544 = tpu.memref_squeeze %dma_start3A_543 : memref<1x80xi32, #tpu.memory_space<vmem>> -> memref<80xi32, #tpu.memory_space<vmem>>
      %dma_start3A_545 = arith.constant 0 : i32
      %dma_start3A_546 = arith.constant 0 : i32
      %dma_start3A_547 = tpu.memref_slice %arg6[%dma_start3A_541, %dma_start3A_545, %dma_start3A_546] : memref<7x20000x128xf32, #tpu.memory_space<hbm>> -> memref<1x20000x128xf32, #tpu.memory_space<hbm>>
      %dma_start3A_548 = tpu.memref_squeeze %dma_start3A_547 : memref<1x20000x128xf32, #tpu.memory_space<hbm>> -> memref<20000x128xf32, #tpu.memory_space<hbm>>
      %dma_start3A_549 = arith.constant 0 : i32
      %dma_start3A_550 = arith.constant 0 : i32
      %dma_start3A_551 = tpu.memref_slice %dma_start3A_548[%dma_start3A_549, %dma_start3A_550] : memref<20000x128xf32, #tpu.memory_space<hbm>> -> memref<20000x128xf32, #tpu.memory_space<hbm>>
      tpu.enqueue_indirect_dma source(%dma_start3A_551 : memref<20000x128xf32, #tpu.memory_space<hbm>>) target(%arg11 : memref<80x128xf32, #tpu.memory_space<vmem>>) offsets(%dma_start3A_544 : memref<80xi32, #tpu.memory_space<vmem>>) semaphore(%arg15 : memref<!tpu.dma_semaphore, #tpu.memory_space<semaphore_mem>>)
      %dma_wait3A_552 = arith.constant 3 : i32
      %dma_wait3A_553 = arith.constant 0 : i32
      %dma_wait3A_554 = tpu.memref_slice %arg7[%mul3A_538, %dma_wait3A_553] : memref<126x80xi32, #tpu.memory_space<vmem>> -> memref<1x80xi32, #tpu.memory_space<vmem>>
      %dma_wait3A_555 = tpu.memref_squeeze %dma_wait3A_554 : memref<1x80xi32, #tpu.memory_space<vmem>> -> memref<80xi32, #tpu.memory_space<vmem>>
      %dma_wait3A_556 = arith.constant 0 : i32
      %dma_wait3A_557 = arith.constant 0 : i32
      %dma_wait3A_558 = tpu.memref_slice %arg6[%dma_wait3A_552, %dma_wait3A_556, %dma_wait3A_557] : memref<7x20000x128xf32, #tpu.memory_space<hbm>> -> memref<1x20000x128xf32, #tpu.memory_space<hbm>>
      %dma_wait3A_559 = tpu.memref_squeeze %dma_wait3A_558 : memref<1x20000x128xf32, #tpu.memory_space<hbm>> -> memref<20000x128xf32, #tpu.memory_space<hbm>>
      %dma_wait3A_560 = arith.constant 0 : i32
      %dma_wait3A_561 = arith.constant 0 : i32
      %dma_wait3A_562 = tpu.memref_slice %dma_wait3A_559[%dma_wait3A_560, %dma_wait3A_561] : memref<20000x128xf32, #tpu.memory_space<hbm>> -> memref<20000x128xf32, #tpu.memory_space<hbm>>
      tpu.wait_indirect_dma semaphore(%arg13 : memref<!tpu.dma_semaphore, #tpu.memory_space<semaphore_mem>>) src(%dma_wait3A_562 : memref<20000x128xf32, #tpu.memory_space<hbm>>) dst(%arg9 : memref<80x128xf32, #tpu.memory_space<vmem>>)
      "tpu.region"() ({
        %run_scoped3A_619 = tpu.sem_alloc : memref<!tpu.dma_semaphore, #tpu.memory_space<semaphore_mem>>
        %dma_start3A_620 = arith.constant 0 : i32
        %dma_start3A_621 = tpu.memref_slice %arg8[%mul3A_538, %dma_start3A_620] : memref<126x80xi32, #tpu.memory_space<vmem>> -> memref<1x80xi32, #tpu.memory_space<vmem>>
        %dma_start3A_622 = tpu.memref_squeeze %dma_start3A_621 : memref<1x80xi32, #tpu.memory_space<vmem>> -> memref<80xi32, #tpu.memory_space<vmem>>
        %dma_start3A_623 = arith.constant 0 : i32
        %dma_start3A_624 = arith.constant 0 : i32
        %dma_start3A_625 = tpu.memref_slice %arg12[%dma_start3A_623, %dma_start3A_624] : memref<10008x128xf32, #tpu.memory_space<vmem_shared>> -> memref<10008x128xf32, #tpu.memory_space<vmem_shared>>
        tpu.enqueue_indirect_dma source(%arg9 : memref<80x128xf32, #tpu.memory_space<vmem>>) target(%dma_start3A_625 : memref<10008x128xf32, #tpu.memory_space<vmem_shared>>) offsets(%dma_start3A_622 : memref<80xi32, #tpu.memory_space<vmem>>) semaphore(%run_scoped3A_619 : memref<!tpu.dma_semaphore, #tpu.memory_space<semaphore_mem>>) {add = true}
        %dma_wait3A_626 = arith.constant 0 : i32
        %dma_wait3A_627 = tpu.memref_slice %arg8[%mul3A_538, %dma_wait3A_626] : memref<126x80xi32, #tpu.memory_space<vmem>> -> memref<1x80xi32, #tpu.memory_space<vmem>>
        %dma_wait3A_628 = tpu.memref_squeeze %dma_wait3A_627 : memref<1x80xi32, #tpu.memory_space<vmem>> -> memref<80xi32, #tpu.memory_space<vmem>>
        %dma_wait3A_629 = arith.constant 0 : i32
        %dma_wait3A_630 = arith.constant 0 : i32
        %dma_wait3A_631 = tpu.memref_slice %arg12[%dma_wait3A_629, %dma_wait3A_630] : memref<10008x128xf32, #tpu.memory_space<vmem_shared>> -> memref<10008x128xf32, #tpu.memory_space<vmem_shared>>
        tpu.wait_indirect_dma semaphore(%run_scoped3A_619 : memref<!tpu.dma_semaphore, #tpu.memory_space<semaphore_mem>>) src(%arg9 : memref<80x128xf32, #tpu.memory_space<vmem>>) dst(%dma_wait3A_631 : memref<10008x128xf32, #tpu.memory_space<vmem_shared>>)
        tpu.yield
      }) : () -> ()
      %add3A_563 = arith.constant 3 : i32
      %add3A_564 = arith.addi %mul3A_538, %add3A_563 : i32
      %dma_start3A_565 = arith.constant 3 : i32
      %dma_start3A_566 = arith.constant 0 : i32
      %dma_start3A_567 = tpu.memref_slice %arg7[%add3A_564, %dma_start3A_566] : memref<126x80xi32, #tpu.memory_space<vmem>> -> memref<1x80xi32, #tpu.memory_space<vmem>>
      %dma_start3A_568 = tpu.memref_squeeze %dma_start3A_567 : memref<1x80xi32, #tpu.memory_space<vmem>> -> memref<80xi32, #tpu.memory_space<vmem>>
      %dma_start3A_569 = arith.constant 0 : i32
      %dma_start3A_570 = arith.constant 0 : i32
      %dma_start3A_571 = tpu.memref_slice %arg6[%dma_start3A_565, %dma_start3A_569, %dma_start3A_570] : memref<7x20000x128xf32, #tpu.memory_space<hbm>> -> memref<1x20000x128xf32, #tpu.memory_space<hbm>>
      %dma_start3A_572 = tpu.memref_squeeze %dma_start3A_571 : memref<1x20000x128xf32, #tpu.memory_space<hbm>> -> memref<20000x128xf32, #tpu.memory_space<hbm>>
      %dma_start3A_573 = arith.constant 0 : i32
      %dma_start3A_574 = arith.constant 0 : i32
      %dma_start3A_575 = tpu.memref_slice %dma_start3A_572[%dma_start3A_573, %dma_start3A_574] : memref<20000x128xf32, #tpu.memory_space<hbm>> -> memref<20000x128xf32, #tpu.memory_space<hbm>>
      tpu.enqueue_indirect_dma source(%dma_start3A_575 : memref<20000x128xf32, #tpu.memory_space<hbm>>) target(%arg9 : memref<80x128xf32, #tpu.memory_space<vmem>>) offsets(%dma_start3A_568 : memref<80xi32, #tpu.memory_space<vmem>>) semaphore(%arg13 : memref<!tpu.dma_semaphore, #tpu.memory_space<semaphore_mem>>)
      %add3A_576 = arith.constant 1 : i32
      %add3A_577 = arith.addi %mul3A_538, %add3A_576 : i32
      %dma_wait3A_578 = arith.constant 3 : i32
      %dma_wait3A_579 = arith.constant 0 : i32
      %dma_wait3A_580 = tpu.memref_slice %arg7[%add3A_577, %dma_wait3A_579] : memref<126x80xi32, #tpu.memory_space<vmem>> -> memref<1x80xi32, #tpu.memory_space<vmem>>
      %dma_wait3A_581 = tpu.memref_squeeze %dma_wait3A_580 : memref<1x80xi32, #tpu.memory_space<vmem>> -> memref<80xi32, #tpu.memory_space<vmem>>
      %dma_wait3A_582 = arith.constant 0 : i32
      %dma_wait3A_583 = arith.constant 0 : i32
      %dma_wait3A_584 = tpu.memref_slice %arg6[%dma_wait3A_578, %dma_wait3A_582, %dma_wait3A_583] : memref<7x20000x128xf32, #tpu.memory_space<hbm>> -> memref<1x20000x128xf32, #tpu.memory_space<hbm>>
      %dma_wait3A_585 = tpu.memref_squeeze %dma_wait3A_584 : memref<1x20000x128xf32, #tpu.memory_space<hbm>> -> memref<20000x128xf32, #tpu.memory_space<hbm>>
      %dma_wait3A_586 = arith.constant 0 : i32
      %dma_wait3A_587 = arith.constant 0 : i32
      %dma_wait3A_588 = tpu.memref_slice %dma_wait3A_585[%dma_wait3A_586, %dma_wait3A_587] : memref<20000x128xf32, #tpu.memory_space<hbm>> -> memref<20000x128xf32, #tpu.memory_space<hbm>>
      tpu.wait_indirect_dma semaphore(%arg14 : memref<!tpu.dma_semaphore, #tpu.memory_space<semaphore_mem>>) src(%dma_wait3A_588 : memref<20000x128xf32, #tpu.memory_space<hbm>>) dst(%arg10 : memref<80x128xf32, #tpu.memory_space<vmem>>)
      %add3A_589 = arith.constant 1 : i32
      %add3A_590 = arith.addi %mul3A_538, %add3A_589 : i32
      "tpu.region"() ({
        %run_scoped3A_619 = tpu.sem_alloc : memref<!tpu.dma_semaphore, #tpu.memory_space<semaphore_mem>>
        %dma_start3A_620 = arith.constant 0 : i32
        %dma_start3A_621 = tpu.memref_slice %arg8[%add3A_590, %dma_start3A_620] : memref<126x80xi32, #tpu.memory_space<vmem>> -> memref<1x80xi32, #tpu.memory_space<vmem>>
        %dma_start3A_622 = tpu.memref_squeeze %dma_start3A_621 : memref<1x80xi32, #tpu.memory_space<vmem>> -> memref<80xi32, #tpu.memory_space<vmem>>
        %dma_start3A_623 = arith.constant 0 : i32
        %dma_start3A_624 = arith.constant 0 : i32
        %dma_start3A_625 = tpu.memref_slice %arg12[%dma_start3A_623, %dma_start3A_624] : memref<10008x128xf32, #tpu.memory_space<vmem_shared>> -> memref<10008x128xf32, #tpu.memory_space<vmem_shared>>
        tpu.enqueue_indirect_dma source(%arg10 : memref<80x128xf32, #tpu.memory_space<vmem>>) target(%dma_start3A_625 : memref<10008x128xf32, #tpu.memory_space<vmem_shared>>) offsets(%dma_start3A_622 : memref<80xi32, #tpu.memory_space<vmem>>) semaphore(%run_scoped3A_619 : memref<!tpu.dma_semaphore, #tpu.memory_space<semaphore_mem>>) {add = true}
        %dma_wait3A_626 = arith.constant 0 : i32
        %dma_wait3A_627 = tpu.memref_slice %arg8[%add3A_590, %dma_wait3A_626] : memref<126x80xi32, #tpu.memory_space<vmem>> -> memref<1x80xi32, #tpu.memory_space<vmem>>
        %dma_wait3A_628 = tpu.memref_squeeze %dma_wait3A_627 : memref<1x80xi32, #tpu.memory_space<vmem>> -> memref<80xi32, #tpu.memory_space<vmem>>
        %dma_wait3A_629 = arith.constant 0 : i32
        %dma_wait3A_630 = arith.constant 0 : i32
        %dma_wait3A_631 = tpu.memref_slice %arg12[%dma_wait3A_629, %dma_wait3A_630] : memref<10008x128xf32, #tpu.memory_space<vmem_shared>> -> memref<10008x128xf32, #tpu.memory_space<vmem_shared>>
        tpu.wait_indirect_dma semaphore(%run_scoped3A_619 : memref<!tpu.dma_semaphore, #tpu.memory_space<semaphore_mem>>) src(%arg10 : memref<80x128xf32, #tpu.memory_space<vmem>>) dst(%dma_wait3A_631 : memref<10008x128xf32, #tpu.memory_space<vmem_shared>>)
        tpu.yield
      }) : () -> ()
      %add3A_591 = arith.constant 4 : i32
      %add3A_592 = arith.addi %mul3A_538, %add3A_591 : i32
      %dma_start3A_593 = arith.constant 3 : i32
      %dma_start3A_594 = arith.constant 0 : i32
      %dma_start3A_595 = tpu.memref_slice %arg7[%add3A_592, %dma_start3A_594] : memref<126x80xi32, #tpu.memory_space<vmem>> -> memref<1x80xi32, #tpu.memory_space<vmem>>
      %dma_start3A_596 = tpu.memref_squeeze %dma_start3A_595 : memref<1x80xi32, #tpu.memory_space<vmem>> -> memref<80xi32, #tpu.memory_space<vmem>>
      %dma_start3A_597 = arith.constant 0 : i32
      %dma_start3A_598 = arith.constant 0 : i32
      %dma_start3A_599 = tpu.memref_slice %arg6[%dma_start3A_593, %dma_start3A_597, %dma_start3A_598] : memref<7x20000x128xf32, #tpu.memory_space<hbm>> -> memref<1x20000x128xf32, #tpu.memory_space<hbm>>
      %dma_start3A_600 = tpu.memref_squeeze %dma_start3A_599 : memref<1x20000x128xf32, #tpu.memory_space<hbm>> -> memref<20000x128xf32, #tpu.memory_space<hbm>>
      %dma_start3A_601 = arith.constant 0 : i32
      %dma_start3A_602 = arith.constant 0 : i32
      %dma_start3A_603 = tpu.memref_slice %dma_start3A_600[%dma_start3A_601, %dma_start3A_602] : memref<20000x128xf32, #tpu.memory_space<hbm>> -> memref<20000x128xf32, #tpu.memory_space<hbm>>
      tpu.enqueue_indirect_dma source(%dma_start3A_603 : memref<20000x128xf32, #tpu.memory_space<hbm>>) target(%arg10 : memref<80x128xf32, #tpu.memory_space<vmem>>) offsets(%dma_start3A_596 : memref<80xi32, #tpu.memory_space<vmem>>) semaphore(%arg14 : memref<!tpu.dma_semaphore, #tpu.memory_space<semaphore_mem>>)
      %add3A_604 = arith.constant 2 : i32
      %add3A_605 = arith.addi %mul3A_538, %add3A_604 : i32
      %dma_wait3A_606 = arith.constant 3 : i32
      %dma_wait3A_607 = arith.constant 0 : i32
      %dma_wait3A_608 = tpu.memref_slice %arg7[%add3A_605, %dma_wait3A_607] : memref<126x80xi32, #tpu.memory_space<vmem>> -> memref<1x80xi32, #tpu.memory_space<vmem>>
      %dma_wait3A_609 = tpu.memref_squeeze %dma_wait3A_608 : memref<1x80xi32, #tpu.memory_space<vmem>> -> memref<80xi32, #tpu.memory_space<vmem>>
      %dma_wait3A_610 = arith.constant 0 : i32
      %dma_wait3A_611 = arith.constant 0 : i32
      %dma_wait3A_612 = tpu.memref_slice %arg6[%dma_wait3A_606, %dma_wait3A_610, %dma_wait3A_611] : memref<7x20000x128xf32, #tpu.memory_space<hbm>> -> memref<1x20000x128xf32, #tpu.memory_space<hbm>>
      %dma_wait3A_613 = tpu.memref_squeeze %dma_wait3A_612 : memref<1x20000x128xf32, #tpu.memory_space<hbm>> -> memref<20000x128xf32, #tpu.memory_space<hbm>>
      %dma_wait3A_614 = arith.constant 0 : i32
      %dma_wait3A_615 = arith.constant 0 : i32
      %dma_wait3A_616 = tpu.memref_slice %dma_wait3A_613[%dma_wait3A_614, %dma_wait3A_615] : memref<20000x128xf32, #tpu.memory_space<hbm>> -> memref<20000x128xf32, #tpu.memory_space<hbm>>
      tpu.wait_indirect_dma semaphore(%arg15 : memref<!tpu.dma_semaphore, #tpu.memory_space<semaphore_mem>>) src(%dma_wait3A_616 : memref<20000x128xf32, #tpu.memory_space<hbm>>) dst(%arg11 : memref<80x128xf32, #tpu.memory_space<vmem>>)
      %add3A_617 = arith.constant 2 : i32
      %add3A_618 = arith.addi %mul3A_538, %add3A_617 : i32
      "tpu.region"() ({
        %run_scoped3A_619 = tpu.sem_alloc : memref<!tpu.dma_semaphore, #tpu.memory_space<semaphore_mem>>
        %dma_start3A_620 = arith.constant 0 : i32
        %dma_start3A_621 = tpu.memref_slice %arg8[%add3A_618, %dma_start3A_620] : memref<126x80xi32, #tpu.memory_space<vmem>> -> memref<1x80xi32, #tpu.memory_space<vmem>>
        %dma_start3A_622 = tpu.memref_squeeze %dma_start3A_621 : memref<1x80xi32, #tpu.memory_space<vmem>> -> memref<80xi32, #tpu.memory_space<vmem>>
        %dma_start3A_623 = arith.constant 0 : i32
        %dma_start3A_624 = arith.constant 0 : i32
        %dma_start3A_625 = tpu.memref_slice %arg12[%dma_start3A_623, %dma_start3A_624] : memref<10008x128xf32, #tpu.memory_space<vmem_shared>> -> memref<10008x128xf32, #tpu.memory_space<vmem_shared>>
        tpu.enqueue_indirect_dma source(%arg11 : memref<80x128xf32, #tpu.memory_space<vmem>>) target(%dma_start3A_625 : memref<10008x128xf32, #tpu.memory_space<vmem_shared>>) offsets(%dma_start3A_622 : memref<80xi32, #tpu.memory_space<vmem>>) semaphore(%run_scoped3A_619 : memref<!tpu.dma_semaphore, #tpu.memory_space<semaphore_mem>>) {add = true}
        %dma_wait3A_626 = arith.constant 0 : i32
        %dma_wait3A_627 = tpu.memref_slice %arg8[%add3A_618, %dma_wait3A_626] : memref<126x80xi32, #tpu.memory_space<vmem>> -> memref<1x80xi32, #tpu.memory_space<vmem>>
        %dma_wait3A_628 = tpu.memref_squeeze %dma_wait3A_627 : memref<1x80xi32, #tpu.memory_space<vmem>> -> memref<80xi32, #tpu.memory_space<vmem>>
        %dma_wait3A_629 = arith.constant 0 : i32
        %dma_wait3A_630 = arith.constant 0 : i32
        %dma_wait3A_631 = tpu.memref_slice %arg12[%dma_wait3A_629, %dma_wait3A_630] : memref<10008x128xf32, #tpu.memory_space<vmem_shared>> -> memref<10008x128xf32, #tpu.memory_space<vmem_shared>>
        tpu.wait_indirect_dma semaphore(%run_scoped3A_619 : memref<!tpu.dma_semaphore, #tpu.memory_space<semaphore_mem>>) src(%arg11 : memref<80x128xf32, #tpu.memory_space<vmem>>) dst(%dma_wait3A_631 : memref<10008x128xf32, #tpu.memory_space<vmem_shared>>)
        tpu.yield
      }) : () -> ()
    }
    %scan3A_298 = arith.constant 41 : i32
    %dma_start3A_299 = arith.constant 3 : i32
    %dma_start3A_300 = arith.constant 125 : i32
    %dma_start3A_301 = arith.constant 0 : i32
    %dma_start3A_302 = tpu.memref_slice %arg7[%dma_start3A_300, %dma_start3A_301] : memref<126x80xi32, #tpu.memory_space<vmem>> -> memref<1x80xi32, #tpu.memory_space<vmem>>
    %dma_start3A_303 = tpu.memref_squeeze %dma_start3A_302 : memref<1x80xi32, #tpu.memory_space<vmem>> -> memref<80xi32, #tpu.memory_space<vmem>>
    %dma_start3A_304 = arith.constant 0 : i32
    %dma_start3A_305 = arith.constant 0 : i32
    %dma_start3A_306 = tpu.memref_slice %arg6[%dma_start3A_299, %dma_start3A_304, %dma_start3A_305] : memref<7x20000x128xf32, #tpu.memory_space<hbm>> -> memref<1x20000x128xf32, #tpu.memory_space<hbm>>
    %dma_start3A_307 = tpu.memref_squeeze %dma_start3A_306 : memref<1x20000x128xf32, #tpu.memory_space<hbm>> -> memref<20000x128xf32, #tpu.memory_space<hbm>>
    %dma_start3A_308 = arith.constant 0 : i32
    %dma_start3A_309 = arith.constant 0 : i32
    %dma_start3A_310 = tpu.memref_slice %dma_start3A_307[%dma_start3A_308, %dma_start3A_309] : memref<20000x128xf32, #tpu.memory_space<hbm>> -> memref<20000x128xf32, #tpu.memory_space<hbm>>
    tpu.enqueue_indirect_dma source(%dma_start3A_310 : memref<20000x128xf32, #tpu.memory_space<hbm>>) target(%arg11 : memref<80x128xf32, #tpu.memory_space<vmem>>) offsets(%dma_start3A_303 : memref<80xi32, #tpu.memory_space<vmem>>) semaphore(%arg15 : memref<!tpu.dma_semaphore, #tpu.memory_space<semaphore_mem>>)
    %dma_wait3A_311 = arith.constant 3 : i32
    %dma_wait3A_312 = arith.constant 123 : i32
    %dma_wait3A_313 = arith.constant 0 : i32
    %dma_wait3A_314 = tpu.memref_slice %arg7[%dma_wait3A_312, %dma_wait3A_313] : memref<126x80xi32, #tpu.memory_space<vmem>> -> memref<1x80xi32, #tpu.memory_space<vmem>>
    %dma_wait3A_315 = tpu.memref_squeeze %dma_wait3A_314 : memref<1x80xi32, #tpu.memory_space<vmem>> -> memref<80xi32, #tpu.memory_space<vmem>>
    %dma_wait3A_316 = arith.constant 0 : i32
    %dma_wait3A_317 = arith.constant 0 : i32
    %dma_wait3A_318 = tpu.memref_slice %arg6[%dma_wait3A_311, %dma_wait3A_316, %dma_wait3A_317] : memref<7x20000x128xf32, #tpu.memory_space<hbm>> -> memref<1x20000x128xf32, #tpu.memory_space<hbm>>
    %dma_wait3A_319 = tpu.memref_squeeze %dma_wait3A_318 : memref<1x20000x128xf32, #tpu.memory_space<hbm>> -> memref<20000x128xf32, #tpu.memory_space<hbm>>
    %dma_wait3A_320 = arith.constant 0 : i32
    %dma_wait3A_321 = arith.constant 0 : i32
    %dma_wait3A_322 = tpu.memref_slice %dma_wait3A_319[%dma_wait3A_320, %dma_wait3A_321] : memref<20000x128xf32, #tpu.memory_space<hbm>> -> memref<20000x128xf32, #tpu.memory_space<hbm>>
    tpu.wait_indirect_dma semaphore(%arg13 : memref<!tpu.dma_semaphore, #tpu.memory_space<semaphore_mem>>) src(%dma_wait3A_322 : memref<20000x128xf32, #tpu.memory_space<hbm>>) dst(%arg9 : memref<80x128xf32, #tpu.memory_space<vmem>>)
    %run_scoped3A_323 = arith.constant 123 : i32
    "tpu.region"() ({
      %run_scoped3A_536 = tpu.sem_alloc : memref<!tpu.dma_semaphore, #tpu.memory_space<semaphore_mem>>
      %dma_start3A_537 = arith.constant 0 : i32
      %dma_start3A_538 = tpu.memref_slice %arg8[%run_scoped3A_323, %dma_start3A_537] : memref<126x80xi32, #tpu.memory_space<vmem>> -> memref<1x80xi32, #tpu.memory_space<vmem>>
      %dma_start3A_539 = tpu.memref_squeeze %dma_start3A_538 : memref<1x80xi32, #tpu.memory_space<vmem>> -> memref<80xi32, #tpu.memory_space<vmem>>
      %dma_start3A_540 = arith.constant 0 : i32
      %dma_start3A_541 = arith.constant 0 : i32
      %dma_start3A_542 = tpu.memref_slice %arg12[%dma_start3A_540, %dma_start3A_541] : memref<10008x128xf32, #tpu.memory_space<vmem_shared>> -> memref<10008x128xf32, #tpu.memory_space<vmem_shared>>
      tpu.enqueue_indirect_dma source(%arg9 : memref<80x128xf32, #tpu.memory_space<vmem>>) target(%dma_start3A_542 : memref<10008x128xf32, #tpu.memory_space<vmem_shared>>) offsets(%dma_start3A_539 : memref<80xi32, #tpu.memory_space<vmem>>) semaphore(%run_scoped3A_536 : memref<!tpu.dma_semaphore, #tpu.memory_space<semaphore_mem>>) {add = true}
      %dma_wait3A_543 = arith.constant 0 : i32
      %dma_wait3A_544 = tpu.memref_slice %arg8[%run_scoped3A_323, %dma_wait3A_543] : memref<126x80xi32, #tpu.memory_space<vmem>> -> memref<1x80xi32, #tpu.memory_space<vmem>>
      %dma_wait3A_545 = tpu.memref_squeeze %dma_wait3A_544 : memref<1x80xi32, #tpu.memory_space<vmem>> -> memref<80xi32, #tpu.memory_space<vmem>>
      %dma_wait3A_546 = arith.constant 0 : i32
      %dma_wait3A_547 = arith.constant 0 : i32
      %dma_wait3A_548 = tpu.memref_slice %arg12[%dma_wait3A_546, %dma_wait3A_547] : memref<10008x128xf32, #tpu.memory_space<vmem_shared>> -> memref<10008x128xf32, #tpu.memory_space<vmem_shared>>
      tpu.wait_indirect_dma semaphore(%run_scoped3A_536 : memref<!tpu.dma_semaphore, #tpu.memory_space<semaphore_mem>>) src(%arg9 : memref<80x128xf32, #tpu.memory_space<vmem>>) dst(%dma_wait3A_548 : memref<10008x128xf32, #tpu.memory_space<vmem_shared>>)
      tpu.yield
    }) : () -> ()
    %dma_wait3A_324 = arith.constant 3 : i32
    %dma_wait3A_325 = arith.constant 124 : i32
    %dma_wait3A_326 = arith.constant 0 : i32
    %dma_wait3A_327 = tpu.memref_slice %arg7[%dma_wait3A_325, %dma_wait3A_326] : memref<126x80xi32, #tpu.memory_space<vmem>> -> memref<1x80xi32, #tpu.memory_space<vmem>>
    %dma_wait3A_328 = tpu.memref_squeeze %dma_wait3A_327 : memref<1x80xi32, #tpu.memory_space<vmem>> -> memref<80xi32, #tpu.memory_space<vmem>>
    %dma_wait3A_329 = arith.constant 0 : i32
    %dma_wait3A_330 = arith.constant 0 : i32
    %dma_wait3A_331 = tpu.memref_slice %arg6[%dma_wait3A_324, %dma_wait3A_329, %dma_wait3A_330] : memref<7x20000x128xf32, #tpu.memory_space<hbm>> -> memref<1x20000x128xf32, #tpu.memory_space<hbm>>
    %dma_wait3A_332 = tpu.memref_squeeze %dma_wait3A_331 : memref<1x20000x128xf32, #tpu.memory_space<hbm>> -> memref<20000x128xf32, #tpu.memory_space<hbm>>
    %dma_wait3A_333 = arith.constant 0 : i32
    %dma_wait3A_334 = arith.constant 0 : i32
    %dma_wait3A_335 = tpu.memref_slice %dma_wait3A_332[%dma_wait3A_333, %dma_wait3A_334] : memref<20000x128xf32, #tpu.memory_space<hbm>> -> memref<20000x128xf32, #tpu.memory_space<hbm>>
    tpu.wait_indirect_dma semaphore(%arg14 : memref<!tpu.dma_semaphore, #tpu.memory_space<semaphore_mem>>) src(%dma_wait3A_335 : memref<20000x128xf32, #tpu.memory_space<hbm>>) dst(%arg10 : memref<80x128xf32, #tpu.memory_space<vmem>>)
    %run_scoped3A_336 = arith.constant 124 : i32
    "tpu.region"() ({
      %run_scoped3A_536 = tpu.sem_alloc : memref<!tpu.dma_semaphore, #tpu.memory_space<semaphore_mem>>
      %dma_start3A_537 = arith.constant 0 : i32
      %dma_start3A_538 = tpu.memref_slice %arg8[%run_scoped3A_336, %dma_start3A_537] : memref<126x80xi32, #tpu.memory_space<vmem>> -> memref<1x80xi32, #tpu.memory_space<vmem>>
      %dma_start3A_539 = tpu.memref_squeeze %dma_start3A_538 : memref<1x80xi32, #tpu.memory_space<vmem>> -> memref<80xi32, #tpu.memory_space<vmem>>
      %dma_start3A_540 = arith.constant 0 : i32
      %dma_start3A_541 = arith.constant 0 : i32
      %dma_start3A_542 = tpu.memref_slice %arg12[%dma_start3A_540, %dma_start3A_541] : memref<10008x128xf32, #tpu.memory_space<vmem_shared>> -> memref<10008x128xf32, #tpu.memory_space<vmem_shared>>
      tpu.enqueue_indirect_dma source(%arg10 : memref<80x128xf32, #tpu.memory_space<vmem>>) target(%dma_start3A_542 : memref<10008x128xf32, #tpu.memory_space<vmem_shared>>) offsets(%dma_start3A_539 : memref<80xi32, #tpu.memory_space<vmem>>) semaphore(%run_scoped3A_536 : memref<!tpu.dma_semaphore, #tpu.memory_space<semaphore_mem>>) {add = true}
      %dma_wait3A_543 = arith.constant 0 : i32
      %dma_wait3A_544 = tpu.memref_slice %arg8[%run_scoped3A_336, %dma_wait3A_543] : memref<126x80xi32, #tpu.memory_space<vmem>> -> memref<1x80xi32, #tpu.memory_space<vmem>>
      %dma_wait3A_545 = tpu.memref_squeeze %dma_wait3A_544 : memref<1x80xi32, #tpu.memory_space<vmem>> -> memref<80xi32, #tpu.memory_space<vmem>>
      %dma_wait3A_546 = arith.constant 0 : i32
      %dma_wait3A_547 = arith.constant 0 : i32
      %dma_wait3A_548 = tpu.memref_slice %arg12[%dma_wait3A_546, %dma_wait3A_547] : memref<10008x128xf32, #tpu.memory_space<vmem_shared>> -> memref<10008x128xf32, #tpu.memory_space<vmem_shared>>
      tpu.wait_indirect_dma semaphore(%run_scoped3A_536 : memref<!tpu.dma_semaphore, #tpu.memory_space<semaphore_mem>>) src(%arg10 : memref<80x128xf32, #tpu.memory_space<vmem>>) dst(%dma_wait3A_548 : memref<10008x128xf32, #tpu.memory_space<vmem_shared>>)
      tpu.yield
    }) : () -> ()
    %dma_wait3A_337 = arith.constant 3 : i32
    %dma_wait3A_338 = arith.constant 125 : i32
    %dma_wait3A_339 = arith.constant 0 : i32
    %dma_wait3A_340 = tpu.memref_slice %arg7[%dma_wait3A_338, %dma_wait3A_339] : memref<126x80xi32, #tpu.memory_space<vmem>> -> memref<1x80xi32, #tpu.memory_space<vmem>>
    %dma_wait3A_341 = tpu.memref_squeeze %dma_wait3A_340 : memref<1x80xi32, #tpu.memory_space<vmem>> -> memref<80xi32, #tpu.memory_space<vmem>>
    %dma_wait3A_342 = arith.constant 0 : i32
    %dma_wait3A_343 = arith.constant 0 : i32
    %dma_wait3A_344 = tpu.memref_slice %arg6[%dma_wait3A_337, %dma_wait3A_342, %dma_wait3A_343] : memref<7x20000x128xf32, #tpu.memory_space<hbm>> -> memref<1x20000x128xf32, #tpu.memory_space<hbm>>
    %dma_wait3A_345 = tpu.memref_squeeze %dma_wait3A_344 : memref<1x20000x128xf32, #tpu.memory_space<hbm>> -> memref<20000x128xf32, #tpu.memory_space<hbm>>
    %dma_wait3A_346 = arith.constant 0 : i32
    %dma_wait3A_347 = arith.constant 0 : i32
    %dma_wait3A_348 = tpu.memref_slice %dma_wait3A_345[%dma_wait3A_346, %dma_wait3A_347] : memref<20000x128xf32, #tpu.memory_space<hbm>> -> memref<20000x128xf32, #tpu.memory_space<hbm>>
    tpu.wait_indirect_dma semaphore(%arg15 : memref<!tpu.dma_semaphore, #tpu.memory_space<semaphore_mem>>) src(%dma_wait3A_348 : memref<20000x128xf32, #tpu.memory_space<hbm>>) dst(%arg11 : memref<80x128xf32, #tpu.memory_space<vmem>>)
    %run_scoped3A_349 = arith.constant 125 : i32
    "tpu.region"() ({
      %run_scoped3A_536 = tpu.sem_alloc : memref<!tpu.dma_semaphore, #tpu.memory_space<semaphore_mem>>
      %dma_start3A_537 = arith.constant 0 : i32
      %dma_start3A_538 = tpu.memref_slice %arg8[%run_scoped3A_349, %dma_start3A_537] : memref<126x80xi32, #tpu.memory_space<vmem>> -> memref<1x80xi32, #tpu.memory_space<vmem>>
      %dma_start3A_539 = tpu.memref_squeeze %dma_start3A_538 : memref<1x80xi32, #tpu.memory_space<vmem>> -> memref<80xi32, #tpu.memory_space<vmem>>
      %dma_start3A_540 = arith.constant 0 : i32
      %dma_start3A_541 = arith.constant 0 : i32
      %dma_start3A_542 = tpu.memref_slice %arg12[%dma_start3A_540, %dma_start3A_541] : memref<10008x128xf32, #tpu.memory_space<vmem_shared>> -> memref<10008x128xf32, #tpu.memory_space<vmem_shared>>
      tpu.enqueue_indirect_dma source(%arg11 : memref<80x128xf32, #tpu.memory_space<vmem>>) target(%dma_start3A_542 : memref<10008x128xf32, #tpu.memory_space<vmem_shared>>) offsets(%dma_start3A_539 : memref<80xi32, #tpu.memory_space<vmem>>) semaphore(%run_scoped3A_536 : memref<!tpu.dma_semaphore, #tpu.memory_space<semaphore_mem>>) {add = true}
      %dma_wait3A_543 = arith.constant 0 : i32
      %dma_wait3A_544 = tpu.memref_slice %arg8[%run_scoped3A_349, %dma_wait3A_543] : memref<126x80xi32, #tpu.memory_space<vmem>> -> memref<1x80xi32, #tpu.memory_space<vmem>>
      %dma_wait3A_545 = tpu.memref_squeeze %dma_wait3A_544 : memref<1x80xi32, #tpu.memory_space<vmem>> -> memref<80xi32, #tpu.memory_space<vmem>>
      %dma_wait3A_546 = arith.constant 0 : i32
      %dma_wait3A_547 = arith.constant 0 : i32
      %dma_wait3A_548 = tpu.memref_slice %arg12[%dma_wait3A_546, %dma_wait3A_547] : memref<10008x128xf32, #tpu.memory_space<vmem_shared>> -> memref<10008x128xf32, #tpu.memory_space<vmem_shared>>
      tpu.wait_indirect_dma semaphore(%run_scoped3A_536 : memref<!tpu.dma_semaphore, #tpu.memory_space<semaphore_mem>>) src(%arg11 : memref<80x128xf32, #tpu.memory_space<vmem>>) dst(%dma_wait3A_548 : memref<10008x128xf32, #tpu.memory_space<vmem_shared>>)
      tpu.yield
    }) : () -> ()
    %barrier3A_350 = arith.constant 0 : index
    tpu.barrier barrier_id(%barrier3A_350)
    %scan3A_351 = arith.constant 0 : i32
    %scan3A_352 = arith.constant 0 : i32
    %scan3A_353 = arith.constant 25 : i32
    %scan3A_354 = arith.addi %scan3A_352, %scan3A_353 : i32
    %scan3A_355 = arith.constant 1 : i32
    scf.for %scan3A_536 = %scan3A_352 to %scan3A_354 step %scan3A_355  : i32 {
      %mul3A_537 = arith.constant 25 : i32
      %mul3A_538 = arith.muli %scan3A_536, %mul3A_537 : i32
      %add3A_539 = arith.addi %mul3A_2, %mul3A_538 : i32
      "tpu.region"() ({
        %run_scoped3A_548 = tpu.sem_alloc : memref<!tpu.dma_semaphore, #tpu.memory_space<semaphore_mem>>
        %dma_start3A_549 = arith.constant 0 : i32
        %dma_start3A_550 = arith.constant 0 : i32
        %dma_start3A_551 = tpu.memref_slice %arg10[%dma_start3A_549, %dma_start3A_550] : memref<80x128xf32, #tpu.memory_space<vmem>> -> memref<25x128xf32, #tpu.memory_space<vmem>>
        %dma_start3A_552 = arith.constant 0 : i32
        %dma_start3A_553 = tpu.memref_slice %arg12[%add3A_539, %dma_start3A_552] : memref<10008x128xf32, #tpu.memory_space<vmem_shared>> -> memref<25x128xf32, #tpu.memory_space<vmem_shared>>
        %dma_start3A_554 = arith.constant 0 : i32
        %dma_start3A_555 = arith.constant 0 : i32
        %dma_start3A_556 = tpu.memref_slice %arg10[%dma_start3A_554, %dma_start3A_555] : memref<80x128xf32, #tpu.memory_space<vmem>> -> memref<25x128xf32, #tpu.memory_space<vmem>>
        %dma_start3A_557 = arith.constant 0 : i32
        %dma_start3A_558 = tpu.memref_slice %arg12[%add3A_539, %dma_start3A_557] : memref<10008x128xf32, #tpu.memory_space<vmem_shared>> -> memref<25x128xf32, #tpu.memory_space<vmem_shared>>
        tpu.enqueue_dma source(%dma_start3A_558 : memref<25x128xf32, #tpu.memory_space<vmem_shared>>) target(%dma_start3A_556 : memref<25x128xf32, #tpu.memory_space<vmem>>) target_semaphore(%run_scoped3A_548 : memref<!tpu.dma_semaphore, #tpu.memory_space<semaphore_mem>>)
        %dma_wait3A_559 = arith.constant 0 : i32
        %dma_wait3A_560 = arith.constant 0 : i32
        %dma_wait3A_561 = tpu.memref_slice %arg10[%dma_wait3A_559, %dma_wait3A_560] : memref<80x128xf32, #tpu.memory_space<vmem>> -> memref<25x128xf32, #tpu.memory_space<vmem>>
        %dma_wait3A_562 = arith.constant 0 : i32
        %dma_wait3A_563 = tpu.memref_slice %arg12[%add3A_539, %dma_wait3A_562] : memref<10008x128xf32, #tpu.memory_space<vmem_shared>> -> memref<25x128xf32, #tpu.memory_space<vmem_shared>>
        %dma_wait3A_564 = arith.constant 0 : i32
        %dma_wait3A_565 = arith.constant 0 : i32
        %dma_wait3A_566 = tpu.memref_slice %arg10[%dma_wait3A_564, %dma_wait3A_565] : memref<80x128xf32, #tpu.memory_space<vmem>> -> memref<25x128xf32, #tpu.memory_space<vmem>>
        %dma_wait3A_567 = arith.constant 0 : i32
        %dma_wait3A_568 = tpu.memref_slice %arg12[%add3A_539, %dma_wait3A_567] : memref<10008x128xf32, #tpu.memory_space<vmem_shared>> -> memref<25x128xf32, #tpu.memory_space<vmem_shared>>
        tpu.wait_dma2 semaphore(%run_scoped3A_548 : memref<!tpu.dma_semaphore, #tpu.memory_space<semaphore_mem>>) src(%dma_wait3A_568 : memref<25x128xf32, #tpu.memory_space<vmem_shared>>) dst(%dma_wait3A_566 : memref<25x128xf32, #tpu.memory_space<vmem>>)
        tpu.yield
      }) : () -> ()
      "tpu.region"() ({
        %run_scoped3A_548 = tpu.sem_alloc : memref<!tpu.dma_semaphore, #tpu.memory_space<semaphore_mem>>
        %dma_start3A_549 = arith.constant 0 : i32
        %dma_start3A_550 = arith.constant 0 : i32
        %dma_start3A_551 = tpu.memref_slice %arg9[%dma_start3A_549, %dma_start3A_550] : memref<80x128xf32, #tpu.memory_space<vmem>> -> memref<25x128xf32, #tpu.memory_space<vmem>>
        %dma_start3A_552 = arith.constant 0 : i32
        %dma_start3A_553 = tpu.memref_slice %arg5[%add3A_539, %dma_start3A_552] : memref<10000x128xf32, #tpu.memory_space<hbm>> -> memref<25x128xf32, #tpu.memory_space<hbm>>
        %dma_start3A_554 = arith.constant 0 : i32
        %dma_start3A_555 = arith.constant 0 : i32
        %dma_start3A_556 = tpu.memref_slice %arg9[%dma_start3A_554, %dma_start3A_555] : memref<80x128xf32, #tpu.memory_space<vmem>> -> memref<25x128xf32, #tpu.memory_space<vmem>>
        %dma_start3A_557 = arith.constant 0 : i32
        %dma_start3A_558 = tpu.memref_slice %arg5[%add3A_539, %dma_start3A_557] : memref<10000x128xf32, #tpu.memory_space<hbm>> -> memref<25x128xf32, #tpu.memory_space<hbm>>
        tpu.enqueue_dma source(%dma_start3A_558 : memref<25x128xf32, #tpu.memory_space<hbm>>) target(%dma_start3A_556 : memref<25x128xf32, #tpu.memory_space<vmem>>) target_semaphore(%run_scoped3A_548 : memref<!tpu.dma_semaphore, #tpu.memory_space<semaphore_mem>>)
        %dma_wait3A_559 = arith.constant 0 : i32
        %dma_wait3A_560 = arith.constant 0 : i32
        %dma_wait3A_561 = tpu.memref_slice %arg9[%dma_wait3A_559, %dma_wait3A_560] : memref<80x128xf32, #tpu.memory_space<vmem>> -> memref<25x128xf32, #tpu.memory_space<vmem>>
        %dma_wait3A_562 = arith.constant 0 : i32
        %dma_wait3A_563 = tpu.memref_slice %arg5[%add3A_539, %dma_wait3A_562] : memref<10000x128xf32, #tpu.memory_space<hbm>> -> memref<25x128xf32, #tpu.memory_space<hbm>>
        %dma_wait3A_564 = arith.constant 0 : i32
        %dma_wait3A_565 = arith.constant 0 : i32
        %dma_wait3A_566 = tpu.memref_slice %arg9[%dma_wait3A_564, %dma_wait3A_565] : memref<80x128xf32, #tpu.memory_space<vmem>> -> memref<25x128xf32, #tpu.memory_space<vmem>>
        %dma_wait3A_567 = arith.constant 0 : i32
        %dma_wait3A_568 = tpu.memref_slice %arg5[%add3A_539, %dma_wait3A_567] : memref<10000x128xf32, #tpu.memory_space<hbm>> -> memref<25x128xf32, #tpu.memory_space<hbm>>
        tpu.wait_dma2 semaphore(%run_scoped3A_548 : memref<!tpu.dma_semaphore, #tpu.memory_space<semaphore_mem>>) src(%dma_wait3A_568 : memref<25x128xf32, #tpu.memory_space<hbm>>) dst(%dma_wait3A_566 : memref<25x128xf32, #tpu.memory_space<vmem>>)
        tpu.yield
      }) : () -> ()
      %scan3A_540 = arith.constant 0 : i32
      %scan3A_541 = arith.constant 0 : i32
      %scan3A_542 = arith.constant 25 : i32
      %scan3A_543 = arith.addi %scan3A_541, %scan3A_542 : i32
      %scan3A_544 = arith.constant 1 : i32
      scf.for %scan3A_548 = %scan3A_541 to %scan3A_543 step %scan3A_544  : i32 {
        %get3A = arith.index_cast %scan3A_548 : i32 to index
        %get3A_549 = arith.constant 0 : index
        %get3A_550 = tpu.vector_load %arg10[%get3A, %get3A_549] {strides = array<i32>} : memref<80x128xf32, #tpu.memory_space<vmem>>, vector<1x16xf32>,
        %get3A_551 = vector.shape_cast %get3A_550 : vector<1x16xf32> to vector<16xf32>
        %get3A_552 = arith.index_cast %scan3A_548 : i32 to index
        %get3A_553 = arith.constant 0 : index
        %get3A_554 = tpu.vector_load %arg9[%get3A_552, %get3A_553] {strides = array<i32>} : memref<80x128xf32, #tpu.memory_space<vmem>>, vector<1x16xf32>,
        %get3A_555 = vector.shape_cast %get3A_554 : vector<1x16xf32> to vector<16xf32>
        %mul3A_556 = arith.mulf %get3A_551, %get3A_555 : vector<16xf32>
        %swap3A = arith.index_cast %scan3A_548 : i32 to index
        %swap3A_557 = arith.constant 0 : index
        %swap3A_558 = tpu.vector_load %arg10[%swap3A, %swap3A_557] {strides = array<i32>} : memref<80x128xf32, #tpu.memory_space<vmem>>, vector<1x16xf32>,
        %swap3A_559 = vector.shape_cast %swap3A_558 : vector<1x16xf32> to vector<16xf32>
        %swap3A_560 = vector.shape_cast %mul3A_556 : vector<16xf32> to vector<1x16xf32>
        tpu.vector_store %arg10[%swap3A, %swap3A_557], %swap3A_560 {strides = array<i32>} : memref<80x128xf32, #tpu.memory_space<vmem>>, vector<1x16xf32>,
        %get3A_561 = arith.index_cast %scan3A_548 : i32 to index
        %get3A_562 = arith.constant 16 : index
        %get3A_563 = tpu.vector_load %arg10[%get3A_561, %get3A_562] {strides = array<i32>} : memref<80x128xf32, #tpu.memory_space<vmem>>, vector<1x16xf32>,
        %get3A_564 = vector.shape_cast %get3A_563 : vector<1x16xf32> to vector<16xf32>
        %get3A_565 = arith.index_cast %scan3A_548 : i32 to index
        %get3A_566 = arith.constant 16 : index
        %get3A_567 = tpu.vector_load %arg9[%get3A_565, %get3A_566] {strides = array<i32>} : memref<80x128xf32, #tpu.memory_space<vmem>>, vector<1x16xf32>,
        %get3A_568 = vector.shape_cast %get3A_567 : vector<1x16xf32> to vector<16xf32>
        %mul3A_569 = arith.mulf %get3A_564, %get3A_568 : vector<16xf32>
        %swap3A_570 = arith.index_cast %scan3A_548 : i32 to index
        %swap3A_571 = arith.constant 16 : index
        %swap3A_572 = tpu.vector_load %arg10[%swap3A_570, %swap3A_571] {strides = array<i32>} : memref<80x128xf32, #tpu.memory_space<vmem>>, vector<1x16xf32>,
        %swap3A_573 = vector.shape_cast %swap3A_572 : vector<1x16xf32> to vector<16xf32>
        %swap3A_574 = vector.shape_cast %mul3A_569 : vector<16xf32> to vector<1x16xf32>
        tpu.vector_store %arg10[%swap3A_570, %swap3A_571], %swap3A_574 {strides = array<i32>} : memref<80x128xf32, #tpu.memory_space<vmem>>, vector<1x16xf32>,
        %get3A_575 = arith.index_cast %scan3A_548 : i32 to index
        %get3A_576 = arith.constant 32 : index
        %get3A_577 = tpu.vector_load %arg10[%get3A_575, %get3A_576] {strides = array<i32>} : memref<80x128xf32, #tpu.memory_space<vmem>>, vector<1x16xf32>,
        %get3A_578 = vector.shape_cast %get3A_577 : vector<1x16xf32> to vector<16xf32>
        %get3A_579 = arith.index_cast %scan3A_548 : i32 to index
        %get3A_580 = arith.constant 32 : index
        %get3A_581 = tpu.vector_load %arg9[%get3A_579, %get3A_580] {strides = array<i32>} : memref<80x128xf32, #tpu.memory_space<vmem>>, vector<1x16xf32>,
        %get3A_582 = vector.shape_cast %get3A_581 : vector<1x16xf32> to vector<16xf32>
        %mul3A_583 = arith.mulf %get3A_578, %get3A_582 : vector<16xf32>
        %swap3A_584 = arith.index_cast %scan3A_548 : i32 to index
        %swap3A_585 = arith.constant 32 : index
        %swap3A_586 = tpu.vector_load %arg10[%swap3A_584, %swap3A_585] {strides = array<i32>} : memref<80x128xf32, #tpu.memory_space<vmem>>, vector<1x16xf32>,
        %swap3A_587 = vector.shape_cast %swap3A_586 : vector<1x16xf32> to vector<16xf32>
        %swap3A_588 = vector.shape_cast %mul3A_583 : vector<16xf32> to vector<1x16xf32>
        tpu.vector_store %arg10[%swap3A_584, %swap3A_585], %swap3A_588 {strides = array<i32>} : memref<80x128xf32, #tpu.memory_space<vmem>>, vector<1x16xf32>,
        %get3A_589 = arith.index_cast %scan3A_548 : i32 to index
        %get3A_590 = arith.constant 48 : index
        %get3A_591 = tpu.vector_load %arg10[%get3A_589, %get3A_590] {strides = array<i32>} : memref<80x128xf32, #tpu.memory_space<vmem>>, vector<1x16xf32>,
        %get3A_592 = vector.shape_cast %get3A_591 : vector<1x16xf32> to vector<16xf32>
        %get3A_593 = arith.index_cast %scan3A_548 : i32 to index
        %get3A_594 = arith.constant 48 : index
        %get3A_595 = tpu.vector_load %arg9[%get3A_593, %get3A_594] {strides = array<i32>} : memref<80x128xf32, #tpu.memory_space<vmem>>, vector<1x16xf32>,
        %get3A_596 = vector.shape_cast %get3A_595 : vector<1x16xf32> to vector<16xf32>
        %mul3A_597 = arith.mulf %get3A_592, %get3A_596 : vector<16xf32>
        %swap3A_598 = arith.index_cast %scan3A_548 : i32 to index
        %swap3A_599 = arith.constant 48 : index
        %swap3A_600 = tpu.vector_load %arg10[%swap3A_598, %swap3A_599] {strides = array<i32>} : memref<80x128xf32, #tpu.memory_space<vmem>>, vector<1x16xf32>,
        %swap3A_601 = vector.shape_cast %swap3A_600 : vector<1x16xf32> to vector<16xf32>
        %swap3A_602 = vector.shape_cast %mul3A_597 : vector<16xf32> to vector<1x16xf32>
        tpu.vector_store %arg10[%swap3A_598, %swap3A_599], %swap3A_602 {strides = array<i32>} : memref<80x128xf32, #tpu.memory_space<vmem>>, vector<1x16xf32>,
        %get3A_603 = arith.index_cast %scan3A_548 : i32 to index
        %get3A_604 = arith.constant 64 : index
        %get3A_605 = tpu.vector_load %arg10[%get3A_603, %get3A_604] {strides = array<i32>} : memref<80x128xf32, #tpu.memory_space<vmem>>, vector<1x16xf32>,
        %get3A_606 = vector.shape_cast %get3A_605 : vector<1x16xf32> to vector<16xf32>
        %get3A_607 = arith.index_cast %scan3A_548 : i32 to index
        %get3A_608 = arith.constant 64 : index
        %get3A_609 = tpu.vector_load %arg9[%get3A_607, %get3A_608] {strides = array<i32>} : memref<80x128xf32, #tpu.memory_space<vmem>>, vector<1x16xf32>,
        %get3A_610 = vector.shape_cast %get3A_609 : vector<1x16xf32> to vector<16xf32>
        %mul3A_611 = arith.mulf %get3A_606, %get3A_610 : vector<16xf32>
        %swap3A_612 = arith.index_cast %scan3A_548 : i32 to index
        %swap3A_613 = arith.constant 64 : index
        %swap3A_614 = tpu.vector_load %arg10[%swap3A_612, %swap3A_613] {strides = array<i32>} : memref<80x128xf32, #tpu.memory_space<vmem>>, vector<1x16xf32>,
        %swap3A_615 = vector.shape_cast %swap3A_614 : vector<1x16xf32> to vector<16xf32>
        %swap3A_616 = vector.shape_cast %mul3A_611 : vector<16xf32> to vector<1x16xf32>
        tpu.vector_store %arg10[%swap3A_612, %swap3A_613], %swap3A_616 {strides = array<i32>} : memref<80x128xf32, #tpu.memory_space<vmem>>, vector<1x16xf32>,
        %get3A_617 = arith.index_cast %scan3A_548 : i32 to index
        %get3A_618 = arith.constant 80 : index
        %get3A_619 = tpu.vector_load %arg10[%get3A_617, %get3A_618] {strides = array<i32>} : memref<80x128xf32, #tpu.memory_space<vmem>>, vector<1x16xf32>,
        %get3A_620 = vector.shape_cast %get3A_619 : vector<1x16xf32> to vector<16xf32>
        %get3A_621 = arith.index_cast %scan3A_548 : i32 to index
        %get3A_622 = arith.constant 80 : index
        %get3A_623 = tpu.vector_load %arg9[%get3A_621, %get3A_622] {strides = array<i32>} : memref<80x128xf32, #tpu.memory_space<vmem>>, vector<1x16xf32>,
        %get3A_624 = vector.shape_cast %get3A_623 : vector<1x16xf32> to vector<16xf32>
        %mul3A_625 = arith.mulf %get3A_620, %get3A_624 : vector<16xf32>
        %swap3A_626 = arith.index_cast %scan3A_548 : i32 to index
        %swap3A_627 = arith.constant 80 : index
        %swap3A_628 = tpu.vector_load %arg10[%swap3A_626, %swap3A_627] {strides = array<i32>} : memref<80x128xf32, #tpu.memory_space<vmem>>, vector<1x16xf32>,
        %swap3A_629 = vector.shape_cast %swap3A_628 : vector<1x16xf32> to vector<16xf32>
        %swap3A_630 = vector.shape_cast %mul3A_625 : vector<16xf32> to vector<1x16xf32>
        tpu.vector_store %arg10[%swap3A_626, %swap3A_627], %swap3A_630 {strides = array<i32>} : memref<80x128xf32, #tpu.memory_space<vmem>>, vector<1x16xf32>,
        %get3A_631 = arith.index_cast %scan3A_548 : i32 to index
        %get3A_632 = arith.constant 96 : index
        %get3A_633 = tpu.vector_load %arg10[%get3A_631, %get3A_632] {strides = array<i32>} : memref<80x128xf32, #tpu.memory_space<vmem>>, vector<1x16xf32>,
        %get3A_634 = vector.shape_cast %get3A_633 : vector<1x16xf32> to vector<16xf32>
        %get3A_635 = arith.index_cast %scan3A_548 : i32 to index
        %get3A_636 = arith.constant 96 : index
        %get3A_637 = tpu.vector_load %arg9[%get3A_635, %get3A_636] {strides = array<i32>} : memref<80x128xf32, #tpu.memory_space<vmem>>, vector<1x16xf32>,
        %get3A_638 = vector.shape_cast %get3A_637 : vector<1x16xf32> to vector<16xf32>
        %mul3A_639 = arith.mulf %get3A_634, %get3A_638 : vector<16xf32>
        %swap3A_640 = arith.index_cast %scan3A_548 : i32 to index
        %swap3A_641 = arith.constant 96 : index
        %swap3A_642 = tpu.vector_load %arg10[%swap3A_640, %swap3A_641] {strides = array<i32>} : memref<80x128xf32, #tpu.memory_space<vmem>>, vector<1x16xf32>,
        %swap3A_643 = vector.shape_cast %swap3A_642 : vector<1x16xf32> to vector<16xf32>
        %swap3A_644 = vector.shape_cast %mul3A_639 : vector<16xf32> to vector<1x16xf32>
        tpu.vector_store %arg10[%swap3A_640, %swap3A_641], %swap3A_644 {strides = array<i32>} : memref<80x128xf32, #tpu.memory_space<vmem>>, vector<1x16xf32>,
        %get3A_645 = arith.index_cast %scan3A_548 : i32 to index
        %get3A_646 = arith.constant 112 : index
        %get3A_647 = tpu.vector_load %arg10[%get3A_645, %get3A_646] {strides = array<i32>} : memref<80x128xf32, #tpu.memory_space<vmem>>, vector<1x16xf32>,
        %get3A_648 = vector.shape_cast %get3A_647 : vector<1x16xf32> to vector<16xf32>
        %get3A_649 = arith.index_cast %scan3A_548 : i32 to index
        %get3A_650 = arith.constant 112 : index
        %get3A_651 = tpu.vector_load %arg9[%get3A_649, %get3A_650] {strides = array<i32>} : memref<80x128xf32, #tpu.memory_space<vmem>>, vector<1x16xf32>,
        %get3A_652 = vector.shape_cast %get3A_651 : vector<1x16xf32> to vector<16xf32>
        %mul3A_653 = arith.mulf %get3A_648, %get3A_652 : vector<16xf32>
        %swap3A_654 = arith.index_cast %scan3A_548 : i32 to index
        %swap3A_655 = arith.constant 112 : index
        %swap3A_656 = tpu.vector_load %arg10[%swap3A_654, %swap3A_655] {strides = array<i32>} : memref<80x128xf32, #tpu.memory_space<vmem>>, vector<1x16xf32>,
        %swap3A_657 = vector.shape_cast %swap3A_656 : vector<1x16xf32> to vector<16xf32>
        %swap3A_658 = vector.shape_cast %mul3A_653 : vector<16xf32> to vector<1x16xf32>
        tpu.vector_store %arg10[%swap3A_654, %swap3A_655], %swap3A_658 {strides = array<i32>} : memref<80x128xf32, #tpu.memory_space<vmem>>, vector<1x16xf32>,
      }
      %scan3A_545 = arith.constant 25 : i32
      %add3A_546 = arith.addi %mul3A_0, %add3A_539 : i32
      %run_scoped3A_547 = arith.constant 4 : i32
      "tpu.region"() ({
        %run_scoped3A_548 = tpu.sem_alloc : memref<!tpu.dma_semaphore, #tpu.memory_space<semaphore_mem>>
        %dma_start3A_549 = arith.constant 0 : i32
        %dma_start3A_550 = arith.constant 0 : i32
        %dma_start3A_551 = tpu.memref_slice %arg10[%dma_start3A_549, %dma_start3A_550] : memref<80x128xf32, #tpu.memory_space<vmem>> -> memref<25x128xf32, #tpu.memory_space<vmem>>
        %dma_start3A_552 = arith.constant 0 : i32
        %dma_start3A_553 = tpu.memref_slice %arg6[%run_scoped3A_547, %add3A_546, %dma_start3A_552] : memref<7x20000x128xf32, #tpu.memory_space<hbm>> -> memref<1x25x128xf32, #tpu.memory_space<hbm>>
        %dma_start3A_554 = tpu.memref_squeeze %dma_start3A_553 : memref<1x25x128xf32, #tpu.memory_space<hbm>> -> memref<25x128xf32, #tpu.memory_space<hbm>>
        %dma_start3A_555 = arith.constant 0 : i32
        %dma_start3A_556 = tpu.memref_slice %arg6[%run_scoped3A_547, %add3A_546, %dma_start3A_555] : memref<7x20000x128xf32, #tpu.memory_space<hbm>> -> memref<1x25x128xf32, #tpu.memory_space<hbm>>
        %dma_start3A_557 = tpu.memref_squeeze %dma_start3A_556 : memref<1x25x128xf32, #tpu.memory_space<hbm>> -> memref<25x128xf32, #tpu.memory_space<hbm>>
        %dma_start3A_558 = arith.constant 0 : i32
        %dma_start3A_559 = arith.constant 0 : i32
        %dma_start3A_560 = tpu.memref_slice %arg10[%dma_start3A_558, %dma_start3A_559] : memref<80x128xf32, #tpu.memory_space<vmem>> -> memref<25x128xf32, #tpu.memory_space<vmem>>
        tpu.enqueue_dma source(%dma_start3A_560 : memref<25x128xf32, #tpu.memory_space<vmem>>) target(%dma_start3A_557 : memref<25x128xf32, #tpu.memory_space<hbm>>) target_semaphore(%run_scoped3A_548 : memref<!tpu.dma_semaphore, #tpu.memory_space<semaphore_mem>>)
        %dma_wait3A_561 = arith.constant 0 : i32
        %dma_wait3A_562 = arith.constant 0 : i32
        %dma_wait3A_563 = tpu.memref_slice %arg10[%dma_wait3A_561, %dma_wait3A_562] : memref<80x128xf32, #tpu.memory_space<vmem>> -> memref<25x128xf32, #tpu.memory_space<vmem>>
        %dma_wait3A_564 = arith.constant 0 : i32
        %dma_wait3A_565 = tpu.memref_slice %arg6[%run_scoped3A_547, %add3A_546, %dma_wait3A_564] : memref<7x20000x128xf32, #tpu.memory_space<hbm>> -> memref<1x25x128xf32, #tpu.memory_space<hbm>>
        %dma_wait3A_566 = tpu.memref_squeeze %dma_wait3A_565 : memref<1x25x128xf32, #tpu.memory_space<hbm>> -> memref<25x128xf32, #tpu.memory_space<hbm>>
        %dma_wait3A_567 = arith.constant 0 : i32
        %dma_wait3A_568 = tpu.memref_slice %arg6[%run_scoped3A_547, %add3A_546, %dma_wait3A_567] : memref<7x20000x128xf32, #tpu.memory_space<hbm>> -> memref<1x25x128xf32, #tpu.memory_space<hbm>>
        %dma_wait3A_569 = tpu.memref_squeeze %dma_wait3A_568 : memref<1x25x128xf32, #tpu.memory_space<hbm>> -> memref<25x128xf32, #tpu.memory_space<hbm>>
        %dma_wait3A_570 = arith.constant 0 : i32
        %dma_wait3A_571 = arith.constant 0 : i32
        %dma_wait3A_572 = tpu.memref_slice %arg10[%dma_wait3A_570, %dma_wait3A_571] : memref<80x128xf32, #tpu.memory_space<vmem>> -> memref<25x128xf32, #tpu.memory_space<vmem>>
        tpu.wait_dma2 semaphore(%run_scoped3A_548 : memref<!tpu.dma_semaphore, #tpu.memory_space<semaphore_mem>>) src(%dma_wait3A_572 : memref<25x128xf32, #tpu.memory_space<vmem>>) dst(%dma_wait3A_569 : memref<25x128xf32, #tpu.memory_space<hbm>>)
        tpu.yield
      }) : () -> ()
      "tpu.region"() ({
        %run_scoped3A_548 = tpu.sem_alloc : memref<!tpu.dma_semaphore, #tpu.memory_space<semaphore_mem>>
        %dma_start3A_549 = arith.constant 0 : i32
        %dma_start3A_550 = arith.constant 0 : i32
        %dma_start3A_551 = tpu.memref_slice %arg10[%dma_start3A_549, %dma_start3A_550] : memref<80x128xf32, #tpu.memory_space<vmem>> -> memref<25x128xf32, #tpu.memory_space<vmem>>
        %dma_start3A_552 = arith.constant 0 : i32
        %dma_start3A_553 = tpu.memref_slice %arg12[%add3A_539, %dma_start3A_552] : memref<10008x128xf32, #tpu.memory_space<vmem_shared>> -> memref<25x128xf32, #tpu.memory_space<vmem_shared>>
        %dma_start3A_554 = arith.constant 0 : i32
        %dma_start3A_555 = tpu.memref_slice %arg12[%add3A_539, %dma_start3A_554] : memref<10008x128xf32, #tpu.memory_space<vmem_shared>> -> memref<25x128xf32, #tpu.memory_space<vmem_shared>>
        %dma_start3A_556 = arith.constant 0 : i32
        %dma_start3A_557 = arith.constant 0 : i32
        %dma_start3A_558 = tpu.memref_slice %arg10[%dma_start3A_556, %dma_start3A_557] : memref<80x128xf32, #tpu.memory_space<vmem>> -> memref<25x128xf32, #tpu.memory_space<vmem>>
        tpu.enqueue_dma source(%dma_start3A_558 : memref<25x128xf32, #tpu.memory_space<vmem>>) target(%dma_start3A_555 : memref<25x128xf32, #tpu.memory_space<vmem_shared>>) target_semaphore(%run_scoped3A_548 : memref<!tpu.dma_semaphore, #tpu.memory_space<semaphore_mem>>)
        %dma_wait3A_559 = arith.constant 0 : i32
        %dma_wait3A_560 = arith.constant 0 : i32
        %dma_wait3A_561 = tpu.memref_slice %arg10[%dma_wait3A_559, %dma_wait3A_560] : memref<80x128xf32, #tpu.memory_space<vmem>> -> memref<25x128xf32, #tpu.memory_space<vmem>>
        %dma_wait3A_562 = arith.constant 0 : i32
        %dma_wait3A_563 = tpu.memref_slice %arg12[%add3A_539, %dma_wait3A_562] : memref<10008x128xf32, #tpu.memory_space<vmem_shared>> -> memref<25x128xf32, #tpu.memory_space<vmem_shared>>
        %dma_wait3A_564 = arith.constant 0 : i32
        %dma_wait3A_565 = tpu.memref_slice %arg12[%add3A_539, %dma_wait3A_564] : memref<10008x128xf32, #tpu.memory_space<vmem_shared>> -> memref<25x128xf32, #tpu.memory_space<vmem_shared>>
        %dma_wait3A_566 = arith.constant 0 : i32
        %dma_wait3A_567 = arith.constant 0 : i32
        %dma_wait3A_568 = tpu.memref_slice %arg10[%dma_wait3A_566, %dma_wait3A_567] : memref<80x128xf32, #tpu.memory_space<vmem>> -> memref<25x128xf32, #tpu.memory_space<vmem>>
        tpu.wait_dma2 semaphore(%run_scoped3A_548 : memref<!tpu.dma_semaphore, #tpu.memory_space<semaphore_mem>>) src(%dma_wait3A_568 : memref<25x128xf32, #tpu.memory_space<vmem>>) dst(%dma_wait3A_565 : memref<25x128xf32, #tpu.memory_space<vmem_shared>>)
        tpu.yield
      }) : () -> ()
    }
    %scan3A_356 = arith.constant 25 : i32
    %barrier3A_357 = arith.constant 0 : index
    tpu.barrier barrier_id(%barrier3A_357)
    %dma_start3A_358 = arith.constant 4 : i32
    %dma_start3A_359 = arith.constant 0 : i32
    %dma_start3A_360 = arith.constant 0 : i32
    %dma_start3A_361 = tpu.memref_slice %arg7[%dma_start3A_359, %dma_start3A_360] : memref<126x80xi32, #tpu.memory_space<vmem>> -> memref<1x80xi32, #tpu.memory_space<vmem>>
    %dma_start3A_362 = tpu.memref_squeeze %dma_start3A_361 : memref<1x80xi32, #tpu.memory_space<vmem>> -> memref<80xi32, #tpu.memory_space<vmem>>
    %dma_start3A_363 = arith.constant 0 : i32
    %dma_start3A_364 = arith.constant 0 : i32
    %dma_start3A_365 = tpu.memref_slice %arg6[%dma_start3A_358, %dma_start3A_363, %dma_start3A_364] : memref<7x20000x128xf32, #tpu.memory_space<hbm>> -> memref<1x20000x128xf32, #tpu.memory_space<hbm>>
    %dma_start3A_366 = tpu.memref_squeeze %dma_start3A_365 : memref<1x20000x128xf32, #tpu.memory_space<hbm>> -> memref<20000x128xf32, #tpu.memory_space<hbm>>
    %dma_start3A_367 = arith.constant 0 : i32
    %dma_start3A_368 = arith.constant 0 : i32
    %dma_start3A_369 = tpu.memref_slice %dma_start3A_366[%dma_start3A_367, %dma_start3A_368] : memref<20000x128xf32, #tpu.memory_space<hbm>> -> memref<20000x128xf32, #tpu.memory_space<hbm>>
    tpu.enqueue_indirect_dma source(%dma_start3A_369 : memref<20000x128xf32, #tpu.memory_space<hbm>>) target(%arg9 : memref<80x128xf32, #tpu.memory_space<vmem>>) offsets(%dma_start3A_362 : memref<80xi32, #tpu.memory_space<vmem>>) semaphore(%arg13 : memref<!tpu.dma_semaphore, #tpu.memory_space<semaphore_mem>>)
    %dma_start3A_370 = arith.constant 4 : i32
    %dma_start3A_371 = arith.constant 1 : i32
    %dma_start3A_372 = arith.constant 0 : i32
    %dma_start3A_373 = tpu.memref_slice %arg7[%dma_start3A_371, %dma_start3A_372] : memref<126x80xi32, #tpu.memory_space<vmem>> -> memref<1x80xi32, #tpu.memory_space<vmem>>
    %dma_start3A_374 = tpu.memref_squeeze %dma_start3A_373 : memref<1x80xi32, #tpu.memory_space<vmem>> -> memref<80xi32, #tpu.memory_space<vmem>>
    %dma_start3A_375 = arith.constant 0 : i32
    %dma_start3A_376 = arith.constant 0 : i32
    %dma_start3A_377 = tpu.memref_slice %arg6[%dma_start3A_370, %dma_start3A_375, %dma_start3A_376] : memref<7x20000x128xf32, #tpu.memory_space<hbm>> -> memref<1x20000x128xf32, #tpu.memory_space<hbm>>
    %dma_start3A_378 = tpu.memref_squeeze %dma_start3A_377 : memref<1x20000x128xf32, #tpu.memory_space<hbm>> -> memref<20000x128xf32, #tpu.memory_space<hbm>>
    %dma_start3A_379 = arith.constant 0 : i32
    %dma_start3A_380 = arith.constant 0 : i32
    %dma_start3A_381 = tpu.memref_slice %dma_start3A_378[%dma_start3A_379, %dma_start3A_380] : memref<20000x128xf32, #tpu.memory_space<hbm>> -> memref<20000x128xf32, #tpu.memory_space<hbm>>
    tpu.enqueue_indirect_dma source(%dma_start3A_381 : memref<20000x128xf32, #tpu.memory_space<hbm>>) target(%arg10 : memref<80x128xf32, #tpu.memory_space<vmem>>) offsets(%dma_start3A_374 : memref<80xi32, #tpu.memory_space<vmem>>) semaphore(%arg14 : memref<!tpu.dma_semaphore, #tpu.memory_space<semaphore_mem>>)
    %scan3A_382 = arith.constant 0 : i32
    %scan3A_383 = arith.constant 0 : i32
    %scan3A_384 = arith.constant 41 : i32
    %scan3A_385 = arith.addi %scan3A_383, %scan3A_384 : i32
    %scan3A_386 = arith.constant 1 : i32
    scf.for %scan3A_536 = %scan3A_383 to %scan3A_385 step %scan3A_386  : i32 {
      %mul3A_537 = arith.constant 3 : i32
      %mul3A_538 = arith.muli %mul3A_537, %scan3A_536 : i32
      %add3A_539 = arith.constant 2 : i32
      %add3A_540 = arith.addi %mul3A_538, %add3A_539 : i32
      %dma_start3A_541 = arith.constant 4 : i32
      %dma_start3A_542 = arith.constant 0 : i32
      %dma_start3A_543 = tpu.memref_slice %arg7[%add3A_540, %dma_start3A_542] : memref<126x80xi32, #tpu.memory_space<vmem>> -> memref<1x80xi32, #tpu.memory_space<vmem>>
      %dma_start3A_544 = tpu.memref_squeeze %dma_start3A_543 : memref<1x80xi32, #tpu.memory_space<vmem>> -> memref<80xi32, #tpu.memory_space<vmem>>
      %dma_start3A_545 = arith.constant 0 : i32
      %dma_start3A_546 = arith.constant 0 : i32
      %dma_start3A_547 = tpu.memref_slice %arg6[%dma_start3A_541, %dma_start3A_545, %dma_start3A_546] : memref<7x20000x128xf32, #tpu.memory_space<hbm>> -> memref<1x20000x128xf32, #tpu.memory_space<hbm>>
      %dma_start3A_548 = tpu.memref_squeeze %dma_start3A_547 : memref<1x20000x128xf32, #tpu.memory_space<hbm>> -> memref<20000x128xf32, #tpu.memory_space<hbm>>
      %dma_start3A_549 = arith.constant 0 : i32
      %dma_start3A_550 = arith.constant 0 : i32
      %dma_start3A_551 = tpu.memref_slice %dma_start3A_548[%dma_start3A_549, %dma_start3A_550] : memref<20000x128xf32, #tpu.memory_space<hbm>> -> memref<20000x128xf32, #tpu.memory_space<hbm>>
      tpu.enqueue_indirect_dma source(%dma_start3A_551 : memref<20000x128xf32, #tpu.memory_space<hbm>>) target(%arg11 : memref<80x128xf32, #tpu.memory_space<vmem>>) offsets(%dma_start3A_544 : memref<80xi32, #tpu.memory_space<vmem>>) semaphore(%arg15 : memref<!tpu.dma_semaphore, #tpu.memory_space<semaphore_mem>>)
      %dma_wait3A_552 = arith.constant 4 : i32
      %dma_wait3A_553 = arith.constant 0 : i32
      %dma_wait3A_554 = tpu.memref_slice %arg7[%mul3A_538, %dma_wait3A_553] : memref<126x80xi32, #tpu.memory_space<vmem>> -> memref<1x80xi32, #tpu.memory_space<vmem>>
      %dma_wait3A_555 = tpu.memref_squeeze %dma_wait3A_554 : memref<1x80xi32, #tpu.memory_space<vmem>> -> memref<80xi32, #tpu.memory_space<vmem>>
      %dma_wait3A_556 = arith.constant 0 : i32
      %dma_wait3A_557 = arith.constant 0 : i32
      %dma_wait3A_558 = tpu.memref_slice %arg6[%dma_wait3A_552, %dma_wait3A_556, %dma_wait3A_557] : memref<7x20000x128xf32, #tpu.memory_space<hbm>> -> memref<1x20000x128xf32, #tpu.memory_space<hbm>>
      %dma_wait3A_559 = tpu.memref_squeeze %dma_wait3A_558 : memref<1x20000x128xf32, #tpu.memory_space<hbm>> -> memref<20000x128xf32, #tpu.memory_space<hbm>>
      %dma_wait3A_560 = arith.constant 0 : i32
      %dma_wait3A_561 = arith.constant 0 : i32
      %dma_wait3A_562 = tpu.memref_slice %dma_wait3A_559[%dma_wait3A_560, %dma_wait3A_561] : memref<20000x128xf32, #tpu.memory_space<hbm>> -> memref<20000x128xf32, #tpu.memory_space<hbm>>
      tpu.wait_indirect_dma semaphore(%arg13 : memref<!tpu.dma_semaphore, #tpu.memory_space<semaphore_mem>>) src(%dma_wait3A_562 : memref<20000x128xf32, #tpu.memory_space<hbm>>) dst(%arg9 : memref<80x128xf32, #tpu.memory_space<vmem>>)
      "tpu.region"() ({
        %run_scoped3A_619 = tpu.sem_alloc : memref<!tpu.dma_semaphore, #tpu.memory_space<semaphore_mem>>
        %dma_start3A_620 = arith.constant 0 : i32
        %dma_start3A_621 = tpu.memref_slice %arg8[%mul3A_538, %dma_start3A_620] : memref<126x80xi32, #tpu.memory_space<vmem>> -> memref<1x80xi32, #tpu.memory_space<vmem>>
        %dma_start3A_622 = tpu.memref_squeeze %dma_start3A_621 : memref<1x80xi32, #tpu.memory_space<vmem>> -> memref<80xi32, #tpu.memory_space<vmem>>
        %dma_start3A_623 = arith.constant 0 : i32
        %dma_start3A_624 = arith.constant 0 : i32
        %dma_start3A_625 = tpu.memref_slice %arg12[%dma_start3A_623, %dma_start3A_624] : memref<10008x128xf32, #tpu.memory_space<vmem_shared>> -> memref<10008x128xf32, #tpu.memory_space<vmem_shared>>
        tpu.enqueue_indirect_dma source(%arg9 : memref<80x128xf32, #tpu.memory_space<vmem>>) target(%dma_start3A_625 : memref<10008x128xf32, #tpu.memory_space<vmem_shared>>) offsets(%dma_start3A_622 : memref<80xi32, #tpu.memory_space<vmem>>) semaphore(%run_scoped3A_619 : memref<!tpu.dma_semaphore, #tpu.memory_space<semaphore_mem>>) {add = true}
        %dma_wait3A_626 = arith.constant 0 : i32
        %dma_wait3A_627 = tpu.memref_slice %arg8[%mul3A_538, %dma_wait3A_626] : memref<126x80xi32, #tpu.memory_space<vmem>> -> memref<1x80xi32, #tpu.memory_space<vmem>>
        %dma_wait3A_628 = tpu.memref_squeeze %dma_wait3A_627 : memref<1x80xi32, #tpu.memory_space<vmem>> -> memref<80xi32, #tpu.memory_space<vmem>>
        %dma_wait3A_629 = arith.constant 0 : i32
        %dma_wait3A_630 = arith.constant 0 : i32
        %dma_wait3A_631 = tpu.memref_slice %arg12[%dma_wait3A_629, %dma_wait3A_630] : memref<10008x128xf32, #tpu.memory_space<vmem_shared>> -> memref<10008x128xf32, #tpu.memory_space<vmem_shared>>
        tpu.wait_indirect_dma semaphore(%run_scoped3A_619 : memref<!tpu.dma_semaphore, #tpu.memory_space<semaphore_mem>>) src(%arg9 : memref<80x128xf32, #tpu.memory_space<vmem>>) dst(%dma_wait3A_631 : memref<10008x128xf32, #tpu.memory_space<vmem_shared>>)
        tpu.yield
      }) : () -> ()
      %add3A_563 = arith.constant 3 : i32
      %add3A_564 = arith.addi %mul3A_538, %add3A_563 : i32
      %dma_start3A_565 = arith.constant 4 : i32
      %dma_start3A_566 = arith.constant 0 : i32
      %dma_start3A_567 = tpu.memref_slice %arg7[%add3A_564, %dma_start3A_566] : memref<126x80xi32, #tpu.memory_space<vmem>> -> memref<1x80xi32, #tpu.memory_space<vmem>>
      %dma_start3A_568 = tpu.memref_squeeze %dma_start3A_567 : memref<1x80xi32, #tpu.memory_space<vmem>> -> memref<80xi32, #tpu.memory_space<vmem>>
      %dma_start3A_569 = arith.constant 0 : i32
      %dma_start3A_570 = arith.constant 0 : i32
      %dma_start3A_571 = tpu.memref_slice %arg6[%dma_start3A_565, %dma_start3A_569, %dma_start3A_570] : memref<7x20000x128xf32, #tpu.memory_space<hbm>> -> memref<1x20000x128xf32, #tpu.memory_space<hbm>>
      %dma_start3A_572 = tpu.memref_squeeze %dma_start3A_571 : memref<1x20000x128xf32, #tpu.memory_space<hbm>> -> memref<20000x128xf32, #tpu.memory_space<hbm>>
      %dma_start3A_573 = arith.constant 0 : i32
      %dma_start3A_574 = arith.constant 0 : i32
      %dma_start3A_575 = tpu.memref_slice %dma_start3A_572[%dma_start3A_573, %dma_start3A_574] : memref<20000x128xf32, #tpu.memory_space<hbm>> -> memref<20000x128xf32, #tpu.memory_space<hbm>>
      tpu.enqueue_indirect_dma source(%dma_start3A_575 : memref<20000x128xf32, #tpu.memory_space<hbm>>) target(%arg9 : memref<80x128xf32, #tpu.memory_space<vmem>>) offsets(%dma_start3A_568 : memref<80xi32, #tpu.memory_space<vmem>>) semaphore(%arg13 : memref<!tpu.dma_semaphore, #tpu.memory_space<semaphore_mem>>)
      %add3A_576 = arith.constant 1 : i32
      %add3A_577 = arith.addi %mul3A_538, %add3A_576 : i32
      %dma_wait3A_578 = arith.constant 4 : i32
      %dma_wait3A_579 = arith.constant 0 : i32
      %dma_wait3A_580 = tpu.memref_slice %arg7[%add3A_577, %dma_wait3A_579] : memref<126x80xi32, #tpu.memory_space<vmem>> -> memref<1x80xi32, #tpu.memory_space<vmem>>
      %dma_wait3A_581 = tpu.memref_squeeze %dma_wait3A_580 : memref<1x80xi32, #tpu.memory_space<vmem>> -> memref<80xi32, #tpu.memory_space<vmem>>
      %dma_wait3A_582 = arith.constant 0 : i32
      %dma_wait3A_583 = arith.constant 0 : i32
      %dma_wait3A_584 = tpu.memref_slice %arg6[%dma_wait3A_578, %dma_wait3A_582, %dma_wait3A_583] : memref<7x20000x128xf32, #tpu.memory_space<hbm>> -> memref<1x20000x128xf32, #tpu.memory_space<hbm>>
      %dma_wait3A_585 = tpu.memref_squeeze %dma_wait3A_584 : memref<1x20000x128xf32, #tpu.memory_space<hbm>> -> memref<20000x128xf32, #tpu.memory_space<hbm>>
      %dma_wait3A_586 = arith.constant 0 : i32
      %dma_wait3A_587 = arith.constant 0 : i32
      %dma_wait3A_588 = tpu.memref_slice %dma_wait3A_585[%dma_wait3A_586, %dma_wait3A_587] : memref<20000x128xf32, #tpu.memory_space<hbm>> -> memref<20000x128xf32, #tpu.memory_space<hbm>>
      tpu.wait_indirect_dma semaphore(%arg14 : memref<!tpu.dma_semaphore, #tpu.memory_space<semaphore_mem>>) src(%dma_wait3A_588 : memref<20000x128xf32, #tpu.memory_space<hbm>>) dst(%arg10 : memref<80x128xf32, #tpu.memory_space<vmem>>)
      %add3A_589 = arith.constant 1 : i32
      %add3A_590 = arith.addi %mul3A_538, %add3A_589 : i32
      "tpu.region"() ({
        %run_scoped3A_619 = tpu.sem_alloc : memref<!tpu.dma_semaphore, #tpu.memory_space<semaphore_mem>>
        %dma_start3A_620 = arith.constant 0 : i32
        %dma_start3A_621 = tpu.memref_slice %arg8[%add3A_590, %dma_start3A_620] : memref<126x80xi32, #tpu.memory_space<vmem>> -> memref<1x80xi32, #tpu.memory_space<vmem>>
        %dma_start3A_622 = tpu.memref_squeeze %dma_start3A_621 : memref<1x80xi32, #tpu.memory_space<vmem>> -> memref<80xi32, #tpu.memory_space<vmem>>
        %dma_start3A_623 = arith.constant 0 : i32
        %dma_start3A_624 = arith.constant 0 : i32
        %dma_start3A_625 = tpu.memref_slice %arg12[%dma_start3A_623, %dma_start3A_624] : memref<10008x128xf32, #tpu.memory_space<vmem_shared>> -> memref<10008x128xf32, #tpu.memory_space<vmem_shared>>
        tpu.enqueue_indirect_dma source(%arg10 : memref<80x128xf32, #tpu.memory_space<vmem>>) target(%dma_start3A_625 : memref<10008x128xf32, #tpu.memory_space<vmem_shared>>) offsets(%dma_start3A_622 : memref<80xi32, #tpu.memory_space<vmem>>) semaphore(%run_scoped3A_619 : memref<!tpu.dma_semaphore, #tpu.memory_space<semaphore_mem>>) {add = true}
        %dma_wait3A_626 = arith.constant 0 : i32
        %dma_wait3A_627 = tpu.memref_slice %arg8[%add3A_590, %dma_wait3A_626] : memref<126x80xi32, #tpu.memory_space<vmem>> -> memref<1x80xi32, #tpu.memory_space<vmem>>
        %dma_wait3A_628 = tpu.memref_squeeze %dma_wait3A_627 : memref<1x80xi32, #tpu.memory_space<vmem>> -> memref<80xi32, #tpu.memory_space<vmem>>
        %dma_wait3A_629 = arith.constant 0 : i32
        %dma_wait3A_630 = arith.constant 0 : i32
        %dma_wait3A_631 = tpu.memref_slice %arg12[%dma_wait3A_629, %dma_wait3A_630] : memref<10008x128xf32, #tpu.memory_space<vmem_shared>> -> memref<10008x128xf32, #tpu.memory_space<vmem_shared>>
        tpu.wait_indirect_dma semaphore(%run_scoped3A_619 : memref<!tpu.dma_semaphore, #tpu.memory_space<semaphore_mem>>) src(%arg10 : memref<80x128xf32, #tpu.memory_space<vmem>>) dst(%dma_wait3A_631 : memref<10008x128xf32, #tpu.memory_space<vmem_shared>>)
        tpu.yield
      }) : () -> ()
      %add3A_591 = arith.constant 4 : i32
      %add3A_592 = arith.addi %mul3A_538, %add3A_591 : i32
      %dma_start3A_593 = arith.constant 4 : i32
      %dma_start3A_594 = arith.constant 0 : i32
      %dma_start3A_595 = tpu.memref_slice %arg7[%add3A_592, %dma_start3A_594] : memref<126x80xi32, #tpu.memory_space<vmem>> -> memref<1x80xi32, #tpu.memory_space<vmem>>
      %dma_start3A_596 = tpu.memref_squeeze %dma_start3A_595 : memref<1x80xi32, #tpu.memory_space<vmem>> -> memref<80xi32, #tpu.memory_space<vmem>>
      %dma_start3A_597 = arith.constant 0 : i32
      %dma_start3A_598 = arith.constant 0 : i32
      %dma_start3A_599 = tpu.memref_slice %arg6[%dma_start3A_593, %dma_start3A_597, %dma_start3A_598] : memref<7x20000x128xf32, #tpu.memory_space<hbm>> -> memref<1x20000x128xf32, #tpu.memory_space<hbm>>
      %dma_start3A_600 = tpu.memref_squeeze %dma_start3A_599 : memref<1x20000x128xf32, #tpu.memory_space<hbm>> -> memref<20000x128xf32, #tpu.memory_space<hbm>>
      %dma_start3A_601 = arith.constant 0 : i32
      %dma_start3A_602 = arith.constant 0 : i32
      %dma_start3A_603 = tpu.memref_slice %dma_start3A_600[%dma_start3A_601, %dma_start3A_602] : memref<20000x128xf32, #tpu.memory_space<hbm>> -> memref<20000x128xf32, #tpu.memory_space<hbm>>
      tpu.enqueue_indirect_dma source(%dma_start3A_603 : memref<20000x128xf32, #tpu.memory_space<hbm>>) target(%arg10 : memref<80x128xf32, #tpu.memory_space<vmem>>) offsets(%dma_start3A_596 : memref<80xi32, #tpu.memory_space<vmem>>) semaphore(%arg14 : memref<!tpu.dma_semaphore, #tpu.memory_space<semaphore_mem>>)
      %add3A_604 = arith.constant 2 : i32
      %add3A_605 = arith.addi %mul3A_538, %add3A_604 : i32
      %dma_wait3A_606 = arith.constant 4 : i32
      %dma_wait3A_607 = arith.constant 0 : i32
      %dma_wait3A_608 = tpu.memref_slice %arg7[%add3A_605, %dma_wait3A_607] : memref<126x80xi32, #tpu.memory_space<vmem>> -> memref<1x80xi32, #tpu.memory_space<vmem>>
      %dma_wait3A_609 = tpu.memref_squeeze %dma_wait3A_608 : memref<1x80xi32, #tpu.memory_space<vmem>> -> memref<80xi32, #tpu.memory_space<vmem>>
      %dma_wait3A_610 = arith.constant 0 : i32
      %dma_wait3A_611 = arith.constant 0 : i32
      %dma_wait3A_612 = tpu.memref_slice %arg6[%dma_wait3A_606, %dma_wait3A_610, %dma_wait3A_611] : memref<7x20000x128xf32, #tpu.memory_space<hbm>> -> memref<1x20000x128xf32, #tpu.memory_space<hbm>>
      %dma_wait3A_613 = tpu.memref_squeeze %dma_wait3A_612 : memref<1x20000x128xf32, #tpu.memory_space<hbm>> -> memref<20000x128xf32, #tpu.memory_space<hbm>>
      %dma_wait3A_614 = arith.constant 0 : i32
      %dma_wait3A_615 = arith.constant 0 : i32
      %dma_wait3A_616 = tpu.memref_slice %dma_wait3A_613[%dma_wait3A_614, %dma_wait3A_615] : memref<20000x128xf32, #tpu.memory_space<hbm>> -> memref<20000x128xf32, #tpu.memory_space<hbm>>
      tpu.wait_indirect_dma semaphore(%arg15 : memref<!tpu.dma_semaphore, #tpu.memory_space<semaphore_mem>>) src(%dma_wait3A_616 : memref<20000x128xf32, #tpu.memory_space<hbm>>) dst(%arg11 : memref<80x128xf32, #tpu.memory_space<vmem>>)
      %add3A_617 = arith.constant 2 : i32
      %add3A_618 = arith.addi %mul3A_538, %add3A_617 : i32
      "tpu.region"() ({
        %run_scoped3A_619 = tpu.sem_alloc : memref<!tpu.dma_semaphore, #tpu.memory_space<semaphore_mem>>
        %dma_start3A_620 = arith.constant 0 : i32
        %dma_start3A_621 = tpu.memref_slice %arg8[%add3A_618, %dma_start3A_620] : memref<126x80xi32, #tpu.memory_space<vmem>> -> memref<1x80xi32, #tpu.memory_space<vmem>>
        %dma_start3A_622 = tpu.memref_squeeze %dma_start3A_621 : memref<1x80xi32, #tpu.memory_space<vmem>> -> memref<80xi32, #tpu.memory_space<vmem>>
        %dma_start3A_623 = arith.constant 0 : i32
        %dma_start3A_624 = arith.constant 0 : i32
        %dma_start3A_625 = tpu.memref_slice %arg12[%dma_start3A_623, %dma_start3A_624] : memref<10008x128xf32, #tpu.memory_space<vmem_shared>> -> memref<10008x128xf32, #tpu.memory_space<vmem_shared>>
        tpu.enqueue_indirect_dma source(%arg11 : memref<80x128xf32, #tpu.memory_space<vmem>>) target(%dma_start3A_625 : memref<10008x128xf32, #tpu.memory_space<vmem_shared>>) offsets(%dma_start3A_622 : memref<80xi32, #tpu.memory_space<vmem>>) semaphore(%run_scoped3A_619 : memref<!tpu.dma_semaphore, #tpu.memory_space<semaphore_mem>>) {add = true}
        %dma_wait3A_626 = arith.constant 0 : i32
        %dma_wait3A_627 = tpu.memref_slice %arg8[%add3A_618, %dma_wait3A_626] : memref<126x80xi32, #tpu.memory_space<vmem>> -> memref<1x80xi32, #tpu.memory_space<vmem>>
        %dma_wait3A_628 = tpu.memref_squeeze %dma_wait3A_627 : memref<1x80xi32, #tpu.memory_space<vmem>> -> memref<80xi32, #tpu.memory_space<vmem>>
        %dma_wait3A_629 = arith.constant 0 : i32
        %dma_wait3A_630 = arith.constant 0 : i32
        %dma_wait3A_631 = tpu.memref_slice %arg12[%dma_wait3A_629, %dma_wait3A_630] : memref<10008x128xf32, #tpu.memory_space<vmem_shared>> -> memref<10008x128xf32, #tpu.memory_space<vmem_shared>>
        tpu.wait_indirect_dma semaphore(%run_scoped3A_619 : memref<!tpu.dma_semaphore, #tpu.memory_space<semaphore_mem>>) src(%arg11 : memref<80x128xf32, #tpu.memory_space<vmem>>) dst(%dma_wait3A_631 : memref<10008x128xf32, #tpu.memory_space<vmem_shared>>)
        tpu.yield
      }) : () -> ()
    }
    %scan3A_387 = arith.constant 41 : i32
    %dma_start3A_388 = arith.constant 4 : i32
    %dma_start3A_389 = arith.constant 125 : i32
    %dma_start3A_390 = arith.constant 0 : i32
    %dma_start3A_391 = tpu.memref_slice %arg7[%dma_start3A_389, %dma_start3A_390] : memref<126x80xi32, #tpu.memory_space<vmem>> -> memref<1x80xi32, #tpu.memory_space<vmem>>
    %dma_start3A_392 = tpu.memref_squeeze %dma_start3A_391 : memref<1x80xi32, #tpu.memory_space<vmem>> -> memref<80xi32, #tpu.memory_space<vmem>>
    %dma_start3A_393 = arith.constant 0 : i32
    %dma_start3A_394 = arith.constant 0 : i32
    %dma_start3A_395 = tpu.memref_slice %arg6[%dma_start3A_388, %dma_start3A_393, %dma_start3A_394] : memref<7x20000x128xf32, #tpu.memory_space<hbm>> -> memref<1x20000x128xf32, #tpu.memory_space<hbm>>
    %dma_start3A_396 = tpu.memref_squeeze %dma_start3A_395 : memref<1x20000x128xf32, #tpu.memory_space<hbm>> -> memref<20000x128xf32, #tpu.memory_space<hbm>>
    %dma_start3A_397 = arith.constant 0 : i32
    %dma_start3A_398 = arith.constant 0 : i32
    %dma_start3A_399 = tpu.memref_slice %dma_start3A_396[%dma_start3A_397, %dma_start3A_398] : memref<20000x128xf32, #tpu.memory_space<hbm>> -> memref<20000x128xf32, #tpu.memory_space<hbm>>
    tpu.enqueue_indirect_dma source(%dma_start3A_399 : memref<20000x128xf32, #tpu.memory_space<hbm>>) target(%arg11 : memref<80x128xf32, #tpu.memory_space<vmem>>) offsets(%dma_start3A_392 : memref<80xi32, #tpu.memory_space<vmem>>) semaphore(%arg15 : memref<!tpu.dma_semaphore, #tpu.memory_space<semaphore_mem>>)
    %dma_wait3A_400 = arith.constant 4 : i32
    %dma_wait3A_401 = arith.constant 123 : i32
    %dma_wait3A_402 = arith.constant 0 : i32
    %dma_wait3A_403 = tpu.memref_slice %arg7[%dma_wait3A_401, %dma_wait3A_402] : memref<126x80xi32, #tpu.memory_space<vmem>> -> memref<1x80xi32, #tpu.memory_space<vmem>>
    %dma_wait3A_404 = tpu.memref_squeeze %dma_wait3A_403 : memref<1x80xi32, #tpu.memory_space<vmem>> -> memref<80xi32, #tpu.memory_space<vmem>>
    %dma_wait3A_405 = arith.constant 0 : i32
    %dma_wait3A_406 = arith.constant 0 : i32
    %dma_wait3A_407 = tpu.memref_slice %arg6[%dma_wait3A_400, %dma_wait3A_405, %dma_wait3A_406] : memref<7x20000x128xf32, #tpu.memory_space<hbm>> -> memref<1x20000x128xf32, #tpu.memory_space<hbm>>
    %dma_wait3A_408 = tpu.memref_squeeze %dma_wait3A_407 : memref<1x20000x128xf32, #tpu.memory_space<hbm>> -> memref<20000x128xf32, #tpu.memory_space<hbm>>
    %dma_wait3A_409 = arith.constant 0 : i32
    %dma_wait3A_410 = arith.constant 0 : i32
    %dma_wait3A_411 = tpu.memref_slice %dma_wait3A_408[%dma_wait3A_409, %dma_wait3A_410] : memref<20000x128xf32, #tpu.memory_space<hbm>> -> memref<20000x128xf32, #tpu.memory_space<hbm>>
    tpu.wait_indirect_dma semaphore(%arg13 : memref<!tpu.dma_semaphore, #tpu.memory_space<semaphore_mem>>) src(%dma_wait3A_411 : memref<20000x128xf32, #tpu.memory_space<hbm>>) dst(%arg9 : memref<80x128xf32, #tpu.memory_space<vmem>>)
    %run_scoped3A_412 = arith.constant 123 : i32
    "tpu.region"() ({
      %run_scoped3A_536 = tpu.sem_alloc : memref<!tpu.dma_semaphore, #tpu.memory_space<semaphore_mem>>
      %dma_start3A_537 = arith.constant 0 : i32
      %dma_start3A_538 = tpu.memref_slice %arg8[%run_scoped3A_412, %dma_start3A_537] : memref<126x80xi32, #tpu.memory_space<vmem>> -> memref<1x80xi32, #tpu.memory_space<vmem>>
      %dma_start3A_539 = tpu.memref_squeeze %dma_start3A_538 : memref<1x80xi32, #tpu.memory_space<vmem>> -> memref<80xi32, #tpu.memory_space<vmem>>
      %dma_start3A_540 = arith.constant 0 : i32
      %dma_start3A_541 = arith.constant 0 : i32
      %dma_start3A_542 = tpu.memref_slice %arg12[%dma_start3A_540, %dma_start3A_541] : memref<10008x128xf32, #tpu.memory_space<vmem_shared>> -> memref<10008x128xf32, #tpu.memory_space<vmem_shared>>
      tpu.enqueue_indirect_dma source(%arg9 : memref<80x128xf32, #tpu.memory_space<vmem>>) target(%dma_start3A_542 : memref<10008x128xf32, #tpu.memory_space<vmem_shared>>) offsets(%dma_start3A_539 : memref<80xi32, #tpu.memory_space<vmem>>) semaphore(%run_scoped3A_536 : memref<!tpu.dma_semaphore, #tpu.memory_space<semaphore_mem>>) {add = true}
      %dma_wait3A_543 = arith.constant 0 : i32
      %dma_wait3A_544 = tpu.memref_slice %arg8[%run_scoped3A_412, %dma_wait3A_543] : memref<126x80xi32, #tpu.memory_space<vmem>> -> memref<1x80xi32, #tpu.memory_space<vmem>>
      %dma_wait3A_545 = tpu.memref_squeeze %dma_wait3A_544 : memref<1x80xi32, #tpu.memory_space<vmem>> -> memref<80xi32, #tpu.memory_space<vmem>>
      %dma_wait3A_546 = arith.constant 0 : i32
      %dma_wait3A_547 = arith.constant 0 : i32
      %dma_wait3A_548 = tpu.memref_slice %arg12[%dma_wait3A_546, %dma_wait3A_547] : memref<10008x128xf32, #tpu.memory_space<vmem_shared>> -> memref<10008x128xf32, #tpu.memory_space<vmem_shared>>
      tpu.wait_indirect_dma semaphore(%run_scoped3A_536 : memref<!tpu.dma_semaphore, #tpu.memory_space<semaphore_mem>>) src(%arg9 : memref<80x128xf32, #tpu.memory_space<vmem>>) dst(%dma_wait3A_548 : memref<10008x128xf32, #tpu.memory_space<vmem_shared>>)
      tpu.yield
    }) : () -> ()
    %dma_wait3A_413 = arith.constant 4 : i32
    %dma_wait3A_414 = arith.constant 124 : i32
    %dma_wait3A_415 = arith.constant 0 : i32
    %dma_wait3A_416 = tpu.memref_slice %arg7[%dma_wait3A_414, %dma_wait3A_415] : memref<126x80xi32, #tpu.memory_space<vmem>> -> memref<1x80xi32, #tpu.memory_space<vmem>>
    %dma_wait3A_417 = tpu.memref_squeeze %dma_wait3A_416 : memref<1x80xi32, #tpu.memory_space<vmem>> -> memref<80xi32, #tpu.memory_space<vmem>>
    %dma_wait3A_418 = arith.constant 0 : i32
    %dma_wait3A_419 = arith.constant 0 : i32
    %dma_wait3A_420 = tpu.memref_slice %arg6[%dma_wait3A_413, %dma_wait3A_418, %dma_wait3A_419] : memref<7x20000x128xf32, #tpu.memory_space<hbm>> -> memref<1x20000x128xf32, #tpu.memory_space<hbm>>
    %dma_wait3A_421 = tpu.memref_squeeze %dma_wait3A_420 : memref<1x20000x128xf32, #tpu.memory_space<hbm>> -> memref<20000x128xf32, #tpu.memory_space<hbm>>
    %dma_wait3A_422 = arith.constant 0 : i32
    %dma_wait3A_423 = arith.constant 0 : i32
    %dma_wait3A_424 = tpu.memref_slice %dma_wait3A_421[%dma_wait3A_422, %dma_wait3A_423] : memref<20000x128xf32, #tpu.memory_space<hbm>> -> memref<20000x128xf32, #tpu.memory_space<hbm>>
    tpu.wait_indirect_dma semaphore(%arg14 : memref<!tpu.dma_semaphore, #tpu.memory_space<semaphore_mem>>) src(%dma_wait3A_424 : memref<20000x128xf32, #tpu.memory_space<hbm>>) dst(%arg10 : memref<80x128xf32, #tpu.memory_space<vmem>>)
    %run_scoped3A_425 = arith.constant 124 : i32
    "tpu.region"() ({
      %run_scoped3A_536 = tpu.sem_alloc : memref<!tpu.dma_semaphore, #tpu.memory_space<semaphore_mem>>
      %dma_start3A_537 = arith.constant 0 : i32
      %dma_start3A_538 = tpu.memref_slice %arg8[%run_scoped3A_425, %dma_start3A_537] : memref<126x80xi32, #tpu.memory_space<vmem>> -> memref<1x80xi32, #tpu.memory_space<vmem>>
      %dma_start3A_539 = tpu.memref_squeeze %dma_start3A_538 : memref<1x80xi32, #tpu.memory_space<vmem>> -> memref<80xi32, #tpu.memory_space<vmem>>
      %dma_start3A_540 = arith.constant 0 : i32
      %dma_start3A_541 = arith.constant 0 : i32
      %dma_start3A_542 = tpu.memref_slice %arg12[%dma_start3A_540, %dma_start3A_541] : memref<10008x128xf32, #tpu.memory_space<vmem_shared>> -> memref<10008x128xf32, #tpu.memory_space<vmem_shared>>
      tpu.enqueue_indirect_dma source(%arg10 : memref<80x128xf32, #tpu.memory_space<vmem>>) target(%dma_start3A_542 : memref<10008x128xf32, #tpu.memory_space<vmem_shared>>) offsets(%dma_start3A_539 : memref<80xi32, #tpu.memory_space<vmem>>) semaphore(%run_scoped3A_536 : memref<!tpu.dma_semaphore, #tpu.memory_space<semaphore_mem>>) {add = true}
      %dma_wait3A_543 = arith.constant 0 : i32
      %dma_wait3A_544 = tpu.memref_slice %arg8[%run_scoped3A_425, %dma_wait3A_543] : memref<126x80xi32, #tpu.memory_space<vmem>> -> memref<1x80xi32, #tpu.memory_space<vmem>>
      %dma_wait3A_545 = tpu.memref_squeeze %dma_wait3A_544 : memref<1x80xi32, #tpu.memory_space<vmem>> -> memref<80xi32, #tpu.memory_space<vmem>>
      %dma_wait3A_546 = arith.constant 0 : i32
      %dma_wait3A_547 = arith.constant 0 : i32
      %dma_wait3A_548 = tpu.memref_slice %arg12[%dma_wait3A_546, %dma_wait3A_547] : memref<10008x128xf32, #tpu.memory_space<vmem_shared>> -> memref<10008x128xf32, #tpu.memory_space<vmem_shared>>
      tpu.wait_indirect_dma semaphore(%run_scoped3A_536 : memref<!tpu.dma_semaphore, #tpu.memory_space<semaphore_mem>>) src(%arg10 : memref<80x128xf32, #tpu.memory_space<vmem>>) dst(%dma_wait3A_548 : memref<10008x128xf32, #tpu.memory_space<vmem_shared>>)
      tpu.yield
    }) : () -> ()
    %dma_wait3A_426 = arith.constant 4 : i32
    %dma_wait3A_427 = arith.constant 125 : i32
    %dma_wait3A_428 = arith.constant 0 : i32
    %dma_wait3A_429 = tpu.memref_slice %arg7[%dma_wait3A_427, %dma_wait3A_428] : memref<126x80xi32, #tpu.memory_space<vmem>> -> memref<1x80xi32, #tpu.memory_space<vmem>>
    %dma_wait3A_430 = tpu.memref_squeeze %dma_wait3A_429 : memref<1x80xi32, #tpu.memory_space<vmem>> -> memref<80xi32, #tpu.memory_space<vmem>>
    %dma_wait3A_431 = arith.constant 0 : i32
    %dma_wait3A_432 = arith.constant 0 : i32
    %dma_wait3A_433 = tpu.memref_slice %arg6[%dma_wait3A_426, %dma_wait3A_431, %dma_wait3A_432] : memref<7x20000x128xf32, #tpu.memory_space<hbm>> -> memref<1x20000x128xf32, #tpu.memory_space<hbm>>
    %dma_wait3A_434 = tpu.memref_squeeze %dma_wait3A_433 : memref<1x20000x128xf32, #tpu.memory_space<hbm>> -> memref<20000x128xf32, #tpu.memory_space<hbm>>
    %dma_wait3A_435 = arith.constant 0 : i32
    %dma_wait3A_436 = arith.constant 0 : i32
    %dma_wait3A_437 = tpu.memref_slice %dma_wait3A_434[%dma_wait3A_435, %dma_wait3A_436] : memref<20000x128xf32, #tpu.memory_space<hbm>> -> memref<20000x128xf32, #tpu.memory_space<hbm>>
    tpu.wait_indirect_dma semaphore(%arg15 : memref<!tpu.dma_semaphore, #tpu.memory_space<semaphore_mem>>) src(%dma_wait3A_437 : memref<20000x128xf32, #tpu.memory_space<hbm>>) dst(%arg11 : memref<80x128xf32, #tpu.memory_space<vmem>>)
    %run_scoped3A_438 = arith.constant 125 : i32
    "tpu.region"() ({
      %run_scoped3A_536 = tpu.sem_alloc : memref<!tpu.dma_semaphore, #tpu.memory_space<semaphore_mem>>
      %dma_start3A_537 = arith.constant 0 : i32
      %dma_start3A_538 = tpu.memref_slice %arg8[%run_scoped3A_438, %dma_start3A_537] : memref<126x80xi32, #tpu.memory_space<vmem>> -> memref<1x80xi32, #tpu.memory_space<vmem>>
      %dma_start3A_539 = tpu.memref_squeeze %dma_start3A_538 : memref<1x80xi32, #tpu.memory_space<vmem>> -> memref<80xi32, #tpu.memory_space<vmem>>
      %dma_start3A_540 = arith.constant 0 : i32
      %dma_start3A_541 = arith.constant 0 : i32
      %dma_start3A_542 = tpu.memref_slice %arg12[%dma_start3A_540, %dma_start3A_541] : memref<10008x128xf32, #tpu.memory_space<vmem_shared>> -> memref<10008x128xf32, #tpu.memory_space<vmem_shared>>
      tpu.enqueue_indirect_dma source(%arg11 : memref<80x128xf32, #tpu.memory_space<vmem>>) target(%dma_start3A_542 : memref<10008x128xf32, #tpu.memory_space<vmem_shared>>) offsets(%dma_start3A_539 : memref<80xi32, #tpu.memory_space<vmem>>) semaphore(%run_scoped3A_536 : memref<!tpu.dma_semaphore, #tpu.memory_space<semaphore_mem>>) {add = true}
      %dma_wait3A_543 = arith.constant 0 : i32
      %dma_wait3A_544 = tpu.memref_slice %arg8[%run_scoped3A_438, %dma_wait3A_543] : memref<126x80xi32, #tpu.memory_space<vmem>> -> memref<1x80xi32, #tpu.memory_space<vmem>>
      %dma_wait3A_545 = tpu.memref_squeeze %dma_wait3A_544 : memref<1x80xi32, #tpu.memory_space<vmem>> -> memref<80xi32, #tpu.memory_space<vmem>>
      %dma_wait3A_546 = arith.constant 0 : i32
      %dma_wait3A_547 = arith.constant 0 : i32
      %dma_wait3A_548 = tpu.memref_slice %arg12[%dma_wait3A_546, %dma_wait3A_547] : memref<10008x128xf32, #tpu.memory_space<vmem_shared>> -> memref<10008x128xf32, #tpu.memory_space<vmem_shared>>
      tpu.wait_indirect_dma semaphore(%run_scoped3A_536 : memref<!tpu.dma_semaphore, #tpu.memory_space<semaphore_mem>>) src(%arg11 : memref<80x128xf32, #tpu.memory_space<vmem>>) dst(%dma_wait3A_548 : memref<10008x128xf32, #tpu.memory_space<vmem_shared>>)
      tpu.yield
    }) : () -> ()
    %barrier3A_439 = arith.constant 0 : index
    tpu.barrier barrier_id(%barrier3A_439)
    %scan3A_440 = arith.constant 0 : i32
    %scan3A_441 = arith.constant 0 : i32
    %scan3A_442 = arith.constant 25 : i32
    %scan3A_443 = arith.addi %scan3A_441, %scan3A_442 : i32
    %scan3A_444 = arith.constant 1 : i32
    scf.for %scan3A_536 = %scan3A_441 to %scan3A_443 step %scan3A_444  : i32 {
      %mul3A_537 = arith.constant 25 : i32
      %mul3A_538 = arith.muli %scan3A_536, %mul3A_537 : i32
      %add3A_539 = arith.addi %mul3A_2, %mul3A_538 : i32
      "tpu.region"() ({
        %run_scoped3A_548 = tpu.sem_alloc : memref<!tpu.dma_semaphore, #tpu.memory_space<semaphore_mem>>
        %dma_start3A_549 = arith.constant 0 : i32
        %dma_start3A_550 = arith.constant 0 : i32
        %dma_start3A_551 = tpu.memref_slice %arg10[%dma_start3A_549, %dma_start3A_550] : memref<80x128xf32, #tpu.memory_space<vmem>> -> memref<25x128xf32, #tpu.memory_space<vmem>>
        %dma_start3A_552 = arith.constant 0 : i32
        %dma_start3A_553 = tpu.memref_slice %arg12[%add3A_539, %dma_start3A_552] : memref<10008x128xf32, #tpu.memory_space<vmem_shared>> -> memref<25x128xf32, #tpu.memory_space<vmem_shared>>
        %dma_start3A_554 = arith.constant 0 : i32
        %dma_start3A_555 = arith.constant 0 : i32
        %dma_start3A_556 = tpu.memref_slice %arg10[%dma_start3A_554, %dma_start3A_555] : memref<80x128xf32, #tpu.memory_space<vmem>> -> memref<25x128xf32, #tpu.memory_space<vmem>>
        %dma_start3A_557 = arith.constant 0 : i32
        %dma_start3A_558 = tpu.memref_slice %arg12[%add3A_539, %dma_start3A_557] : memref<10008x128xf32, #tpu.memory_space<vmem_shared>> -> memref<25x128xf32, #tpu.memory_space<vmem_shared>>
        tpu.enqueue_dma source(%dma_start3A_558 : memref<25x128xf32, #tpu.memory_space<vmem_shared>>) target(%dma_start3A_556 : memref<25x128xf32, #tpu.memory_space<vmem>>) target_semaphore(%run_scoped3A_548 : memref<!tpu.dma_semaphore, #tpu.memory_space<semaphore_mem>>)
        %dma_wait3A_559 = arith.constant 0 : i32
        %dma_wait3A_560 = arith.constant 0 : i32
        %dma_wait3A_561 = tpu.memref_slice %arg10[%dma_wait3A_559, %dma_wait3A_560] : memref<80x128xf32, #tpu.memory_space<vmem>> -> memref<25x128xf32, #tpu.memory_space<vmem>>
        %dma_wait3A_562 = arith.constant 0 : i32
        %dma_wait3A_563 = tpu.memref_slice %arg12[%add3A_539, %dma_wait3A_562] : memref<10008x128xf32, #tpu.memory_space<vmem_shared>> -> memref<25x128xf32, #tpu.memory_space<vmem_shared>>
        %dma_wait3A_564 = arith.constant 0 : i32
        %dma_wait3A_565 = arith.constant 0 : i32
        %dma_wait3A_566 = tpu.memref_slice %arg10[%dma_wait3A_564, %dma_wait3A_565] : memref<80x128xf32, #tpu.memory_space<vmem>> -> memref<25x128xf32, #tpu.memory_space<vmem>>
        %dma_wait3A_567 = arith.constant 0 : i32
        %dma_wait3A_568 = tpu.memref_slice %arg12[%add3A_539, %dma_wait3A_567] : memref<10008x128xf32, #tpu.memory_space<vmem_shared>> -> memref<25x128xf32, #tpu.memory_space<vmem_shared>>
        tpu.wait_dma2 semaphore(%run_scoped3A_548 : memref<!tpu.dma_semaphore, #tpu.memory_space<semaphore_mem>>) src(%dma_wait3A_568 : memref<25x128xf32, #tpu.memory_space<vmem_shared>>) dst(%dma_wait3A_566 : memref<25x128xf32, #tpu.memory_space<vmem>>)
        tpu.yield
      }) : () -> ()
      "tpu.region"() ({
        %run_scoped3A_548 = tpu.sem_alloc : memref<!tpu.dma_semaphore, #tpu.memory_space<semaphore_mem>>
        %dma_start3A_549 = arith.constant 0 : i32
        %dma_start3A_550 = arith.constant 0 : i32
        %dma_start3A_551 = tpu.memref_slice %arg9[%dma_start3A_549, %dma_start3A_550] : memref<80x128xf32, #tpu.memory_space<vmem>> -> memref<25x128xf32, #tpu.memory_space<vmem>>
        %dma_start3A_552 = arith.constant 0 : i32
        %dma_start3A_553 = tpu.memref_slice %arg5[%add3A_539, %dma_start3A_552] : memref<10000x128xf32, #tpu.memory_space<hbm>> -> memref<25x128xf32, #tpu.memory_space<hbm>>
        %dma_start3A_554 = arith.constant 0 : i32
        %dma_start3A_555 = arith.constant 0 : i32
        %dma_start3A_556 = tpu.memref_slice %arg9[%dma_start3A_554, %dma_start3A_555] : memref<80x128xf32, #tpu.memory_space<vmem>> -> memref<25x128xf32, #tpu.memory_space<vmem>>
        %dma_start3A_557 = arith.constant 0 : i32
        %dma_start3A_558 = tpu.memref_slice %arg5[%add3A_539, %dma_start3A_557] : memref<10000x128xf32, #tpu.memory_space<hbm>> -> memref<25x128xf32, #tpu.memory_space<hbm>>
        tpu.enqueue_dma source(%dma_start3A_558 : memref<25x128xf32, #tpu.memory_space<hbm>>) target(%dma_start3A_556 : memref<25x128xf32, #tpu.memory_space<vmem>>) target_semaphore(%run_scoped3A_548 : memref<!tpu.dma_semaphore, #tpu.memory_space<semaphore_mem>>)
        %dma_wait3A_559 = arith.constant 0 : i32
        %dma_wait3A_560 = arith.constant 0 : i32
        %dma_wait3A_561 = tpu.memref_slice %arg9[%dma_wait3A_559, %dma_wait3A_560] : memref<80x128xf32, #tpu.memory_space<vmem>> -> memref<25x128xf32, #tpu.memory_space<vmem>>
        %dma_wait3A_562 = arith.constant 0 : i32
        %dma_wait3A_563 = tpu.memref_slice %arg5[%add3A_539, %dma_wait3A_562] : memref<10000x128xf32, #tpu.memory_space<hbm>> -> memref<25x128xf32, #tpu.memory_space<hbm>>
        %dma_wait3A_564 = arith.constant 0 : i32
        %dma_wait3A_565 = arith.constant 0 : i32
        %dma_wait3A_566 = tpu.memref_slice %arg9[%dma_wait3A_564, %dma_wait3A_565] : memref<80x128xf32, #tpu.memory_space<vmem>> -> memref<25x128xf32, #tpu.memory_space<vmem>>
        %dma_wait3A_567 = arith.constant 0 : i32
        %dma_wait3A_568 = tpu.memref_slice %arg5[%add3A_539, %dma_wait3A_567] : memref<10000x128xf32, #tpu.memory_space<hbm>> -> memref<25x128xf32, #tpu.memory_space<hbm>>
        tpu.wait_dma2 semaphore(%run_scoped3A_548 : memref<!tpu.dma_semaphore, #tpu.memory_space<semaphore_mem>>) src(%dma_wait3A_568 : memref<25x128xf32, #tpu.memory_space<hbm>>) dst(%dma_wait3A_566 : memref<25x128xf32, #tpu.memory_space<vmem>>)
        tpu.yield
      }) : () -> ()
      %scan3A_540 = arith.constant 0 : i32
      %scan3A_541 = arith.constant 0 : i32
      %scan3A_542 = arith.constant 25 : i32
      %scan3A_543 = arith.addi %scan3A_541, %scan3A_542 : i32
      %scan3A_544 = arith.constant 1 : i32
      scf.for %scan3A_548 = %scan3A_541 to %scan3A_543 step %scan3A_544  : i32 {
        %get3A = arith.index_cast %scan3A_548 : i32 to index
        %get3A_549 = arith.constant 0 : index
        %get3A_550 = tpu.vector_load %arg10[%get3A, %get3A_549] {strides = array<i32>} : memref<80x128xf32, #tpu.memory_space<vmem>>, vector<1x16xf32>,
        %get3A_551 = vector.shape_cast %get3A_550 : vector<1x16xf32> to vector<16xf32>
        %get3A_552 = arith.index_cast %scan3A_548 : i32 to index
        %get3A_553 = arith.constant 0 : index
        %get3A_554 = tpu.vector_load %arg9[%get3A_552, %get3A_553] {strides = array<i32>} : memref<80x128xf32, #tpu.memory_space<vmem>>, vector<1x16xf32>,
        %get3A_555 = vector.shape_cast %get3A_554 : vector<1x16xf32> to vector<16xf32>
        %mul3A_556 = arith.mulf %get3A_551, %get3A_555 : vector<16xf32>
        %swap3A = arith.index_cast %scan3A_548 : i32 to index
        %swap3A_557 = arith.constant 0 : index
        %swap3A_558 = tpu.vector_load %arg10[%swap3A, %swap3A_557] {strides = array<i32>} : memref<80x128xf32, #tpu.memory_space<vmem>>, vector<1x16xf32>,
        %swap3A_559 = vector.shape_cast %swap3A_558 : vector<1x16xf32> to vector<16xf32>
        %swap3A_560 = vector.shape_cast %mul3A_556 : vector<16xf32> to vector<1x16xf32>
        tpu.vector_store %arg10[%swap3A, %swap3A_557], %swap3A_560 {strides = array<i32>} : memref<80x128xf32, #tpu.memory_space<vmem>>, vector<1x16xf32>,
        %get3A_561 = arith.index_cast %scan3A_548 : i32 to index
        %get3A_562 = arith.constant 16 : index
        %get3A_563 = tpu.vector_load %arg10[%get3A_561, %get3A_562] {strides = array<i32>} : memref<80x128xf32, #tpu.memory_space<vmem>>, vector<1x16xf32>,
        %get3A_564 = vector.shape_cast %get3A_563 : vector<1x16xf32> to vector<16xf32>
        %get3A_565 = arith.index_cast %scan3A_548 : i32 to index
        %get3A_566 = arith.constant 16 : index
        %get3A_567 = tpu.vector_load %arg9[%get3A_565, %get3A_566] {strides = array<i32>} : memref<80x128xf32, #tpu.memory_space<vmem>>, vector<1x16xf32>,
        %get3A_568 = vector.shape_cast %get3A_567 : vector<1x16xf32> to vector<16xf32>
        %mul3A_569 = arith.mulf %get3A_564, %get3A_568 : vector<16xf32>
        %swap3A_570 = arith.index_cast %scan3A_548 : i32 to index
        %swap3A_571 = arith.constant 16 : index
        %swap3A_572 = tpu.vector_load %arg10[%swap3A_570, %swap3A_571] {strides = array<i32>} : memref<80x128xf32, #tpu.memory_space<vmem>>, vector<1x16xf32>,
        %swap3A_573 = vector.shape_cast %swap3A_572 : vector<1x16xf32> to vector<16xf32>
        %swap3A_574 = vector.shape_cast %mul3A_569 : vector<16xf32> to vector<1x16xf32>
        tpu.vector_store %arg10[%swap3A_570, %swap3A_571], %swap3A_574 {strides = array<i32>} : memref<80x128xf32, #tpu.memory_space<vmem>>, vector<1x16xf32>,
        %get3A_575 = arith.index_cast %scan3A_548 : i32 to index
        %get3A_576 = arith.constant 32 : index
        %get3A_577 = tpu.vector_load %arg10[%get3A_575, %get3A_576] {strides = array<i32>} : memref<80x128xf32, #tpu.memory_space<vmem>>, vector<1x16xf32>,
        %get3A_578 = vector.shape_cast %get3A_577 : vector<1x16xf32> to vector<16xf32>
        %get3A_579 = arith.index_cast %scan3A_548 : i32 to index
        %get3A_580 = arith.constant 32 : index
        %get3A_581 = tpu.vector_load %arg9[%get3A_579, %get3A_580] {strides = array<i32>} : memref<80x128xf32, #tpu.memory_space<vmem>>, vector<1x16xf32>,
        %get3A_582 = vector.shape_cast %get3A_581 : vector<1x16xf32> to vector<16xf32>
        %mul3A_583 = arith.mulf %get3A_578, %get3A_582 : vector<16xf32>
        %swap3A_584 = arith.index_cast %scan3A_548 : i32 to index
        %swap3A_585 = arith.constant 32 : index
        %swap3A_586 = tpu.vector_load %arg10[%swap3A_584, %swap3A_585] {strides = array<i32>} : memref<80x128xf32, #tpu.memory_space<vmem>>, vector<1x16xf32>,
        %swap3A_587 = vector.shape_cast %swap3A_586 : vector<1x16xf32> to vector<16xf32>
        %swap3A_588 = vector.shape_cast %mul3A_583 : vector<16xf32> to vector<1x16xf32>
        tpu.vector_store %arg10[%swap3A_584, %swap3A_585], %swap3A_588 {strides = array<i32>} : memref<80x128xf32, #tpu.memory_space<vmem>>, vector<1x16xf32>,
        %get3A_589 = arith.index_cast %scan3A_548 : i32 to index
        %get3A_590 = arith.constant 48 : index
        %get3A_591 = tpu.vector_load %arg10[%get3A_589, %get3A_590] {strides = array<i32>} : memref<80x128xf32, #tpu.memory_space<vmem>>, vector<1x16xf32>,
        %get3A_592 = vector.shape_cast %get3A_591 : vector<1x16xf32> to vector<16xf32>
        %get3A_593 = arith.index_cast %scan3A_548 : i32 to index
        %get3A_594 = arith.constant 48 : index
        %get3A_595 = tpu.vector_load %arg9[%get3A_593, %get3A_594] {strides = array<i32>} : memref<80x128xf32, #tpu.memory_space<vmem>>, vector<1x16xf32>,
        %get3A_596 = vector.shape_cast %get3A_595 : vector<1x16xf32> to vector<16xf32>
        %mul3A_597 = arith.mulf %get3A_592, %get3A_596 : vector<16xf32>
        %swap3A_598 = arith.index_cast %scan3A_548 : i32 to index
        %swap3A_599 = arith.constant 48 : index
        %swap3A_600 = tpu.vector_load %arg10[%swap3A_598, %swap3A_599] {strides = array<i32>} : memref<80x128xf32, #tpu.memory_space<vmem>>, vector<1x16xf32>,
        %swap3A_601 = vector.shape_cast %swap3A_600 : vector<1x16xf32> to vector<16xf32>
        %swap3A_602 = vector.shape_cast %mul3A_597 : vector<16xf32> to vector<1x16xf32>
        tpu.vector_store %arg10[%swap3A_598, %swap3A_599], %swap3A_602 {strides = array<i32>} : memref<80x128xf32, #tpu.memory_space<vmem>>, vector<1x16xf32>,
        %get3A_603 = arith.index_cast %scan3A_548 : i32 to index
        %get3A_604 = arith.constant 64 : index
        %get3A_605 = tpu.vector_load %arg10[%get3A_603, %get3A_604] {strides = array<i32>} : memref<80x128xf32, #tpu.memory_space<vmem>>, vector<1x16xf32>,
        %get3A_606 = vector.shape_cast %get3A_605 : vector<1x16xf32> to vector<16xf32>
        %get3A_607 = arith.index_cast %scan3A_548 : i32 to index
        %get3A_608 = arith.constant 64 : index
        %get3A_609 = tpu.vector_load %arg9[%get3A_607, %get3A_608] {strides = array<i32>} : memref<80x128xf32, #tpu.memory_space<vmem>>, vector<1x16xf32>,
        %get3A_610 = vector.shape_cast %get3A_609 : vector<1x16xf32> to vector<16xf32>
        %mul3A_611 = arith.mulf %get3A_606, %get3A_610 : vector<16xf32>
        %swap3A_612 = arith.index_cast %scan3A_548 : i32 to index
        %swap3A_613 = arith.constant 64 : index
        %swap3A_614 = tpu.vector_load %arg10[%swap3A_612, %swap3A_613] {strides = array<i32>} : memref<80x128xf32, #tpu.memory_space<vmem>>, vector<1x16xf32>,
        %swap3A_615 = vector.shape_cast %swap3A_614 : vector<1x16xf32> to vector<16xf32>
        %swap3A_616 = vector.shape_cast %mul3A_611 : vector<16xf32> to vector<1x16xf32>
        tpu.vector_store %arg10[%swap3A_612, %swap3A_613], %swap3A_616 {strides = array<i32>} : memref<80x128xf32, #tpu.memory_space<vmem>>, vector<1x16xf32>,
        %get3A_617 = arith.index_cast %scan3A_548 : i32 to index
        %get3A_618 = arith.constant 80 : index
        %get3A_619 = tpu.vector_load %arg10[%get3A_617, %get3A_618] {strides = array<i32>} : memref<80x128xf32, #tpu.memory_space<vmem>>, vector<1x16xf32>,
        %get3A_620 = vector.shape_cast %get3A_619 : vector<1x16xf32> to vector<16xf32>
        %get3A_621 = arith.index_cast %scan3A_548 : i32 to index
        %get3A_622 = arith.constant 80 : index
        %get3A_623 = tpu.vector_load %arg9[%get3A_621, %get3A_622] {strides = array<i32>} : memref<80x128xf32, #tpu.memory_space<vmem>>, vector<1x16xf32>,
        %get3A_624 = vector.shape_cast %get3A_623 : vector<1x16xf32> to vector<16xf32>
        %mul3A_625 = arith.mulf %get3A_620, %get3A_624 : vector<16xf32>
        %swap3A_626 = arith.index_cast %scan3A_548 : i32 to index
        %swap3A_627 = arith.constant 80 : index
        %swap3A_628 = tpu.vector_load %arg10[%swap3A_626, %swap3A_627] {strides = array<i32>} : memref<80x128xf32, #tpu.memory_space<vmem>>, vector<1x16xf32>,
        %swap3A_629 = vector.shape_cast %swap3A_628 : vector<1x16xf32> to vector<16xf32>
        %swap3A_630 = vector.shape_cast %mul3A_625 : vector<16xf32> to vector<1x16xf32>
        tpu.vector_store %arg10[%swap3A_626, %swap3A_627], %swap3A_630 {strides = array<i32>} : memref<80x128xf32, #tpu.memory_space<vmem>>, vector<1x16xf32>,
        %get3A_631 = arith.index_cast %scan3A_548 : i32 to index
        %get3A_632 = arith.constant 96 : index
        %get3A_633 = tpu.vector_load %arg10[%get3A_631, %get3A_632] {strides = array<i32>} : memref<80x128xf32, #tpu.memory_space<vmem>>, vector<1x16xf32>,
        %get3A_634 = vector.shape_cast %get3A_633 : vector<1x16xf32> to vector<16xf32>
        %get3A_635 = arith.index_cast %scan3A_548 : i32 to index
        %get3A_636 = arith.constant 96 : index
        %get3A_637 = tpu.vector_load %arg9[%get3A_635, %get3A_636] {strides = array<i32>} : memref<80x128xf32, #tpu.memory_space<vmem>>, vector<1x16xf32>,
        %get3A_638 = vector.shape_cast %get3A_637 : vector<1x16xf32> to vector<16xf32>
        %mul3A_639 = arith.mulf %get3A_634, %get3A_638 : vector<16xf32>
        %swap3A_640 = arith.index_cast %scan3A_548 : i32 to index
        %swap3A_641 = arith.constant 96 : index
        %swap3A_642 = tpu.vector_load %arg10[%swap3A_640, %swap3A_641] {strides = array<i32>} : memref<80x128xf32, #tpu.memory_space<vmem>>, vector<1x16xf32>,
        %swap3A_643 = vector.shape_cast %swap3A_642 : vector<1x16xf32> to vector<16xf32>
        %swap3A_644 = vector.shape_cast %mul3A_639 : vector<16xf32> to vector<1x16xf32>
        tpu.vector_store %arg10[%swap3A_640, %swap3A_641], %swap3A_644 {strides = array<i32>} : memref<80x128xf32, #tpu.memory_space<vmem>>, vector<1x16xf32>,
        %get3A_645 = arith.index_cast %scan3A_548 : i32 to index
        %get3A_646 = arith.constant 112 : index
        %get3A_647 = tpu.vector_load %arg10[%get3A_645, %get3A_646] {strides = array<i32>} : memref<80x128xf32, #tpu.memory_space<vmem>>, vector<1x16xf32>,
        %get3A_648 = vector.shape_cast %get3A_647 : vector<1x16xf32> to vector<16xf32>
        %get3A_649 = arith.index_cast %scan3A_548 : i32 to index
        %get3A_650 = arith.constant 112 : index
        %get3A_651 = tpu.vector_load %arg9[%get3A_649, %get3A_650] {strides = array<i32>} : memref<80x128xf32, #tpu.memory_space<vmem>>, vector<1x16xf32>,
        %get3A_652 = vector.shape_cast %get3A_651 : vector<1x16xf32> to vector<16xf32>
        %mul3A_653 = arith.mulf %get3A_648, %get3A_652 : vector<16xf32>
        %swap3A_654 = arith.index_cast %scan3A_548 : i32 to index
        %swap3A_655 = arith.constant 112 : index
        %swap3A_656 = tpu.vector_load %arg10[%swap3A_654, %swap3A_655] {strides = array<i32>} : memref<80x128xf32, #tpu.memory_space<vmem>>, vector<1x16xf32>,
        %swap3A_657 = vector.shape_cast %swap3A_656 : vector<1x16xf32> to vector<16xf32>
        %swap3A_658 = vector.shape_cast %mul3A_653 : vector<16xf32> to vector<1x16xf32>
        tpu.vector_store %arg10[%swap3A_654, %swap3A_655], %swap3A_658 {strides = array<i32>} : memref<80x128xf32, #tpu.memory_space<vmem>>, vector<1x16xf32>,
      }
      %scan3A_545 = arith.constant 25 : i32
      %add3A_546 = arith.addi %mul3A_0, %add3A_539 : i32
      %run_scoped3A_547 = arith.constant 5 : i32
      "tpu.region"() ({
        %run_scoped3A_548 = tpu.sem_alloc : memref<!tpu.dma_semaphore, #tpu.memory_space<semaphore_mem>>
        %dma_start3A_549 = arith.constant 0 : i32
        %dma_start3A_550 = arith.constant 0 : i32
        %dma_start3A_551 = tpu.memref_slice %arg10[%dma_start3A_549, %dma_start3A_550] : memref<80x128xf32, #tpu.memory_space<vmem>> -> memref<25x128xf32, #tpu.memory_space<vmem>>
        %dma_start3A_552 = arith.constant 0 : i32
        %dma_start3A_553 = tpu.memref_slice %arg6[%run_scoped3A_547, %add3A_546, %dma_start3A_552] : memref<7x20000x128xf32, #tpu.memory_space<hbm>> -> memref<1x25x128xf32, #tpu.memory_space<hbm>>
        %dma_start3A_554 = tpu.memref_squeeze %dma_start3A_553 : memref<1x25x128xf32, #tpu.memory_space<hbm>> -> memref<25x128xf32, #tpu.memory_space<hbm>>
        %dma_start3A_555 = arith.constant 0 : i32
        %dma_start3A_556 = tpu.memref_slice %arg6[%run_scoped3A_547, %add3A_546, %dma_start3A_555] : memref<7x20000x128xf32, #tpu.memory_space<hbm>> -> memref<1x25x128xf32, #tpu.memory_space<hbm>>
        %dma_start3A_557 = tpu.memref_squeeze %dma_start3A_556 : memref<1x25x128xf32, #tpu.memory_space<hbm>> -> memref<25x128xf32, #tpu.memory_space<hbm>>
        %dma_start3A_558 = arith.constant 0 : i32
        %dma_start3A_559 = arith.constant 0 : i32
        %dma_start3A_560 = tpu.memref_slice %arg10[%dma_start3A_558, %dma_start3A_559] : memref<80x128xf32, #tpu.memory_space<vmem>> -> memref<25x128xf32, #tpu.memory_space<vmem>>
        tpu.enqueue_dma source(%dma_start3A_560 : memref<25x128xf32, #tpu.memory_space<vmem>>) target(%dma_start3A_557 : memref<25x128xf32, #tpu.memory_space<hbm>>) target_semaphore(%run_scoped3A_548 : memref<!tpu.dma_semaphore, #tpu.memory_space<semaphore_mem>>)
        %dma_wait3A_561 = arith.constant 0 : i32
        %dma_wait3A_562 = arith.constant 0 : i32
        %dma_wait3A_563 = tpu.memref_slice %arg10[%dma_wait3A_561, %dma_wait3A_562] : memref<80x128xf32, #tpu.memory_space<vmem>> -> memref<25x128xf32, #tpu.memory_space<vmem>>
        %dma_wait3A_564 = arith.constant 0 : i32
        %dma_wait3A_565 = tpu.memref_slice %arg6[%run_scoped3A_547, %add3A_546, %dma_wait3A_564] : memref<7x20000x128xf32, #tpu.memory_space<hbm>> -> memref<1x25x128xf32, #tpu.memory_space<hbm>>
        %dma_wait3A_566 = tpu.memref_squeeze %dma_wait3A_565 : memref<1x25x128xf32, #tpu.memory_space<hbm>> -> memref<25x128xf32, #tpu.memory_space<hbm>>
        %dma_wait3A_567 = arith.constant 0 : i32
        %dma_wait3A_568 = tpu.memref_slice %arg6[%run_scoped3A_547, %add3A_546, %dma_wait3A_567] : memref<7x20000x128xf32, #tpu.memory_space<hbm>> -> memref<1x25x128xf32, #tpu.memory_space<hbm>>
        %dma_wait3A_569 = tpu.memref_squeeze %dma_wait3A_568 : memref<1x25x128xf32, #tpu.memory_space<hbm>> -> memref<25x128xf32, #tpu.memory_space<hbm>>
        %dma_wait3A_570 = arith.constant 0 : i32
        %dma_wait3A_571 = arith.constant 0 : i32
        %dma_wait3A_572 = tpu.memref_slice %arg10[%dma_wait3A_570, %dma_wait3A_571] : memref<80x128xf32, #tpu.memory_space<vmem>> -> memref<25x128xf32, #tpu.memory_space<vmem>>
        tpu.wait_dma2 semaphore(%run_scoped3A_548 : memref<!tpu.dma_semaphore, #tpu.memory_space<semaphore_mem>>) src(%dma_wait3A_572 : memref<25x128xf32, #tpu.memory_space<vmem>>) dst(%dma_wait3A_569 : memref<25x128xf32, #tpu.memory_space<hbm>>)
        tpu.yield
      }) : () -> ()
      "tpu.region"() ({
        %run_scoped3A_548 = tpu.sem_alloc : memref<!tpu.dma_semaphore, #tpu.memory_space<semaphore_mem>>
        %dma_start3A_549 = arith.constant 0 : i32
        %dma_start3A_550 = arith.constant 0 : i32
        %dma_start3A_551 = tpu.memref_slice %arg10[%dma_start3A_549, %dma_start3A_550] : memref<80x128xf32, #tpu.memory_space<vmem>> -> memref<25x128xf32, #tpu.memory_space<vmem>>
        %dma_start3A_552 = arith.constant 0 : i32
        %dma_start3A_553 = tpu.memref_slice %arg12[%add3A_539, %dma_start3A_552] : memref<10008x128xf32, #tpu.memory_space<vmem_shared>> -> memref<25x128xf32, #tpu.memory_space<vmem_shared>>
        %dma_start3A_554 = arith.constant 0 : i32
        %dma_start3A_555 = tpu.memref_slice %arg12[%add3A_539, %dma_start3A_554] : memref<10008x128xf32, #tpu.memory_space<vmem_shared>> -> memref<25x128xf32, #tpu.memory_space<vmem_shared>>
        %dma_start3A_556 = arith.constant 0 : i32
        %dma_start3A_557 = arith.constant 0 : i32
        %dma_start3A_558 = tpu.memref_slice %arg10[%dma_start3A_556, %dma_start3A_557] : memref<80x128xf32, #tpu.memory_space<vmem>> -> memref<25x128xf32, #tpu.memory_space<vmem>>
        tpu.enqueue_dma source(%dma_start3A_558 : memref<25x128xf32, #tpu.memory_space<vmem>>) target(%dma_start3A_555 : memref<25x128xf32, #tpu.memory_space<vmem_shared>>) target_semaphore(%run_scoped3A_548 : memref<!tpu.dma_semaphore, #tpu.memory_space<semaphore_mem>>)
        %dma_wait3A_559 = arith.constant 0 : i32
        %dma_wait3A_560 = arith.constant 0 : i32
        %dma_wait3A_561 = tpu.memref_slice %arg10[%dma_wait3A_559, %dma_wait3A_560] : memref<80x128xf32, #tpu.memory_space<vmem>> -> memref<25x128xf32, #tpu.memory_space<vmem>>
        %dma_wait3A_562 = arith.constant 0 : i32
        %dma_wait3A_563 = tpu.memref_slice %arg12[%add3A_539, %dma_wait3A_562] : memref<10008x128xf32, #tpu.memory_space<vmem_shared>> -> memref<25x128xf32, #tpu.memory_space<vmem_shared>>
        %dma_wait3A_564 = arith.constant 0 : i32
        %dma_wait3A_565 = tpu.memref_slice %arg12[%add3A_539, %dma_wait3A_564] : memref<10008x128xf32, #tpu.memory_space<vmem_shared>> -> memref<25x128xf32, #tpu.memory_space<vmem_shared>>
        %dma_wait3A_566 = arith.constant 0 : i32
        %dma_wait3A_567 = arith.constant 0 : i32
        %dma_wait3A_568 = tpu.memref_slice %arg10[%dma_wait3A_566, %dma_wait3A_567] : memref<80x128xf32, #tpu.memory_space<vmem>> -> memref<25x128xf32, #tpu.memory_space<vmem>>
        tpu.wait_dma2 semaphore(%run_scoped3A_548 : memref<!tpu.dma_semaphore, #tpu.memory_space<semaphore_mem>>) src(%dma_wait3A_568 : memref<25x128xf32, #tpu.memory_space<vmem>>) dst(%dma_wait3A_565 : memref<25x128xf32, #tpu.memory_space<vmem_shared>>)
        tpu.yield
      }) : () -> ()
    }
    %scan3A_445 = arith.constant 25 : i32
    %barrier3A_446 = arith.constant 0 : index
    tpu.barrier barrier_id(%barrier3A_446)
    %dma_start3A_447 = arith.constant 5 : i32
    %dma_start3A_448 = arith.constant 0 : i32
    %dma_start3A_449 = arith.constant 0 : i32
    %dma_start3A_450 = tpu.memref_slice %arg7[%dma_start3A_448, %dma_start3A_449] : memref<126x80xi32, #tpu.memory_space<vmem>> -> memref<1x80xi32, #tpu.memory_space<vmem>>
    %dma_start3A_451 = tpu.memref_squeeze %dma_start3A_450 : memref<1x80xi32, #tpu.memory_space<vmem>> -> memref<80xi32, #tpu.memory_space<vmem>>
    %dma_start3A_452 = arith.constant 0 : i32
    %dma_start3A_453 = arith.constant 0 : i32
    %dma_start3A_454 = tpu.memref_slice %arg6[%dma_start3A_447, %dma_start3A_452, %dma_start3A_453] : memref<7x20000x128xf32, #tpu.memory_space<hbm>> -> memref<1x20000x128xf32, #tpu.memory_space<hbm>>
    %dma_start3A_455 = tpu.memref_squeeze %dma_start3A_454 : memref<1x20000x128xf32, #tpu.memory_space<hbm>> -> memref<20000x128xf32, #tpu.memory_space<hbm>>
    %dma_start3A_456 = arith.constant 0 : i32
    %dma_start3A_457 = arith.constant 0 : i32
    %dma_start3A_458 = tpu.memref_slice %dma_start3A_455[%dma_start3A_456, %dma_start3A_457] : memref<20000x128xf32, #tpu.memory_space<hbm>> -> memref<20000x128xf32, #tpu.memory_space<hbm>>
    tpu.enqueue_indirect_dma source(%dma_start3A_458 : memref<20000x128xf32, #tpu.memory_space<hbm>>) target(%arg9 : memref<80x128xf32, #tpu.memory_space<vmem>>) offsets(%dma_start3A_451 : memref<80xi32, #tpu.memory_space<vmem>>) semaphore(%arg13 : memref<!tpu.dma_semaphore, #tpu.memory_space<semaphore_mem>>)
    %dma_start3A_459 = arith.constant 5 : i32
    %dma_start3A_460 = arith.constant 1 : i32
    %dma_start3A_461 = arith.constant 0 : i32
    %dma_start3A_462 = tpu.memref_slice %arg7[%dma_start3A_460, %dma_start3A_461] : memref<126x80xi32, #tpu.memory_space<vmem>> -> memref<1x80xi32, #tpu.memory_space<vmem>>
    %dma_start3A_463 = tpu.memref_squeeze %dma_start3A_462 : memref<1x80xi32, #tpu.memory_space<vmem>> -> memref<80xi32, #tpu.memory_space<vmem>>
    %dma_start3A_464 = arith.constant 0 : i32
    %dma_start3A_465 = arith.constant 0 : i32
    %dma_start3A_466 = tpu.memref_slice %arg6[%dma_start3A_459, %dma_start3A_464, %dma_start3A_465] : memref<7x20000x128xf32, #tpu.memory_space<hbm>> -> memref<1x20000x128xf32, #tpu.memory_space<hbm>>
    %dma_start3A_467 = tpu.memref_squeeze %dma_start3A_466 : memref<1x20000x128xf32, #tpu.memory_space<hbm>> -> memref<20000x128xf32, #tpu.memory_space<hbm>>
    %dma_start3A_468 = arith.constant 0 : i32
    %dma_start3A_469 = arith.constant 0 : i32
    %dma_start3A_470 = tpu.memref_slice %dma_start3A_467[%dma_start3A_468, %dma_start3A_469] : memref<20000x128xf32, #tpu.memory_space<hbm>> -> memref<20000x128xf32, #tpu.memory_space<hbm>>
    tpu.enqueue_indirect_dma source(%dma_start3A_470 : memref<20000x128xf32, #tpu.memory_space<hbm>>) target(%arg10 : memref<80x128xf32, #tpu.memory_space<vmem>>) offsets(%dma_start3A_463 : memref<80xi32, #tpu.memory_space<vmem>>) semaphore(%arg14 : memref<!tpu.dma_semaphore, #tpu.memory_space<semaphore_mem>>)
    %scan3A_471 = arith.constant 0 : i32
    %scan3A_472 = arith.constant 0 : i32
    %scan3A_473 = arith.constant 41 : i32
    %scan3A_474 = arith.addi %scan3A_472, %scan3A_473 : i32
    %scan3A_475 = arith.constant 1 : i32
    scf.for %scan3A_536 = %scan3A_472 to %scan3A_474 step %scan3A_475  : i32 {
      %mul3A_537 = arith.constant 3 : i32
      %mul3A_538 = arith.muli %mul3A_537, %scan3A_536 : i32
      %add3A_539 = arith.constant 2 : i32
      %add3A_540 = arith.addi %mul3A_538, %add3A_539 : i32
      %dma_start3A_541 = arith.constant 5 : i32
      %dma_start3A_542 = arith.constant 0 : i32
      %dma_start3A_543 = tpu.memref_slice %arg7[%add3A_540, %dma_start3A_542] : memref<126x80xi32, #tpu.memory_space<vmem>> -> memref<1x80xi32, #tpu.memory_space<vmem>>
      %dma_start3A_544 = tpu.memref_squeeze %dma_start3A_543 : memref<1x80xi32, #tpu.memory_space<vmem>> -> memref<80xi32, #tpu.memory_space<vmem>>
      %dma_start3A_545 = arith.constant 0 : i32
      %dma_start3A_546 = arith.constant 0 : i32
      %dma_start3A_547 = tpu.memref_slice %arg6[%dma_start3A_541, %dma_start3A_545, %dma_start3A_546] : memref<7x20000x128xf32, #tpu.memory_space<hbm>> -> memref<1x20000x128xf32, #tpu.memory_space<hbm>>
      %dma_start3A_548 = tpu.memref_squeeze %dma_start3A_547 : memref<1x20000x128xf32, #tpu.memory_space<hbm>> -> memref<20000x128xf32, #tpu.memory_space<hbm>>
      %dma_start3A_549 = arith.constant 0 : i32
      %dma_start3A_550 = arith.constant 0 : i32
      %dma_start3A_551 = tpu.memref_slice %dma_start3A_548[%dma_start3A_549, %dma_start3A_550] : memref<20000x128xf32, #tpu.memory_space<hbm>> -> memref<20000x128xf32, #tpu.memory_space<hbm>>
      tpu.enqueue_indirect_dma source(%dma_start3A_551 : memref<20000x128xf32, #tpu.memory_space<hbm>>) target(%arg11 : memref<80x128xf32, #tpu.memory_space<vmem>>) offsets(%dma_start3A_544 : memref<80xi32, #tpu.memory_space<vmem>>) semaphore(%arg15 : memref<!tpu.dma_semaphore, #tpu.memory_space<semaphore_mem>>)
      %dma_wait3A_552 = arith.constant 5 : i32
      %dma_wait3A_553 = arith.constant 0 : i32
      %dma_wait3A_554 = tpu.memref_slice %arg7[%mul3A_538, %dma_wait3A_553] : memref<126x80xi32, #tpu.memory_space<vmem>> -> memref<1x80xi32, #tpu.memory_space<vmem>>
      %dma_wait3A_555 = tpu.memref_squeeze %dma_wait3A_554 : memref<1x80xi32, #tpu.memory_space<vmem>> -> memref<80xi32, #tpu.memory_space<vmem>>
      %dma_wait3A_556 = arith.constant 0 : i32
      %dma_wait3A_557 = arith.constant 0 : i32
      %dma_wait3A_558 = tpu.memref_slice %arg6[%dma_wait3A_552, %dma_wait3A_556, %dma_wait3A_557] : memref<7x20000x128xf32, #tpu.memory_space<hbm>> -> memref<1x20000x128xf32, #tpu.memory_space<hbm>>
      %dma_wait3A_559 = tpu.memref_squeeze %dma_wait3A_558 : memref<1x20000x128xf32, #tpu.memory_space<hbm>> -> memref<20000x128xf32, #tpu.memory_space<hbm>>
      %dma_wait3A_560 = arith.constant 0 : i32
      %dma_wait3A_561 = arith.constant 0 : i32
      %dma_wait3A_562 = tpu.memref_slice %dma_wait3A_559[%dma_wait3A_560, %dma_wait3A_561] : memref<20000x128xf32, #tpu.memory_space<hbm>> -> memref<20000x128xf32, #tpu.memory_space<hbm>>
      tpu.wait_indirect_dma semaphore(%arg13 : memref<!tpu.dma_semaphore, #tpu.memory_space<semaphore_mem>>) src(%dma_wait3A_562 : memref<20000x128xf32, #tpu.memory_space<hbm>>) dst(%arg9 : memref<80x128xf32, #tpu.memory_space<vmem>>)
      "tpu.region"() ({
        %run_scoped3A_619 = tpu.sem_alloc : memref<!tpu.dma_semaphore, #tpu.memory_space<semaphore_mem>>
        %dma_start3A_620 = arith.constant 0 : i32
        %dma_start3A_621 = tpu.memref_slice %arg8[%mul3A_538, %dma_start3A_620] : memref<126x80xi32, #tpu.memory_space<vmem>> -> memref<1x80xi32, #tpu.memory_space<vmem>>
        %dma_start3A_622 = tpu.memref_squeeze %dma_start3A_621 : memref<1x80xi32, #tpu.memory_space<vmem>> -> memref<80xi32, #tpu.memory_space<vmem>>
        %dma_start3A_623 = arith.constant 0 : i32
        %dma_start3A_624 = arith.constant 0 : i32
        %dma_start3A_625 = tpu.memref_slice %arg12[%dma_start3A_623, %dma_start3A_624] : memref<10008x128xf32, #tpu.memory_space<vmem_shared>> -> memref<10008x128xf32, #tpu.memory_space<vmem_shared>>
        tpu.enqueue_indirect_dma source(%arg9 : memref<80x128xf32, #tpu.memory_space<vmem>>) target(%dma_start3A_625 : memref<10008x128xf32, #tpu.memory_space<vmem_shared>>) offsets(%dma_start3A_622 : memref<80xi32, #tpu.memory_space<vmem>>) semaphore(%run_scoped3A_619 : memref<!tpu.dma_semaphore, #tpu.memory_space<semaphore_mem>>) {add = true}
        %dma_wait3A_626 = arith.constant 0 : i32
        %dma_wait3A_627 = tpu.memref_slice %arg8[%mul3A_538, %dma_wait3A_626] : memref<126x80xi32, #tpu.memory_space<vmem>> -> memref<1x80xi32, #tpu.memory_space<vmem>>
        %dma_wait3A_628 = tpu.memref_squeeze %dma_wait3A_627 : memref<1x80xi32, #tpu.memory_space<vmem>> -> memref<80xi32, #tpu.memory_space<vmem>>
        %dma_wait3A_629 = arith.constant 0 : i32
        %dma_wait3A_630 = arith.constant 0 : i32
        %dma_wait3A_631 = tpu.memref_slice %arg12[%dma_wait3A_629, %dma_wait3A_630] : memref<10008x128xf32, #tpu.memory_space<vmem_shared>> -> memref<10008x128xf32, #tpu.memory_space<vmem_shared>>
        tpu.wait_indirect_dma semaphore(%run_scoped3A_619 : memref<!tpu.dma_semaphore, #tpu.memory_space<semaphore_mem>>) src(%arg9 : memref<80x128xf32, #tpu.memory_space<vmem>>) dst(%dma_wait3A_631 : memref<10008x128xf32, #tpu.memory_space<vmem_shared>>)
        tpu.yield
      }) : () -> ()
      %add3A_563 = arith.constant 3 : i32
      %add3A_564 = arith.addi %mul3A_538, %add3A_563 : i32
      %dma_start3A_565 = arith.constant 5 : i32
      %dma_start3A_566 = arith.constant 0 : i32
      %dma_start3A_567 = tpu.memref_slice %arg7[%add3A_564, %dma_start3A_566] : memref<126x80xi32, #tpu.memory_space<vmem>> -> memref<1x80xi32, #tpu.memory_space<vmem>>
      %dma_start3A_568 = tpu.memref_squeeze %dma_start3A_567 : memref<1x80xi32, #tpu.memory_space<vmem>> -> memref<80xi32, #tpu.memory_space<vmem>>
      %dma_start3A_569 = arith.constant 0 : i32
      %dma_start3A_570 = arith.constant 0 : i32
      %dma_start3A_571 = tpu.memref_slice %arg6[%dma_start3A_565, %dma_start3A_569, %dma_start3A_570] : memref<7x20000x128xf32, #tpu.memory_space<hbm>> -> memref<1x20000x128xf32, #tpu.memory_space<hbm>>
      %dma_start3A_572 = tpu.memref_squeeze %dma_start3A_571 : memref<1x20000x128xf32, #tpu.memory_space<hbm>> -> memref<20000x128xf32, #tpu.memory_space<hbm>>
      %dma_start3A_573 = arith.constant 0 : i32
      %dma_start3A_574 = arith.constant 0 : i32
      %dma_start3A_575 = tpu.memref_slice %dma_start3A_572[%dma_start3A_573, %dma_start3A_574] : memref<20000x128xf32, #tpu.memory_space<hbm>> -> memref<20000x128xf32, #tpu.memory_space<hbm>>
      tpu.enqueue_indirect_dma source(%dma_start3A_575 : memref<20000x128xf32, #tpu.memory_space<hbm>>) target(%arg9 : memref<80x128xf32, #tpu.memory_space<vmem>>) offsets(%dma_start3A_568 : memref<80xi32, #tpu.memory_space<vmem>>) semaphore(%arg13 : memref<!tpu.dma_semaphore, #tpu.memory_space<semaphore_mem>>)
      %add3A_576 = arith.constant 1 : i32
      %add3A_577 = arith.addi %mul3A_538, %add3A_576 : i32
      %dma_wait3A_578 = arith.constant 5 : i32
      %dma_wait3A_579 = arith.constant 0 : i32
      %dma_wait3A_580 = tpu.memref_slice %arg7[%add3A_577, %dma_wait3A_579] : memref<126x80xi32, #tpu.memory_space<vmem>> -> memref<1x80xi32, #tpu.memory_space<vmem>>
      %dma_wait3A_581 = tpu.memref_squeeze %dma_wait3A_580 : memref<1x80xi32, #tpu.memory_space<vmem>> -> memref<80xi32, #tpu.memory_space<vmem>>
      %dma_wait3A_582 = arith.constant 0 : i32
      %dma_wait3A_583 = arith.constant 0 : i32
      %dma_wait3A_584 = tpu.memref_slice %arg6[%dma_wait3A_578, %dma_wait3A_582, %dma_wait3A_583] : memref<7x20000x128xf32, #tpu.memory_space<hbm>> -> memref<1x20000x128xf32, #tpu.memory_space<hbm>>
      %dma_wait3A_585 = tpu.memref_squeeze %dma_wait3A_584 : memref<1x20000x128xf32, #tpu.memory_space<hbm>> -> memref<20000x128xf32, #tpu.memory_space<hbm>>
      %dma_wait3A_586 = arith.constant 0 : i32
      %dma_wait3A_587 = arith.constant 0 : i32
      %dma_wait3A_588 = tpu.memref_slice %dma_wait3A_585[%dma_wait3A_586, %dma_wait3A_587] : memref<20000x128xf32, #tpu.memory_space<hbm>> -> memref<20000x128xf32, #tpu.memory_space<hbm>>
      tpu.wait_indirect_dma semaphore(%arg14 : memref<!tpu.dma_semaphore, #tpu.memory_space<semaphore_mem>>) src(%dma_wait3A_588 : memref<20000x128xf32, #tpu.memory_space<hbm>>) dst(%arg10 : memref<80x128xf32, #tpu.memory_space<vmem>>)
      %add3A_589 = arith.constant 1 : i32
      %add3A_590 = arith.addi %mul3A_538, %add3A_589 : i32
      "tpu.region"() ({
        %run_scoped3A_619 = tpu.sem_alloc : memref<!tpu.dma_semaphore, #tpu.memory_space<semaphore_mem>>
        %dma_start3A_620 = arith.constant 0 : i32
        %dma_start3A_621 = tpu.memref_slice %arg8[%add3A_590, %dma_start3A_620] : memref<126x80xi32, #tpu.memory_space<vmem>> -> memref<1x80xi32, #tpu.memory_space<vmem>>
        %dma_start3A_622 = tpu.memref_squeeze %dma_start3A_621 : memref<1x80xi32, #tpu.memory_space<vmem>> -> memref<80xi32, #tpu.memory_space<vmem>>
        %dma_start3A_623 = arith.constant 0 : i32
        %dma_start3A_624 = arith.constant 0 : i32
        %dma_start3A_625 = tpu.memref_slice %arg12[%dma_start3A_623, %dma_start3A_624] : memref<10008x128xf32, #tpu.memory_space<vmem_shared>> -> memref<10008x128xf32, #tpu.memory_space<vmem_shared>>
        tpu.enqueue_indirect_dma source(%arg10 : memref<80x128xf32, #tpu.memory_space<vmem>>) target(%dma_start3A_625 : memref<10008x128xf32, #tpu.memory_space<vmem_shared>>) offsets(%dma_start3A_622 : memref<80xi32, #tpu.memory_space<vmem>>) semaphore(%run_scoped3A_619 : memref<!tpu.dma_semaphore, #tpu.memory_space<semaphore_mem>>) {add = true}
        %dma_wait3A_626 = arith.constant 0 : i32
        %dma_wait3A_627 = tpu.memref_slice %arg8[%add3A_590, %dma_wait3A_626] : memref<126x80xi32, #tpu.memory_space<vmem>> -> memref<1x80xi32, #tpu.memory_space<vmem>>
        %dma_wait3A_628 = tpu.memref_squeeze %dma_wait3A_627 : memref<1x80xi32, #tpu.memory_space<vmem>> -> memref<80xi32, #tpu.memory_space<vmem>>
        %dma_wait3A_629 = arith.constant 0 : i32
        %dma_wait3A_630 = arith.constant 0 : i32
        %dma_wait3A_631 = tpu.memref_slice %arg12[%dma_wait3A_629, %dma_wait3A_630] : memref<10008x128xf32, #tpu.memory_space<vmem_shared>> -> memref<10008x128xf32, #tpu.memory_space<vmem_shared>>
        tpu.wait_indirect_dma semaphore(%run_scoped3A_619 : memref<!tpu.dma_semaphore, #tpu.memory_space<semaphore_mem>>) src(%arg10 : memref<80x128xf32, #tpu.memory_space<vmem>>) dst(%dma_wait3A_631 : memref<10008x128xf32, #tpu.memory_space<vmem_shared>>)
        tpu.yield
      }) : () -> ()
      %add3A_591 = arith.constant 4 : i32
      %add3A_592 = arith.addi %mul3A_538, %add3A_591 : i32
      %dma_start3A_593 = arith.constant 5 : i32
      %dma_start3A_594 = arith.constant 0 : i32
      %dma_start3A_595 = tpu.memref_slice %arg7[%add3A_592, %dma_start3A_594] : memref<126x80xi32, #tpu.memory_space<vmem>> -> memref<1x80xi32, #tpu.memory_space<vmem>>
      %dma_start3A_596 = tpu.memref_squeeze %dma_start3A_595 : memref<1x80xi32, #tpu.memory_space<vmem>> -> memref<80xi32, #tpu.memory_space<vmem>>
      %dma_start3A_597 = arith.constant 0 : i32
      %dma_start3A_598 = arith.constant 0 : i32
      %dma_start3A_599 = tpu.memref_slice %arg6[%dma_start3A_593, %dma_start3A_597, %dma_start3A_598] : memref<7x20000x128xf32, #tpu.memory_space<hbm>> -> memref<1x20000x128xf32, #tpu.memory_space<hbm>>
      %dma_start3A_600 = tpu.memref_squeeze %dma_start3A_599 : memref<1x20000x128xf32, #tpu.memory_space<hbm>> -> memref<20000x128xf32, #tpu.memory_space<hbm>>
      %dma_start3A_601 = arith.constant 0 : i32
      %dma_start3A_602 = arith.constant 0 : i32
      %dma_start3A_603 = tpu.memref_slice %dma_start3A_600[%dma_start3A_601, %dma_start3A_602] : memref<20000x128xf32, #tpu.memory_space<hbm>> -> memref<20000x128xf32, #tpu.memory_space<hbm>>
      tpu.enqueue_indirect_dma source(%dma_start3A_603 : memref<20000x128xf32, #tpu.memory_space<hbm>>) target(%arg10 : memref<80x128xf32, #tpu.memory_space<vmem>>) offsets(%dma_start3A_596 : memref<80xi32, #tpu.memory_space<vmem>>) semaphore(%arg14 : memref<!tpu.dma_semaphore, #tpu.memory_space<semaphore_mem>>)
      %add3A_604 = arith.constant 2 : i32
      %add3A_605 = arith.addi %mul3A_538, %add3A_604 : i32
      %dma_wait3A_606 = arith.constant 5 : i32
      %dma_wait3A_607 = arith.constant 0 : i32
      %dma_wait3A_608 = tpu.memref_slice %arg7[%add3A_605, %dma_wait3A_607] : memref<126x80xi32, #tpu.memory_space<vmem>> -> memref<1x80xi32, #tpu.memory_space<vmem>>
      %dma_wait3A_609 = tpu.memref_squeeze %dma_wait3A_608 : memref<1x80xi32, #tpu.memory_space<vmem>> -> memref<80xi32, #tpu.memory_space<vmem>>
      %dma_wait3A_610 = arith.constant 0 : i32
      %dma_wait3A_611 = arith.constant 0 : i32
      %dma_wait3A_612 = tpu.memref_slice %arg6[%dma_wait3A_606, %dma_wait3A_610, %dma_wait3A_611] : memref<7x20000x128xf32, #tpu.memory_space<hbm>> -> memref<1x20000x128xf32, #tpu.memory_space<hbm>>
      %dma_wait3A_613 = tpu.memref_squeeze %dma_wait3A_612 : memref<1x20000x128xf32, #tpu.memory_space<hbm>> -> memref<20000x128xf32, #tpu.memory_space<hbm>>
      %dma_wait3A_614 = arith.constant 0 : i32
      %dma_wait3A_615 = arith.constant 0 : i32
      %dma_wait3A_616 = tpu.memref_slice %dma_wait3A_613[%dma_wait3A_614, %dma_wait3A_615] : memref<20000x128xf32, #tpu.memory_space<hbm>> -> memref<20000x128xf32, #tpu.memory_space<hbm>>
      tpu.wait_indirect_dma semaphore(%arg15 : memref<!tpu.dma_semaphore, #tpu.memory_space<semaphore_mem>>) src(%dma_wait3A_616 : memref<20000x128xf32, #tpu.memory_space<hbm>>) dst(%arg11 : memref<80x128xf32, #tpu.memory_space<vmem>>)
      %add3A_617 = arith.constant 2 : i32
      %add3A_618 = arith.addi %mul3A_538, %add3A_617 : i32
      "tpu.region"() ({
        %run_scoped3A_619 = tpu.sem_alloc : memref<!tpu.dma_semaphore, #tpu.memory_space<semaphore_mem>>
        %dma_start3A_620 = arith.constant 0 : i32
        %dma_start3A_621 = tpu.memref_slice %arg8[%add3A_618, %dma_start3A_620] : memref<126x80xi32, #tpu.memory_space<vmem>> -> memref<1x80xi32, #tpu.memory_space<vmem>>
        %dma_start3A_622 = tpu.memref_squeeze %dma_start3A_621 : memref<1x80xi32, #tpu.memory_space<vmem>> -> memref<80xi32, #tpu.memory_space<vmem>>
        %dma_start3A_623 = arith.constant 0 : i32
        %dma_start3A_624 = arith.constant 0 : i32
        %dma_start3A_625 = tpu.memref_slice %arg12[%dma_start3A_623, %dma_start3A_624] : memref<10008x128xf32, #tpu.memory_space<vmem_shared>> -> memref<10008x128xf32, #tpu.memory_space<vmem_shared>>
        tpu.enqueue_indirect_dma source(%arg11 : memref<80x128xf32, #tpu.memory_space<vmem>>) target(%dma_start3A_625 : memref<10008x128xf32, #tpu.memory_space<vmem_shared>>) offsets(%dma_start3A_622 : memref<80xi32, #tpu.memory_space<vmem>>) semaphore(%run_scoped3A_619 : memref<!tpu.dma_semaphore, #tpu.memory_space<semaphore_mem>>) {add = true}
        %dma_wait3A_626 = arith.constant 0 : i32
        %dma_wait3A_627 = tpu.memref_slice %arg8[%add3A_618, %dma_wait3A_626] : memref<126x80xi32, #tpu.memory_space<vmem>> -> memref<1x80xi32, #tpu.memory_space<vmem>>
        %dma_wait3A_628 = tpu.memref_squeeze %dma_wait3A_627 : memref<1x80xi32, #tpu.memory_space<vmem>> -> memref<80xi32, #tpu.memory_space<vmem>>
        %dma_wait3A_629 = arith.constant 0 : i32
        %dma_wait3A_630 = arith.constant 0 : i32
        %dma_wait3A_631 = tpu.memref_slice %arg12[%dma_wait3A_629, %dma_wait3A_630] : memref<10008x128xf32, #tpu.memory_space<vmem_shared>> -> memref<10008x128xf32, #tpu.memory_space<vmem_shared>>
        tpu.wait_indirect_dma semaphore(%run_scoped3A_619 : memref<!tpu.dma_semaphore, #tpu.memory_space<semaphore_mem>>) src(%arg11 : memref<80x128xf32, #tpu.memory_space<vmem>>) dst(%dma_wait3A_631 : memref<10008x128xf32, #tpu.memory_space<vmem_shared>>)
        tpu.yield
      }) : () -> ()
    }
    %scan3A_476 = arith.constant 41 : i32
    %dma_start3A_477 = arith.constant 5 : i32
    %dma_start3A_478 = arith.constant 125 : i32
    %dma_start3A_479 = arith.constant 0 : i32
    %dma_start3A_480 = tpu.memref_slice %arg7[%dma_start3A_478, %dma_start3A_479] : memref<126x80xi32, #tpu.memory_space<vmem>> -> memref<1x80xi32, #tpu.memory_space<vmem>>
    %dma_start3A_481 = tpu.memref_squeeze %dma_start3A_480 : memref<1x80xi32, #tpu.memory_space<vmem>> -> memref<80xi32, #tpu.memory_space<vmem>>
    %dma_start3A_482 = arith.constant 0 : i32
    %dma_start3A_483 = arith.constant 0 : i32
    %dma_start3A_484 = tpu.memref_slice %arg6[%dma_start3A_477, %dma_start3A_482, %dma_start3A_483] : memref<7x20000x128xf32, #tpu.memory_space<hbm>> -> memref<1x20000x128xf32, #tpu.memory_space<hbm>>
    %dma_start3A_485 = tpu.memref_squeeze %dma_start3A_484 : memref<1x20000x128xf32, #tpu.memory_space<hbm>> -> memref<20000x128xf32, #tpu.memory_space<hbm>>
    %dma_start3A_486 = arith.constant 0 : i32
    %dma_start3A_487 = arith.constant 0 : i32
    %dma_start3A_488 = tpu.memref_slice %dma_start3A_485[%dma_start3A_486, %dma_start3A_487] : memref<20000x128xf32, #tpu.memory_space<hbm>> -> memref<20000x128xf32, #tpu.memory_space<hbm>>
    tpu.enqueue_indirect_dma source(%dma_start3A_488 : memref<20000x128xf32, #tpu.memory_space<hbm>>) target(%arg11 : memref<80x128xf32, #tpu.memory_space<vmem>>) offsets(%dma_start3A_481 : memref<80xi32, #tpu.memory_space<vmem>>) semaphore(%arg15 : memref<!tpu.dma_semaphore, #tpu.memory_space<semaphore_mem>>)
    %dma_wait3A_489 = arith.constant 5 : i32
    %dma_wait3A_490 = arith.constant 123 : i32
    %dma_wait3A_491 = arith.constant 0 : i32
    %dma_wait3A_492 = tpu.memref_slice %arg7[%dma_wait3A_490, %dma_wait3A_491] : memref<126x80xi32, #tpu.memory_space<vmem>> -> memref<1x80xi32, #tpu.memory_space<vmem>>
    %dma_wait3A_493 = tpu.memref_squeeze %dma_wait3A_492 : memref<1x80xi32, #tpu.memory_space<vmem>> -> memref<80xi32, #tpu.memory_space<vmem>>
    %dma_wait3A_494 = arith.constant 0 : i32
    %dma_wait3A_495 = arith.constant 0 : i32
    %dma_wait3A_496 = tpu.memref_slice %arg6[%dma_wait3A_489, %dma_wait3A_494, %dma_wait3A_495] : memref<7x20000x128xf32, #tpu.memory_space<hbm>> -> memref<1x20000x128xf32, #tpu.memory_space<hbm>>
    %dma_wait3A_497 = tpu.memref_squeeze %dma_wait3A_496 : memref<1x20000x128xf32, #tpu.memory_space<hbm>> -> memref<20000x128xf32, #tpu.memory_space<hbm>>
    %dma_wait3A_498 = arith.constant 0 : i32
    %dma_wait3A_499 = arith.constant 0 : i32
    %dma_wait3A_500 = tpu.memref_slice %dma_wait3A_497[%dma_wait3A_498, %dma_wait3A_499] : memref<20000x128xf32, #tpu.memory_space<hbm>> -> memref<20000x128xf32, #tpu.memory_space<hbm>>
    tpu.wait_indirect_dma semaphore(%arg13 : memref<!tpu.dma_semaphore, #tpu.memory_space<semaphore_mem>>) src(%dma_wait3A_500 : memref<20000x128xf32, #tpu.memory_space<hbm>>) dst(%arg9 : memref<80x128xf32, #tpu.memory_space<vmem>>)
    %run_scoped3A_501 = arith.constant 123 : i32
    "tpu.region"() ({
      %run_scoped3A_536 = tpu.sem_alloc : memref<!tpu.dma_semaphore, #tpu.memory_space<semaphore_mem>>
      %dma_start3A_537 = arith.constant 0 : i32
      %dma_start3A_538 = tpu.memref_slice %arg8[%run_scoped3A_501, %dma_start3A_537] : memref<126x80xi32, #tpu.memory_space<vmem>> -> memref<1x80xi32, #tpu.memory_space<vmem>>
      %dma_start3A_539 = tpu.memref_squeeze %dma_start3A_538 : memref<1x80xi32, #tpu.memory_space<vmem>> -> memref<80xi32, #tpu.memory_space<vmem>>
      %dma_start3A_540 = arith.constant 0 : i32
      %dma_start3A_541 = arith.constant 0 : i32
      %dma_start3A_542 = tpu.memref_slice %arg12[%dma_start3A_540, %dma_start3A_541] : memref<10008x128xf32, #tpu.memory_space<vmem_shared>> -> memref<10008x128xf32, #tpu.memory_space<vmem_shared>>
      tpu.enqueue_indirect_dma source(%arg9 : memref<80x128xf32, #tpu.memory_space<vmem>>) target(%dma_start3A_542 : memref<10008x128xf32, #tpu.memory_space<vmem_shared>>) offsets(%dma_start3A_539 : memref<80xi32, #tpu.memory_space<vmem>>) semaphore(%run_scoped3A_536 : memref<!tpu.dma_semaphore, #tpu.memory_space<semaphore_mem>>) {add = true}
      %dma_wait3A_543 = arith.constant 0 : i32
      %dma_wait3A_544 = tpu.memref_slice %arg8[%run_scoped3A_501, %dma_wait3A_543] : memref<126x80xi32, #tpu.memory_space<vmem>> -> memref<1x80xi32, #tpu.memory_space<vmem>>
      %dma_wait3A_545 = tpu.memref_squeeze %dma_wait3A_544 : memref<1x80xi32, #tpu.memory_space<vmem>> -> memref<80xi32, #tpu.memory_space<vmem>>
      %dma_wait3A_546 = arith.constant 0 : i32
      %dma_wait3A_547 = arith.constant 0 : i32
      %dma_wait3A_548 = tpu.memref_slice %arg12[%dma_wait3A_546, %dma_wait3A_547] : memref<10008x128xf32, #tpu.memory_space<vmem_shared>> -> memref<10008x128xf32, #tpu.memory_space<vmem_shared>>
      tpu.wait_indirect_dma semaphore(%run_scoped3A_536 : memref<!tpu.dma_semaphore, #tpu.memory_space<semaphore_mem>>) src(%arg9 : memref<80x128xf32, #tpu.memory_space<vmem>>) dst(%dma_wait3A_548 : memref<10008x128xf32, #tpu.memory_space<vmem_shared>>)
      tpu.yield
    }) : () -> ()
    %dma_wait3A_502 = arith.constant 5 : i32
    %dma_wait3A_503 = arith.constant 124 : i32
    %dma_wait3A_504 = arith.constant 0 : i32
    %dma_wait3A_505 = tpu.memref_slice %arg7[%dma_wait3A_503, %dma_wait3A_504] : memref<126x80xi32, #tpu.memory_space<vmem>> -> memref<1x80xi32, #tpu.memory_space<vmem>>
    %dma_wait3A_506 = tpu.memref_squeeze %dma_wait3A_505 : memref<1x80xi32, #tpu.memory_space<vmem>> -> memref<80xi32, #tpu.memory_space<vmem>>
    %dma_wait3A_507 = arith.constant 0 : i32
    %dma_wait3A_508 = arith.constant 0 : i32
    %dma_wait3A_509 = tpu.memref_slice %arg6[%dma_wait3A_502, %dma_wait3A_507, %dma_wait3A_508] : memref<7x20000x128xf32, #tpu.memory_space<hbm>> -> memref<1x20000x128xf32, #tpu.memory_space<hbm>>
    %dma_wait3A_510 = tpu.memref_squeeze %dma_wait3A_509 : memref<1x20000x128xf32, #tpu.memory_space<hbm>> -> memref<20000x128xf32, #tpu.memory_space<hbm>>
    %dma_wait3A_511 = arith.constant 0 : i32
    %dma_wait3A_512 = arith.constant 0 : i32
    %dma_wait3A_513 = tpu.memref_slice %dma_wait3A_510[%dma_wait3A_511, %dma_wait3A_512] : memref<20000x128xf32, #tpu.memory_space<hbm>> -> memref<20000x128xf32, #tpu.memory_space<hbm>>
    tpu.wait_indirect_dma semaphore(%arg14 : memref<!tpu.dma_semaphore, #tpu.memory_space<semaphore_mem>>) src(%dma_wait3A_513 : memref<20000x128xf32, #tpu.memory_space<hbm>>) dst(%arg10 : memref<80x128xf32, #tpu.memory_space<vmem>>)
    %run_scoped3A_514 = arith.constant 124 : i32
    "tpu.region"() ({
      %run_scoped3A_536 = tpu.sem_alloc : memref<!tpu.dma_semaphore, #tpu.memory_space<semaphore_mem>>
      %dma_start3A_537 = arith.constant 0 : i32
      %dma_start3A_538 = tpu.memref_slice %arg8[%run_scoped3A_514, %dma_start3A_537] : memref<126x80xi32, #tpu.memory_space<vmem>> -> memref<1x80xi32, #tpu.memory_space<vmem>>
      %dma_start3A_539 = tpu.memref_squeeze %dma_start3A_538 : memref<1x80xi32, #tpu.memory_space<vmem>> -> memref<80xi32, #tpu.memory_space<vmem>>
      %dma_start3A_540 = arith.constant 0 : i32
      %dma_start3A_541 = arith.constant 0 : i32
      %dma_start3A_542 = tpu.memref_slice %arg12[%dma_start3A_540, %dma_start3A_541] : memref<10008x128xf32, #tpu.memory_space<vmem_shared>> -> memref<10008x128xf32, #tpu.memory_space<vmem_shared>>
      tpu.enqueue_indirect_dma source(%arg10 : memref<80x128xf32, #tpu.memory_space<vmem>>) target(%dma_start3A_542 : memref<10008x128xf32, #tpu.memory_space<vmem_shared>>) offsets(%dma_start3A_539 : memref<80xi32, #tpu.memory_space<vmem>>) semaphore(%run_scoped3A_536 : memref<!tpu.dma_semaphore, #tpu.memory_space<semaphore_mem>>) {add = true}
      %dma_wait3A_543 = arith.constant 0 : i32
      %dma_wait3A_544 = tpu.memref_slice %arg8[%run_scoped3A_514, %dma_wait3A_543] : memref<126x80xi32, #tpu.memory_space<vmem>> -> memref<1x80xi32, #tpu.memory_space<vmem>>
      %dma_wait3A_545 = tpu.memref_squeeze %dma_wait3A_544 : memref<1x80xi32, #tpu.memory_space<vmem>> -> memref<80xi32, #tpu.memory_space<vmem>>
      %dma_wait3A_546 = arith.constant 0 : i32
      %dma_wait3A_547 = arith.constant 0 : i32
      %dma_wait3A_548 = tpu.memref_slice %arg12[%dma_wait3A_546, %dma_wait3A_547] : memref<10008x128xf32, #tpu.memory_space<vmem_shared>> -> memref<10008x128xf32, #tpu.memory_space<vmem_shared>>
      tpu.wait_indirect_dma semaphore(%run_scoped3A_536 : memref<!tpu.dma_semaphore, #tpu.memory_space<semaphore_mem>>) src(%arg10 : memref<80x128xf32, #tpu.memory_space<vmem>>) dst(%dma_wait3A_548 : memref<10008x128xf32, #tpu.memory_space<vmem_shared>>)
      tpu.yield
    }) : () -> ()
    %dma_wait3A_515 = arith.constant 5 : i32
    %dma_wait3A_516 = arith.constant 125 : i32
    %dma_wait3A_517 = arith.constant 0 : i32
    %dma_wait3A_518 = tpu.memref_slice %arg7[%dma_wait3A_516, %dma_wait3A_517] : memref<126x80xi32, #tpu.memory_space<vmem>> -> memref<1x80xi32, #tpu.memory_space<vmem>>
    %dma_wait3A_519 = tpu.memref_squeeze %dma_wait3A_518 : memref<1x80xi32, #tpu.memory_space<vmem>> -> memref<80xi32, #tpu.memory_space<vmem>>
    %dma_wait3A_520 = arith.constant 0 : i32
    %dma_wait3A_521 = arith.constant 0 : i32
    %dma_wait3A_522 = tpu.memref_slice %arg6[%dma_wait3A_515, %dma_wait3A_520, %dma_wait3A_521] : memref<7x20000x128xf32, #tpu.memory_space<hbm>> -> memref<1x20000x128xf32, #tpu.memory_space<hbm>>
    %dma_wait3A_523 = tpu.memref_squeeze %dma_wait3A_522 : memref<1x20000x128xf32, #tpu.memory_space<hbm>> -> memref<20000x128xf32, #tpu.memory_space<hbm>>
    %dma_wait3A_524 = arith.constant 0 : i32
    %dma_wait3A_525 = arith.constant 0 : i32
    %dma_wait3A_526 = tpu.memref_slice %dma_wait3A_523[%dma_wait3A_524, %dma_wait3A_525] : memref<20000x128xf32, #tpu.memory_space<hbm>> -> memref<20000x128xf32, #tpu.memory_space<hbm>>
    tpu.wait_indirect_dma semaphore(%arg15 : memref<!tpu.dma_semaphore, #tpu.memory_space<semaphore_mem>>) src(%dma_wait3A_526 : memref<20000x128xf32, #tpu.memory_space<hbm>>) dst(%arg11 : memref<80x128xf32, #tpu.memory_space<vmem>>)
    %run_scoped3A_527 = arith.constant 125 : i32
    "tpu.region"() ({
      %run_scoped3A_536 = tpu.sem_alloc : memref<!tpu.dma_semaphore, #tpu.memory_space<semaphore_mem>>
      %dma_start3A_537 = arith.constant 0 : i32
      %dma_start3A_538 = tpu.memref_slice %arg8[%run_scoped3A_527, %dma_start3A_537] : memref<126x80xi32, #tpu.memory_space<vmem>> -> memref<1x80xi32, #tpu.memory_space<vmem>>
      %dma_start3A_539 = tpu.memref_squeeze %dma_start3A_538 : memref<1x80xi32, #tpu.memory_space<vmem>> -> memref<80xi32, #tpu.memory_space<vmem>>
      %dma_start3A_540 = arith.constant 0 : i32
      %dma_start3A_541 = arith.constant 0 : i32
      %dma_start3A_542 = tpu.memref_slice %arg12[%dma_start3A_540, %dma_start3A_541] : memref<10008x128xf32, #tpu.memory_space<vmem_shared>> -> memref<10008x128xf32, #tpu.memory_space<vmem_shared>>
      tpu.enqueue_indirect_dma source(%arg11 : memref<80x128xf32, #tpu.memory_space<vmem>>) target(%dma_start3A_542 : memref<10008x128xf32, #tpu.memory_space<vmem_shared>>) offsets(%dma_start3A_539 : memref<80xi32, #tpu.memory_space<vmem>>) semaphore(%run_scoped3A_536 : memref<!tpu.dma_semaphore, #tpu.memory_space<semaphore_mem>>) {add = true}
      %dma_wait3A_543 = arith.constant 0 : i32
      %dma_wait3A_544 = tpu.memref_slice %arg8[%run_scoped3A_527, %dma_wait3A_543] : memref<126x80xi32, #tpu.memory_space<vmem>> -> memref<1x80xi32, #tpu.memory_space<vmem>>
      %dma_wait3A_545 = tpu.memref_squeeze %dma_wait3A_544 : memref<1x80xi32, #tpu.memory_space<vmem>> -> memref<80xi32, #tpu.memory_space<vmem>>
      %dma_wait3A_546 = arith.constant 0 : i32
      %dma_wait3A_547 = arith.constant 0 : i32
      %dma_wait3A_548 = tpu.memref_slice %arg12[%dma_wait3A_546, %dma_wait3A_547] : memref<10008x128xf32, #tpu.memory_space<vmem_shared>> -> memref<10008x128xf32, #tpu.memory_space<vmem_shared>>
      tpu.wait_indirect_dma semaphore(%run_scoped3A_536 : memref<!tpu.dma_semaphore, #tpu.memory_space<semaphore_mem>>) src(%arg11 : memref<80x128xf32, #tpu.memory_space<vmem>>) dst(%dma_wait3A_548 : memref<10008x128xf32, #tpu.memory_space<vmem_shared>>)
      tpu.yield
    }) : () -> ()
    %barrier3A_528 = arith.constant 0 : index
    tpu.barrier barrier_id(%barrier3A_528)
    %scan3A_529 = arith.constant 0 : i32
    %scan3A_530 = arith.constant 0 : i32
    %scan3A_531 = arith.constant 25 : i32
    %scan3A_532 = arith.addi %scan3A_530, %scan3A_531 : i32
    %scan3A_533 = arith.constant 1 : i32
    scf.for %scan3A_536 = %scan3A_530 to %scan3A_532 step %scan3A_533  : i32 {
      %mul3A_537 = arith.constant 25 : i32
      %mul3A_538 = arith.muli %scan3A_536, %mul3A_537 : i32
      %add3A_539 = arith.addi %mul3A_2, %mul3A_538 : i32
      "tpu.region"() ({
        %run_scoped3A_548 = tpu.sem_alloc : memref<!tpu.dma_semaphore, #tpu.memory_space<semaphore_mem>>
        %dma_start3A_549 = arith.constant 0 : i32
        %dma_start3A_550 = arith.constant 0 : i32
        %dma_start3A_551 = tpu.memref_slice %arg10[%dma_start3A_549, %dma_start3A_550] : memref<80x128xf32, #tpu.memory_space<vmem>> -> memref<25x128xf32, #tpu.memory_space<vmem>>
        %dma_start3A_552 = arith.constant 0 : i32
        %dma_start3A_553 = tpu.memref_slice %arg12[%add3A_539, %dma_start3A_552] : memref<10008x128xf32, #tpu.memory_space<vmem_shared>> -> memref<25x128xf32, #tpu.memory_space<vmem_shared>>
        %dma_start3A_554 = arith.constant 0 : i32
        %dma_start3A_555 = arith.constant 0 : i32
        %dma_start3A_556 = tpu.memref_slice %arg10[%dma_start3A_554, %dma_start3A_555] : memref<80x128xf32, #tpu.memory_space<vmem>> -> memref<25x128xf32, #tpu.memory_space<vmem>>
        %dma_start3A_557 = arith.constant 0 : i32
        %dma_start3A_558 = tpu.memref_slice %arg12[%add3A_539, %dma_start3A_557] : memref<10008x128xf32, #tpu.memory_space<vmem_shared>> -> memref<25x128xf32, #tpu.memory_space<vmem_shared>>
        tpu.enqueue_dma source(%dma_start3A_558 : memref<25x128xf32, #tpu.memory_space<vmem_shared>>) target(%dma_start3A_556 : memref<25x128xf32, #tpu.memory_space<vmem>>) target_semaphore(%run_scoped3A_548 : memref<!tpu.dma_semaphore, #tpu.memory_space<semaphore_mem>>)
        %dma_wait3A_559 = arith.constant 0 : i32
        %dma_wait3A_560 = arith.constant 0 : i32
        %dma_wait3A_561 = tpu.memref_slice %arg10[%dma_wait3A_559, %dma_wait3A_560] : memref<80x128xf32, #tpu.memory_space<vmem>> -> memref<25x128xf32, #tpu.memory_space<vmem>>
        %dma_wait3A_562 = arith.constant 0 : i32
        %dma_wait3A_563 = tpu.memref_slice %arg12[%add3A_539, %dma_wait3A_562] : memref<10008x128xf32, #tpu.memory_space<vmem_shared>> -> memref<25x128xf32, #tpu.memory_space<vmem_shared>>
        %dma_wait3A_564 = arith.constant 0 : i32
        %dma_wait3A_565 = arith.constant 0 : i32
        %dma_wait3A_566 = tpu.memref_slice %arg10[%dma_wait3A_564, %dma_wait3A_565] : memref<80x128xf32, #tpu.memory_space<vmem>> -> memref<25x128xf32, #tpu.memory_space<vmem>>
        %dma_wait3A_567 = arith.constant 0 : i32
        %dma_wait3A_568 = tpu.memref_slice %arg12[%add3A_539, %dma_wait3A_567] : memref<10008x128xf32, #tpu.memory_space<vmem_shared>> -> memref<25x128xf32, #tpu.memory_space<vmem_shared>>
        tpu.wait_dma2 semaphore(%run_scoped3A_548 : memref<!tpu.dma_semaphore, #tpu.memory_space<semaphore_mem>>) src(%dma_wait3A_568 : memref<25x128xf32, #tpu.memory_space<vmem_shared>>) dst(%dma_wait3A_566 : memref<25x128xf32, #tpu.memory_space<vmem>>)
        tpu.yield
      }) : () -> ()
      "tpu.region"() ({
        %run_scoped3A_548 = tpu.sem_alloc : memref<!tpu.dma_semaphore, #tpu.memory_space<semaphore_mem>>
        %dma_start3A_549 = arith.constant 0 : i32
        %dma_start3A_550 = arith.constant 0 : i32
        %dma_start3A_551 = tpu.memref_slice %arg9[%dma_start3A_549, %dma_start3A_550] : memref<80x128xf32, #tpu.memory_space<vmem>> -> memref<25x128xf32, #tpu.memory_space<vmem>>
        %dma_start3A_552 = arith.constant 0 : i32
        %dma_start3A_553 = tpu.memref_slice %arg5[%add3A_539, %dma_start3A_552] : memref<10000x128xf32, #tpu.memory_space<hbm>> -> memref<25x128xf32, #tpu.memory_space<hbm>>
        %dma_start3A_554 = arith.constant 0 : i32
        %dma_start3A_555 = arith.constant 0 : i32
        %dma_start3A_556 = tpu.memref_slice %arg9[%dma_start3A_554, %dma_start3A_555] : memref<80x128xf32, #tpu.memory_space<vmem>> -> memref<25x128xf32, #tpu.memory_space<vmem>>
        %dma_start3A_557 = arith.constant 0 : i32
        %dma_start3A_558 = tpu.memref_slice %arg5[%add3A_539, %dma_start3A_557] : memref<10000x128xf32, #tpu.memory_space<hbm>> -> memref<25x128xf32, #tpu.memory_space<hbm>>
        tpu.enqueue_dma source(%dma_start3A_558 : memref<25x128xf32, #tpu.memory_space<hbm>>) target(%dma_start3A_556 : memref<25x128xf32, #tpu.memory_space<vmem>>) target_semaphore(%run_scoped3A_548 : memref<!tpu.dma_semaphore, #tpu.memory_space<semaphore_mem>>)
        %dma_wait3A_559 = arith.constant 0 : i32
        %dma_wait3A_560 = arith.constant 0 : i32
        %dma_wait3A_561 = tpu.memref_slice %arg9[%dma_wait3A_559, %dma_wait3A_560] : memref<80x128xf32, #tpu.memory_space<vmem>> -> memref<25x128xf32, #tpu.memory_space<vmem>>
        %dma_wait3A_562 = arith.constant 0 : i32
        %dma_wait3A_563 = tpu.memref_slice %arg5[%add3A_539, %dma_wait3A_562] : memref<10000x128xf32, #tpu.memory_space<hbm>> -> memref<25x128xf32, #tpu.memory_space<hbm>>
        %dma_wait3A_564 = arith.constant 0 : i32
        %dma_wait3A_565 = arith.constant 0 : i32
        %dma_wait3A_566 = tpu.memref_slice %arg9[%dma_wait3A_564, %dma_wait3A_565] : memref<80x128xf32, #tpu.memory_space<vmem>> -> memref<25x128xf32, #tpu.memory_space<vmem>>
        %dma_wait3A_567 = arith.constant 0 : i32
        %dma_wait3A_568 = tpu.memref_slice %arg5[%add3A_539, %dma_wait3A_567] : memref<10000x128xf32, #tpu.memory_space<hbm>> -> memref<25x128xf32, #tpu.memory_space<hbm>>
        tpu.wait_dma2 semaphore(%run_scoped3A_548 : memref<!tpu.dma_semaphore, #tpu.memory_space<semaphore_mem>>) src(%dma_wait3A_568 : memref<25x128xf32, #tpu.memory_space<hbm>>) dst(%dma_wait3A_566 : memref<25x128xf32, #tpu.memory_space<vmem>>)
        tpu.yield
      }) : () -> ()
      %scan3A_540 = arith.constant 0 : i32
      %scan3A_541 = arith.constant 0 : i32
      %scan3A_542 = arith.constant 25 : i32
      %scan3A_543 = arith.addi %scan3A_541, %scan3A_542 : i32
      %scan3A_544 = arith.constant 1 : i32
      scf.for %scan3A_548 = %scan3A_541 to %scan3A_543 step %scan3A_544  : i32 {
        %get3A = arith.index_cast %scan3A_548 : i32 to index
        %get3A_549 = arith.constant 0 : index
        %get3A_550 = tpu.vector_load %arg10[%get3A, %get3A_549] {strides = array<i32>} : memref<80x128xf32, #tpu.memory_space<vmem>>, vector<1x16xf32>,
        %get3A_551 = vector.shape_cast %get3A_550 : vector<1x16xf32> to vector<16xf32>
        %get3A_552 = arith.index_cast %scan3A_548 : i32 to index
        %get3A_553 = arith.constant 0 : index
        %get3A_554 = tpu.vector_load %arg9[%get3A_552, %get3A_553] {strides = array<i32>} : memref<80x128xf32, #tpu.memory_space<vmem>>, vector<1x16xf32>,
        %get3A_555 = vector.shape_cast %get3A_554 : vector<1x16xf32> to vector<16xf32>
        %mul3A_556 = arith.mulf %get3A_551, %get3A_555 : vector<16xf32>
        %swap3A = arith.index_cast %scan3A_548 : i32 to index
        %swap3A_557 = arith.constant 0 : index
        %swap3A_558 = tpu.vector_load %arg10[%swap3A, %swap3A_557] {strides = array<i32>} : memref<80x128xf32, #tpu.memory_space<vmem>>, vector<1x16xf32>,
        %swap3A_559 = vector.shape_cast %swap3A_558 : vector<1x16xf32> to vector<16xf32>
        %swap3A_560 = vector.shape_cast %mul3A_556 : vector<16xf32> to vector<1x16xf32>
        tpu.vector_store %arg10[%swap3A, %swap3A_557], %swap3A_560 {strides = array<i32>} : memref<80x128xf32, #tpu.memory_space<vmem>>, vector<1x16xf32>,
        %get3A_561 = arith.index_cast %scan3A_548 : i32 to index
        %get3A_562 = arith.constant 16 : index
        %get3A_563 = tpu.vector_load %arg10[%get3A_561, %get3A_562] {strides = array<i32>} : memref<80x128xf32, #tpu.memory_space<vmem>>, vector<1x16xf32>,
        %get3A_564 = vector.shape_cast %get3A_563 : vector<1x16xf32> to vector<16xf32>
        %get3A_565 = arith.index_cast %scan3A_548 : i32 to index
        %get3A_566 = arith.constant 16 : index
        %get3A_567 = tpu.vector_load %arg9[%get3A_565, %get3A_566] {strides = array<i32>} : memref<80x128xf32, #tpu.memory_space<vmem>>, vector<1x16xf32>,
        %get3A_568 = vector.shape_cast %get3A_567 : vector<1x16xf32> to vector<16xf32>
        %mul3A_569 = arith.mulf %get3A_564, %get3A_568 : vector<16xf32>
        %swap3A_570 = arith.index_cast %scan3A_548 : i32 to index
        %swap3A_571 = arith.constant 16 : index
        %swap3A_572 = tpu.vector_load %arg10[%swap3A_570, %swap3A_571] {strides = array<i32>} : memref<80x128xf32, #tpu.memory_space<vmem>>, vector<1x16xf32>,
        %swap3A_573 = vector.shape_cast %swap3A_572 : vector<1x16xf32> to vector<16xf32>
        %swap3A_574 = vector.shape_cast %mul3A_569 : vector<16xf32> to vector<1x16xf32>
        tpu.vector_store %arg10[%swap3A_570, %swap3A_571], %swap3A_574 {strides = array<i32>} : memref<80x128xf32, #tpu.memory_space<vmem>>, vector<1x16xf32>,
        %get3A_575 = arith.index_cast %scan3A_548 : i32 to index
        %get3A_576 = arith.constant 32 : index
        %get3A_577 = tpu.vector_load %arg10[%get3A_575, %get3A_576] {strides = array<i32>} : memref<80x128xf32, #tpu.memory_space<vmem>>, vector<1x16xf32>,
        %get3A_578 = vector.shape_cast %get3A_577 : vector<1x16xf32> to vector<16xf32>
        %get3A_579 = arith.index_cast %scan3A_548 : i32 to index
        %get3A_580 = arith.constant 32 : index
        %get3A_581 = tpu.vector_load %arg9[%get3A_579, %get3A_580] {strides = array<i32>} : memref<80x128xf32, #tpu.memory_space<vmem>>, vector<1x16xf32>,
        %get3A_582 = vector.shape_cast %get3A_581 : vector<1x16xf32> to vector<16xf32>
        %mul3A_583 = arith.mulf %get3A_578, %get3A_582 : vector<16xf32>
        %swap3A_584 = arith.index_cast %scan3A_548 : i32 to index
        %swap3A_585 = arith.constant 32 : index
        %swap3A_586 = tpu.vector_load %arg10[%swap3A_584, %swap3A_585] {strides = array<i32>} : memref<80x128xf32, #tpu.memory_space<vmem>>, vector<1x16xf32>,
        %swap3A_587 = vector.shape_cast %swap3A_586 : vector<1x16xf32> to vector<16xf32>
        %swap3A_588 = vector.shape_cast %mul3A_583 : vector<16xf32> to vector<1x16xf32>
        tpu.vector_store %arg10[%swap3A_584, %swap3A_585], %swap3A_588 {strides = array<i32>} : memref<80x128xf32, #tpu.memory_space<vmem>>, vector<1x16xf32>,
        %get3A_589 = arith.index_cast %scan3A_548 : i32 to index
        %get3A_590 = arith.constant 48 : index
        %get3A_591 = tpu.vector_load %arg10[%get3A_589, %get3A_590] {strides = array<i32>} : memref<80x128xf32, #tpu.memory_space<vmem>>, vector<1x16xf32>,
        %get3A_592 = vector.shape_cast %get3A_591 : vector<1x16xf32> to vector<16xf32>
        %get3A_593 = arith.index_cast %scan3A_548 : i32 to index
        %get3A_594 = arith.constant 48 : index
        %get3A_595 = tpu.vector_load %arg9[%get3A_593, %get3A_594] {strides = array<i32>} : memref<80x128xf32, #tpu.memory_space<vmem>>, vector<1x16xf32>,
        %get3A_596 = vector.shape_cast %get3A_595 : vector<1x16xf32> to vector<16xf32>
        %mul3A_597 = arith.mulf %get3A_592, %get3A_596 : vector<16xf32>
        %swap3A_598 = arith.index_cast %scan3A_548 : i32 to index
        %swap3A_599 = arith.constant 48 : index
        %swap3A_600 = tpu.vector_load %arg10[%swap3A_598, %swap3A_599] {strides = array<i32>} : memref<80x128xf32, #tpu.memory_space<vmem>>, vector<1x16xf32>,
        %swap3A_601 = vector.shape_cast %swap3A_600 : vector<1x16xf32> to vector<16xf32>
        %swap3A_602 = vector.shape_cast %mul3A_597 : vector<16xf32> to vector<1x16xf32>
        tpu.vector_store %arg10[%swap3A_598, %swap3A_599], %swap3A_602 {strides = array<i32>} : memref<80x128xf32, #tpu.memory_space<vmem>>, vector<1x16xf32>,
        %get3A_603 = arith.index_cast %scan3A_548 : i32 to index
        %get3A_604 = arith.constant 64 : index
        %get3A_605 = tpu.vector_load %arg10[%get3A_603, %get3A_604] {strides = array<i32>} : memref<80x128xf32, #tpu.memory_space<vmem>>, vector<1x16xf32>,
        %get3A_606 = vector.shape_cast %get3A_605 : vector<1x16xf32> to vector<16xf32>
        %get3A_607 = arith.index_cast %scan3A_548 : i32 to index
        %get3A_608 = arith.constant 64 : index
        %get3A_609 = tpu.vector_load %arg9[%get3A_607, %get3A_608] {strides = array<i32>} : memref<80x128xf32, #tpu.memory_space<vmem>>, vector<1x16xf32>,
        %get3A_610 = vector.shape_cast %get3A_609 : vector<1x16xf32> to vector<16xf32>
        %mul3A_611 = arith.mulf %get3A_606, %get3A_610 : vector<16xf32>
        %swap3A_612 = arith.index_cast %scan3A_548 : i32 to index
        %swap3A_613 = arith.constant 64 : index
        %swap3A_614 = tpu.vector_load %arg10[%swap3A_612, %swap3A_613] {strides = array<i32>} : memref<80x128xf32, #tpu.memory_space<vmem>>, vector<1x16xf32>,
        %swap3A_615 = vector.shape_cast %swap3A_614 : vector<1x16xf32> to vector<16xf32>
        %swap3A_616 = vector.shape_cast %mul3A_611 : vector<16xf32> to vector<1x16xf32>
        tpu.vector_store %arg10[%swap3A_612, %swap3A_613], %swap3A_616 {strides = array<i32>} : memref<80x128xf32, #tpu.memory_space<vmem>>, vector<1x16xf32>,
        %get3A_617 = arith.index_cast %scan3A_548 : i32 to index
        %get3A_618 = arith.constant 80 : index
        %get3A_619 = tpu.vector_load %arg10[%get3A_617, %get3A_618] {strides = array<i32>} : memref<80x128xf32, #tpu.memory_space<vmem>>, vector<1x16xf32>,
        %get3A_620 = vector.shape_cast %get3A_619 : vector<1x16xf32> to vector<16xf32>
        %get3A_621 = arith.index_cast %scan3A_548 : i32 to index
        %get3A_622 = arith.constant 80 : index
        %get3A_623 = tpu.vector_load %arg9[%get3A_621, %get3A_622] {strides = array<i32>} : memref<80x128xf32, #tpu.memory_space<vmem>>, vector<1x16xf32>,
        %get3A_624 = vector.shape_cast %get3A_623 : vector<1x16xf32> to vector<16xf32>
        %mul3A_625 = arith.mulf %get3A_620, %get3A_624 : vector<16xf32>
        %swap3A_626 = arith.index_cast %scan3A_548 : i32 to index
        %swap3A_627 = arith.constant 80 : index
        %swap3A_628 = tpu.vector_load %arg10[%swap3A_626, %swap3A_627] {strides = array<i32>} : memref<80x128xf32, #tpu.memory_space<vmem>>, vector<1x16xf32>,
        %swap3A_629 = vector.shape_cast %swap3A_628 : vector<1x16xf32> to vector<16xf32>
        %swap3A_630 = vector.shape_cast %mul3A_625 : vector<16xf32> to vector<1x16xf32>
        tpu.vector_store %arg10[%swap3A_626, %swap3A_627], %swap3A_630 {strides = array<i32>} : memref<80x128xf32, #tpu.memory_space<vmem>>, vector<1x16xf32>,
        %get3A_631 = arith.index_cast %scan3A_548 : i32 to index
        %get3A_632 = arith.constant 96 : index
        %get3A_633 = tpu.vector_load %arg10[%get3A_631, %get3A_632] {strides = array<i32>} : memref<80x128xf32, #tpu.memory_space<vmem>>, vector<1x16xf32>,
        %get3A_634 = vector.shape_cast %get3A_633 : vector<1x16xf32> to vector<16xf32>
        %get3A_635 = arith.index_cast %scan3A_548 : i32 to index
        %get3A_636 = arith.constant 96 : index
        %get3A_637 = tpu.vector_load %arg9[%get3A_635, %get3A_636] {strides = array<i32>} : memref<80x128xf32, #tpu.memory_space<vmem>>, vector<1x16xf32>,
        %get3A_638 = vector.shape_cast %get3A_637 : vector<1x16xf32> to vector<16xf32>
        %mul3A_639 = arith.mulf %get3A_634, %get3A_638 : vector<16xf32>
        %swap3A_640 = arith.index_cast %scan3A_548 : i32 to index
        %swap3A_641 = arith.constant 96 : index
        %swap3A_642 = tpu.vector_load %arg10[%swap3A_640, %swap3A_641] {strides = array<i32>} : memref<80x128xf32, #tpu.memory_space<vmem>>, vector<1x16xf32>,
        %swap3A_643 = vector.shape_cast %swap3A_642 : vector<1x16xf32> to vector<16xf32>
        %swap3A_644 = vector.shape_cast %mul3A_639 : vector<16xf32> to vector<1x16xf32>
        tpu.vector_store %arg10[%swap3A_640, %swap3A_641], %swap3A_644 {strides = array<i32>} : memref<80x128xf32, #tpu.memory_space<vmem>>, vector<1x16xf32>,
        %get3A_645 = arith.index_cast %scan3A_548 : i32 to index
        %get3A_646 = arith.constant 112 : index
        %get3A_647 = tpu.vector_load %arg10[%get3A_645, %get3A_646] {strides = array<i32>} : memref<80x128xf32, #tpu.memory_space<vmem>>, vector<1x16xf32>,
        %get3A_648 = vector.shape_cast %get3A_647 : vector<1x16xf32> to vector<16xf32>
        %get3A_649 = arith.index_cast %scan3A_548 : i32 to index
        %get3A_650 = arith.constant 112 : index
        %get3A_651 = tpu.vector_load %arg9[%get3A_649, %get3A_650] {strides = array<i32>} : memref<80x128xf32, #tpu.memory_space<vmem>>, vector<1x16xf32>,
        %get3A_652 = vector.shape_cast %get3A_651 : vector<1x16xf32> to vector<16xf32>
        %mul3A_653 = arith.mulf %get3A_648, %get3A_652 : vector<16xf32>
        %swap3A_654 = arith.index_cast %scan3A_548 : i32 to index
        %swap3A_655 = arith.constant 112 : index
        %swap3A_656 = tpu.vector_load %arg10[%swap3A_654, %swap3A_655] {strides = array<i32>} : memref<80x128xf32, #tpu.memory_space<vmem>>, vector<1x16xf32>,
        %swap3A_657 = vector.shape_cast %swap3A_656 : vector<1x16xf32> to vector<16xf32>
        %swap3A_658 = vector.shape_cast %mul3A_653 : vector<16xf32> to vector<1x16xf32>
        tpu.vector_store %arg10[%swap3A_654, %swap3A_655], %swap3A_658 {strides = array<i32>} : memref<80x128xf32, #tpu.memory_space<vmem>>, vector<1x16xf32>,
      }
      %scan3A_545 = arith.constant 25 : i32
      %add3A_546 = arith.addi %mul3A_0, %add3A_539 : i32
      %run_scoped3A_547 = arith.constant 6 : i32
      "tpu.region"() ({
        %run_scoped3A_548 = tpu.sem_alloc : memref<!tpu.dma_semaphore, #tpu.memory_space<semaphore_mem>>
        %dma_start3A_549 = arith.constant 0 : i32
        %dma_start3A_550 = arith.constant 0 : i32
        %dma_start3A_551 = tpu.memref_slice %arg10[%dma_start3A_549, %dma_start3A_550] : memref<80x128xf32, #tpu.memory_space<vmem>> -> memref<25x128xf32, #tpu.memory_space<vmem>>
        %dma_start3A_552 = arith.constant 0 : i32
        %dma_start3A_553 = tpu.memref_slice %arg6[%run_scoped3A_547, %add3A_546, %dma_start3A_552] : memref<7x20000x128xf32, #tpu.memory_space<hbm>> -> memref<1x25x128xf32, #tpu.memory_space<hbm>>
        %dma_start3A_554 = tpu.memref_squeeze %dma_start3A_553 : memref<1x25x128xf32, #tpu.memory_space<hbm>> -> memref<25x128xf32, #tpu.memory_space<hbm>>
        %dma_start3A_555 = arith.constant 0 : i32
        %dma_start3A_556 = tpu.memref_slice %arg6[%run_scoped3A_547, %add3A_546, %dma_start3A_555] : memref<7x20000x128xf32, #tpu.memory_space<hbm>> -> memref<1x25x128xf32, #tpu.memory_space<hbm>>
        %dma_start3A_557 = tpu.memref_squeeze %dma_start3A_556 : memref<1x25x128xf32, #tpu.memory_space<hbm>> -> memref<25x128xf32, #tpu.memory_space<hbm>>
        %dma_start3A_558 = arith.constant 0 : i32
        %dma_start3A_559 = arith.constant 0 : i32
        %dma_start3A_560 = tpu.memref_slice %arg10[%dma_start3A_558, %dma_start3A_559] : memref<80x128xf32, #tpu.memory_space<vmem>> -> memref<25x128xf32, #tpu.memory_space<vmem>>
        tpu.enqueue_dma source(%dma_start3A_560 : memref<25x128xf32, #tpu.memory_space<vmem>>) target(%dma_start3A_557 : memref<25x128xf32, #tpu.memory_space<hbm>>) target_semaphore(%run_scoped3A_548 : memref<!tpu.dma_semaphore, #tpu.memory_space<semaphore_mem>>)
        %dma_wait3A_561 = arith.constant 0 : i32
        %dma_wait3A_562 = arith.constant 0 : i32
        %dma_wait3A_563 = tpu.memref_slice %arg10[%dma_wait3A_561, %dma_wait3A_562] : memref<80x128xf32, #tpu.memory_space<vmem>> -> memref<25x128xf32, #tpu.memory_space<vmem>>
        %dma_wait3A_564 = arith.constant 0 : i32
        %dma_wait3A_565 = tpu.memref_slice %arg6[%run_scoped3A_547, %add3A_546, %dma_wait3A_564] : memref<7x20000x128xf32, #tpu.memory_space<hbm>> -> memref<1x25x128xf32, #tpu.memory_space<hbm>>
        %dma_wait3A_566 = tpu.memref_squeeze %dma_wait3A_565 : memref<1x25x128xf32, #tpu.memory_space<hbm>> -> memref<25x128xf32, #tpu.memory_space<hbm>>
        %dma_wait3A_567 = arith.constant 0 : i32
        %dma_wait3A_568 = tpu.memref_slice %arg6[%run_scoped3A_547, %add3A_546, %dma_wait3A_567] : memref<7x20000x128xf32, #tpu.memory_space<hbm>> -> memref<1x25x128xf32, #tpu.memory_space<hbm>>
        %dma_wait3A_569 = tpu.memref_squeeze %dma_wait3A_568 : memref<1x25x128xf32, #tpu.memory_space<hbm>> -> memref<25x128xf32, #tpu.memory_space<hbm>>
        %dma_wait3A_570 = arith.constant 0 : i32
        %dma_wait3A_571 = arith.constant 0 : i32
        %dma_wait3A_572 = tpu.memref_slice %arg10[%dma_wait3A_570, %dma_wait3A_571] : memref<80x128xf32, #tpu.memory_space<vmem>> -> memref<25x128xf32, #tpu.memory_space<vmem>>
        tpu.wait_dma2 semaphore(%run_scoped3A_548 : memref<!tpu.dma_semaphore, #tpu.memory_space<semaphore_mem>>) src(%dma_wait3A_572 : memref<25x128xf32, #tpu.memory_space<vmem>>) dst(%dma_wait3A_569 : memref<25x128xf32, #tpu.memory_space<hbm>>)
        tpu.yield
      }) : () -> ()
      "tpu.region"() ({
        %run_scoped3A_548 = tpu.sem_alloc : memref<!tpu.dma_semaphore, #tpu.memory_space<semaphore_mem>>
        %dma_start3A_549 = arith.constant 0 : i32
        %dma_start3A_550 = arith.constant 0 : i32
        %dma_start3A_551 = tpu.memref_slice %arg10[%dma_start3A_549, %dma_start3A_550] : memref<80x128xf32, #tpu.memory_space<vmem>> -> memref<25x128xf32, #tpu.memory_space<vmem>>
        %dma_start3A_552 = arith.constant 0 : i32
        %dma_start3A_553 = tpu.memref_slice %arg12[%add3A_539, %dma_start3A_552] : memref<10008x128xf32, #tpu.memory_space<vmem_shared>> -> memref<25x128xf32, #tpu.memory_space<vmem_shared>>
        %dma_start3A_554 = arith.constant 0 : i32
        %dma_start3A_555 = tpu.memref_slice %arg12[%add3A_539, %dma_start3A_554] : memref<10008x128xf32, #tpu.memory_space<vmem_shared>> -> memref<25x128xf32, #tpu.memory_space<vmem_shared>>
        %dma_start3A_556 = arith.constant 0 : i32
        %dma_start3A_557 = arith.constant 0 : i32
        %dma_start3A_558 = tpu.memref_slice %arg10[%dma_start3A_556, %dma_start3A_557] : memref<80x128xf32, #tpu.memory_space<vmem>> -> memref<25x128xf32, #tpu.memory_space<vmem>>
        tpu.enqueue_dma source(%dma_start3A_558 : memref<25x128xf32, #tpu.memory_space<vmem>>) target(%dma_start3A_555 : memref<25x128xf32, #tpu.memory_space<vmem_shared>>) target_semaphore(%run_scoped3A_548 : memref<!tpu.dma_semaphore, #tpu.memory_space<semaphore_mem>>)
        %dma_wait3A_559 = arith.constant 0 : i32
        %dma_wait3A_560 = arith.constant 0 : i32
        %dma_wait3A_561 = tpu.memref_slice %arg10[%dma_wait3A_559, %dma_wait3A_560] : memref<80x128xf32, #tpu.memory_space<vmem>> -> memref<25x128xf32, #tpu.memory_space<vmem>>
        %dma_wait3A_562 = arith.constant 0 : i32
        %dma_wait3A_563 = tpu.memref_slice %arg12[%add3A_539, %dma_wait3A_562] : memref<10008x128xf32, #tpu.memory_space<vmem_shared>> -> memref<25x128xf32, #tpu.memory_space<vmem_shared>>
        %dma_wait3A_564 = arith.constant 0 : i32
        %dma_wait3A_565 = tpu.memref_slice %arg12[%add3A_539, %dma_wait3A_564] : memref<10008x128xf32, #tpu.memory_space<vmem_shared>> -> memref<25x128xf32, #tpu.memory_space<vmem_shared>>
        %dma_wait3A_566 = arith.constant 0 : i32
        %dma_wait3A_567 = arith.constant 0 : i32
        %dma_wait3A_568 = tpu.memref_slice %arg10[%dma_wait3A_566, %dma_wait3A_567] : memref<80x128xf32, #tpu.memory_space<vmem>> -> memref<25x128xf32, #tpu.memory_space<vmem>>
        tpu.wait_dma2 semaphore(%run_scoped3A_548 : memref<!tpu.dma_semaphore, #tpu.memory_space<semaphore_mem>>) src(%dma_wait3A_568 : memref<25x128xf32, #tpu.memory_space<vmem>>) dst(%dma_wait3A_565 : memref<25x128xf32, #tpu.memory_space<vmem_shared>>)
        tpu.yield
      }) : () -> ()
    }
    %scan3A_534 = arith.constant 25 : i32
    %barrier3A_535 = arith.constant 0 : index
    tpu.barrier barrier_id(%barrier3A_535)
    return
  }
}

#map = affine_map<(d0, d1) -> (0, 0, 0, 0)>
#map1 = affine_map<(d0, d1) -> (0, 0)>
#map2 = affine_map<(d0, d1) -> (0, 0, 0)>
module attributes {stable_mosaic.version = 14 : i64} {
  func.func @_deg_kernel(%arg0: i32, %arg1: i32, %arg2: memref<2x16x126x80xi32, #tpu.memory_space<hbm>>, %arg3: memref<80x16xf32, #tpu.memory_space<hbm>>, %arg4: memref<10008x16xf32, #tpu.memory_space<hbm>>, %arg5: memref<2x10008x16xf32, #tpu.memory_space<hbm>>, %arg6: memref<126x80xi32, #tpu.memory_space<vmem>>, %arg7: memref<80x16xf32, #tpu.memory_space<vmem>>, %arg8: memref<10008x16xf32, #tpu.memory_space<vmem_shared>>) attributes {dimension_semantics = [#tpu.dimension_semantics<core_parallel>, #tpu.dimension_semantics<subcore_parallel>], iteration_bounds = array<i64: 2, 16>, scalar_prefetch = 0 : i64, scratch_operands = 3 : i64, tpu.core_type = #tpu.core_type<sc_vector_subcore>, window_params = [{transform_indices = #map}, {transform_indices = #map1}, {transform_indices = #map1}, {transform_indices = #map2}]} {
    "tpu.region"() ({
      %run_scoped3A = tpu.sem_alloc : memref<!tpu.dma_semaphore, #tpu.memory_space<semaphore_mem>>
      %dma_start3A = arith.constant 0 : i32
      %dma_start3A_13 = arith.constant 0 : i32
      %dma_start3A_14 = tpu.memref_slice %arg2[%arg0, %arg1, %dma_start3A, %dma_start3A_13] : memref<2x16x126x80xi32, #tpu.memory_space<hbm>> -> memref<1x1x126x80xi32, #tpu.memory_space<hbm>>
      %dma_start3A_15 = tpu.memref_squeeze %dma_start3A_14 : memref<1x1x126x80xi32, #tpu.memory_space<hbm>> -> memref<126x80xi32, #tpu.memory_space<hbm>>
      %dma_start3A_16 = arith.constant 0 : i32
      %dma_start3A_17 = arith.constant 0 : i32
      %dma_start3A_18 = tpu.memref_slice %arg2[%arg0, %arg1, %dma_start3A_16, %dma_start3A_17] : memref<2x16x126x80xi32, #tpu.memory_space<hbm>> -> memref<1x1x126x80xi32, #tpu.memory_space<hbm>>
      %dma_start3A_19 = tpu.memref_squeeze %dma_start3A_18 : memref<1x1x126x80xi32, #tpu.memory_space<hbm>> -> memref<126x80xi32, #tpu.memory_space<hbm>>
      tpu.enqueue_dma source(%dma_start3A_19 : memref<126x80xi32, #tpu.memory_space<hbm>>) target(%arg6 : memref<126x80xi32, #tpu.memory_space<vmem>>) target_semaphore(%run_scoped3A : memref<!tpu.dma_semaphore, #tpu.memory_space<semaphore_mem>>)
      %dma_wait3A = arith.constant 0 : i32
      %dma_wait3A_20 = arith.constant 0 : i32
      %dma_wait3A_21 = tpu.memref_slice %arg2[%arg0, %arg1, %dma_wait3A, %dma_wait3A_20] : memref<2x16x126x80xi32, #tpu.memory_space<hbm>> -> memref<1x1x126x80xi32, #tpu.memory_space<hbm>>
      %dma_wait3A_22 = tpu.memref_squeeze %dma_wait3A_21 : memref<1x1x126x80xi32, #tpu.memory_space<hbm>> -> memref<126x80xi32, #tpu.memory_space<hbm>>
      %dma_wait3A_23 = arith.constant 0 : i32
      %dma_wait3A_24 = arith.constant 0 : i32
      %dma_wait3A_25 = tpu.memref_slice %arg2[%arg0, %arg1, %dma_wait3A_23, %dma_wait3A_24] : memref<2x16x126x80xi32, #tpu.memory_space<hbm>> -> memref<1x1x126x80xi32, #tpu.memory_space<hbm>>
      %dma_wait3A_26 = tpu.memref_squeeze %dma_wait3A_25 : memref<1x1x126x80xi32, #tpu.memory_space<hbm>> -> memref<126x80xi32, #tpu.memory_space<hbm>>
      tpu.wait_dma2 semaphore(%run_scoped3A : memref<!tpu.dma_semaphore, #tpu.memory_space<semaphore_mem>>) src(%dma_wait3A_26 : memref<126x80xi32, #tpu.memory_space<hbm>>) dst(%arg6 : memref<126x80xi32, #tpu.memory_space<vmem>>)
      tpu.yield
    }) : () -> ()
    "tpu.region"() ({
      %run_scoped3A = tpu.sem_alloc : memref<!tpu.dma_semaphore, #tpu.memory_space<semaphore_mem>>
      tpu.enqueue_dma source(%arg3 : memref<80x16xf32, #tpu.memory_space<hbm>>) target(%arg7 : memref<80x16xf32, #tpu.memory_space<vmem>>) target_semaphore(%run_scoped3A : memref<!tpu.dma_semaphore, #tpu.memory_space<semaphore_mem>>)
      tpu.wait_dma2 semaphore(%run_scoped3A : memref<!tpu.dma_semaphore, #tpu.memory_space<semaphore_mem>>) src(%arg3 : memref<80x16xf32, #tpu.memory_space<hbm>>) dst(%arg7 : memref<80x16xf32, #tpu.memory_space<vmem>>)
      tpu.yield
    }) : () -> ()
    %eq3A = arith.constant 0 : i32
    %eq3A_0 = arith.cmpi eq, %arg1, %eq3A : i32
    %convert_element_type3A = arith.extui %eq3A_0 : i1 to i32
    %cond3A = arith.constant 0 : i32
    %cond3A_1 = arith.cmpi ne, %convert_element_type3A, %cond3A : i32
    scf.if %cond3A_1 {
      "tpu.region"() ({
        %run_scoped3A = tpu.sem_alloc : memref<!tpu.dma_semaphore, #tpu.memory_space<semaphore_mem>>
        tpu.enqueue_dma source(%arg4 : memref<10008x16xf32, #tpu.memory_space<hbm>>) target(%arg8 : memref<10008x16xf32, #tpu.memory_space<vmem_shared>>) target_semaphore(%run_scoped3A : memref<!tpu.dma_semaphore, #tpu.memory_space<semaphore_mem>>)
        tpu.wait_dma2 semaphore(%run_scoped3A : memref<!tpu.dma_semaphore, #tpu.memory_space<semaphore_mem>>) src(%arg4 : memref<10008x16xf32, #tpu.memory_space<hbm>>) dst(%arg8 : memref<10008x16xf32, #tpu.memory_space<vmem_shared>>)
        tpu.yield
      }) : () -> ()
    } else {
    }
    %barrier3A = arith.constant 0 : index
    tpu.barrier barrier_id(%barrier3A)
    %scan3A = arith.constant 0 : i32
    %scan3A_2 = arith.constant 0 : i32
    %scan3A_3 = arith.constant 126 : i32
    %scan3A_4 = arith.addi %scan3A_2, %scan3A_3 : i32
    %scan3A_5 = arith.constant 1 : i32
    scf.for %scan3A_13 = %scan3A_2 to %scan3A_4 step %scan3A_5  : i32 {
      "tpu.region"() ({
        %run_scoped3A = tpu.sem_alloc : memref<!tpu.dma_semaphore, #tpu.memory_space<semaphore_mem>>
        %dma_start3A = arith.constant 0 : i32
        %dma_start3A_14 = tpu.memref_slice %arg6[%scan3A_13, %dma_start3A] : memref<126x80xi32, #tpu.memory_space<vmem>> -> memref<1x80xi32, #tpu.memory_space<vmem>>
        %dma_start3A_15 = tpu.memref_squeeze %dma_start3A_14 : memref<1x80xi32, #tpu.memory_space<vmem>> -> memref<80xi32, #tpu.memory_space<vmem>>
        %dma_start3A_16 = arith.constant 0 : i32
        %dma_start3A_17 = arith.constant 0 : i32
        %dma_start3A_18 = tpu.memref_slice %arg8[%dma_start3A_16, %dma_start3A_17] : memref<10008x16xf32, #tpu.memory_space<vmem_shared>> -> memref<10008x16xf32, #tpu.memory_space<vmem_shared>>
        tpu.enqueue_indirect_dma source(%arg7 : memref<80x16xf32, #tpu.memory_space<vmem>>) target(%dma_start3A_18 : memref<10008x16xf32, #tpu.memory_space<vmem_shared>>) offsets(%dma_start3A_15 : memref<80xi32, #tpu.memory_space<vmem>>) semaphore(%run_scoped3A : memref<!tpu.dma_semaphore, #tpu.memory_space<semaphore_mem>>) {add = true}
        %dma_wait3A = arith.constant 0 : i32
        %dma_wait3A_19 = tpu.memref_slice %arg6[%scan3A_13, %dma_wait3A] : memref<126x80xi32, #tpu.memory_space<vmem>> -> memref<1x80xi32, #tpu.memory_space<vmem>>
        %dma_wait3A_20 = tpu.memref_squeeze %dma_wait3A_19 : memref<1x80xi32, #tpu.memory_space<vmem>> -> memref<80xi32, #tpu.memory_space<vmem>>
        %dma_wait3A_21 = arith.constant 0 : i32
        %dma_wait3A_22 = arith.constant 0 : i32
        %dma_wait3A_23 = tpu.memref_slice %arg8[%dma_wait3A_21, %dma_wait3A_22] : memref<10008x16xf32, #tpu.memory_space<vmem_shared>> -> memref<10008x16xf32, #tpu.memory_space<vmem_shared>>
        tpu.wait_indirect_dma semaphore(%run_scoped3A : memref<!tpu.dma_semaphore, #tpu.memory_space<semaphore_mem>>) src(%arg7 : memref<80x16xf32, #tpu.memory_space<vmem>>) dst(%dma_wait3A_23 : memref<10008x16xf32, #tpu.memory_space<vmem_shared>>)
        tpu.yield
      }) : () -> ()
    }
    %scan3A_6 = arith.constant 126 : i32
    %barrier3A_7 = arith.constant 0 : index
    tpu.barrier barrier_id(%barrier3A_7)
    %eq3A_8 = arith.constant 0 : i32
    %eq3A_9 = arith.cmpi eq, %arg1, %eq3A_8 : i32
    %convert_element_type3A_10 = arith.extui %eq3A_9 : i1 to i32
    %cond3A_11 = arith.constant 0 : i32
    %cond3A_12 = arith.cmpi ne, %convert_element_type3A_10, %cond3A_11 : i32
    scf.if %cond3A_12 {
      "tpu.region"() ({
        %run_scoped3A = tpu.sem_alloc : memref<!tpu.dma_semaphore, #tpu.memory_space<semaphore_mem>>
        %dma_start3A = arith.constant 0 : i32
        %dma_start3A_13 = arith.constant 0 : i32
        %dma_start3A_14 = tpu.memref_slice %arg5[%arg0, %dma_start3A, %dma_start3A_13] : memref<2x10008x16xf32, #tpu.memory_space<hbm>> -> memref<1x10008x16xf32, #tpu.memory_space<hbm>>
        %dma_start3A_15 = tpu.memref_squeeze %dma_start3A_14 : memref<1x10008x16xf32, #tpu.memory_space<hbm>> -> memref<10008x16xf32, #tpu.memory_space<hbm>>
        tpu.enqueue_dma source(%arg8 : memref<10008x16xf32, #tpu.memory_space<vmem_shared>>) target(%dma_start3A_15 : memref<10008x16xf32, #tpu.memory_space<hbm>>) target_semaphore(%run_scoped3A : memref<!tpu.dma_semaphore, #tpu.memory_space<semaphore_mem>>)
        %dma_wait3A = arith.constant 0 : i32
        %dma_wait3A_16 = arith.constant 0 : i32
        %dma_wait3A_17 = tpu.memref_slice %arg5[%arg0, %dma_wait3A, %dma_wait3A_16] : memref<2x10008x16xf32, #tpu.memory_space<hbm>> -> memref<1x10008x16xf32, #tpu.memory_space<hbm>>
        %dma_wait3A_18 = tpu.memref_squeeze %dma_wait3A_17 : memref<1x10008x16xf32, #tpu.memory_space<hbm>> -> memref<10008x16xf32, #tpu.memory_space<hbm>>
        tpu.wait_dma2 semaphore(%run_scoped3A : memref<!tpu.dma_semaphore, #tpu.memory_space<semaphore_mem>>) src(%arg8 : memref<10008x16xf32, #tpu.memory_space<vmem_shared>>) dst(%dma_wait3A_18 : memref<10008x16xf32, #tpu.memory_space<hbm>>)
        tpu.yield
      }) : () -> ()
    } else {
    }
    return
  }
}

module attributes {stable_mosaic.version = 14 : i64} {
  func.func @_in_tf_body(%arg0: i32, %arg1: i32, %arg2: memref<1000x256xf32, #tpu.memory_space<vmem>>, %arg3: memref<256x256xf32, #tpu.memory_space<vmem>>, %arg4: memref<1x256xf32, #tpu.memory_space<vmem>>, %arg5: memref<1000x16xf32, #tpu.memory_space<vmem>>, %arg6: memref<1000x128xf32, #tpu.memory_space<vmem>>, %arg7: memref<1000x128xf32, #tpu.memory_space<vmem>>, %arg8: memref<1000x1xf32, #tpu.memory_space<vmem>>) attributes {dimension_semantics = [#tpu.dimension_semantics<arbitrary>, #tpu.dimension_semantics<arbitrary>], iteration_bounds = array<i64: 10, 2>, scalar_prefetch = 0 : i64, scratch_operands = 0 : i64, tpu.core_type = #tpu.core_type<tc>, window_params = [{transform_indices = @transform_0, window_bounds = array<i64: 1000, 256>}, {pipeline_mode = #tpu.pipeline_mode<synchronous>, transform_indices = @transform_1, window_bounds = array<i64: 256, 256>}, {pipeline_mode = #tpu.pipeline_mode<synchronous>, transform_indices = @transform_2, window_bounds = array<i64: 1, 256>}, {transform_indices = @transform_3, window_bounds = array<i64: 1000, 16>}, {transform_indices = @transform_4, window_bounds = array<i64: 1000, 128>}, {transform_indices = @transform_5, window_bounds = array<i64: 1000, 128>}, {transform_indices = @transform_6, window_bounds = array<i64: 1000, 1>}]} {
    %get3A = arith.constant 0 : index
    %get3A_0 = arith.constant 0 : index
    %get3A_1 = vector.load %arg2[%get3A, %get3A_0] : memref<1000x256xf32, #tpu.memory_space<vmem>>, vector<1000x256xf32>
    %get3A_2 = arith.constant 0 : index
    %get3A_3 = arith.constant 0 : index
    %get3A_4 = vector.load %arg3[%get3A_2, %get3A_3] : memref<256x256xf32, #tpu.memory_space<vmem>>, vector<256x256xf32>
    %dot_general3A = arith.constant dense<0.000000e+00> : vector<1000x256xf32>
    %dot_general3A_5 = tpu.matmul %get3A_1, %get3A_4, %dot_general3A {dimension_numbers = #tpu.dot_dimension_numbers<[1], [0], [0], [1], [0, 0, 1, 1], [], []>, transpose_lhs_hint = false} : vector<1000x256xf32>, vector<256x256xf32>, vector<1000x256xf32> -> vector<1000x256xf32>
    %get3A_6 = arith.constant 0 : index
    %get3A_7 = arith.constant 0 : index
    %get3A_8 = vector.load %arg4[%get3A_6, %get3A_7] : memref<1x256xf32, #tpu.memory_space<vmem>>, vector<1x256xf32>
    %add3A = vector.broadcast %get3A_8 : vector<1x256xf32> to vector<1000x256xf32>
    %add3A_9 = arith.addf %dot_general3A_5, %add3A : vector<1000x256xf32>
    %max3A = arith.constant 0.000000e+00 : f32
    %max3A_10 = vector.broadcast %max3A : f32 to vector<1000x256xf32>
    %max3A_11 = arith.maximumf %add3A_9, %max3A_10 : vector<1000x256xf32>
    %get3A_12 = arith.constant 0 : index
    %get3A_13 = arith.constant 0 : index
    %get3A_14 = vector.load %arg5[%get3A_12, %get3A_13] : memref<1000x16xf32, #tpu.memory_space<vmem>>, vector<1000x1xf32>
    %get3A_15 = vector.shape_cast %get3A_14 : vector<1000x1xf32> to vector<1000xf32>
    %add3A_16 = arith.constant 1.000000e+00 : f32
    %add3A_17 = vector.broadcast %add3A_16 : f32 to vector<1000xf32>
    %add3A_18 = arith.addf %get3A_15, %add3A_17 : vector<1000xf32>
    %rsqrt3A = math.rsqrt %add3A_18 : vector<1000xf32>
    %eq3A = arith.constant 0 : i32
    %eq3A_19 = arith.cmpi eq, %arg1, %eq3A : i32
    %slice3A = vector.extract_strided_slice %max3A_11 {offsets = [0, 0], sizes = [1000, 128], strides = [1, 1]} : vector<1000x256xf32> to vector<1000x128xf32>
    %slice3A_20 = vector.extract_strided_slice %max3A_11 {offsets = [0, 128], sizes = [1000, 128], strides = [1, 1]} : vector<1000x256xf32> to vector<1000x128xf32>
    %select_n3A = arith.select %eq3A_19, %slice3A, %slice3A_20 : vector<1000x128xf32>
    %broadcast_in_dim3A = vector.shape_cast %rsqrt3A : vector<1000xf32> to vector<1000x1xf32>
    %mul3A = vector.broadcast %broadcast_in_dim3A : vector<1000x1xf32> to vector<1000x128xf32>
    %mul3A_21 = arith.mulf %select_n3A, %mul3A : vector<1000x128xf32>
    %swap3A = arith.constant 0 : index
    %swap3A_22 = arith.constant 0 : index
    %swap3A_23 = vector.load %arg6[%swap3A, %swap3A_22] : memref<1000x128xf32, #tpu.memory_space<vmem>>, vector<1000x128xf32>
    tpu.vector_store %arg6[%swap3A, %swap3A_22], %mul3A_21 {strides = array<i32>} : memref<1000x128xf32, #tpu.memory_space<vmem>>, vector<1000x128xf32>,
    %div3A = arith.constant 1.000000e+00 : f32
    %div3A_24 = vector.broadcast %div3A : f32 to vector<1000xf32>
    %div3A_25 = arith.divf %div3A_24, %add3A_18 : vector<1000xf32>
    %broadcast_in_dim3A_26 = vector.shape_cast %div3A_25 : vector<1000xf32> to vector<1000x1xf32>
    %broadcast_in_dim3A_27 = vector.shape_cast %broadcast_in_dim3A_26 : vector<1000x1xf32> to vector<1000x1xf32>
    %broadcast_in_dim3A_28 = vector.broadcast %broadcast_in_dim3A_27 : vector<1000x1xf32> to vector<1000x128xf32>
    %swap3A_29 = arith.constant 0 : index
    %swap3A_30 = arith.constant 0 : index
    %swap3A_31 = vector.load %arg7[%swap3A_29, %swap3A_30] : memref<1000x128xf32, #tpu.memory_space<vmem>>, vector<1000x128xf32>
    tpu.vector_store %arg7[%swap3A_29, %swap3A_30], %broadcast_in_dim3A_28 {strides = array<i32>} : memref<1000x128xf32, #tpu.memory_space<vmem>>, vector<1000x128xf32>,
    %sqrt3A = math.sqrt %add3A_18 : vector<1000xf32>
    %broadcast_in_dim3A_32 = vector.shape_cast %sqrt3A : vector<1000xf32> to vector<1000x1xf32>
    %swap3A_33 = arith.constant 0 : index
    %swap3A_34 = arith.constant 0 : index
    %swap3A_35 = vector.load %arg8[%swap3A_33, %swap3A_34] : memref<1000x1xf32, #tpu.memory_space<vmem>>, vector<1000x1xf32>
    tpu.vector_store %arg8[%swap3A_33, %swap3A_34], %broadcast_in_dim3A_32 {strides = array<i32>} : memref<1000x1xf32, #tpu.memory_space<vmem>>, vector<1000x1xf32>,
    return
  }
  func.func @transform_0(%arg0: i32, %arg1: i32) -> (i32, i32) {
    %c0_i32 = arith.constant 0 : i32
    %c0_i32_0 = arith.constant 0 : i32
    return %arg0, %c0_i32 : i32, i32
  }
  func.func @transform_1(%arg0: i32, %arg1: i32) -> (i32, i32) {
    %c0_i32 = arith.constant 0 : i32
    %c0_i32_0 = arith.constant 0 : i32
    %c0_i32_1 = arith.constant 0 : i32
    return %c0_i32, %c0_i32_0 : i32, i32
  }
  func.func @transform_2(%arg0: i32, %arg1: i32) -> (i32, i32) {
    %c0_i32 = arith.constant 0 : i32
    %c0_i32_0 = arith.constant 0 : i32
    %c0_i32_1 = arith.constant 0 : i32
    return %c0_i32, %c0_i32_0 : i32, i32
  }
  func.func @transform_3(%arg0: i32, %arg1: i32) -> (i32, i32) {
    %c0_i32 = arith.constant 0 : i32
    %c0_i32_0 = arith.constant 0 : i32
    return %arg0, %c0_i32 : i32, i32
  }
  func.func @transform_4(%arg0: i32, %arg1: i32) -> (i32, i32) {
    %mul3A = arith.constant 10 : i32
    %mul3A_0 = arith.muli %arg1, %mul3A : i32
    %add3A = arith.addi %mul3A_0, %arg0 : i32
    %c0_i32 = arith.constant 0 : i32
    %c0_i32_1 = arith.constant 0 : i32
    return %add3A, %c0_i32 : i32, i32
  }
  func.func @transform_5(%arg0: i32, %arg1: i32) -> (i32, i32) {
    %c0_i32 = arith.constant 0 : i32
    %c0_i32_0 = arith.constant 0 : i32
    return %arg0, %c0_i32 : i32, i32
  }
  func.func @transform_6(%arg0: i32, %arg1: i32) -> (i32, i32) {
    %c0_i32 = arith.constant 0 : i32
    %c0_i32_0 = arith.constant 0 : i32
    return %arg0, %c0_i32 : i32, i32
  }
}

module attributes {stable_mosaic.version = 14 : i64} {
  func.func @_comb_body(%arg0: i32, %arg1: i32, %arg2: memref<1x1000x128xf32, #tpu.memory_space<vmem>>, %arg3: memref<1x1x128x256xf32, #tpu.memory_space<vmem>>, %arg4: memref<1000x1xf32, #tpu.memory_space<vmem>>, %arg5: memref<1x256xf32, #tpu.memory_space<vmem>>, %arg6: memref<1x256xf32, #tpu.memory_space<vmem>>, %arg7: memref<1x256xf32, #tpu.memory_space<vmem>>, %arg8: memref<1000x256xf32, #tpu.memory_space<vmem>>, %arg9: memref<1000x256xf32, #tpu.memory_space<vmem>>) attributes {dimension_semantics = [#tpu.dimension_semantics<arbitrary>, #tpu.dimension_semantics<arbitrary>], iteration_bounds = array<i64: 10, 14>, scalar_prefetch = 0 : i64, scratch_operands = 1 : i64, tpu.core_type = #tpu.core_type<tc>, window_params = [{transform_indices = @transform_0, window_bounds = array<i64: 1, 1000, 128>}, {transform_indices = @transform_1, window_bounds = array<i64: 1, 1, 128, 256>}, {transform_indices = @transform_2, window_bounds = array<i64: 1000, 1>}, {pipeline_mode = #tpu.pipeline_mode<synchronous>, transform_indices = @transform_3, window_bounds = array<i64: 1, 256>}, {pipeline_mode = #tpu.pipeline_mode<synchronous>, transform_indices = @transform_4, window_bounds = array<i64: 1, 256>}, {pipeline_mode = #tpu.pipeline_mode<synchronous>, transform_indices = @transform_5, window_bounds = array<i64: 1, 256>}, {transform_indices = @transform_6, window_bounds = array<i64: 1000, 256>}]} {
    %eq3A = arith.constant 0 : i32
    %eq3A_0 = arith.cmpi eq, %arg1, %eq3A : i32
    %convert_element_type3A = arith.extui %eq3A_0 : i1 to i32
    %cond3A = arith.constant 0 : i32
    %cond3A_1 = arith.cmpi ne, %convert_element_type3A, %cond3A : i32
    scf.if %cond3A_1 {
      %broadcast_in_dim3A = arith.constant 0.000000e+00 : f32
      %broadcast_in_dim3A_23 = vector.broadcast %broadcast_in_dim3A : f32 to vector<1000x256xf32>
      %swap3A_24 = arith.constant 0 : index
      %swap3A_25 = arith.constant 0 : index
      %swap3A_26 = vector.load %arg9[%swap3A_24, %swap3A_25] : memref<1000x256xf32, #tpu.memory_space<vmem>>, vector<1000x256xf32>
      tpu.vector_store %arg9[%swap3A_24, %swap3A_25], %broadcast_in_dim3A_23 {strides = array<i32>} : memref<1000x256xf32, #tpu.memory_space<vmem>>, vector<1000x256xf32>,
    } else {
    }
    %get3A = arith.constant 0 : index
    %get3A_2 = arith.constant 0 : index
    %get3A_3 = vector.load %arg9[%get3A, %get3A_2] : memref<1000x256xf32, #tpu.memory_space<vmem>>, vector<1000x256xf32>
    %get3A_4 = arith.constant 0 : index
    %get3A_5 = arith.constant 0 : index
    %get3A_6 = arith.constant 0 : index
    %get3A_7 = vector.load %arg2[%get3A_4, %get3A_5, %get3A_6] : memref<1x1000x128xf32, #tpu.memory_space<vmem>>, vector<1x1000x128xf32>
    %get3A_8 = vector.shape_cast %get3A_7 : vector<1x1000x128xf32> to vector<1000x128xf32>
    %get3A_9 = arith.constant 0 : index
    %get3A_10 = arith.constant 0 : index
    %get3A_11 = arith.constant 0 : index
    %get3A_12 = arith.constant 0 : index
    %get3A_13 = vector.load %arg3[%get3A_9, %get3A_10, %get3A_11, %get3A_12] : memref<1x1x128x256xf32, #tpu.memory_space<vmem>>, vector<1x1x128x256xf32>
    %get3A_14 = vector.shape_cast %get3A_13 : vector<1x1x128x256xf32> to vector<128x256xf32>
    %dot_general3A = arith.constant dense<0.000000e+00> : vector<1000x256xf32>
    %dot_general3A_15 = tpu.matmul %get3A_8, %get3A_14, %dot_general3A {dimension_numbers = #tpu.dot_dimension_numbers<[1], [0], [0], [1], [0, 0, 1, 1], [], []>, transpose_lhs_hint = false} : vector<1000x128xf32>, vector<128x256xf32>, vector<1000x256xf32> -> vector<1000x256xf32>
    %add3A = arith.addf %get3A_3, %dot_general3A_15 : vector<1000x256xf32>
    %swap3A = arith.constant 0 : index
    %swap3A_16 = arith.constant 0 : index
    %swap3A_17 = vector.load %arg9[%swap3A, %swap3A_16] : memref<1000x256xf32, #tpu.memory_space<vmem>>, vector<1000x256xf32>
    tpu.vector_store %arg9[%swap3A, %swap3A_16], %add3A {strides = array<i32>} : memref<1000x256xf32, #tpu.memory_space<vmem>>, vector<1000x256xf32>,
    %eq3A_18 = arith.constant 13 : i32
    %eq3A_19 = arith.cmpi eq, %arg1, %eq3A_18 : i32
    %convert_element_type3A_20 = arith.extui %eq3A_19 : i1 to i32
    %cond3A_21 = arith.constant 0 : i32
    %cond3A_22 = arith.cmpi ne, %convert_element_type3A_20, %cond3A_21 : i32
    scf.if %cond3A_22 {
      %get3A_23 = arith.constant 0 : index
      %get3A_24 = arith.constant 0 : index
      %get3A_25 = vector.load %arg9[%get3A_23, %get3A_24] : memref<1000x256xf32, #tpu.memory_space<vmem>>, vector<1000x256xf32>
      %get3A_26 = arith.constant 0 : index
      %get3A_27 = arith.constant 0 : index
      %get3A_28 = vector.load %arg4[%get3A_26, %get3A_27] : memref<1000x1xf32, #tpu.memory_space<vmem>>, vector<1000x1xf32>
      %mul3A = vector.broadcast %get3A_28 : vector<1000x1xf32> to vector<1000x256xf32>
      %mul3A_29 = arith.mulf %get3A_25, %mul3A : vector<1000x256xf32>
      %get3A_30 = arith.constant 0 : index
      %get3A_31 = arith.constant 0 : index
      %get3A_32 = vector.load %arg5[%get3A_30, %get3A_31] : memref<1x256xf32, #tpu.memory_space<vmem>>, vector<1x256xf32>
      %add3A_33 = vector.broadcast %get3A_32 : vector<1x256xf32> to vector<1000x256xf32>
      %add3A_34 = arith.addf %mul3A_29, %add3A_33 : vector<1000x256xf32>
      %max3A = arith.constant 0.000000e+00 : f32
      %max3A_35 = vector.broadcast %max3A : f32 to vector<1000x256xf32>
      %max3A_36 = arith.maximumf %add3A_34, %max3A_35 : vector<1000x256xf32>
      %reduce_sum3A = arith.constant dense<0.000000e+00> : vector<1000xf32>
      %reduce_sum3A_37 = vector.multi_reduction <add>, %max3A_36, %reduce_sum3A [1] : vector<1000x256xf32> to vector<1000xf32>
      %broadcast_in_dim3A = vector.shape_cast %reduce_sum3A_37 : vector<1000xf32> to vector<1000x1xf32>
      %div3A = arith.constant 2.560000e+02 : f32
      %div3A_38 = vector.broadcast %div3A : f32 to vector<1000x1xf32>
      %div3A_39 = arith.divf %broadcast_in_dim3A, %div3A_38 : vector<1000x1xf32>
      %sub3A = vector.broadcast %div3A_39 : vector<1000x1xf32> to vector<1000x256xf32>
      %sub3A_40 = arith.subf %max3A_36, %sub3A : vector<1000x256xf32>
      %integer_pow3A = arith.mulf %sub3A_40, %sub3A_40 : vector<1000x256xf32>
      %reduce_sum3A_41 = arith.constant dense<0.000000e+00> : vector<1000xf32>
      %reduce_sum3A_42 = vector.multi_reduction <add>, %integer_pow3A, %reduce_sum3A_41 [1] : vector<1000x256xf32> to vector<1000xf32>
      %broadcast_in_dim3A_43 = vector.shape_cast %reduce_sum3A_42 : vector<1000xf32> to vector<1000x1xf32>
      %div3A_44 = arith.constant 2.560000e+02 : f32
      %div3A_45 = vector.broadcast %div3A_44 : f32 to vector<1000x1xf32>
      %div3A_46 = arith.divf %broadcast_in_dim3A_43, %div3A_45 : vector<1000x1xf32>
      %sub3A_47 = vector.broadcast %div3A_39 : vector<1000x1xf32> to vector<1000x256xf32>
      %sub3A_48 = arith.subf %max3A_36, %sub3A_47 : vector<1000x256xf32>
      %add3A_49 = arith.constant 9.99999974E-6 : f32
      %add3A_50 = vector.broadcast %add3A_49 : f32 to vector<1000x1xf32>
      %add3A_51 = arith.addf %div3A_46, %add3A_50 : vector<1000x1xf32>
      %rsqrt3A = math.rsqrt %add3A_51 : vector<1000x1xf32>
      %mul3A_52 = vector.broadcast %rsqrt3A : vector<1000x1xf32> to vector<1000x256xf32>
      %mul3A_53 = arith.mulf %sub3A_48, %mul3A_52 : vector<1000x256xf32>
      %get3A_54 = arith.constant 0 : index
      %get3A_55 = arith.constant 0 : index
      %get3A_56 = vector.load %arg6[%get3A_54, %get3A_55] : memref<1x256xf32, #tpu.memory_space<vmem>>, vector<1x256xf32>
      %mul3A_57 = vector.broadcast %get3A_56 : vector<1x256xf32> to vector<1000x256xf32>
      %mul3A_58 = arith.mulf %mul3A_53, %mul3A_57 : vector<1000x256xf32>
      %get3A_59 = arith.constant 0 : index
      %get3A_60 = arith.constant 0 : index
      %get3A_61 = vector.load %arg7[%get3A_59, %get3A_60] : memref<1x256xf32, #tpu.memory_space<vmem>>, vector<1x256xf32>
      %add3A_62 = vector.broadcast %get3A_61 : vector<1x256xf32> to vector<1000x256xf32>
      %add3A_63 = arith.addf %mul3A_58, %add3A_62 : vector<1000x256xf32>
      %swap3A_64 = arith.constant 0 : index
      %swap3A_65 = arith.constant 0 : index
      %swap3A_66 = vector.load %arg8[%swap3A_64, %swap3A_65] : memref<1000x256xf32, #tpu.memory_space<vmem>>, vector<1000x256xf32>
      tpu.vector_store %arg8[%swap3A_64, %swap3A_65], %add3A_63 {strides = array<i32>} : memref<1000x256xf32, #tpu.memory_space<vmem>>, vector<1000x256xf32>,
    } else {
    }
    return
  }
  func.func @transform_0(%arg0: i32, %arg1: i32) -> (i32, i32, i32) {
    %jit3A = arith.constant 2 : i32
    %div3A = arith.divsi %arg1, %jit3A : i32
    %sign3A = arith.constant 0 : i32
    %sign3A_0 = arith.cmpi sgt, %arg1, %sign3A : i32
    %sign3A_1 = arith.extui %sign3A_0 : i1 to i32
    %sign3A_2 = arith.constant 0 : i32
    %sign3A_3 = arith.cmpi slt, %arg1, %sign3A_2 : i32
    %sign3A_4 = arith.extui %sign3A_3 : i1 to i32
    %sign3A_5 = arith.subi %sign3A_1, %sign3A_4 : i32
    %sign3A_6 = arith.constant 0 : i32
    %sign3A_7 = arith.cmpi sgt, %jit3A, %sign3A_6 : i32
    %sign3A_8 = arith.extui %sign3A_7 : i1 to i32
    %sign3A_9 = arith.constant 0 : i32
    %sign3A_10 = arith.cmpi slt, %jit3A, %sign3A_9 : i32
    %sign3A_11 = arith.extui %sign3A_10 : i1 to i32
    %sign3A_12 = arith.subi %sign3A_8, %sign3A_11 : i32
    %ne3A = arith.cmpi ne, %sign3A_5, %sign3A_12 : i32
    %rem3A = arith.remsi %arg1, %jit3A : i32
    %ne3A_13 = arith.constant 0 : i32
    %ne3A_14 = arith.cmpi ne, %rem3A, %ne3A_13 : i32
    %and3A = arith.andi %ne3A, %ne3A_14 : i1
    %sub3A = arith.constant 1 : i32
    %sub3A_15 = arith.subi %div3A, %sub3A : i32
    %select_n3A = arith.select %and3A, %sub3A_15, %div3A : i32
    %jit3A_16 = arith.constant 2 : i32
    %eq3A = arith.constant 0 : i32
    %eq3A_17 = arith.cmpi eq, %jit3A_16, %eq3A : i32
    %jit3A_18 = arith.constant 1 : i32
    %select_n3A_19 = arith.select %eq3A_17, %jit3A_18, %jit3A_16 : i32
    %rem3A_20 = arith.remsi %arg1, %select_n3A_19 : i32
    %ne3A_21 = arith.constant 0 : i32
    %ne3A_22 = arith.cmpi ne, %rem3A_20, %ne3A_21 : i32
    %lt3A = arith.constant 0 : i32
    %lt3A_23 = arith.cmpi slt, %rem3A_20, %lt3A : i32
    %lt3A_24 = arith.constant 0 : i32
    %lt3A_25 = arith.cmpi slt, %select_n3A_19, %lt3A_24 : i32
    %ne3A_26 = arith.xori %lt3A_23, %lt3A_25 : i1
    %and3A_27 = arith.andi %ne3A_26, %ne3A_22 : i1
    %add3A = arith.addi %rem3A_20, %select_n3A_19 : i32
    %select_n3A_28 = arith.select %and3A_27, %add3A, %rem3A_20 : i32
    %mul3A = arith.constant 10 : i32
    %mul3A_29 = arith.muli %select_n3A_28, %mul3A : i32
    %add3A_30 = arith.addi %mul3A_29, %arg0 : i32
    %c0_i32 = arith.constant 0 : i32
    %c0_i32_31 = arith.constant 0 : i32
    return %select_n3A, %add3A_30, %c0_i32 : i32, i32, i32
  }
  func.func @transform_1(%arg0: i32, %arg1: i32) -> (i32, i32, i32, i32) {
    %jit3A = arith.constant 2 : i32
    %div3A = arith.divsi %arg1, %jit3A : i32
    %sign3A = arith.constant 0 : i32
    %sign3A_0 = arith.cmpi sgt, %arg1, %sign3A : i32
    %sign3A_1 = arith.extui %sign3A_0 : i1 to i32
    %sign3A_2 = arith.constant 0 : i32
    %sign3A_3 = arith.cmpi slt, %arg1, %sign3A_2 : i32
    %sign3A_4 = arith.extui %sign3A_3 : i1 to i32
    %sign3A_5 = arith.subi %sign3A_1, %sign3A_4 : i32
    %sign3A_6 = arith.constant 0 : i32
    %sign3A_7 = arith.cmpi sgt, %jit3A, %sign3A_6 : i32
    %sign3A_8 = arith.extui %sign3A_7 : i1 to i32
    %sign3A_9 = arith.constant 0 : i32
    %sign3A_10 = arith.cmpi slt, %jit3A, %sign3A_9 : i32
    %sign3A_11 = arith.extui %sign3A_10 : i1 to i32
    %sign3A_12 = arith.subi %sign3A_8, %sign3A_11 : i32
    %ne3A = arith.cmpi ne, %sign3A_5, %sign3A_12 : i32
    %rem3A = arith.remsi %arg1, %jit3A : i32
    %ne3A_13 = arith.constant 0 : i32
    %ne3A_14 = arith.cmpi ne, %rem3A, %ne3A_13 : i32
    %and3A = arith.andi %ne3A, %ne3A_14 : i1
    %sub3A = arith.constant 1 : i32
    %sub3A_15 = arith.subi %div3A, %sub3A : i32
    %select_n3A = arith.select %and3A, %sub3A_15, %div3A : i32
    %jit3A_16 = arith.constant 2 : i32
    %eq3A = arith.constant 0 : i32
    %eq3A_17 = arith.cmpi eq, %jit3A_16, %eq3A : i32
    %jit3A_18 = arith.constant 1 : i32
    %select_n3A_19 = arith.select %eq3A_17, %jit3A_18, %jit3A_16 : i32
    %rem3A_20 = arith.remsi %arg1, %select_n3A_19 : i32
    %ne3A_21 = arith.constant 0 : i32
    %ne3A_22 = arith.cmpi ne, %rem3A_20, %ne3A_21 : i32
    %lt3A = arith.constant 0 : i32
    %lt3A_23 = arith.cmpi slt, %rem3A_20, %lt3A : i32
    %lt3A_24 = arith.constant 0 : i32
    %lt3A_25 = arith.cmpi slt, %select_n3A_19, %lt3A_24 : i32
    %ne3A_26 = arith.xori %lt3A_23, %lt3A_25 : i1
    %and3A_27 = arith.andi %ne3A_26, %ne3A_22 : i1
    %add3A = arith.addi %rem3A_20, %select_n3A_19 : i32
    %select_n3A_28 = arith.select %and3A_27, %add3A, %rem3A_20 : i32
    %c0_i32 = arith.constant 0 : i32
    %c0_i32_29 = arith.constant 0 : i32
    %c0_i32_30 = arith.constant 0 : i32
    return %select_n3A, %select_n3A_28, %c0_i32, %c0_i32_29 : i32, i32, i32, i32
  }
  func.func @transform_2(%arg0: i32, %arg1: i32) -> (i32, i32) {
    %c0_i32 = arith.constant 0 : i32
    %c0_i32_0 = arith.constant 0 : i32
    return %arg0, %c0_i32 : i32, i32
  }
  func.func @transform_3(%arg0: i32, %arg1: i32) -> (i32, i32) {
    %c0_i32 = arith.constant 0 : i32
    %c0_i32_0 = arith.constant 0 : i32
    %c0_i32_1 = arith.constant 0 : i32
    return %c0_i32, %c0_i32_0 : i32, i32
  }
  func.func @transform_4(%arg0: i32, %arg1: i32) -> (i32, i32) {
    %c0_i32 = arith.constant 0 : i32
    %c0_i32_0 = arith.constant 0 : i32
    %c0_i32_1 = arith.constant 0 : i32
    return %c0_i32, %c0_i32_0 : i32, i32
  }
  func.func @transform_5(%arg0: i32, %arg1: i32) -> (i32, i32) {
    %c0_i32 = arith.constant 0 : i32
    %c0_i32_0 = arith.constant 0 : i32
    %c0_i32_1 = arith.constant 0 : i32
    return %c0_i32, %c0_i32_0 : i32, i32
  }
  func.func @transform_6(%arg0: i32, %arg1: i32) -> (i32, i32) {
    %c0_i32 = arith.constant 0 : i32
    %c0_i32_0 = arith.constant 0 : i32
    return %arg0, %c0_i32 : i32, i32
  }
}

</mosaic_0001>

<sc_bundles>
// kernel: kernel.6.cloned.1.call-start
scs
__scs_entry_jumppad:
0x0: {  	(pc) =	sbr.rel $0x88, $3  }
0x1: {  	(tag) =	ssettag $0x0;
	lr =	simm.s32 $0x1  }
0x2: {  	[smem:$0x3F99] =	sst lr;
	_ =	strace $0xD0000000  }
0x3: {  	_ = 	snop  }
0x4: {  	_ = 	snop  }
0x5: {  	_ = 	snop  }
0x6: {  	_ = 	snop  }
0x7: {  	_ = 	snop  }
__scs_overlays_trampoline_lowered:
0x8: {  	[smem:$0x3FA8] =	sst s0  }
0x9: {  	[smem:$0x3FA9] =	sst s1  }
0xa: {  	[smem:$0x3FAA] =	sst s2  }
0xb: {  	[smem:$0x3FAB] =	sst s3  }
0xc: {  	[smem:$0x3FAC] =	sst s4  }
0xd: {  	[smem:$0x3FAD] =	sst s5  }
0xe: {  	[smem:$0x3FAE] =	sst s6  }
0xf: {  	[smem:$0x3FAF] =	sst s7  }
0x10: {  	[smem:$0x3FB0] =	sst s8  }
0x11: {  	[smem:$0x3FB1] =	sst s9;
	s0 =	simm.s32 @!p0 $0x0  }
0x12: {  	s1 =	sld [smem:$0x3F97];
	s0 =	simm.s32 @p0 $0x1  }
0x13: {  	[smem:$0x3FB2] =	sst s0;
	s0 =	simm.s32 @!p1 $0x0  }
0x14: {  	s2 =	sld [smem:$0x3F96];
	s0 =	simm.s32 @p1 $0x1  }
0x15: {  	[smem:$0x3FB3] =	sst s0;
	s0 =	simm.s32 @!p2 $0x0  }
0x16: {  	s3 =	sld [smem:$0x3FDB];
	s0 =	simm.s32 @p2 $0x1  }
0x17: {  	s4 =	simm.s32 $0x1BF5;
	[smem:$0x3FB5] =	sst s0  }
0x18: {  	s0 =	sld [smem:$0x3F98];
	_ =	swait.ge [sflag:s4], $0x0  }
0x19: {  	s7 =	sld [smem:$0x3F99]  }
0x1a: {  	s8 =	sadd.s32 $0xFFFFE003, lr  }
0x1b: {  	s9 =	sadd.s32 $0xFFFFFEF7, lr;
	s5 =	simm.s32 $0xFFFFFFFF;
	p2 =	slt.u32 s8, $0xFFFFF086  }
0x1c: {  	p1 =	slt.u32 s9, $0xF7A;
	s5 =	simm.s32 @!p2 $0x0  }
0x1d: {  	s5 =	simm.s32 @p1 $0x1;
	p0 =	seq.s32 s7, s2  }
0x1e: {  	s7 =	smul.u32 @!p0 $0xF7A, s2;
	p2 =	seq.s32 @!p0 s5, $0x0  }
0x1f: {  	s9 =	smul.u32 $0xF7A, s1;
	s8 =	simm.s32 @!p0 $0x1BF5;
	p2 =	por !p2, p0  }
0x20: {  	[sflag:s8] =	ssyncset.s32 @!p0 $0xFFFFF086;
	s6 =	sadd.s32 @!p0 s3, s7;
	s7 =	simm.s32 @!p0 $0x108  }
0x21: {  	s3 =	sadd.s32 s3, s9;
	s6 =	sadd.s32 @!p0 $0x88, s6;
	s7 =	simm.s32 @p2 $0x1082  }
0x22: {  	[simem:s7], [sflag:s8] =	dma.local @!p0 [hbm:s6], $0xF7A  }
0x23: {  	s9 =	sor.u32 $0xD0000000, s2;
	s6 =	simm.s32 $0x108;
	_ =	swait.ge @!p0 [sflag:s8], $0x0  }
0x24: {  	s3 =	sadd.s32 $0x88, s3;
	s6 =	simm.s32 @!p1 $0x1082;
	[sflag:s4] =	ssyncset.s32 $0xFFFFF086  }
0x25: {  	[simem:s6], [sflag:s4] =	dma.local [hbm:s3], $0xF7A  }
0x26: {  	[smem:$0x3F99] =	sst s1;
	(tag) =	ssettag s2;
	_ =	strace s9  }
0x27: {  	s1 =	sld [smem:$0x3FA9]  }
0x28: {  	s2 =	sld [smem:$0x3FAA]  }
0x29: {  	s4 =	sld [smem:$0x3FAC]  }
0x2a: {  	p0 =	seq.s32 s5, $0x0;
	s5 =	sld [smem:$0x3FAD]  }
0x2b: {  	s6 =	sld [smem:$0x3FAE]  }
0x2c: {  	s7 =	sld [smem:$0x3FAF]  }
0x2d: {  	s3 =	simm.s32 $0x108;
	s8 =	sld [smem:$0x3FB0]  }
0x2e: {  	s3 =	simm.s32 @!p0 $0x1082;
	s9 =	sld [smem:$0x3FB1]  }
0x2f: {  	lr =	sadd.s32 s0, s3;
	s0 =	sld [smem:$0x3FA8]  }
0x30: {  	s3 =	sld [smem:$0x3FAB]  }
0x31: {  	[smem:$0x3FB4] =	sst s10  }
0x32: {  	s10 =	sld [smem:$0x3FB2];
	_ =	sdelay $0x3  }
0x33: {  	p0 =	seq.s32 s10, $0x1;
	s10 =	sld [smem:$0x3FB4];
	_ =	sdelay $0x3  }
0x34: {  	[smem:$0x3FB4] =	sst s10  }
0x35: {  	s10 =	sld [smem:$0x3FB3];
	_ =	sdelay $0x3  }
0x36: {  	p1 =	seq.s32 s10, $0x1;
	s10 =	sld [smem:$0x3FB4];
	_ =	sdelay $0x3  }
0x37: {  	[smem:$0x3FB4] =	sst s10  }
0x38: {  	s10 =	sld [smem:$0x3FB5]  }
0x39: {  	_ = 	snop;
	(pc) =	sbr.ind lr, $3  }
0x3a: {  	_ = 	snop  }
0x3b: {  	_ = 	snop  }
0x3c: {  	p2 =	seq.s32 s10, $0x1;
	s10 =	sld [smem:$0x3FB4]  }
0x3d: {  	_ =	shalt  }
0x3e: {  	_ =	shalt  }
0x3f: {  	_ =	shalt  }
0x40: {  	_ =	shalt  }
0x41: {  	_ =	shalt  }
0x42: {  	_ =	shalt  }
0x43: {  	_ =	shalt  }
0x44: {  	_ =	shalt  }
0x45: {  	_ =	shalt  }
0x46: {  	_ =	shalt  }
0x47: {  	_ =	shalt  }
0x48: {  	_ =	shalt  }
0x49: {  	_ =	shalt  }
0x4a: {  	_ =	shalt  }
0x4b: {  	_ =	shalt  }
0x4c: {  	_ =	shalt  }
0x4d: {  	_ =	shalt  }
0x4e: {  	_ =	shalt  }
0x4f: {  	_ =	shalt  }
0x50: {  	_ =	shalt  }
0x51: {  	_ =	shalt  }
0x52: {  	_ =	shalt  }
0x53: {  	_ =	shalt  }
0x54: {  	_ =	shalt  }
0x55: {  	_ =	shalt  }
0x56: {  	_ =	shalt  }
0x57: {  	_ =	shalt  }
0x58: {  	_ =	shalt  }
0x59: {  	_ =	shalt  }
0x5a: {  	_ =	shalt  }
0x5b: {  	_ =	shalt  }
0x5c: {  	_ =	shalt  }
0x5d: {  	_ =	shalt  }
0x5e: {  	_ =	shalt  }
0x5f: {  	_ =	shalt  }
0x60: {  	_ =	shalt  }
0x61: {  	_ =	shalt  }
0x62: {  	_ =	shalt  }
0x63: {  	_ =	shalt  }
0x64: {  	_ =	shalt  }
0x65: {  	_ =	shalt  }
0x66: {  	_ =	shalt  }
0x67: {  	_ =	shalt  }
0x68: {  	_ =	shalt  }
0x69: {  	_ =	shalt  }
0x6a: {  	_ =	shalt  }
0x6b: {  	_ =	shalt  }
0x6c: {  	_ =	shalt  }
0x6d: {  	_ =	shalt  }
0x6e: {  	_ =	shalt  }
0x6f: {  	_ =	shalt  }
0x70: {  	_ =	shalt  }
0x71: {  	_ =	shalt  }
0x72: {  	_ =	shalt  }
0x73: {  	_ =	shalt  }
0x74: {  	_ =	shalt  }
0x75: {  	_ =	shalt  }
0x76: {  	_ =	shalt  }
0x77: {  	_ =	shalt  }
0x78: {  	_ =	shalt  }
0x79: {  	_ =	shalt  }
0x7a: {  	_ =	shalt  }
0x7b: {  	_ =	shalt  }
0x7c: {  	_ =	shalt  }
0x7d: {  	_ =	shalt  }
0x7e: {  	_ =	shalt  }
0x7f: {  	_ =	shalt  }
0x80: {  	_ =	shalt  }
0x81: {  	_ =	shalt  }
0x82: {  	_ =	shalt  }
0x83: {  	_ =	shalt  }
0x84: {  	_ =	shalt  }
0x85: {  	_ =	shalt  }
0x86: {  	_ =	shalt  }
0x87: {  	_ =	shalt  }
.Lfunc_end0:
.L_simem_size_0:
called_computation_lowered:
.L_overlay_start_0:
0x88: {  	s2 =	sld [smem:$0x3FD9]  }
0x89: {  	s3 =	sld [smem:$0x3FFE];
	_ =	sdelay $0x1  }
0x8a: {  	s1 =	srdreg.scid  }
0x8b: {  	s0 =	sand.u32 $0x1, s1  }
0x8c: {  	s17 =	sshll.u32 s0, $0xA;
	s2 =	sadd.s32 s3, s2  }
0x8d: {  	s2 =	sadd.s32 s2, s17  }
0x8e: {  	[smem:$0x3FC0] =	sst s2  }
0x8f: {  	_ = 	snop  }
0x90: {  	s2 =	sld [smem:$0x3FD0];
	(tm) =	ssettm $0x1  }
0x91: {  	s18 =	sld [smem:$0x3FFB];
	_ =	sdelay $0x3  }
0x92: {  	_ =	strace s18  }
0x93: {  	s3 =	sld [smem:$0x3FFC];
	_ =	sdelay $0x3  }
0x94: {  	_ =	strace s3  }
0x95: {  	s3 =	sld [smem:$0x3FFD];
	_ =	sdelay $0x3  }
0x96: {  	_ =	strace s3  }
0x97: {  	_ =	strace $0x8FFFFFFF  }
0x98: {  	s19 =	sld [smem:$0x3FDB];
	_ =	sdelay $0x1  }
0x99: {  	s4 =	simm.s32 $_scs_section_size  }
0x9a: {  	s5 =	simm.s32 $_size__tile_overlayer_lowered;
	s6 =	simm.s32 $_tile_overlayer_lowered  }
0x9b: {  	s22 =	simm.s32 $0x1BFF;
	s21 =	sshll.u32 s6, $0x1;
	s3 =	sadd.s32 s4, s19  }
0x9c: {  	s7 =	simm.s32 $0x0;
	s20 =	sshll.u32 s5, $0x1;
	s5 =	sadd.s32 s21, s3  }
0x9d: {  	[timem:s7], [sflag:s22] =	dma.local [hbm:s5], s20  }
0x9e: {  	_ =	swait.ge [sflag:s22], s20  }
0x9f: {  	s4 =	ssub.s32 $0x0, s20;
	[sflag:s22] =	ssyncset.done $0x0  }
0xa0: {  	[sflag:s22] =	ssyncadd.s32 s4;
	_ =	sdelay $0x1  }
0xa1: {  	s23 =	simm.s32 $0x1B8B  }
0xa2: {  	_ =	swait.ge [sflag:s23], $0x1  }
0xa3: {  	[sflag:s23] =	ssyncset.done $0x0  }
0xa4: {  	s25 =	simm.s32 $0x1B8E;
	s24 =	sld [smem:$0x3FFE];
	[sflag:s23] =	ssyncadd.s32 $0xFFFFFFFF  }
0xa5: {  	s26 =	simm.s32 $execute0_lowered;
	[smem:$0x3FD2] =	sst s25  }
0xa6: {  	s5 =	sshll.u32 s26, $0x1;
	_ =	strace $0x80000046;
	[dreg:$0x1] =	wrdreg $0xFFFFFFFF  }
0xa7: {  	s28 =	simm.s32 $_size_execute0_lowered;
	s3 =	sadd.s32 s3, s5;
	[dreg:$0x0] =	wrdreg $0x0  }
0xa8: {  	s5 =	sshll.u32 s28, $0x1;
	[dreg:$0x2] =	wrdreg s3  }
0xa9: {  	[dreg:$0x3] =	wrdreg s5  }
0xaa: {  	[dreg:$0x4] =	wrdreg $0xC0  }
0xab: {  	_ =	task [dreg:s7], $0x5FFFF  }
0xac: {  	[dreg:$0x1] =	wrdreg $0xFFFFFFFF  }
0xad: {  	[dreg:$0x0] =	wrdreg $0x60  }
0xae: {  	[dreg:$0x2] =	wrdreg s24  }
0xaf: {  	[dreg:$0x3] =	wrdreg s2  }
0xb0: {  	[dreg:$0x4] =	wrdreg $0x2C600  }
0xb1: {  	[dreg:$0x5] =	wrdreg $0x9  }
0xb2: {  	_ =	task.clear_ibuf [dreg:s7], $0x6FFFF;
	_ =	strace $0x90000046  }
0xb3: {  	s29 =	simm.s32 $0x9;
	_ =	strace $0x80000048  }
0xb4: {  	_ =	swait.ge [sflag:s29], $0x1  }
0xb5: {  	[sflag:s29] =	ssyncadd.s32 $0xFFFFFFFF  }
0xb6: {  	_ =	strace $0x90000048  }
0xb7: {  	_ =	sfence  }
0xb8: {  	s30 =	sld [smem:$0x0];
	_ =	sdelay $0x2  }
0xb9: {  	s31 =	sshll.u32 s1, $0xD;
	s1 =	sshrl.u32 s1, $0x2  }
0xba: {  	s3 =	sand.u32 $0x4000, s31;
	s1 =	sadd.s32 s1, s30  }
0xbb: {  	s0 =	sor.u32 s3, s0;
	s1 =	sshll.u32 s1, $0x11  }
0xbc: {  	s0 =	sor.u32 s1, s0  }
0xbd: {  	s0 =	sadd.s32 $0x8F2B, s0  }
0xbe: {  	[sflag:s0] =	ssyncadd.remote.s32 $0x1  }
0xbf: {  	_ =	sfence.sel $0xFFFF  }
0xc0: {  	[dreg:$0x0] =	wrdreg $0xFFFFFFFF;
	(pc) =	sbr.abs _section_cstart, $3  }
0xc1: {  	[dreg:$0x1] =	wrdreg $0xFFFFFFFF  }
0xc2: {  	_ =	task.clear_ibuf [dreg:s7], $0x2FFFF;
	_ =	strace $0x9FFFFFFF  }
0xc3: {  	(tm) =	ssettm $0x7FFFFFFF  }
tec
execute0_lowered:
.L_overlay_start_1:
0x0: {  	(tag) =	ssettag $0x1  }
0x1: {  	s4 =	rddreg [dreg:$0x0]  }
0x2: {  	s0 =	srdreg.scid;
	s6 =	rddreg [dreg:$0x1]  }
0x3: {  	s8 =	stileid.u32;
	s1 =	rddreg [dreg:$0x2];
	s2 =	simm.s32 $0x0  }
0x4: {  	s11 =	simm.s32 $0x50;
	s3 =	sand.u32 $0x1, s0;
	s0 =	rddreg [dreg:$0x3]  }
0x5: {  	s12 =	simm.s32 $0x0;
	s7 =	smul.u32 $0x2760, s8;
	[smem:$0x7FF] =	sst s2  }
0x6: {  	p0 =	sne.s32 s8, $0x0;
	s8 =	simm.s32 $0x1;
	s5 =	smul.u32 $0x27600, s3  }
0x7: {  	_ =	strace $0x80000047;
	s31 =	ssub.s32 $0x2, s3;
	s10 =	smul.u32 $0x4E30, s3  }
0x8: {  	s3 =	sadd.s32 $0xAE00, s4;
	s9 =	sshrl.u32 s31, $0x1;
	s5 =	sadd.s32 s7, s5  }
0x9: {  	s7 =	ssub.s32 s31, s9;
	s6 =	sadd.s32 s6, s10;
	s5 =	sshrl.u32 s5, $0x3  }
0xa: {  	s9 =	simm.s32 $0x2760;
	s10 =	sshrl.u32 @!p0 s1, $0x3;
	s5 =	sadd.s32 s5, s4  }
0xb: {  	s7 =	smax.u32 s7, $0x1;
	s4 =	sadd.s32 $0xB000, s4;
	s5 =	sadd.s32 $0x1000, s5  }
.LBB2_1:
0xc: {  	[tilespmem:s2], [sflag:$0x1] =	stream.linear.gather [hbm4b:s5+s2], $0x2760, $0x38;
	[tilespmem:$0x5378] =	vst v63  }
0xd: {  	_ =	swait.ge [sflag:s8], $0x2760  }
0xe: {  	[sflag:s8] =	ssyncset.done $0x0  }
0xf: {  	[sflag:s8] =	ssyncadd.s32 $0xFFFFD8A0  }
0x10: {  	[tilespmem:s9], [sflag:$0x1] =	stream.linear.gather [hbm4b:s3+s2], $0x500, $0x38;
	[tilespmem:$0x5378] =	vst v63  }
0x11: {  	_ =	swait.ge [sflag:s8], $0x500  }
0x12: {  	[sflag:s8] =	ssyncset.done $0x0  }
0x13: {  	s13 =	simm.s32 @!p0 $0x1C01;
	[sflag:s8] =	ssyncadd.s32 $0xFFFFFB00  }
0x14: {  	[spmem:s10], [sflag:s13] =	dma.local @!p0 [hbm:s4], $0x4E30  }
0x15: {  	s13 =	simm.s32 @!p0 $0x1  }
0x16: {  	_ =	swait.ge @!p0 [sflag:s13], $0x4E30  }
0x17: {  	[sflag:s13] =	ssyncset.done @!p0 $0x0  }
0x18: {  	[sflag:s13] =	ssyncadd.s32 @!p0 $0xFFFFB1D0  }
0x19: {  	s31 =	simm.s32 $0x0;
	[bflag:$0x0] =	sbarrier.arrive $0xFFFF  }
0x1a: {  	[spmem:s1] =	stream.indirect.scatter.add.f32 [tilespmem:s9], [sflag:$0x1], $0x10, s31, s11, $0xb8;
	[tilespmem:$0x5378] =	vst v63  }
0x1b: {  	_ =	swait.ge [sflag:s8], $0x500  }
0x1c: {  	s13 =	simm.s32 $0x140;
	[sflag:s8] =	ssyncset.done $0x0  }
.LBB2_2:
0x1d: {  	s14 =	sshra.s32 s13, $0x2;
	[sflag:s8] =	ssyncadd.s32 $0xFFFFFB00;
	p1 =	sne.s32 s13, $0x9C40  }
0x1e: {  	[spmem:s1] =	stream.indirect.scatter.add.f32 [tilespmem:s9], [sflag:$0x1], $0x10, s14, s11, $0xb8;
	[tilespmem:$0x5378] =	vst v63  }
.Ltmp0:
0x1f: {  	_ = 	snop;
	(pc) =	sbr.rel @p1 .LBB2_2-.Ltmp0, $4  }
0x20: {  	_ = 	snop  }
0x21: {  	s13 =	sadd.s32 $0x140, s13  }
0x22: {  	_ =	swait.ge [sflag:s8], $0x500  }
0x23: {  	[sflag:s8] =	ssyncset.done $0x0  }
0x24: {  	[sflag:s8] =	ssyncadd.s32 $0xFFFFFB00;
	s12 =	sadd.s32 $0x1, s12  }
0x25: {  	s13 =	simm.s32 @!p0 $0x1C01;
	[bflag:$0x0] =	sbarrier.arrive $0xFFFF;
	p1 =	sne.s32 s12, s7  }
0x26: {  	[hbm:s6], [sflag:s13] =	dma.local @!p0 [spmem:s10], $0x4E30  }
.Ltmp1:
0x27: {  	_ = 	snop;
	(pc) =	sbr.rel @p1 .LBB2_1-.Ltmp1, $4  }
0x28: {  	s13 =	simm.s32 @!p0 $0x1  }
0x29: {  	_ =	swait.ge @!p0 [sflag:s13], $0x4E30  }
0x2a: {  	[sflag:s13] =	ssyncset.done @!p0 $0x0  }
0x2b: {  	[sflag:s13] =	ssyncadd.s32 @!p0 $0xFFFFB1D0  }
0x2c: {  	_ =	sfence.sel $0x180000  }
0x2d: {  	[bflag:$0x0] =	sbarrier.arrive $0xFFFF  }
0x2e: {  	_ =	strace $0x90000047  }
0x2f: {  	s0 =	sadd.s32 @!p0 $0x100000, s0;
	[bflag:$0x2] =	sbarrier.arrive $0xFFFF  }
0x30: {  	[sflag:s0] =	ssyncadd.tile.s32 @!p0 $0x1;
	_ =	shalt  }
.Lfunc_end2:
_tile_overlayer_lowered:
.L_overlay_start_2:
0x31: {  	(tag) =	ssettag $0x2  }
0x32: {  	s0 =	rddreg [dreg:$0x0];
	s2 =	stileid.u32  }
0x33: {  	s1 =	rddreg [dreg:$0x1];
	p0 =	sne.s32 s2, $0x0  }
0x34: {  	s3 =	rddreg [dreg:$0x2];
	[bflag:$0x3] =	sbarrier.arrive $0xFFFF;
	s2 =	simm.s32 @!p0 $0x1C01  }
0x35: {  	[timem:s3], [sflag:s2] =	dma.local @!p0 [hbm:s0], s1  }
0x36: {  	s0 =	simm.s32 @!p0 $0x1  }
0x37: {  	_ =	swait.ge @!p0 [sflag:s0], s1  }
0x38: {  	s1 =	ssub.s32 @!p0 $0x0, s1;
	[sflag:s0] =	ssyncset.done @!p0 $0x0  }
0x39: {  	[sflag:s0] =	ssyncadd.s32 @!p0 s1  }
0x3a: {  	[bflag:$0x3] =	sbarrier.arrive $0xFFFF  }
0x3b: {  	_ =	shalt  }

// kernel: kernel.9.cloned.1.call-start
scs
__scs_entry_jumppad:
0x0: {  	(pc) =	sbr.rel $0x88, $3  }
0x1: {  	(tag) =	ssettag $0x0;
	lr =	simm.s32 $0x1  }
0x2: {  	[smem:$0x3F99] =	sst lr;
	_ =	strace $0xD0000000  }
0x3: {  	_ = 	snop  }
0x4: {  	_ = 	snop  }
0x5: {  	_ = 	snop  }
0x6: {  	_ = 	snop  }
0x7: {  	_ = 	snop  }
__scs_overlays_trampoline_lowered:
0x8: {  	[smem:$0x3FA8] =	sst s0  }
0x9: {  	[smem:$0x3FA9] =	sst s1  }
0xa: {  	[smem:$0x3FAA] =	sst s2  }
0xb: {  	[smem:$0x3FAB] =	sst s3  }
0xc: {  	[smem:$0x3FAC] =	sst s4  }
0xd: {  	[smem:$0x3FAD] =	sst s5  }
0xe: {  	[smem:$0x3FAE] =	sst s6  }
0xf: {  	[smem:$0x3FAF] =	sst s7  }
0x10: {  	[smem:$0x3FB0] =	sst s8  }
0x11: {  	[smem:$0x3FB1] =	sst s9;
	s0 =	simm.s32 @!p0 $0x0  }
0x12: {  	s1 =	sld [smem:$0x3F97];
	s0 =	simm.s32 @p0 $0x1  }
0x13: {  	[smem:$0x3FB2] =	sst s0;
	s0 =	simm.s32 @!p1 $0x0  }
0x14: {  	s2 =	sld [smem:$0x3F96];
	s0 =	simm.s32 @p1 $0x1  }
0x15: {  	[smem:$0x3FB3] =	sst s0;
	s0 =	simm.s32 @!p2 $0x0  }
0x16: {  	s3 =	sld [smem:$0x3FDB];
	s0 =	simm.s32 @p2 $0x1  }
0x17: {  	s4 =	simm.s32 $0x1BF5;
	[smem:$0x3FB5] =	sst s0  }
0x18: {  	s0 =	sld [smem:$0x3F98];
	_ =	swait.ge [sflag:s4], $0x0  }
0x19: {  	s7 =	sld [smem:$0x3F99]  }
0x1a: {  	s8 =	sadd.s32 $0xFFFFE003, lr  }
0x1b: {  	s9 =	sadd.s32 $0xFFFFFEF7, lr;
	s5 =	simm.s32 $0xFFFFFFFF;
	p2 =	slt.u32 s8, $0xFFFFF086  }
0x1c: {  	p1 =	slt.u32 s9, $0xF7A;
	s5 =	simm.s32 @!p2 $0x0  }
0x1d: {  	s5 =	simm.s32 @p1 $0x1;
	p0 =	seq.s32 s7, s2  }
0x1e: {  	s7 =	smul.u32 @!p0 $0xF7A, s2;
	p2 =	seq.s32 @!p0 s5, $0x0  }
0x1f: {  	s9 =	smul.u32 $0xF7A, s1;
	s8 =	simm.s32 @!p0 $0x1BF5;
	p2 =	por !p2, p0  }
0x20: {  	[sflag:s8] =	ssyncset.s32 @!p0 $0xFFFFF086;
	s6 =	sadd.s32 @!p0 s3, s7;
	s7 =	simm.s32 @!p0 $0x108  }
0x21: {  	s3 =	sadd.s32 s3, s9;
	s6 =	sadd.s32 @!p0 $0x88, s6;
	s7 =	simm.s32 @p2 $0x1082  }
0x22: {  	[simem:s7], [sflag:s8] =	dma.local @!p0 [hbm:s6], $0xF7A  }
0x23: {  	s9 =	sor.u32 $0xD0000000, s2;
	s6 =	simm.s32 $0x108;
	_ =	swait.ge @!p0 [sflag:s8], $0x0  }
0x24: {  	s3 =	sadd.s32 $0x88, s3;
	s6 =	simm.s32 @!p1 $0x1082;
	[sflag:s4] =	ssyncset.s32 $0xFFFFF086  }
0x25: {  	[simem:s6], [sflag:s4] =	dma.local [hbm:s3], $0xF7A  }
0x26: {  	[smem:$0x3F99] =	sst s1;
	(tag) =	ssettag s2;
	_ =	strace s9  }
0x27: {  	s1 =	sld [smem:$0x3FA9]  }
0x28: {  	s2 =	sld [smem:$0x3FAA]  }
0x29: {  	s4 =	sld [smem:$0x3FAC]  }
0x2a: {  	p0 =	seq.s32 s5, $0x0;
	s5 =	sld [smem:$0x3FAD]  }
0x2b: {  	s6 =	sld [smem:$0x3FAE]  }
0x2c: {  	s7 =	sld [smem:$0x3FAF]  }
0x2d: {  	s3 =	simm.s32 $0x108;
	s8 =	sld [smem:$0x3FB0]  }
0x2e: {  	s3 =	simm.s32 @!p0 $0x1082;
	s9 =	sld [smem:$0x3FB1]  }
0x2f: {  	lr =	sadd.s32 s0, s3;
	s0 =	sld [smem:$0x3FA8]  }
0x30: {  	s3 =	sld [smem:$0x3FAB]  }
0x31: {  	[smem:$0x3FB4] =	sst s10  }
0x32: {  	s10 =	sld [smem:$0x3FB2];
	_ =	sdelay $0x3  }
0x33: {  	p0 =	seq.s32 s10, $0x1;
	s10 =	sld [smem:$0x3FB4];
	_ =	sdelay $0x3  }
0x34: {  	[smem:$0x3FB4] =	sst s10  }
0x35: {  	s10 =	sld [smem:$0x3FB3];
	_ =	sdelay $0x3  }
0x36: {  	p1 =	seq.s32 s10, $0x1;
	s10 =	sld [smem:$0x3FB4];
	_ =	sdelay $0x3  }
0x37: {  	[smem:$0x3FB4] =	sst s10  }
0x38: {  	s10 =	sld [smem:$0x3FB5]  }
0x39: {  	_ = 	snop;
	(pc) =	sbr.ind lr, $3  }
0x3a: {  	_ = 	snop  }
0x3b: {  	_ = 	snop  }
0x3c: {  	p2 =	seq.s32 s10, $0x1;
	s10 =	sld [smem:$0x3FB4]  }
0x3d: {  	_ =	shalt  }
0x3e: {  	_ =	shalt  }
0x3f: {  	_ =	shalt  }
0x40: {  	_ =	shalt  }
0x41: {  	_ =	shalt  }
0x42: {  	_ =	shalt  }
0x43: {  	_ =	shalt  }
0x44: {  	_ =	shalt  }
0x45: {  	_ =	shalt  }
0x46: {  	_ =	shalt  }
0x47: {  	_ =	shalt  }
0x48: {  	_ =	shalt  }
0x49: {  	_ =	shalt  }
0x4a: {  	_ =	shalt  }
0x4b: {  	_ =	shalt  }
0x4c: {  	_ =	shalt  }
0x4d: {  	_ =	shalt  }
0x4e: {  	_ =	shalt  }
0x4f: {  	_ =	shalt  }
0x50: {  	_ =	shalt  }
0x51: {  	_ =	shalt  }
0x52: {  	_ =	shalt  }
0x53: {  	_ =	shalt  }
0x54: {  	_ =	shalt  }
0x55: {  	_ =	shalt  }
0x56: {  	_ =	shalt  }
0x57: {  	_ =	shalt  }
0x58: {  	_ =	shalt  }
0x59: {  	_ =	shalt  }
0x5a: {  	_ =	shalt  }
0x5b: {  	_ =	shalt  }
0x5c: {  	_ =	shalt  }
0x5d: {  	_ =	shalt  }
0x5e: {  	_ =	shalt  }
0x5f: {  	_ =	shalt  }
0x60: {  	_ =	shalt  }
0x61: {  	_ =	shalt  }
0x62: {  	_ =	shalt  }
0x63: {  	_ =	shalt  }
0x64: {  	_ =	shalt  }
0x65: {  	_ =	shalt  }
0x66: {  	_ =	shalt  }
0x67: {  	_ =	shalt  }
0x68: {  	_ =	shalt  }
0x69: {  	_ =	shalt  }
0x6a: {  	_ =	shalt  }
0x6b: {  	_ =	shalt  }
0x6c: {  	_ =	shalt  }
0x6d: {  	_ =	shalt  }
0x6e: {  	_ =	shalt  }
0x6f: {  	_ =	shalt  }
0x70: {  	_ =	shalt  }
0x71: {  	_ =	shalt  }
0x72: {  	_ =	shalt  }
0x73: {  	_ =	shalt  }
0x74: {  	_ =	shalt  }
0x75: {  	_ =	shalt  }
0x76: {  	_ =	shalt  }
0x77: {  	_ =	shalt  }
0x78: {  	_ =	shalt  }
0x79: {  	_ =	shalt  }
0x7a: {  	_ =	shalt  }
0x7b: {  	_ =	shalt  }
0x7c: {  	_ =	shalt  }
0x7d: {  	_ =	shalt  }
0x7e: {  	_ =	shalt  }
0x7f: {  	_ =	shalt  }
0x80: {  	_ =	shalt  }
0x81: {  	_ =	shalt  }
0x82: {  	_ =	shalt  }
0x83: {  	_ =	shalt  }
0x84: {  	_ =	shalt  }
0x85: {  	_ =	shalt  }
0x86: {  	_ =	shalt  }
0x87: {  	_ =	shalt  }
.Lfunc_end0:
.L_simem_size_0:
called_computation.1_lowered:
.L_overlay_start_0:
0x88: {  	s2 =	sld [smem:$0x3FD9]  }
0x89: {  	s3 =	sld [smem:$0x3FFE];
	_ =	sdelay $0x1  }
0x8a: {  	s1 =	srdreg.scid  }
0x8b: {  	s0 =	sand.u32 $0x1, s1  }
0x8c: {  	s17 =	sshll.u32 s0, $0xA;
	s2 =	sadd.s32 s3, s2  }
0x8d: {  	s2 =	sadd.s32 s2, s17  }
0x8e: {  	[smem:$0x3FC0] =	sst s2  }
0x8f: {  	_ = 	snop  }
0x90: {  	s2 =	sld [smem:$0x3FD0];
	(tm) =	ssettm $0x1  }
0x91: {  	s18 =	sld [smem:$0x3FFB];
	_ =	sdelay $0x3  }
0x92: {  	_ =	strace s18  }
0x93: {  	s3 =	sld [smem:$0x3FFC];
	_ =	sdelay $0x3  }
0x94: {  	_ =	strace s3  }
0x95: {  	s3 =	sld [smem:$0x3FFD];
	_ =	sdelay $0x3  }
0x96: {  	_ =	strace s3  }
0x97: {  	_ =	strace $0x8FFFFFFF  }
0x98: {  	s19 =	sld [smem:$0x3FDB];
	_ =	sdelay $0x1  }
0x99: {  	s4 =	simm.s32 $_scs_section_size  }
0x9a: {  	s5 =	simm.s32 $_size__tile_overlayer_lowered;
	s6 =	simm.s32 $_tile_overlayer_lowered  }
0x9b: {  	s22 =	simm.s32 $0x1BFF;
	s21 =	sshll.u32 s6, $0x1;
	s3 =	sadd.s32 s4, s19  }
0x9c: {  	s7 =	simm.s32 $0x0;
	s20 =	sshll.u32 s5, $0x1;
	s5 =	sadd.s32 s21, s3  }
0x9d: {  	[timem:s7], [sflag:s22] =	dma.local [hbm:s5], s20  }
0x9e: {  	_ =	swait.ge [sflag:s22], s20  }
0x9f: {  	s4 =	ssub.s32 $0x0, s20;
	[sflag:s22] =	ssyncset.done $0x0  }
0xa0: {  	[sflag:s22] =	ssyncadd.s32 s4;
	_ =	sdelay $0x1  }
0xa1: {  	s23 =	simm.s32 $0x1B8B  }
0xa2: {  	_ =	swait.ge [sflag:s23], $0x1  }
0xa3: {  	[sflag:s23] =	ssyncset.done $0x0  }
0xa4: {  	s25 =	simm.s32 $0x1B8E;
	s24 =	sld [smem:$0x3FFE];
	[sflag:s23] =	ssyncadd.s32 $0xFFFFFFFF  }
0xa5: {  	s26 =	simm.s32 $execute0_lowered;
	[smem:$0x3FD2] =	sst s25  }
0xa6: {  	s5 =	sshll.u32 s26, $0x1;
	_ =	strace $0x80000049;
	[dreg:$0x1] =	wrdreg $0xFFFFFFFF  }
0xa7: {  	s28 =	simm.s32 $_size_execute0_lowered;
	s3 =	sadd.s32 s3, s5;
	[dreg:$0x0] =	wrdreg $0x0  }
0xa8: {  	s5 =	sshll.u32 s28, $0x1;
	[dreg:$0x2] =	wrdreg s3  }
0xa9: {  	[dreg:$0x3] =	wrdreg s5  }
0xaa: {  	[dreg:$0x4] =	wrdreg $0xC0  }
0xab: {  	_ =	task [dreg:s7], $0x5FFFF  }
0xac: {  	[dreg:$0x1] =	wrdreg $0xFFFFFFFF  }
0xad: {  	[dreg:$0x0] =	wrdreg $0x60  }
0xae: {  	[dreg:$0x2] =	wrdreg s2  }
0xaf: {  	[dreg:$0x3] =	wrdreg s24  }
0xb0: {  	[dreg:$0x4] =	wrdreg $0xC6C00  }
0xb1: {  	[dreg:$0x5] =	wrdreg $0x9  }
0xb2: {  	_ =	task.clear_ibuf [dreg:s7], $0x6FFFF;
	_ =	strace $0x90000049  }
0xb3: {  	s29 =	simm.s32 $0x9;
	_ =	strace $0x8000004B  }
0xb4: {  	_ =	swait.ge [sflag:s29], $0x1  }
0xb5: {  	[sflag:s29] =	ssyncadd.s32 $0xFFFFFFFF  }
0xb6: {  	_ =	strace $0x9000004B  }
0xb7: {  	_ =	sfence  }
0xb8: {  	s30 =	sld [smem:$0x0];
	_ =	sdelay $0x2  }
0xb9: {  	s31 =	sshll.u32 s1, $0xD;
	s1 =	sshrl.u32 s1, $0x2  }
0xba: {  	s3 =	sand.u32 $0x4000, s31;
	s1 =	sadd.s32 s1, s30  }
0xbb: {  	s0 =	sor.u32 s3, s0;
	s1 =	sshll.u32 s1, $0x11  }
0xbc: {  	s0 =	sor.u32 s1, s0  }
0xbd: {  	s0 =	sadd.s32 $0x8F2B, s0  }
0xbe: {  	[sflag:s0] =	ssyncadd.remote.s32 $0x1  }
0xbf: {  	_ =	sfence.sel $0xFFFF  }
0xc0: {  	[dreg:$0x0] =	wrdreg $0xFFFFFFFF;
	(pc) =	sbr.abs _section_cstart, $3  }
0xc1: {  	[dreg:$0x1] =	wrdreg $0xFFFFFFFF  }
0xc2: {  	_ =	task.clear_ibuf [dreg:s7], $0x2FFFF;
	_ =	strace $0x9FFFFFFF  }
0xc3: {  	(tm) =	ssettm $0x7FFFFFFF  }
tec
execute0_lowered:
.L_overlay_start_1:
0x0: {  	(tag) =	ssettag $0x1  }
0x1: {  	s0 =	rddreg [dreg:$0x0]  }
0x2: {  	s1 =	srdreg.scid;
	s8 =	rddreg [dreg:$0x1]  }
0x3: {  	s18 =	stileid.u32;
	s2 =	rddreg [dreg:$0x2]  }
0x4: {  	s3 =	simm.s32 $0x0;
	s19 =	simm.s32 $0x4;
	s28 =	simm.s32 $0x1  }
0x5: {  	s29 =	simm.s32 $0x2;
	s30 =	simm.s32 $0x3;
	s20 =	simm.s32 $0x4E70  }
0x6: {  	s5 =	smul.u32 $0x2760, s18;
	[smem:$0x7FF] =	sst s3;
	s7 =	sadd.s32 $0x41000, s8  }
0x7: {  	s25 =	smul.u32 $0x4E200, s18;
	s12 =	sadd.s32 $0x8F200, s8;
	s14 =	sadd.s32 $0x12B600, s8  }
0x8: {  	s1 =	sand.u32 $0x1, s1;
	s15 =	sadd.s32 $0x179800, s8;
	s16 =	sadd.s32 $0x1C7A00, s8  }
0x9: {  	s13 =	sadd.s32 $0xDD400, s8;
	s17 =	sadd.s32 $0x215C00, s8;
	s4 =	smul.u32 $0x27600, s1  }
0xa: {  	s31 =	sshll.u32 s18, $0x6;
	_ =	strace $0x8000004A;
	s26 =	sshrl.u32 s25, $0x2  }
0xb: {  	s25 =	simm.s32 $0x76C0;
	s5 =	sadd.s32 s5, s4;
	s4 =	smul.u32 $0x2710, s1  }
0xc: {  	s1 =	ssub.s32 $0x2, s1;
	s6 =	sshrl.u32 s5, $0x3;
	s5 =	smul.u32 $0x271, s18  }
0xd: {  	s10 =	sshrl.u32 s1, $0x1;
	s9 =	sadd.s32 s6, s8;
	s6 =	sadd.s32 $0x19E00, s8  }
0xe: {  	s1 =	ssub.s32 s1, s10;
	s8 =	simm.s32 $0x0;
	s22 =	sadd.s32 $0x10000, s9  }
0xf: {  	s11 =	sadd.s32 s5, s4;
	s9 =	sadd.s32 $0x1000, s9;
	[dreg:$0x4] =	wrdreg s22  }
0x10: {  	s1 =	smax.u32 s1, $0x1;
	s23 =	sshll.u32 s11, $0x4;
	[dreg:$0x5] =	wrdreg s9  }
0x11: {  	[dreg:$0x8] =	wrdreg s1;
	s1 =	sor.u32 $0x1C04, s31;
	s24 =	sadd.s32 s7, s23  }
0x12: {  	s0 =	sadd.s32 s0, s23;
	[dreg:$0x9] =	wrdreg s1;
	s23 =	simm.s32 $0x50  }
0x13: {  	s1 =	simm.s32 $0x4DD0;
	[dreg:$0x7] =	wrdreg s0;
	s0 =	sadd.s32 s26, s2  }
0x14: {  	[dreg:$0x6] =	wrdreg s24;
	s24 =	simm.s32 $0x4EC0;
	s0 =	sshrl.u32 s0, $0x3  }
0x15: {  	s26 =	simm.s32 $0x9EC0;
	[dreg:$0xa] =	wrdreg s0;
	s0 =	simm.s32 $0x4E20  }
.LBB2_1:
0x16: {  	s9 =	rddreg [dreg:$0x4]  }
0x17: {  	[tilespmem:s3], [sflag:$0x4] =	stream.linear.gather [hbm4b:s9+s3], $0x2760, $0x38;
	[tilespmem:$0x1FF80] =	vst v63  }
0x18: {  	_ =	swait.ge [sflag:s19], $0x2760  }
0x19: {  	[sflag:s19] =	ssyncset.done $0x0  }
0x1a: {  	s10 =	simm.s32 $0x2760;
	s18 =	rddreg [dreg:$0x5];
	[sflag:s19] =	ssyncadd.s32 $0xFFFFD8A0  }
0x1b: {  	[tilespmem:s10], [sflag:$0x4] =	stream.linear.gather [hbm4b:s18+s3], $0x2760, $0x38;
	[tilespmem:$0x1FF80] =	vst v63  }
0x1c: {  	_ =	swait.ge [sflag:s19], $0x2760  }
0x1d: {  	s21 =	rddreg [dreg:$0x6]  }
0x1e: {  	[sflag:s19] =	ssyncset.done $0x0;
	s22 =	rddreg [dreg:$0x7]  }
0x1f: {  	s11 =	rddreg [dreg:$0x9];
	[sflag:s19] =	ssyncadd.s32 $0xFFFFD8A0  }
0x20: {  	[hbm:s21], [sflag:s11] =	dma.local [hbm:s22], $0x2710  }
0x21: {  	_ =	swait.ge [sflag:s19], $0x2710  }
0x22: {  	[sflag:s19] =	ssyncset.done $0x0  }
0x23: {  	s31 =	rddreg [dreg:$0xa];
	[sflag:s19] =	ssyncadd.s32 $0xFFFFD8F0  }
0x24: {  	[spmem:s31], [sflag:s11] =	dma.local [hbm:s22], $0x2710  }
0x25: {  	_ =	swait.ge [sflag:s19], $0x2710  }
0x26: {  	[sflag:s19] =	ssyncset.done $0x0  }
0x27: {  	[sflag:s19] =	ssyncadd.s32 $0xFFFFD8F0  }
0x28: {  	[bflag:$0x0] =	sbarrier.arrive $0xFFFF  }
0x29: {  	[tilespmem:s24], [sflag:$0x1] =	stream.indirect.gather [hbm4b:s7+s23], $0x80, s3, s23, $0xb8;
	[tilespmem:$0x1FF80] =	vst v63  }
0x2a: {  	_ = 	snop  }
0x2b: {  	[tilespmem:s25], [sflag:$0x2] =	stream.indirect.gather [hbm4b:s7+s23], $0x80, s23, s23, $0xb8;
	[tilespmem:$0x1FF80] =	vst v63  }
0x2c: {  	s10 =	simm.s32 $0xA0  }
0x2d: {  	[tilespmem:s26], [sflag:$0x3] =	stream.indirect.gather [hbm4b:s7+s23], $0x80, s10, s23, $0xb8;
	[tilespmem:$0x1FF80] =	vst v63  }
0x2e: {  	_ =	swait.ge [sflag:s28], $0x2800  }
0x2f: {  	[sflag:s28] =	ssyncset.done $0x0  }
0x30: {  	s11 =	simm.s32 $0x2760;
	[sflag:s28] =	ssyncadd.s32 $0xFFFFD800  }
0x31: {  	[spmem:s2] =	stream.indirect.scatter.add.f32 [tilespmem:s24], [sflag:$0x4], $0x80, s11, s23, $0xb8;
	[tilespmem:$0x1FF80] =	vst v63  }
0x32: {  	_ =	swait.ge [sflag:s19], $0x2800  }
0x33: {  	[sflag:s19] =	ssyncset.done $0x0  }
0x34: {  	s18 =	simm.s32 $0xF0;
	[sflag:s19] =	ssyncadd.s32 $0xFFFFD800  }
0x35: {  	[tilespmem:s24], [sflag:$0x1] =	stream.indirect.gather [hbm4b:s7+s23], $0x80, s18, s23, $0xb8;
	[tilespmem:$0x1FF80] =	vst v63  }
0x36: {  	_ =	swait.ge [sflag:s29], $0x2800  }
0x37: {  	[sflag:s29] =	ssyncset.done $0x0  }
0x38: {  	s21 =	simm.s32 $0x27B0;
	[sflag:s29] =	ssyncadd.s32 $0xFFFFD800  }
0x39: {  	[spmem:s2] =	stream.indirect.scatter.add.f32 [tilespmem:s25], [sflag:$0x4], $0x80, s21, s23, $0xb8;
	[tilespmem:$0x1FF80] =	vst v63  }
0x3a: {  	_ =	swait.ge [sflag:s19], $0x2800  }
0x3b: {  	[sflag:s19] =	ssyncset.done $0x0  }
0x3c: {  	s22 =	simm.s32 $0x140;
	[sflag:s19] =	ssyncadd.s32 $0xFFFFD800  }
0x3d: {  	[tilespmem:s25], [sflag:$0x2] =	stream.indirect.gather [hbm4b:s7+s23], $0x80, s22, s23, $0xb8;
	[tilespmem:$0x1FF80] =	vst v63  }
0x3e: {  	_ =	swait.ge [sflag:s30], $0x2800  }
0x3f: {  	[sflag:s30] =	ssyncset.done $0x0  }
0x40: {  	s31 =	simm.s32 $0x2800;
	[sflag:s30] =	ssyncadd.s32 $0xFFFFD800  }
0x41: {  	[spmem:s2] =	stream.indirect.scatter.add.f32 [tilespmem:s26], [sflag:$0x4], $0x80, s31, s23, $0xb8;
	[tilespmem:$0x1FF80] =	vst v63  }
0x42: {  	_ =	swait.ge [sflag:s19], $0x2800  }
0x43: {  	s9 =	simm.s32 $0xF0;
	s10 =	simm.s32 $0x780;
	[sflag:s19] =	ssyncset.done $0x0  }
.LBB2_2:
0x44: {  	s11 =	sadd.s32 $0xA0, s9  }
0x45: {  	[sflag:s19] =	ssyncadd.s32 $0xFFFFD800;
	s18 =	smov.u32 s10;
	s21 =	sadd.s32 $0x3C0, s10  }
0x46: {  	[tilespmem:s26], [sflag:$0x3] =	stream.indirect.gather [hbm4b:s7+s23], $0x80, s11, s23, $0xb8;
	[tilespmem:$0x1FF80] =	vst v63  }
0x47: {  	p0 =	sne.s32 s10, $0x9600;
	_ =	swait.ge [sflag:s28], $0x2800  }
0x48: {  	[sflag:s28] =	ssyncset.done $0x0  }
0x49: {  	s10 =	sadd.s32 $0x2760, s9;
	[sflag:s28] =	ssyncadd.s32 $0xFFFFD800  }
0x4a: {  	[spmem:s2] =	stream.indirect.scatter.add.f32 [tilespmem:s24], [sflag:$0x4], $0x80, s10, s23, $0xb8;
	[tilespmem:$0x1FF80] =	vst v63  }
0x4b: {  	_ =	swait.ge [sflag:s19], $0x2800  }
0x4c: {  	[sflag:s19] =	ssyncset.done $0x0  }
0x4d: {  	s10 =	sadd.s32 $0xF0, s9;
	[sflag:s19] =	ssyncadd.s32 $0xFFFFD800  }
0x4e: {  	[tilespmem:s24], [sflag:$0x1] =	stream.indirect.gather [hbm4b:s7+s23], $0x80, s10, s23, $0xb8;
	[tilespmem:$0x1FF80] =	vst v63  }
0x4f: {  	_ =	swait.ge [sflag:s29], $0x2800  }
0x50: {  	[sflag:s29] =	ssyncset.done $0x0  }
0x51: {  	s10 =	sadd.s32 $0x27B0, s9;
	[sflag:s29] =	ssyncadd.s32 $0xFFFFD800  }
0x52: {  	[spmem:s2] =	stream.indirect.scatter.add.f32 [tilespmem:s25], [sflag:$0x4], $0x80, s10, s23, $0xb8;
	[tilespmem:$0x1FF80] =	vst v63  }
0x53: {  	_ =	swait.ge [sflag:s19], $0x2800  }
0x54: {  	[sflag:s19] =	ssyncset.done $0x0  }
0x55: {  	s10 =	sadd.s32 $0x140, s9;
	[sflag:s19] =	ssyncadd.s32 $0xFFFFD800  }
0x56: {  	[tilespmem:s25], [sflag:$0x2] =	stream.indirect.gather [hbm4b:s7+s23], $0x80, s10, s23, $0xb8;
	[tilespmem:$0x1FF80] =	vst v63  }
0x57: {  	_ =	swait.ge [sflag:s30], $0x2800  }
.Ltmp0:
0x58: {  	[sflag:s30] =	ssyncset.done $0x0;
	(pc) =	sbr.rel @p0 .LBB2_2-.Ltmp0, $4  }
0x59: {  	s9 =	sadd.s32 $0x2800, s9;
	[sflag:s30] =	ssyncadd.s32 $0xFFFFD800  }
0x5a: {  	[spmem:s2] =	stream.indirect.scatter.add.f32 [tilespmem:s26], [sflag:$0x4], $0x80, s9, s23, $0xb8;
	[tilespmem:$0x1FF80] =	vst v63  }
0x5b: {  	_ =	swait.ge [sflag:s19], $0x2800  }
0x5c: {  	s10 =	smov.u32 s21;
	s9 =	sshra.s32 s18, $0x2;
	[sflag:s19] =	ssyncset.done $0x0  }
0x5d: {  	s10 =	sadd.s32 $0xA0, s9;
	[sflag:s19] =	ssyncadd.s32 $0xFFFFD800  }
0x5e: {  	[tilespmem:s26], [sflag:$0x3] =	stream.indirect.gather [hbm4b:s7+s23], $0x80, s10, s23, $0xb8;
	[tilespmem:$0x1FF80] =	vst v63  }
0x5f: {  	_ =	swait.ge [sflag:s28], $0x2800  }
0x60: {  	[sflag:s28] =	ssyncset.done $0x0  }
0x61: {  	s31 =	sadd.s32 $0x2760, s9;
	[sflag:s28] =	ssyncadd.s32 $0xFFFFD800  }
0x62: {  	[spmem:s2] =	stream.indirect.scatter.add.f32 [tilespmem:s24], [sflag:$0x4], $0x80, s31, s23, $0xb8;
	[tilespmem:$0x1FF80] =	vst v63  }
0x63: {  	_ =	swait.ge [sflag:s19], $0x2800  }
0x64: {  	[sflag:s19] =	ssyncset.done $0x0  }
0x65: {  	s11 =	sadd.s32 $0xF0, s9;
	[sflag:s19] =	ssyncadd.s32 $0xFFFFD800  }
0x66: {  	[tilespmem:s24], [sflag:$0x1] =	stream.indirect.gather [hbm4b:s7+s23], $0x80, s11, s23, $0xb8;
	[tilespmem:$0x1FF80] =	vst v63  }
0x67: {  	_ =	swait.ge [sflag:s29], $0x2800  }
0x68: {  	[sflag:s29] =	ssyncset.done $0x0  }
0x69: {  	s18 =	sadd.s32 $0x27B0, s9;
	[sflag:s29] =	ssyncadd.s32 $0xFFFFD800  }
0x6a: {  	[spmem:s2] =	stream.indirect.scatter.add.f32 [tilespmem:s25], [sflag:$0x4], $0x80, s18, s23, $0xb8;
	[tilespmem:$0x1FF80] =	vst v63  }
0x6b: {  	_ =	swait.ge [sflag:s19], $0x2800  }
0x6c: {  	[sflag:s19] =	ssyncset.done $0x0  }
0x6d: {  	s21 =	sadd.s32 $0x140, s9;
	[sflag:s19] =	ssyncadd.s32 $0xFFFFD800  }
0x6e: {  	[tilespmem:s25], [sflag:$0x2] =	stream.indirect.gather [hbm4b:s7+s23], $0x80, s21, s23, $0xb8;
	[tilespmem:$0x1FF80] =	vst v63  }
0x6f: {  	_ =	swait.ge [sflag:s30], $0x2800  }
0x70: {  	[sflag:s30] =	ssyncset.done $0x0  }
0x71: {  	s22 =	sadd.s32 $0x2800, s9;
	[sflag:s30] =	ssyncadd.s32 $0xFFFFD800  }
0x72: {  	[spmem:s2] =	stream.indirect.scatter.add.f32 [tilespmem:s26], [sflag:$0x4], $0x80, s22, s23, $0xb8;
	[tilespmem:$0x1FF80] =	vst v63  }
0x73: {  	_ =	swait.ge [sflag:s19], $0x2800  }
0x74: {  	[sflag:s19] =	ssyncset.done $0x0  }
0x75: {  	s31 =	simm.s32 $0x2710;
	[sflag:s19] =	ssyncadd.s32 $0xFFFFD800  }
0x76: {  	[tilespmem:s26], [sflag:$0x3] =	stream.indirect.gather [hbm4b:s7+s23], $0x80, s31, s23, $0xb8;
	[tilespmem:$0x1FF80] =	vst v63  }
0x77: {  	_ =	swait.ge [sflag:s28], $0x2800  }
0x78: {  	[sflag:s28] =	ssyncset.done $0x0  }
0x79: {  	[sflag:s28] =	ssyncadd.s32 $0xFFFFD800  }
0x7a: {  	[spmem:s2] =	stream.indirect.scatter.add.f32 [tilespmem:s24], [sflag:$0x4], $0x80, s1, s23, $0xb8;
	[tilespmem:$0x1FF80] =	vst v63  }
0x7b: {  	_ =	swait.ge [sflag:s19], $0x2800  }
0x7c: {  	[sflag:s19] =	ssyncset.done $0x0  }
0x7d: {  	[sflag:s19] =	ssyncadd.s32 $0xFFFFD800  }
0x7e: {  	_ =	swait.ge [sflag:s29], $0x2800  }
0x7f: {  	[sflag:s29] =	ssyncset.done $0x0  }
0x80: {  	[sflag:s29] =	ssyncadd.s32 $0xFFFFD800  }
0x81: {  	[spmem:s2] =	stream.indirect.scatter.add.f32 [tilespmem:s25], [sflag:$0x4], $0x80, s0, s23, $0xb8;
	[tilespmem:$0x1FF80] =	vst v63  }
0x82: {  	_ =	swait.ge [sflag:s19], $0x2800  }
0x83: {  	[sflag:s19] =	ssyncset.done $0x0  }
0x84: {  	[sflag:s19] =	ssyncadd.s32 $0xFFFFD800  }
0x85: {  	_ =	swait.ge [sflag:s30], $0x2800  }
0x86: {  	[sflag:s30] =	ssyncset.done $0x0  }
0x87: {  	[sflag:s30] =	ssyncadd.s32 $0xFFFFD800  }
0x88: {  	[spmem:s2] =	stream.indirect.scatter.add.f32 [tilespmem:s26], [sflag:$0x4], $0x80, s20, s23, $0xb8;
	[tilespmem:$0x1FF80] =	vst v63  }
0x89: {  	_ =	swait.ge [sflag:s19], $0x2800  }
0x8a: {  	[sflag:s19] =	ssyncset.done $0x0  }
0x8b: {  	[sflag:s19] =	ssyncadd.s32 $0xFFFFD800  }
0x8c: {  	s9 =	simm.s32 $0x0;
	s10 =	simm.s32 $0x0;
	[bflag:$0x0] =	sbarrier.arrive $0xFFFF  }
.LBB2_4:
0x8d: {  	s11 =	smul.u32 $0x19, s10;
	_ =	sdelay $0x1  }
0x8e: {  	s22 =	sadd.s32 s5, s11  }
0x8f: {  	s11 =	sshll.u32 s22, $0x7  }
0x90: {  	s11 =	sand.u32 $0x3FFFFF80, s11  }
0x91: {  	s18 =	sadd.s32 s11, s2  }
0x92: {  	[tilespmem:s25], [sflag:$0x4] =	stream.linear.gather [spmem:s18], $0xC80, $0x38;
	[tilespmem:$0x1FF80] =	vst v63  }
0x93: {  	_ =	swait.ge [sflag:s19], $0xC80  }
0x94: {  	s31 =	sshll.u32 s22, $0x4;
	[sflag:s19] =	ssyncset.done $0x0  }
0x95: {  	s11 =	sadd.s32 s6, s31;
	[sflag:s19] =	ssyncadd.s32 $0xFFFFF380  }
0x96: {  	[tilespmem:s24], [sflag:$0x4] =	stream.linear.gather [hbm4b:s11+s9], $0xC80, $0x38;
	[tilespmem:$0x1FF80] =	vst v63  }
0x97: {  	_ =	swait.ge [sflag:s19], $0xC80  }
0x98: {  	[sflag:s19] =	ssyncset.done $0x0  }
0x99: {  	s11 =	simm.s32 $0x0;
	[sflag:s19] =	ssyncadd.s32 $0xFFFFF380  }
0x9a: {  	v7 =	vld [tilespmem:s11+$0x4EC0]  }
0x9b: {  	v11 =	vld [tilespmem:s11+$0x4ED0]  }
0x9c: {  	v5 =	vld [tilespmem:s11+$0x4EE0]  }
0x9d: {  	v4 =	vld [tilespmem:s11+$0x4EF0]  }
0x9e: {  	v3 =	vld [tilespmem:s11+$0x4F00]  }
0x9f: {  	v2 =	vld [tilespmem:s11+$0x4F10]  }
0xa0: {  	v1 =	vld [tilespmem:s11+$0x4F20]  }
0xa1: {  	v0 =	vld [tilespmem:s11+$0x4F30]  }
0xa2: {  	v12 =	vld [tilespmem:s11+$0x76C0]  }
0xa3: {  	v13 =	vld [tilespmem:s11+$0x76D0]  }
0xa4: {  	v10 =	vld [tilespmem:s11+$0x76E0]  }
0xa5: {  	v9 =	vld [tilespmem:s11+$0x76F0]  }
0xa6: {  	v8 =	vld [tilespmem:s11+$0x7700]  }
0xa7: {  	v6 =	vld [tilespmem:s11+$0x7710];
	v12 =	vmul.f32 v7, v12  }
0xa8: {  	s21 =	simm.s32 $0x200;
	v11 =	vmul.f32 v11, v13;
	v7 =	vld [tilespmem:s11+$0x7720]  }
.LBB2_5:
0xa9: {  	s31 =	sshra.s32 s21, $0x2;
	p0 =	sne.s32 s21, $0x3000;
	[tilespmem:s11+$0x76C0] =	vst v12;
	v5 =	vmul.f32 v5, v10;
	v10 =	vld [tilespmem:s11+$0x7730]  }
0xaa: {  	v12 =	vld [tilespmem:s31+$0x4EC0];
	[tilespmem:s11+$0x76D0] =	vst v11;
	v4 =	vmul.f32 v4, v9  }
0xab: {  	v11 =	vld [tilespmem:s31+$0x4ED0];
	[tilespmem:s11+$0x76E0] =	vst v5;
	v3 =	vmul.f32 v3, v8  }
0xac: {  	v5 =	vld [tilespmem:s31+$0x4EE0];
	[tilespmem:s11+$0x76F0] =	vst v4;
	v2 =	vmul.f32 v2, v6  }
0xad: {  	v4 =	vld [tilespmem:s31+$0x4EF0];
	[tilespmem:s11+$0x7700] =	vst v3;
	v1 =	vmul.f32 v1, v7  }
0xae: {  	v3 =	vld [tilespmem:s31+$0x4F00];
	[tilespmem:s11+$0x7710] =	vst v2;
	v0 =	vmul.f32 v0, v10  }
0xaf: {  	v2 =	vld [tilespmem:s31+$0x4F10];
	[tilespmem:s11+$0x7720] =	vst v1  }
0xb0: {  	v1 =	vld [tilespmem:s31+$0x4F20];
	[tilespmem:s11+$0x7730] =	vst v0;
	s11 =	smov.u32 s31  }
0xb1: {  	v0 =	vld [tilespmem:s11+$0x4F30]  }
0xb2: {  	v6 =	vld [tilespmem:s11+$0x76C0]  }
0xb3: {  	v7 =	vld [tilespmem:s11+$0x76D0]  }
.Ltmp1:
0xb4: {  	v10 =	vld [tilespmem:s11+$0x76E0];
	(pc) =	sbr.rel @p0 .LBB2_5-.Ltmp1, $4  }
0xb5: {  	v9 =	vld [tilespmem:s11+$0x76F0]  }
0xb6: {  	v8 =	vld [tilespmem:s11+$0x7700]  }
0xb7: {  	v12 =	vmul.f32 v12, v6;
	v6 =	vld [tilespmem:s11+$0x7710]  }
0xb8: {  	s21 =	sadd.s32 $0x200, s21;
	v11 =	vmul.f32 v11, v7;
	v7 =	vld [tilespmem:s11+$0x7720]  }
0xb9: {  	[tilespmem:s11+$0x76C0] =	vst v12;
	v5 =	vmul.f32 v5, v10;
	v63 =	vld [tilespmem:s11+$0x7730]  }
0xba: {  	[tilespmem:s11+$0x76D0] =	vst v11;
	v4 =	vmul.f32 v4, v9  }
0xbb: {  	[tilespmem:s11+$0x76E0] =	vst v5;
	v3 =	vmul.f32 v3, v8  }
0xbc: {  	[tilespmem:s11+$0x76F0] =	vst v4;
	v2 =	vmul.f32 v2, v6  }
0xbd: {  	[tilespmem:s11+$0x7700] =	vst v3;
	v1 =	vmul.f32 v1, v7  }
0xbe: {  	s21 =	sadd.s32 s4, s22;
	[tilespmem:s11+$0x7710] =	vst v2;
	v0 =	vmul.f32 v0, v63  }
0xbf: {  	s21 =	sshll.u32 s21, $0x4;
	[tilespmem:s11+$0x7720] =	vst v1  }
0xc0: {  	s31 =	sadd.s32 s21, s12;
	[tilespmem:s11+$0x7730] =	vst v0  }
0xc1: {  	[hbm4b:s31+s3] =	stream.linear.scatter [tilespmem:s25], [sflag:$0x4], $0xC80, $0x38;
	[tilespmem:$0x1FF80] =	vst v63  }
0xc2: {  	s10 =	sadd.s32 $0x1, s10;
	_ =	swait.ge [sflag:s19], $0xC80  }
0xc3: {  	p0 =	sne.s32 s10, $0x19;
	[sflag:s19] =	ssyncset.done $0x0  }
.Ltmp2:
0xc4: {  	[sflag:s19] =	ssyncadd.s32 $0xFFFFF380;
	(pc) =	sbr.rel @p0 .LBB2_4-.Ltmp2, $4  }
0xc5: {  	[spmem:s18] =	stream.linear.scatter [tilespmem:s25], [sflag:$0x4], $0xC80, $0x38;
	[tilespmem:$0x1FF80] =	vst v63  }
0xc6: {  	_ =	swait.ge [sflag:s19], $0xC80  }
0xc7: {  	[sflag:s19] =	ssyncset.done $0x0  }
0xc8: {  	[sflag:s19] =	ssyncadd.s32 $0xFFFFF380  }
0xc9: {  	[bflag:$0x0] =	sbarrier.arrive $0xFFFF;
	s9 =	simm.s32 $0x0  }
0xca: {  	[tilespmem:s24], [sflag:$0x1] =	stream.indirect.gather [hbm4b:s12+s23], $0x80, s9, s23, $0xb8;
	[tilespmem:$0x1FF80] =	vst v63  }
0xcb: {  	_ = 	snop  }
0xcc: {  	[tilespmem:s25], [sflag:$0x2] =	stream.indirect.gather [hbm4b:s12+s23], $0x80, s23, s23, $0xb8;
	[tilespmem:$0x1FF80] =	vst v63  }
0xcd: {  	s10 =	simm.s32 $0xA0  }
0xce: {  	[tilespmem:s26], [sflag:$0x3] =	stream.indirect.gather [hbm4b:s12+s23], $0x80, s10, s23, $0xb8;
	[tilespmem:$0x1FF80] =	vst v63  }
0xcf: {  	_ =	swait.ge [sflag:s28], $0x2800  }
0xd0: {  	[sflag:s28] =	ssyncset.done $0x0  }
0xd1: {  	s11 =	simm.s32 $0x2760;
	[sflag:s28] =	ssyncadd.s32 $0xFFFFD800  }
0xd2: {  	[spmem:s2] =	stream.indirect.scatter.add.f32 [tilespmem:s24], [sflag:$0x4], $0x80, s11, s23, $0xb8;
	[tilespmem:$0x1FF80] =	vst v63  }
0xd3: {  	_ =	swait.ge [sflag:s19], $0x2800  }
0xd4: {  	[sflag:s19] =	ssyncset.done $0x0  }
0xd5: {  	s18 =	simm.s32 $0xF0;
	[sflag:s19] =	ssyncadd.s32 $0xFFFFD800  }
0xd6: {  	[tilespmem:s24], [sflag:$0x1] =	stream.indirect.gather [hbm4b:s12+s23], $0x80, s18, s23, $0xb8;
	[tilespmem:$0x1FF80] =	vst v63  }
0xd7: {  	_ =	swait.ge [sflag:s29], $0x2800  }
0xd8: {  	[sflag:s29] =	ssyncset.done $0x0  }
0xd9: {  	s21 =	simm.s32 $0x27B0;
	[sflag:s29] =	ssyncadd.s32 $0xFFFFD800  }
0xda: {  	[spmem:s2] =	stream.indirect.scatter.add.f32 [tilespmem:s25], [sflag:$0x4], $0x80, s21, s23, $0xb8;
	[tilespmem:$0x1FF80] =	vst v63  }
0xdb: {  	_ =	swait.ge [sflag:s19], $0x2800  }
0xdc: {  	[sflag:s19] =	ssyncset.done $0x0  }
0xdd: {  	s22 =	simm.s32 $0x140;
	[sflag:s19] =	ssyncadd.s32 $0xFFFFD800  }
0xde: {  	[tilespmem:s25], [sflag:$0x2] =	stream.indirect.gather [hbm4b:s12+s23], $0x80, s22, s23, $0xb8;
	[tilespmem:$0x1FF80] =	vst v63  }
0xdf: {  	_ =	swait.ge [sflag:s30], $0x2800  }
0xe0: {  	[sflag:s30] =	ssyncset.done $0x0  }
0xe1: {  	s31 =	simm.s32 $0x2800;
	[sflag:s30] =	ssyncadd.s32 $0xFFFFD800  }
0xe2: {  	[spmem:s2] =	stream.indirect.scatter.add.f32 [tilespmem:s26], [sflag:$0x4], $0x80, s31, s23, $0xb8;
	[tilespmem:$0x1FF80] =	vst v63  }
0xe3: {  	_ =	swait.ge [sflag:s19], $0x2800  }
0xe4: {  	s9 =	simm.s32 $0xF0;
	s10 =	simm.s32 $0x780;
	[sflag:s19] =	ssyncset.done $0x0  }
.LBB2_8:
0xe5: {  	s11 =	sadd.s32 $0xA0, s9  }
0xe6: {  	[sflag:s19] =	ssyncadd.s32 $0xFFFFD800;
	s18 =	smov.u32 s10;
	s21 =	sadd.s32 $0x3C0, s10  }
0xe7: {  	[tilespmem:s26], [sflag:$0x3] =	stream.indirect.gather [hbm4b:s12+s23], $0x80, s11, s23, $0xb8;
	[tilespmem:$0x1FF80] =	vst v63  }
0xe8: {  	p0 =	sne.s32 s10, $0x9600;
	_ =	swait.ge [sflag:s28], $0x2800  }
0xe9: {  	[sflag:s28] =	ssyncset.done $0x0  }
0xea: {  	s10 =	sadd.s32 $0x2760, s9;
	[sflag:s28] =	ssyncadd.s32 $0xFFFFD800  }
0xeb: {  	[spmem:s2] =	stream.indirect.scatter.add.f32 [tilespmem:s24], [sflag:$0x4], $0x80, s10, s23, $0xb8;
	[tilespmem:$0x1FF80] =	vst v63  }
0xec: {  	_ =	swait.ge [sflag:s19], $0x2800  }
0xed: {  	[sflag:s19] =	ssyncset.done $0x0  }
0xee: {  	s10 =	sadd.s32 $0xF0, s9;
	[sflag:s19] =	ssyncadd.s32 $0xFFFFD800  }
0xef: {  	[tilespmem:s24], [sflag:$0x1] =	stream.indirect.gather [hbm4b:s12+s23], $0x80, s10, s23, $0xb8;
	[tilespmem:$0x1FF80] =	vst v63  }
0xf0: {  	_ =	swait.ge [sflag:s29], $0x2800  }
0xf1: {  	[sflag:s29] =	ssyncset.done $0x0  }
0xf2: {  	s10 =	sadd.s32 $0x27B0, s9;
	[sflag:s29] =	ssyncadd.s32 $0xFFFFD800  }
0xf3: {  	[spmem:s2] =	stream.indirect.scatter.add.f32 [tilespmem:s25], [sflag:$0x4], $0x80, s10, s23, $0xb8;
	[tilespmem:$0x1FF80] =	vst v63  }
0xf4: {  	_ =	swait.ge [sflag:s19], $0x2800  }
0xf5: {  	[sflag:s19] =	ssyncset.done $0x0  }
0xf6: {  	s10 =	sadd.s32 $0x140, s9;
	[sflag:s19] =	ssyncadd.s32 $0xFFFFD800  }
0xf7: {  	[tilespmem:s25], [sflag:$0x2] =	stream.indirect.gather [hbm4b:s12+s23], $0x80, s10, s23, $0xb8;
	[tilespmem:$0x1FF80] =	vst v63  }
0xf8: {  	_ =	swait.ge [sflag:s30], $0x2800  }
.Ltmp3:
0xf9: {  	[sflag:s30] =	ssyncset.done $0x0;
	(pc) =	sbr.rel @p0 .LBB2_8-.Ltmp3, $4  }
0xfa: {  	s9 =	sadd.s32 $0x2800, s9;
	[sflag:s30] =	ssyncadd.s32 $0xFFFFD800  }
0xfb: {  	[spmem:s2] =	stream.indirect.scatter.add.f32 [tilespmem:s26], [sflag:$0x4], $0x80, s9, s23, $0xb8;
	[tilespmem:$0x1FF80] =	vst v63  }
0xfc: {  	_ =	swait.ge [sflag:s19], $0x2800  }
0xfd: {  	s10 =	smov.u32 s21;
	s9 =	sshra.s32 s18, $0x2;
	[sflag:s19] =	ssyncset.done $0x0  }
0xfe: {  	s10 =	sadd.s32 $0xA0, s9;
	[sflag:s19] =	ssyncadd.s32 $0xFFFFD800  }
0xff: {  	[tilespmem:s26], [sflag:$0x3] =	stream.indirect.gather [hbm4b:s12+s23], $0x80, s10, s23, $0xb8;
	[tilespmem:$0x1FF80] =	vst v63  }
0x100: {  	_ =	swait.ge [sflag:s28], $0x2800  }
0x101: {  	[sflag:s28] =	ssyncset.done $0x0  }
0x102: {  	s31 =	sadd.s32 $0x2760, s9;
	[sflag:s28] =	ssyncadd.s32 $0xFFFFD800  }
0x103: {  	[spmem:s2] =	stream.indirect.scatter.add.f32 [tilespmem:s24], [sflag:$0x4], $0x80, s31, s23, $0xb8;
	[tilespmem:$0x1FF80] =	vst v63  }
0x104: {  	_ =	swait.ge [sflag:s19], $0x2800  }
0x105: {  	[sflag:s19] =	ssyncset.done $0x0  }
0x106: {  	s11 =	sadd.s32 $0xF0, s9;
	[sflag:s19] =	ssyncadd.s32 $0xFFFFD800  }
0x107: {  	[tilespmem:s24], [sflag:$0x1] =	stream.indirect.gather [hbm4b:s12+s23], $0x80, s11, s23, $0xb8;
	[tilespmem:$0x1FF80] =	vst v63  }
0x108: {  	_ =	swait.ge [sflag:s29], $0x2800  }
0x109: {  	[sflag:s29] =	ssyncset.done $0x0  }
0x10a: {  	s18 =	sadd.s32 $0x27B0, s9;
	[sflag:s29] =	ssyncadd.s32 $0xFFFFD800  }
0x10b: {  	[spmem:s2] =	stream.indirect.scatter.add.f32 [tilespmem:s25], [sflag:$0x4], $0x80, s18, s23, $0xb8;
	[tilespmem:$0x1FF80] =	vst v63  }
0x10c: {  	_ =	swait.ge [sflag:s19], $0x2800  }
0x10d: {  	[sflag:s19] =	ssyncset.done $0x0  }
0x10e: {  	s21 =	sadd.s32 $0x140, s9;
	[sflag:s19] =	ssyncadd.s32 $0xFFFFD800  }
0x10f: {  	[tilespmem:s25], [sflag:$0x2] =	stream.indirect.gather [hbm4b:s12+s23], $0x80, s21, s23, $0xb8;
	[tilespmem:$0x1FF80] =	vst v63  }
0x110: {  	_ =	swait.ge [sflag:s30], $0x2800  }
0x111: {  	[sflag:s30] =	ssyncset.done $0x0  }
0x112: {  	s22 =	sadd.s32 $0x2800, s9;
	[sflag:s30] =	ssyncadd.s32 $0xFFFFD800  }
0x113: {  	[spmem:s2] =	stream.indirect.scatter.add.f32 [tilespmem:s26], [sflag:$0x4], $0x80, s22, s23, $0xb8;
	[tilespmem:$0x1FF80] =	vst v63  }
0x114: {  	_ =	swait.ge [sflag:s19], $0x2800  }
0x115: {  	[sflag:s19] =	ssyncset.done $0x0  }
0x116: {  	s31 =	simm.s32 $0x2710;
	[sflag:s19] =	ssyncadd.s32 $0xFFFFD800  }
0x117: {  	[tilespmem:s26], [sflag:$0x3] =	stream.indirect.gather [hbm4b:s12+s23], $0x80, s31, s23, $0xb8;
	[tilespmem:$0x1FF80] =	vst v63  }
0x118: {  	_ =	swait.ge [sflag:s28], $0x2800  }
0x119: {  	[sflag:s28] =	ssyncset.done $0x0  }
0x11a: {  	[sflag:s28] =	ssyncadd.s32 $0xFFFFD800  }
0x11b: {  	[spmem:s2] =	stream.indirect.scatter.add.f32 [tilespmem:s24], [sflag:$0x4], $0x80, s1, s23, $0xb8;
	[tilespmem:$0x1FF80] =	vst v63  }
0x11c: {  	_ =	swait.ge [sflag:s19], $0x2800  }
0x11d: {  	[sflag:s19] =	ssyncset.done $0x0  }
0x11e: {  	[sflag:s19] =	ssyncadd.s32 $0xFFFFD800  }
0x11f: {  	_ =	swait.ge [sflag:s29], $0x2800  }
0x120: {  	[sflag:s29] =	ssyncset.done $0x0  }
0x121: {  	[sflag:s29] =	ssyncadd.s32 $0xFFFFD800  }
0x122: {  	[spmem:s2] =	stream.indirect.scatter.add.f32 [tilespmem:s25], [sflag:$0x4], $0x80, s0, s23, $0xb8;
	[tilespmem:$0x1FF80] =	vst v63  }
0x123: {  	_ =	swait.ge [sflag:s19], $0x2800  }
0x124: {  	[sflag:s19] =	ssyncset.done $0x0  }
0x125: {  	[sflag:s19] =	ssyncadd.s32 $0xFFFFD800  }
0x126: {  	_ =	swait.ge [sflag:s30], $0x2800  }
0x127: {  	[sflag:s30] =	ssyncset.done $0x0  }
0x128: {  	[sflag:s30] =	ssyncadd.s32 $0xFFFFD800  }
0x129: {  	[spmem:s2] =	stream.indirect.scatter.add.f32 [tilespmem:s26], [sflag:$0x4], $0x80, s20, s23, $0xb8;
	[tilespmem:$0x1FF80] =	vst v63  }
0x12a: {  	_ =	swait.ge [sflag:s19], $0x2800  }
0x12b: {  	[sflag:s19] =	ssyncset.done $0x0  }
0x12c: {  	[sflag:s19] =	ssyncadd.s32 $0xFFFFD800  }
0x12d: {  	s9 =	simm.s32 $0x0;
	s10 =	simm.s32 $0x0;
	[bflag:$0x0] =	sbarrier.arrive $0xFFFF  }
.LBB2_10:
0x12e: {  	s11 =	smul.u32 $0x19, s10;
	_ =	sdelay $0x1  }
0x12f: {  	s22 =	sadd.s32 s5, s11  }
0x130: {  	s11 =	sshll.u32 s22, $0x7  }
0x131: {  	s11 =	sand.u32 $0x3FFFFF80, s11  }
0x132: {  	s18 =	sadd.s32 s11, s2  }
0x133: {  	[tilespmem:s25], [sflag:$0x4] =	stream.linear.gather [spmem:s18], $0xC80, $0x38;
	[tilespmem:$0x1FF80] =	vst v63  }
0x134: {  	_ =	swait.ge [sflag:s19], $0xC80  }
0x135: {  	s31 =	sshll.u32 s22, $0x4;
	[sflag:s19] =	ssyncset.done $0x0  }
0x136: {  	s11 =	sadd.s32 s6, s31;
	[sflag:s19] =	ssyncadd.s32 $0xFFFFF380  }
0x137: {  	[tilespmem:s24], [sflag:$0x4] =	stream.linear.gather [hbm4b:s11+s9], $0xC80, $0x38;
	[tilespmem:$0x1FF80] =	vst v63  }
0x138: {  	_ =	swait.ge [sflag:s19], $0xC80  }
0x139: {  	[sflag:s19] =	ssyncset.done $0x0  }
0x13a: {  	s11 =	simm.s32 $0x0;
	[sflag:s19] =	ssyncadd.s32 $0xFFFFF380  }
0x13b: {  	v7 =	vld [tilespmem:s11+$0x4EC0]  }
0x13c: {  	v11 =	vld [tilespmem:s11+$0x4ED0]  }
0x13d: {  	v5 =	vld [tilespmem:s11+$0x4EE0]  }
0x13e: {  	v4 =	vld [tilespmem:s11+$0x4EF0]  }
0x13f: {  	v3 =	vld [tilespmem:s11+$0x4F00]  }
0x140: {  	v2 =	vld [tilespmem:s11+$0x4F10]  }
0x141: {  	v1 =	vld [tilespmem:s11+$0x4F20]  }
0x142: {  	v0 =	vld [tilespmem:s11+$0x4F30]  }
0x143: {  	v12 =	vld [tilespmem:s11+$0x76C0]  }
0x144: {  	v13 =	vld [tilespmem:s11+$0x76D0]  }
0x145: {  	v10 =	vld [tilespmem:s11+$0x76E0]  }
0x146: {  	v9 =	vld [tilespmem:s11+$0x76F0]  }
0x147: {  	v8 =	vld [tilespmem:s11+$0x7700]  }
0x148: {  	v6 =	vld [tilespmem:s11+$0x7710];
	v12 =	vmul.f32 v7, v12  }
0x149: {  	s21 =	simm.s32 $0x200;
	v11 =	vmul.f32 v11, v13;
	v7 =	vld [tilespmem:s11+$0x7720]  }
.LBB2_11:
0x14a: {  	s31 =	sshra.s32 s21, $0x2;
	p0 =	sne.s32 s21, $0x3000;
	[tilespmem:s11+$0x76C0] =	vst v12;
	v5 =	vmul.f32 v5, v10;
	v10 =	vld [tilespmem:s11+$0x7730]  }
0x14b: {  	v12 =	vld [tilespmem:s31+$0x4EC0];
	[tilespmem:s11+$0x76D0] =	vst v11;
	v4 =	vmul.f32 v4, v9  }
0x14c: {  	v11 =	vld [tilespmem:s31+$0x4ED0];
	[tilespmem:s11+$0x76E0] =	vst v5;
	v3 =	vmul.f32 v3, v8  }
0x14d: {  	v5 =	vld [tilespmem:s31+$0x4EE0];
	[tilespmem:s11+$0x76F0] =	vst v4;
	v2 =	vmul.f32 v2, v6  }
0x14e: {  	v4 =	vld [tilespmem:s31+$0x4EF0];
	[tilespmem:s11+$0x7700] =	vst v3;
	v1 =	vmul.f32 v1, v7  }
0x14f: {  	v3 =	vld [tilespmem:s31+$0x4F00];
	[tilespmem:s11+$0x7710] =	vst v2;
	v0 =	vmul.f32 v0, v10  }
0x150: {  	v2 =	vld [tilespmem:s31+$0x4F10];
	[tilespmem:s11+$0x7720] =	vst v1  }
0x151: {  	v1 =	vld [tilespmem:s31+$0x4F20];
	[tilespmem:s11+$0x7730] =	vst v0;
	s11 =	smov.u32 s31  }
0x152: {  	v0 =	vld [tilespmem:s11+$0x4F30]  }
0x153: {  	v6 =	vld [tilespmem:s11+$0x76C0]  }
0x154: {  	v7 =	vld [tilespmem:s11+$0x76D0]  }
.Ltmp4:
0x155: {  	v10 =	vld [tilespmem:s11+$0x76E0];
	(pc) =	sbr.rel @p0 .LBB2_11-.Ltmp4, $4  }
0x156: {  	v9 =	vld [tilespmem:s11+$0x76F0]  }
0x157: {  	v8 =	vld [tilespmem:s11+$0x7700]  }
0x158: {  	v12 =	vmul.f32 v12, v6;
	v6 =	vld [tilespmem:s11+$0x7710]  }
0x159: {  	s21 =	sadd.s32 $0x200, s21;
	v11 =	vmul.f32 v11, v7;
	v7 =	vld [tilespmem:s11+$0x7720]  }
0x15a: {  	[tilespmem:s11+$0x76C0] =	vst v12;
	v5 =	vmul.f32 v5, v10;
	v63 =	vld [tilespmem:s11+$0x7730]  }
0x15b: {  	[tilespmem:s11+$0x76D0] =	vst v11;
	v4 =	vmul.f32 v4, v9  }
0x15c: {  	[tilespmem:s11+$0x76E0] =	vst v5;
	v3 =	vmul.f32 v3, v8  }
0x15d: {  	[tilespmem:s11+$0x76F0] =	vst v4;
	v2 =	vmul.f32 v2, v6  }
0x15e: {  	[tilespmem:s11+$0x7700] =	vst v3;
	v1 =	vmul.f32 v1, v7  }
0x15f: {  	s21 =	sadd.s32 s4, s22;
	[tilespmem:s11+$0x7710] =	vst v2;
	v0 =	vmul.f32 v0, v63  }
0x160: {  	s21 =	sshll.u32 s21, $0x4;
	[tilespmem:s11+$0x7720] =	vst v1  }
0x161: {  	s31 =	sadd.s32 s21, s13;
	[tilespmem:s11+$0x7730] =	vst v0  }
0x162: {  	[hbm4b:s31+s3] =	stream.linear.scatter [tilespmem:s25], [sflag:$0x4], $0xC80, $0x38;
	[tilespmem:$0x1FF80] =	vst v63  }
0x163: {  	s10 =	sadd.s32 $0x1, s10;
	_ =	swait.ge [sflag:s19], $0xC80  }
0x164: {  	p0 =	sne.s32 s10, $0x19;
	[sflag:s19] =	ssyncset.done $0x0  }
.Ltmp5:
0x165: {  	[sflag:s19] =	ssyncadd.s32 $0xFFFFF380;
	(pc) =	sbr.rel @p0 .LBB2_10-.Ltmp5, $4  }
0x166: {  	[spmem:s18] =	stream.linear.scatter [tilespmem:s25], [sflag:$0x4], $0xC80, $0x38;
	[tilespmem:$0x1FF80] =	vst v63  }
0x167: {  	_ =	swait.ge [sflag:s19], $0xC80  }
0x168: {  	[sflag:s19] =	ssyncset.done $0x0  }
0x169: {  	[sflag:s19] =	ssyncadd.s32 $0xFFFFF380  }
0x16a: {  	[bflag:$0x0] =	sbarrier.arrive $0xFFFF;
	s9 =	simm.s32 $0x0  }
0x16b: {  	[tilespmem:s24], [sflag:$0x1] =	stream.indirect.gather [hbm4b:s13+s23], $0x80, s9, s23, $0xb8;
	[tilespmem:$0x1FF80] =	vst v63  }
0x16c: {  	_ = 	snop  }
0x16d: {  	[tilespmem:s25], [sflag:$0x2] =	stream.indirect.gather [hbm4b:s13+s23], $0x80, s23, s23, $0xb8;
	[tilespmem:$0x1FF80] =	vst v63  }
0x16e: {  	s10 =	simm.s32 $0xA0  }
0x16f: {  	[tilespmem:s26], [sflag:$0x3] =	stream.indirect.gather [hbm4b:s13+s23], $0x80, s10, s23, $0xb8;
	[tilespmem:$0x1FF80] =	vst v63  }
0x170: {  	_ =	swait.ge [sflag:s28], $0x2800  }
0x171: {  	[sflag:s28] =	ssyncset.done $0x0  }
0x172: {  	s11 =	simm.s32 $0x2760;
	[sflag:s28] =	ssyncadd.s32 $0xFFFFD800  }
0x173: {  	[spmem:s2] =	stream.indirect.scatter.add.f32 [tilespmem:s24], [sflag:$0x4], $0x80, s11, s23, $0xb8;
	[tilespmem:$0x1FF80] =	vst v63  }
0x174: {  	_ =	swait.ge [sflag:s19], $0x2800  }
0x175: {  	[sflag:s19] =	ssyncset.done $0x0  }
0x176: {  	s18 =	simm.s32 $0xF0;
	[sflag:s19] =	ssyncadd.s32 $0xFFFFD800  }
0x177: {  	[tilespmem:s24], [sflag:$0x1] =	stream.indirect.gather [hbm4b:s13+s23], $0x80, s18, s23, $0xb8;
	[tilespmem:$0x1FF80] =	vst v63  }
0x178: {  	_ =	swait.ge [sflag:s29], $0x2800  }
0x179: {  	[sflag:s29] =	ssyncset.done $0x0  }
0x17a: {  	s21 =	simm.s32 $0x27B0;
	[sflag:s29] =	ssyncadd.s32 $0xFFFFD800  }
0x17b: {  	[spmem:s2] =	stream.indirect.scatter.add.f32 [tilespmem:s25], [sflag:$0x4], $0x80, s21, s23, $0xb8;
	[tilespmem:$0x1FF80] =	vst v63  }
0x17c: {  	_ =	swait.ge [sflag:s19], $0x2800  }
0x17d: {  	[sflag:s19] =	ssyncset.done $0x0  }
0x17e: {  	s22 =	simm.s32 $0x140;
	[sflag:s19] =	ssyncadd.s32 $0xFFFFD800  }
0x17f: {  	[tilespmem:s25], [sflag:$0x2] =	stream.indirect.gather [hbm4b:s13+s23], $0x80, s22, s23, $0xb8;
	[tilespmem:$0x1FF80] =	vst v63  }
0x180: {  	_ =	swait.ge [sflag:s30], $0x2800  }
0x181: {  	[sflag:s30] =	ssyncset.done $0x0  }
0x182: {  	s31 =	simm.s32 $0x2800;
	[sflag:s30] =	ssyncadd.s32 $0xFFFFD800  }
0x183: {  	[spmem:s2] =	stream.indirect.scatter.add.f32 [tilespmem:s26], [sflag:$0x4], $0x80, s31, s23, $0xb8;
	[tilespmem:$0x1FF80] =	vst v63  }
0x184: {  	_ =	swait.ge [sflag:s19], $0x2800  }
0x185: {  	s9 =	simm.s32 $0xF0;
	s10 =	simm.s32 $0x780;
	[sflag:s19] =	ssyncset.done $0x0  }
.LBB2_14:
0x186: {  	s11 =	sadd.s32 $0xA0, s9  }
0x187: {  	[sflag:s19] =	ssyncadd.s32 $0xFFFFD800;
	s18 =	smov.u32 s10;
	s21 =	sadd.s32 $0x3C0, s10  }
0x188: {  	[tilespmem:s26], [sflag:$0x3] =	stream.indirect.gather [hbm4b:s13+s23], $0x80, s11, s23, $0xb8;
	[tilespmem:$0x1FF80] =	vst v63  }
0x189: {  	p0 =	sne.s32 s10, $0x9600;
	_ =	swait.ge [sflag:s28], $0x2800  }
0x18a: {  	[sflag:s28] =	ssyncset.done $0x0  }
0x18b: {  	s10 =	sadd.s32 $0x2760, s9;
	[sflag:s28] =	ssyncadd.s32 $0xFFFFD800  }
0x18c: {  	[spmem:s2] =	stream.indirect.scatter.add.f32 [tilespmem:s24], [sflag:$0x4], $0x80, s10, s23, $0xb8;
	[tilespmem:$0x1FF80] =	vst v63  }
0x18d: {  	_ =	swait.ge [sflag:s19], $0x2800  }
0x18e: {  	[sflag:s19] =	ssyncset.done $0x0  }
0x18f: {  	s10 =	sadd.s32 $0xF0, s9;
	[sflag:s19] =	ssyncadd.s32 $0xFFFFD800  }
0x190: {  	[tilespmem:s24], [sflag:$0x1] =	stream.indirect.gather [hbm4b:s13+s23], $0x80, s10, s23, $0xb8;
	[tilespmem:$0x1FF80] =	vst v63  }
0x191: {  	_ =	swait.ge [sflag:s29], $0x2800  }
0x192: {  	[sflag:s29] =	ssyncset.done $0x0  }
0x193: {  	s10 =	sadd.s32 $0x27B0, s9;
	[sflag:s29] =	ssyncadd.s32 $0xFFFFD800  }
0x194: {  	[spmem:s2] =	stream.indirect.scatter.add.f32 [tilespmem:s25], [sflag:$0x4], $0x80, s10, s23, $0xb8;
	[tilespmem:$0x1FF80] =	vst v63  }
0x195: {  	_ =	swait.ge [sflag:s19], $0x2800  }
0x196: {  	[sflag:s19] =	ssyncset.done $0x0  }
0x197: {  	s10 =	sadd.s32 $0x140, s9;
	[sflag:s19] =	ssyncadd.s32 $0xFFFFD800  }
0x198: {  	[tilespmem:s25], [sflag:$0x2] =	stream.indirect.gather [hbm4b:s13+s23], $0x80, s10, s23, $0xb8;
	[tilespmem:$0x1FF80] =	vst v63  }
0x199: {  	_ =	swait.ge [sflag:s30], $0x2800  }
.Ltmp6:
0x19a: {  	[sflag:s30] =	ssyncset.done $0x0;
	(pc) =	sbr.rel @p0 .LBB2_14-.Ltmp6, $4  }
0x19b: {  	s9 =	sadd.s32 $0x2800, s9;
	[sflag:s30] =	ssyncadd.s32 $0xFFFFD800  }
0x19c: {  	[spmem:s2] =	stream.indirect.scatter.add.f32 [tilespmem:s26], [sflag:$0x4], $0x80, s9, s23, $0xb8;
	[tilespmem:$0x1FF80] =	vst v63  }
0x19d: {  	_ =	swait.ge [sflag:s19], $0x2800  }
0x19e: {  	s10 =	smov.u32 s21;
	s9 =	sshra.s32 s18, $0x2;
	[sflag:s19] =	ssyncset.done $0x0  }
0x19f: {  	s10 =	sadd.s32 $0xA0, s9;
	[sflag:s19] =	ssyncadd.s32 $0xFFFFD800  }
0x1a0: {  	[tilespmem:s26], [sflag:$0x3] =	stream.indirect.gather [hbm4b:s13+s23], $0x80, s10, s23, $0xb8;
	[tilespmem:$0x1FF80] =	vst v63  }
0x1a1: {  	_ =	swait.ge [sflag:s28], $0x2800  }
0x1a2: {  	[sflag:s28] =	ssyncset.done $0x0  }
0x1a3: {  	s31 =	sadd.s32 $0x2760, s9;
	[sflag:s28] =	ssyncadd.s32 $0xFFFFD800  }
0x1a4: {  	[spmem:s2] =	stream.indirect.scatter.add.f32 [tilespmem:s24], [sflag:$0x4], $0x80, s31, s23, $0xb8;
	[tilespmem:$0x1FF80] =	vst v63  }
0x1a5: {  	_ =	swait.ge [sflag:s19], $0x2800  }
0x1a6: {  	[sflag:s19] =	ssyncset.done $0x0  }
0x1a7: {  	s11 =	sadd.s32 $0xF0, s9;
	[sflag:s19] =	ssyncadd.s32 $0xFFFFD800  }
0x1a8: {  	[tilespmem:s24], [sflag:$0x1] =	stream.indirect.gather [hbm4b:s13+s23], $0x80, s11, s23, $0xb8;
	[tilespmem:$0x1FF80] =	vst v63  }
0x1a9: {  	_ =	swait.ge [sflag:s29], $0x2800  }
0x1aa: {  	[sflag:s29] =	ssyncset.done $0x0  }
0x1ab: {  	s18 =	sadd.s32 $0x27B0, s9;
	[sflag:s29] =	ssyncadd.s32 $0xFFFFD800  }
0x1ac: {  	[spmem:s2] =	stream.indirect.scatter.add.f32 [tilespmem:s25], [sflag:$0x4], $0x80, s18, s23, $0xb8;
	[tilespmem:$0x1FF80] =	vst v63  }
0x1ad: {  	_ =	swait.ge [sflag:s19], $0x2800  }
0x1ae: {  	[sflag:s19] =	ssyncset.done $0x0  }
0x1af: {  	s21 =	sadd.s32 $0x140, s9;
	[sflag:s19] =	ssyncadd.s32 $0xFFFFD800  }
0x1b0: {  	[tilespmem:s25], [sflag:$0x2] =	stream.indirect.gather [hbm4b:s13+s23], $0x80, s21, s23, $0xb8;
	[tilespmem:$0x1FF80] =	vst v63  }
0x1b1: {  	_ =	swait.ge [sflag:s30], $0x2800  }
0x1b2: {  	[sflag:s30] =	ssyncset.done $0x0  }
0x1b3: {  	s22 =	sadd.s32 $0x2800, s9;
	[sflag:s30] =	ssyncadd.s32 $0xFFFFD800  }
0x1b4: {  	[spmem:s2] =	stream.indirect.scatter.add.f32 [tilespmem:s26], [sflag:$0x4], $0x80, s22, s23, $0xb8;
	[tilespmem:$0x1FF80] =	vst v63  }
0x1b5: {  	_ =	swait.ge [sflag:s19], $0x2800  }
0x1b6: {  	[sflag:s19] =	ssyncset.done $0x0  }
0x1b7: {  	s31 =	simm.s32 $0x2710;
	[sflag:s19] =	ssyncadd.s32 $0xFFFFD800  }
0x1b8: {  	[tilespmem:s26], [sflag:$0x3] =	stream.indirect.gather [hbm4b:s13+s23], $0x80, s31, s23, $0xb8;
	[tilespmem:$0x1FF80] =	vst v63  }
0x1b9: {  	_ =	swait.ge [sflag:s28], $0x2800  }
0x1ba: {  	[sflag:s28] =	ssyncset.done $0x0  }
0x1bb: {  	[sflag:s28] =	ssyncadd.s32 $0xFFFFD800  }
0x1bc: {  	[spmem:s2] =	stream.indirect.scatter.add.f32 [tilespmem:s24], [sflag:$0x4], $0x80, s1, s23, $0xb8;
	[tilespmem:$0x1FF80] =	vst v63  }
0x1bd: {  	_ =	swait.ge [sflag:s19], $0x2800  }
0x1be: {  	[sflag:s19] =	ssyncset.done $0x0  }
0x1bf: {  	[sflag:s19] =	ssyncadd.s32 $0xFFFFD800  }
0x1c0: {  	_ =	swait.ge [sflag:s29], $0x2800  }
0x1c1: {  	[sflag:s29] =	ssyncset.done $0x0  }
0x1c2: {  	[sflag:s29] =	ssyncadd.s32 $0xFFFFD800  }
0x1c3: {  	[spmem:s2] =	stream.indirect.scatter.add.f32 [tilespmem:s25], [sflag:$0x4], $0x80, s0, s23, $0xb8;
	[tilespmem:$0x1FF80] =	vst v63  }
0x1c4: {  	_ =	swait.ge [sflag:s19], $0x2800  }
0x1c5: {  	[sflag:s19] =	ssyncset.done $0x0  }
0x1c6: {  	[sflag:s19] =	ssyncadd.s32 $0xFFFFD800  }
0x1c7: {  	_ =	swait.ge [sflag:s30], $0x2800  }
0x1c8: {  	[sflag:s30] =	ssyncset.done $0x0  }
0x1c9: {  	[sflag:s30] =	ssyncadd.s32 $0xFFFFD800  }
0x1ca: {  	[spmem:s2] =	stream.indirect.scatter.add.f32 [tilespmem:s26], [sflag:$0x4], $0x80, s20, s23, $0xb8;
	[tilespmem:$0x1FF80] =	vst v63  }
0x1cb: {  	_ =	swait.ge [sflag:s19], $0x2800  }
0x1cc: {  	[sflag:s19] =	ssyncset.done $0x0  }
0x1cd: {  	[sflag:s19] =	ssyncadd.s32 $0xFFFFD800  }
0x1ce: {  	s9 =	simm.s32 $0x0;
	s10 =	simm.s32 $0x0;
	[bflag:$0x0] =	sbarrier.arrive $0xFFFF  }
.LBB2_16:
0x1cf: {  	s11 =	smul.u32 $0x19, s10;
	_ =	sdelay $0x1  }
0x1d0: {  	s22 =	sadd.s32 s5, s11  }
0x1d1: {  	s11 =	sshll.u32 s22, $0x7  }
0x1d2: {  	s11 =	sand.u32 $0x3FFFFF80, s11  }
0x1d3: {  	s18 =	sadd.s32 s11, s2  }
0x1d4: {  	[tilespmem:s25], [sflag:$0x4] =	stream.linear.gather [spmem:s18], $0xC80, $0x38;
	[tilespmem:$0x1FF80] =	vst v63  }
0x1d5: {  	_ =	swait.ge [sflag:s19], $0xC80  }
0x1d6: {  	s31 =	sshll.u32 s22, $0x4;
	[sflag:s19] =	ssyncset.done $0x0  }
0x1d7: {  	s11 =	sadd.s32 s6, s31;
	[sflag:s19] =	ssyncadd.s32 $0xFFFFF380  }
0x1d8: {  	[tilespmem:s24], [sflag:$0x4] =	stream.linear.gather [hbm4b:s11+s9], $0xC80, $0x38;
	[tilespmem:$0x1FF80] =	vst v63  }
0x1d9: {  	_ =	swait.ge [sflag:s19], $0xC80  }
0x1da: {  	[sflag:s19] =	ssyncset.done $0x0  }
0x1db: {  	s11 =	simm.s32 $0x0;
	[sflag:s19] =	ssyncadd.s32 $0xFFFFF380  }
0x1dc: {  	v7 =	vld [tilespmem:s11+$0x4EC0]  }
0x1dd: {  	v11 =	vld [tilespmem:s11+$0x4ED0]  }
0x1de: {  	v5 =	vld [tilespmem:s11+$0x4EE0]  }
0x1df: {  	v4 =	vld [tilespmem:s11+$0x4EF0]  }
0x1e0: {  	v3 =	vld [tilespmem:s11+$0x4F00]  }
0x1e1: {  	v2 =	vld [tilespmem:s11+$0x4F10]  }
0x1e2: {  	v1 =	vld [tilespmem:s11+$0x4F20]  }
0x1e3: {  	v0 =	vld [tilespmem:s11+$0x4F30]  }
0x1e4: {  	v12 =	vld [tilespmem:s11+$0x76C0]  }
0x1e5: {  	v13 =	vld [tilespmem:s11+$0x76D0]  }
0x1e6: {  	v10 =	vld [tilespmem:s11+$0x76E0]  }
0x1e7: {  	v9 =	vld [tilespmem:s11+$0x76F0]  }
0x1e8: {  	v8 =	vld [tilespmem:s11+$0x7700]  }
0x1e9: {  	v6 =	vld [tilespmem:s11+$0x7710];
	v12 =	vmul.f32 v7, v12  }
0x1ea: {  	s21 =	simm.s32 $0x200;
	v11 =	vmul.f32 v11, v13;
	v7 =	vld [tilespmem:s11+$0x7720]  }
.LBB2_17:
0x1eb: {  	s31 =	sshra.s32 s21, $0x2;
	p0 =	sne.s32 s21, $0x3000;
	[tilespmem:s11+$0x76C0] =	vst v12;
	v5 =	vmul.f32 v5, v10;
	v10 =	vld [tilespmem:s11+$0x7730]  }
0x1ec: {  	v12 =	vld [tilespmem:s31+$0x4EC0];
	[tilespmem:s11+$0x76D0] =	vst v11;
	v4 =	vmul.f32 v4, v9  }
0x1ed: {  	v11 =	vld [tilespmem:s31+$0x4ED0];
	[tilespmem:s11+$0x76E0] =	vst v5;
	v3 =	vmul.f32 v3, v8  }
0x1ee: {  	v5 =	vld [tilespmem:s31+$0x4EE0];
	[tilespmem:s11+$0x76F0] =	vst v4;
	v2 =	vmul.f32 v2, v6  }
0x1ef: {  	v4 =	vld [tilespmem:s31+$0x4EF0];
	[tilespmem:s11+$0x7700] =	vst v3;
	v1 =	vmul.f32 v1, v7  }
0x1f0: {  	v3 =	vld [tilespmem:s31+$0x4F00];
	[tilespmem:s11+$0x7710] =	vst v2;
	v0 =	vmul.f32 v0, v10  }
0x1f1: {  	v2 =	vld [tilespmem:s31+$0x4F10];
	[tilespmem:s11+$0x7720] =	vst v1  }
0x1f2: {  	v1 =	vld [tilespmem:s31+$0x4F20];
	[tilespmem:s11+$0x7730] =	vst v0;
	s11 =	smov.u32 s31  }
0x1f3: {  	v0 =	vld [tilespmem:s11+$0x4F30]  }
0x1f4: {  	v6 =	vld [tilespmem:s11+$0x76C0]  }
0x1f5: {  	v7 =	vld [tilespmem:s11+$0x76D0]  }
.Ltmp7:
0x1f6: {  	v10 =	vld [tilespmem:s11+$0x76E0];
	(pc) =	sbr.rel @p0 .LBB2_17-.Ltmp7, $4  }
0x1f7: {  	v9 =	vld [tilespmem:s11+$0x76F0]  }
0x1f8: {  	v8 =	vld [tilespmem:s11+$0x7700]  }
0x1f9: {  	v12 =	vmul.f32 v12, v6;
	v6 =	vld [tilespmem:s11+$0x7710]  }
0x1fa: {  	s21 =	sadd.s32 $0x200, s21;
	v11 =	vmul.f32 v11, v7;
	v7 =	vld [tilespmem:s11+$0x7720]  }
0x1fb: {  	[tilespmem:s11+$0x76C0] =	vst v12;
	v5 =	vmul.f32 v5, v10;
	v63 =	vld [tilespmem:s11+$0x7730]  }
0x1fc: {  	[tilespmem:s11+$0x76D0] =	vst v11;
	v4 =	vmul.f32 v4, v9  }
0x1fd: {  	[tilespmem:s11+$0x76E0] =	vst v5;
	v3 =	vmul.f32 v3, v8  }
0x1fe: {  	[tilespmem:s11+$0x76F0] =	vst v4;
	v2 =	vmul.f32 v2, v6  }
0x1ff: {  	[tilespmem:s11+$0x7700] =	vst v3;
	v1 =	vmul.f32 v1, v7  }
0x200: {  	s21 =	sadd.s32 s4, s22;
	[tilespmem:s11+$0x7710] =	vst v2;
	v0 =	vmul.f32 v0, v63  }
0x201: {  	s21 =	sshll.u32 s21, $0x4;
	[tilespmem:s11+$0x7720] =	vst v1  }
0x202: {  	s31 =	sadd.s32 s21, s14;
	[tilespmem:s11+$0x7730] =	vst v0  }
0x203: {  	[hbm4b:s31+s3] =	stream.linear.scatter [tilespmem:s25], [sflag:$0x4], $0xC80, $0x38;
	[tilespmem:$0x1FF80] =	vst v63  }
0x204: {  	s10 =	sadd.s32 $0x1, s10;
	_ =	swait.ge [sflag:s19], $0xC80  }
0x205: {  	p0 =	sne.s32 s10, $0x19;
	[sflag:s19] =	ssyncset.done $0x0  }
.Ltmp8:
0x206: {  	[sflag:s19] =	ssyncadd.s32 $0xFFFFF380;
	(pc) =	sbr.rel @p0 .LBB2_16-.Ltmp8, $4  }
0x207: {  	[spmem:s18] =	stream.linear.scatter [tilespmem:s25], [sflag:$0x4], $0xC80, $0x38;
	[tilespmem:$0x1FF80] =	vst v63  }
0x208: {  	_ =	swait.ge [sflag:s19], $0xC80  }
0x209: {  	[sflag:s19] =	ssyncset.done $0x0  }
0x20a: {  	[sflag:s19] =	ssyncadd.s32 $0xFFFFF380  }
0x20b: {  	[bflag:$0x0] =	sbarrier.arrive $0xFFFF;
	s9 =	simm.s32 $0x0  }
0x20c: {  	[tilespmem:s24], [sflag:$0x1] =	stream.indirect.gather [hbm4b:s14+s23], $0x80, s9, s23, $0xb8;
	[tilespmem:$0x1FF80] =	vst v63  }
0x20d: {  	_ = 	snop  }
0x20e: {  	[tilespmem:s25], [sflag:$0x2] =	stream.indirect.gather [hbm4b:s14+s23], $0x80, s23, s23, $0xb8;
	[tilespmem:$0x1FF80] =	vst v63  }
0x20f: {  	s10 =	simm.s32 $0xA0  }
0x210: {  	[tilespmem:s26], [sflag:$0x3] =	stream.indirect.gather [hbm4b:s14+s23], $0x80, s10, s23, $0xb8;
	[tilespmem:$0x1FF80] =	vst v63  }
0x211: {  	_ =	swait.ge [sflag:s28], $0x2800  }
0x212: {  	[sflag:s28] =	ssyncset.done $0x0  }
0x213: {  	s11 =	simm.s32 $0x2760;
	[sflag:s28] =	ssyncadd.s32 $0xFFFFD800  }
0x214: {  	[spmem:s2] =	stream.indirect.scatter.add.f32 [tilespmem:s24], [sflag:$0x4], $0x80, s11, s23, $0xb8;
	[tilespmem:$0x1FF80] =	vst v63  }
0x215: {  	_ =	swait.ge [sflag:s19], $0x2800  }
0x216: {  	[sflag:s19] =	ssyncset.done $0x0  }
0x217: {  	s18 =	simm.s32 $0xF0;
	[sflag:s19] =	ssyncadd.s32 $0xFFFFD800  }
0x218: {  	[tilespmem:s24], [sflag:$0x1] =	stream.indirect.gather [hbm4b:s14+s23], $0x80, s18, s23, $0xb8;
	[tilespmem:$0x1FF80] =	vst v63  }
0x219: {  	_ =	swait.ge [sflag:s29], $0x2800  }
0x21a: {  	[sflag:s29] =	ssyncset.done $0x0  }
0x21b: {  	s21 =	simm.s32 $0x27B0;
	[sflag:s29] =	ssyncadd.s32 $0xFFFFD800  }
0x21c: {  	[spmem:s2] =	stream.indirect.scatter.add.f32 [tilespmem:s25], [sflag:$0x4], $0x80, s21, s23, $0xb8;
	[tilespmem:$0x1FF80] =	vst v63  }
0x21d: {  	_ =	swait.ge [sflag:s19], $0x2800  }
0x21e: {  	[sflag:s19] =	ssyncset.done $0x0  }
0x21f: {  	s22 =	simm.s32 $0x140;
	[sflag:s19] =	ssyncadd.s32 $0xFFFFD800  }
0x220: {  	[tilespmem:s25], [sflag:$0x2] =	stream.indirect.gather [hbm4b:s14+s23], $0x80, s22, s23, $0xb8;
	[tilespmem:$0x1FF80] =	vst v63  }
0x221: {  	_ =	swait.ge [sflag:s30], $0x2800  }
0x222: {  	[sflag:s30] =	ssyncset.done $0x0  }
0x223: {  	s31 =	simm.s32 $0x2800;
	[sflag:s30] =	ssyncadd.s32 $0xFFFFD800  }
0x224: {  	[spmem:s2] =	stream.indirect.scatter.add.f32 [tilespmem:s26], [sflag:$0x4], $0x80, s31, s23, $0xb8;
	[tilespmem:$0x1FF80] =	vst v63  }
0x225: {  	_ =	swait.ge [sflag:s19], $0x2800  }
0x226: {  	s9 =	simm.s32 $0xF0;
	s10 =	simm.s32 $0x780;
	[sflag:s19] =	ssyncset.done $0x0  }
.LBB2_20:
0x227: {  	s11 =	sadd.s32 $0xA0, s9  }
0x228: {  	[sflag:s19] =	ssyncadd.s32 $0xFFFFD800;
	s18 =	smov.u32 s10;
	s21 =	sadd.s32 $0x3C0, s10  }
0x229: {  	[tilespmem:s26], [sflag:$0x3] =	stream.indirect.gather [hbm4b:s14+s23], $0x80, s11, s23, $0xb8;
	[tilespmem:$0x1FF80] =	vst v63  }
0x22a: {  	p0 =	sne.s32 s10, $0x9600;
	_ =	swait.ge [sflag:s28], $0x2800  }
0x22b: {  	[sflag:s28] =	ssyncset.done $0x0  }
0x22c: {  	s10 =	sadd.s32 $0x2760, s9;
	[sflag:s28] =	ssyncadd.s32 $0xFFFFD800  }
0x22d: {  	[spmem:s2] =	stream.indirect.scatter.add.f32 [tilespmem:s24], [sflag:$0x4], $0x80, s10, s23, $0xb8;
	[tilespmem:$0x1FF80] =	vst v63  }
0x22e: {  	_ =	swait.ge [sflag:s19], $0x2800  }
0x22f: {  	[sflag:s19] =	ssyncset.done $0x0  }
0x230: {  	s10 =	sadd.s32 $0xF0, s9;
	[sflag:s19] =	ssyncadd.s32 $0xFFFFD800  }
0x231: {  	[tilespmem:s24], [sflag:$0x1] =	stream.indirect.gather [hbm4b:s14+s23], $0x80, s10, s23, $0xb8;
	[tilespmem:$0x1FF80] =	vst v63  }
0x232: {  	_ =	swait.ge [sflag:s29], $0x2800  }
0x233: {  	[sflag:s29] =	ssyncset.done $0x0  }
0x234: {  	s10 =	sadd.s32 $0x27B0, s9;
	[sflag:s29] =	ssyncadd.s32 $0xFFFFD800  }
0x235: {  	[spmem:s2] =	stream.indirect.scatter.add.f32 [tilespmem:s25], [sflag:$0x4], $0x80, s10, s23, $0xb8;
	[tilespmem:$0x1FF80] =	vst v63  }
0x236: {  	_ =	swait.ge [sflag:s19], $0x2800  }
0x237: {  	[sflag:s19] =	ssyncset.done $0x0  }
0x238: {  	s10 =	sadd.s32 $0x140, s9;
	[sflag:s19] =	ssyncadd.s32 $0xFFFFD800  }
0x239: {  	[tilespmem:s25], [sflag:$0x2] =	stream.indirect.gather [hbm4b:s14+s23], $0x80, s10, s23, $0xb8;
	[tilespmem:$0x1FF80] =	vst v63  }
0x23a: {  	_ =	swait.ge [sflag:s30], $0x2800  }
.Ltmp9:
0x23b: {  	[sflag:s30] =	ssyncset.done $0x0;
	(pc) =	sbr.rel @p0 .LBB2_20-.Ltmp9, $4  }
0x23c: {  	s9 =	sadd.s32 $0x2800, s9;
	[sflag:s30] =	ssyncadd.s32 $0xFFFFD800  }
0x23d: {  	[spmem:s2] =	stream.indirect.scatter.add.f32 [tilespmem:s26], [sflag:$0x4], $0x80, s9, s23, $0xb8;
	[tilespmem:$0x1FF80] =	vst v63  }
0x23e: {  	_ =	swait.ge [sflag:s19], $0x2800  }
0x23f: {  	s10 =	smov.u32 s21;
	s9 =	sshra.s32 s18, $0x2;
	[sflag:s19] =	ssyncset.done $0x0  }
0x240: {  	s10 =	sadd.s32 $0xA0, s9;
	[sflag:s19] =	ssyncadd.s32 $0xFFFFD800  }
0x241: {  	[tilespmem:s26], [sflag:$0x3] =	stream.indirect.gather [hbm4b:s14+s23], $0x80, s10, s23, $0xb8;
	[tilespmem:$0x1FF80] =	vst v63  }
0x242: {  	_ =	swait.ge [sflag:s28], $0x2800  }
0x243: {  	[sflag:s28] =	ssyncset.done $0x0  }
0x244: {  	s31 =	sadd.s32 $0x2760, s9;
	[sflag:s28] =	ssyncadd.s32 $0xFFFFD800  }
0x245: {  	[spmem:s2] =	stream.indirect.scatter.add.f32 [tilespmem:s24], [sflag:$0x4], $0x80, s31, s23, $0xb8;
	[tilespmem:$0x1FF80] =	vst v63  }
0x246: {  	_ =	swait.ge [sflag:s19], $0x2800  }
0x247: {  	[sflag:s19] =	ssyncset.done $0x0  }
0x248: {  	s11 =	sadd.s32 $0xF0, s9;
	[sflag:s19] =	ssyncadd.s32 $0xFFFFD800  }
0x249: {  	[tilespmem:s24], [sflag:$0x1] =	stream.indirect.gather [hbm4b:s14+s23], $0x80, s11, s23, $0xb8;
	[tilespmem:$0x1FF80] =	vst v63  }
0x24a: {  	_ =	swait.ge [sflag:s29], $0x2800  }
0x24b: {  	[sflag:s29] =	ssyncset.done $0x0  }
0x24c: {  	s18 =	sadd.s32 $0x27B0, s9;
	[sflag:s29] =	ssyncadd.s32 $0xFFFFD800  }
0x24d: {  	[spmem:s2] =	stream.indirect.scatter.add.f32 [tilespmem:s25], [sflag:$0x4], $0x80, s18, s23, $0xb8;
	[tilespmem:$0x1FF80] =	vst v63  }
0x24e: {  	_ =	swait.ge [sflag:s19], $0x2800  }
0x24f: {  	[sflag:s19] =	ssyncset.done $0x0  }
0x250: {  	s21 =	sadd.s32 $0x140, s9;
	[sflag:s19] =	ssyncadd.s32 $0xFFFFD800  }
0x251: {  	[tilespmem:s25], [sflag:$0x2] =	stream.indirect.gather [hbm4b:s14+s23], $0x80, s21, s23, $0xb8;
	[tilespmem:$0x1FF80] =	vst v63  }
0x252: {  	_ =	swait.ge [sflag:s30], $0x2800  }
0x253: {  	[sflag:s30] =	ssyncset.done $0x0  }
0x254: {  	s22 =	sadd.s32 $0x2800, s9;
	[sflag:s30] =	ssyncadd.s32 $0xFFFFD800  }
0x255: {  	[spmem:s2] =	stream.indirect.scatter.add.f32 [tilespmem:s26], [sflag:$0x4], $0x80, s22, s23, $0xb8;
	[tilespmem:$0x1FF80] =	vst v63  }
0x256: {  	_ =	swait.ge [sflag:s19], $0x2800  }
0x257: {  	[sflag:s19] =	ssyncset.done $0x0  }
0x258: {  	s31 =	simm.s32 $0x2710;
	[sflag:s19] =	ssyncadd.s32 $0xFFFFD800  }
0x259: {  	[tilespmem:s26], [sflag:$0x3] =	stream.indirect.gather [hbm4b:s14+s23], $0x80, s31, s23, $0xb8;
	[tilespmem:$0x1FF80] =	vst v63  }
0x25a: {  	_ =	swait.ge [sflag:s28], $0x2800  }
0x25b: {  	[sflag:s28] =	ssyncset.done $0x0  }
0x25c: {  	[sflag:s28] =	ssyncadd.s32 $0xFFFFD800  }
0x25d: {  	[spmem:s2] =	stream.indirect.scatter.add.f32 [tilespmem:s24], [sflag:$0x4], $0x80, s1, s23, $0xb8;
	[tilespmem:$0x1FF80] =	vst v63  }
0x25e: {  	_ =	swait.ge [sflag:s19], $0x2800  }
0x25f: {  	[sflag:s19] =	ssyncset.done $0x0  }
0x260: {  	[sflag:s19] =	ssyncadd.s32 $0xFFFFD800  }
0x261: {  	_ =	swait.ge [sflag:s29], $0x2800  }
0x262: {  	[sflag:s29] =	ssyncset.done $0x0  }
0x263: {  	[sflag:s29] =	ssyncadd.s32 $0xFFFFD800  }
0x264: {  	[spmem:s2] =	stream.indirect.scatter.add.f32 [tilespmem:s25], [sflag:$0x4], $0x80, s0, s23, $0xb8;
	[tilespmem:$0x1FF80] =	vst v63  }
0x265: {  	_ =	swait.ge [sflag:s19], $0x2800  }
0x266: {  	[sflag:s19] =	ssyncset.done $0x0  }
0x267: {  	[sflag:s19] =	ssyncadd.s32 $0xFFFFD800  }
0x268: {  	_ =	swait.ge [sflag:s30], $0x2800  }
0x269: {  	[sflag:s30] =	ssyncset.done $0x0  }
0x26a: {  	[sflag:s30] =	ssyncadd.s32 $0xFFFFD800  }
0x26b: {  	[spmem:s2] =	stream.indirect.scatter.add.f32 [tilespmem:s26], [sflag:$0x4], $0x80, s20, s23, $0xb8;
	[tilespmem:$0x1FF80] =	vst v63  }
0x26c: {  	_ =	swait.ge [sflag:s19], $0x2800  }
0x26d: {  	[sflag:s19] =	ssyncset.done $0x0  }
0x26e: {  	[sflag:s19] =	ssyncadd.s32 $0xFFFFD800  }
0x26f: {  	s9 =	simm.s32 $0x0;
	s10 =	simm.s32 $0x0;
	[bflag:$0x0] =	sbarrier.arrive $0xFFFF  }
.LBB2_22:
0x270: {  	s11 =	smul.u32 $0x19, s10;
	_ =	sdelay $0x1  }
0x271: {  	s22 =	sadd.s32 s5, s11  }
0x272: {  	s11 =	sshll.u32 s22, $0x7  }
0x273: {  	s11 =	sand.u32 $0x3FFFFF80, s11  }
0x274: {  	s18 =	sadd.s32 s11, s2  }
0x275: {  	[tilespmem:s25], [sflag:$0x4] =	stream.linear.gather [spmem:s18], $0xC80, $0x38;
	[tilespmem:$0x1FF80] =	vst v63  }
0x276: {  	_ =	swait.ge [sflag:s19], $0xC80  }
0x277: {  	s31 =	sshll.u32 s22, $0x4;
	[sflag:s19] =	ssyncset.done $0x0  }
0x278: {  	s11 =	sadd.s32 s6, s31;
	[sflag:s19] =	ssyncadd.s32 $0xFFFFF380  }
0x279: {  	[tilespmem:s24], [sflag:$0x4] =	stream.linear.gather [hbm4b:s11+s9], $0xC80, $0x38;
	[tilespmem:$0x1FF80] =	vst v63  }
0x27a: {  	_ =	swait.ge [sflag:s19], $0xC80  }
0x27b: {  	[sflag:s19] =	ssyncset.done $0x0  }
0x27c: {  	s11 =	simm.s32 $0x0;
	[sflag:s19] =	ssyncadd.s32 $0xFFFFF380  }
0x27d: {  	v7 =	vld [tilespmem:s11+$0x4EC0]  }
0x27e: {  	v11 =	vld [tilespmem:s11+$0x4ED0]  }
0x27f: {  	v5 =	vld [tilespmem:s11+$0x4EE0]  }
0x280: {  	v4 =	vld [tilespmem:s11+$0x4EF0]  }
0x281: {  	v3 =	vld [tilespmem:s11+$0x4F00]  }
0x282: {  	v2 =	vld [tilespmem:s11+$0x4F10]  }
0x283: {  	v1 =	vld [tilespmem:s11+$0x4F20]  }
0x284: {  	v0 =	vld [tilespmem:s11+$0x4F30]  }
0x285: {  	v12 =	vld [tilespmem:s11+$0x76C0]  }
0x286: {  	v13 =	vld [tilespmem:s11+$0x76D0]  }
0x287: {  	v10 =	vld [tilespmem:s11+$0x76E0]  }
0x288: {  	v9 =	vld [tilespmem:s11+$0x76F0]  }
0x289: {  	v8 =	vld [tilespmem:s11+$0x7700]  }
0x28a: {  	v6 =	vld [tilespmem:s11+$0x7710];
	v12 =	vmul.f32 v7, v12  }
0x28b: {  	s21 =	simm.s32 $0x200;
	v11 =	vmul.f32 v11, v13;
	v7 =	vld [tilespmem:s11+$0x7720]  }
.LBB2_23:
0x28c: {  	s31 =	sshra.s32 s21, $0x2;
	p0 =	sne.s32 s21, $0x3000;
	[tilespmem:s11+$0x76C0] =	vst v12;
	v5 =	vmul.f32 v5, v10;
	v10 =	vld [tilespmem:s11+$0x7730]  }
0x28d: {  	v12 =	vld [tilespmem:s31+$0x4EC0];
	[tilespmem:s11+$0x76D0] =	vst v11;
	v4 =	vmul.f32 v4, v9  }
0x28e: {  	v11 =	vld [tilespmem:s31+$0x4ED0];
	[tilespmem:s11+$0x76E0] =	vst v5;
	v3 =	vmul.f32 v3, v8  }
0x28f: {  	v5 =	vld [tilespmem:s31+$0x4EE0];
	[tilespmem:s11+$0x76F0] =	vst v4;
	v2 =	vmul.f32 v2, v6  }
0x290: {  	v4 =	vld [tilespmem:s31+$0x4EF0];
	[tilespmem:s11+$0x7700] =	vst v3;
	v1 =	vmul.f32 v1, v7  }
0x291: {  	v3 =	vld [tilespmem:s31+$0x4F00];
	[tilespmem:s11+$0x7710] =	vst v2;
	v0 =	vmul.f32 v0, v10  }
0x292: {  	v2 =	vld [tilespmem:s31+$0x4F10];
	[tilespmem:s11+$0x7720] =	vst v1  }
0x293: {  	v1 =	vld [tilespmem:s31+$0x4F20];
	[tilespmem:s11+$0x7730] =	vst v0;
	s11 =	smov.u32 s31  }
0x294: {  	v0 =	vld [tilespmem:s11+$0x4F30]  }
0x295: {  	v6 =	vld [tilespmem:s11+$0x76C0]  }
0x296: {  	v7 =	vld [tilespmem:s11+$0x76D0]  }
.Ltmp10:
0x297: {  	v10 =	vld [tilespmem:s11+$0x76E0];
	(pc) =	sbr.rel @p0 .LBB2_23-.Ltmp10, $4  }
0x298: {  	v9 =	vld [tilespmem:s11+$0x76F0]  }
0x299: {  	v8 =	vld [tilespmem:s11+$0x7700]  }
0x29a: {  	v12 =	vmul.f32 v12, v6;
	v6 =	vld [tilespmem:s11+$0x7710]  }
0x29b: {  	s21 =	sadd.s32 $0x200, s21;
	v11 =	vmul.f32 v11, v7;
	v7 =	vld [tilespmem:s11+$0x7720]  }
0x29c: {  	[tilespmem:s11+$0x76C0] =	vst v12;
	v5 =	vmul.f32 v5, v10;
	v63 =	vld [tilespmem:s11+$0x7730]  }
0x29d: {  	[tilespmem:s11+$0x76D0] =	vst v11;
	v4 =	vmul.f32 v4, v9  }
0x29e: {  	[tilespmem:s11+$0x76E0] =	vst v5;
	v3 =	vmul.f32 v3, v8  }
0x29f: {  	[tilespmem:s11+$0x76F0] =	vst v4;
	v2 =	vmul.f32 v2, v6  }
0x2a0: {  	[tilespmem:s11+$0x7700] =	vst v3;
	v1 =	vmul.f32 v1, v7  }
0x2a1: {  	s21 =	sadd.s32 s4, s22;
	[tilespmem:s11+$0x7710] =	vst v2;
	v0 =	vmul.f32 v0, v63  }
0x2a2: {  	s21 =	sshll.u32 s21, $0x4;
	[tilespmem:s11+$0x7720] =	vst v1  }
0x2a3: {  	s31 =	sadd.s32 s21, s15;
	[tilespmem:s11+$0x7730] =	vst v0  }
0x2a4: {  	[hbm4b:s31+s3] =	stream.linear.scatter [tilespmem:s25], [sflag:$0x4], $0xC80, $0x38;
	[tilespmem:$0x1FF80] =	vst v63  }
0x2a5: {  	s10 =	sadd.s32 $0x1, s10;
	_ =	swait.ge [sflag:s19], $0xC80  }
0x2a6: {  	p0 =	sne.s32 s10, $0x19;
	[sflag:s19] =	ssyncset.done $0x0  }
.Ltmp11:
0x2a7: {  	[sflag:s19] =	ssyncadd.s32 $0xFFFFF380;
	(pc) =	sbr.rel @p0 .LBB2_22-.Ltmp11, $4  }
0x2a8: {  	[spmem:s18] =	stream.linear.scatter [tilespmem:s25], [sflag:$0x4], $0xC80, $0x38;
	[tilespmem:$0x1FF80] =	vst v63  }
0x2a9: {  	_ =	swait.ge [sflag:s19], $0xC80  }
0x2aa: {  	[sflag:s19] =	ssyncset.done $0x0  }
0x2ab: {  	[sflag:s19] =	ssyncadd.s32 $0xFFFFF380  }
0x2ac: {  	[bflag:$0x0] =	sbarrier.arrive $0xFFFF;
	s9 =	simm.s32 $0x0  }
0x2ad: {  	[tilespmem:s24], [sflag:$0x1] =	stream.indirect.gather [hbm4b:s15+s23], $0x80, s9, s23, $0xb8;
	[tilespmem:$0x1FF80] =	vst v63  }
0x2ae: {  	_ = 	snop  }
0x2af: {  	[tilespmem:s25], [sflag:$0x2] =	stream.indirect.gather [hbm4b:s15+s23], $0x80, s23, s23, $0xb8;
	[tilespmem:$0x1FF80] =	vst v63  }
0x2b0: {  	s10 =	simm.s32 $0xA0  }
0x2b1: {  	[tilespmem:s26], [sflag:$0x3] =	stream.indirect.gather [hbm4b:s15+s23], $0x80, s10, s23, $0xb8;
	[tilespmem:$0x1FF80] =	vst v63  }
0x2b2: {  	_ =	swait.ge [sflag:s28], $0x2800  }
0x2b3: {  	[sflag:s28] =	ssyncset.done $0x0  }
0x2b4: {  	s11 =	simm.s32 $0x2760;
	[sflag:s28] =	ssyncadd.s32 $0xFFFFD800  }
0x2b5: {  	[spmem:s2] =	stream.indirect.scatter.add.f32 [tilespmem:s24], [sflag:$0x4], $0x80, s11, s23, $0xb8;
	[tilespmem:$0x1FF80] =	vst v63  }
0x2b6: {  	_ =	swait.ge [sflag:s19], $0x2800  }
0x2b7: {  	[sflag:s19] =	ssyncset.done $0x0  }
0x2b8: {  	s18 =	simm.s32 $0xF0;
	[sflag:s19] =	ssyncadd.s32 $0xFFFFD800  }
0x2b9: {  	[tilespmem:s24], [sflag:$0x1] =	stream.indirect.gather [hbm4b:s15+s23], $0x80, s18, s23, $0xb8;
	[tilespmem:$0x1FF80] =	vst v63  }
0x2ba: {  	_ =	swait.ge [sflag:s29], $0x2800  }
0x2bb: {  	[sflag:s29] =	ssyncset.done $0x0  }
0x2bc: {  	s21 =	simm.s32 $0x27B0;
	[sflag:s29] =	ssyncadd.s32 $0xFFFFD800  }
0x2bd: {  	[spmem:s2] =	stream.indirect.scatter.add.f32 [tilespmem:s25], [sflag:$0x4], $0x80, s21, s23, $0xb8;
	[tilespmem:$0x1FF80] =	vst v63  }
0x2be: {  	_ =	swait.ge [sflag:s19], $0x2800  }
0x2bf: {  	[sflag:s19] =	ssyncset.done $0x0  }
0x2c0: {  	s22 =	simm.s32 $0x140;
	[sflag:s19] =	ssyncadd.s32 $0xFFFFD800  }
0x2c1: {  	[tilespmem:s25], [sflag:$0x2] =	stream.indirect.gather [hbm4b:s15+s23], $0x80, s22, s23, $0xb8;
	[tilespmem:$0x1FF80] =	vst v63  }
0x2c2: {  	_ =	swait.ge [sflag:s30], $0x2800  }
0x2c3: {  	[sflag:s30] =	ssyncset.done $0x0  }
0x2c4: {  	s31 =	simm.s32 $0x2800;
	[sflag:s30] =	ssyncadd.s32 $0xFFFFD800  }
0x2c5: {  	[spmem:s2] =	stream.indirect.scatter.add.f32 [tilespmem:s26], [sflag:$0x4], $0x80, s31, s23, $0xb8;
	[tilespmem:$0x1FF80] =	vst v63  }
0x2c6: {  	_ =	swait.ge [sflag:s19], $0x2800  }
0x2c7: {  	s9 =	simm.s32 $0xF0;
	s10 =	simm.s32 $0x780;
	[sflag:s19] =	ssyncset.done $0x0  }
.LBB2_26:
0x2c8: {  	s11 =	sadd.s32 $0xA0, s9  }
0x2c9: {  	[sflag:s19] =	ssyncadd.s32 $0xFFFFD800;
	s18 =	smov.u32 s10;
	s21 =	sadd.s32 $0x3C0, s10  }
0x2ca: {  	[tilespmem:s26], [sflag:$0x3] =	stream.indirect.gather [hbm4b:s15+s23], $0x80, s11, s23, $0xb8;
	[tilespmem:$0x1FF80] =	vst v63  }
0x2cb: {  	p0 =	sne.s32 s10, $0x9600;
	_ =	swait.ge [sflag:s28], $0x2800  }
0x2cc: {  	[sflag:s28] =	ssyncset.done $0x0  }
0x2cd: {  	s10 =	sadd.s32 $0x2760, s9;
	[sflag:s28] =	ssyncadd.s32 $0xFFFFD800  }
0x2ce: {  	[spmem:s2] =	stream.indirect.scatter.add.f32 [tilespmem:s24], [sflag:$0x4], $0x80, s10, s23, $0xb8;
	[tilespmem:$0x1FF80] =	vst v63  }
0x2cf: {  	_ =	swait.ge [sflag:s19], $0x2800  }
0x2d0: {  	[sflag:s19] =	ssyncset.done $0x0  }
0x2d1: {  	s10 =	sadd.s32 $0xF0, s9;
	[sflag:s19] =	ssyncadd.s32 $0xFFFFD800  }
0x2d2: {  	[tilespmem:s24], [sflag:$0x1] =	stream.indirect.gather [hbm4b:s15+s23], $0x80, s10, s23, $0xb8;
	[tilespmem:$0x1FF80] =	vst v63  }
0x2d3: {  	_ =	swait.ge [sflag:s29], $0x2800  }
0x2d4: {  	[sflag:s29] =	ssyncset.done $0x0  }
0x2d5: {  	s10 =	sadd.s32 $0x27B0, s9;
	[sflag:s29] =	ssyncadd.s32 $0xFFFFD800  }
0x2d6: {  	[spmem:s2] =	stream.indirect.scatter.add.f32 [tilespmem:s25], [sflag:$0x4], $0x80, s10, s23, $0xb8;
	[tilespmem:$0x1FF80] =	vst v63  }
0x2d7: {  	_ =	swait.ge [sflag:s19], $0x2800  }
0x2d8: {  	[sflag:s19] =	ssyncset.done $0x0  }
0x2d9: {  	s10 =	sadd.s32 $0x140, s9;
	[sflag:s19] =	ssyncadd.s32 $0xFFFFD800  }
0x2da: {  	[tilespmem:s25], [sflag:$0x2] =	stream.indirect.gather [hbm4b:s15+s23], $0x80, s10, s23, $0xb8;
	[tilespmem:$0x1FF80] =	vst v63  }
0x2db: {  	_ =	swait.ge [sflag:s30], $0x2800  }
.Ltmp12:
0x2dc: {  	[sflag:s30] =	ssyncset.done $0x0;
	(pc) =	sbr.rel @p0 .LBB2_26-.Ltmp12, $4  }
0x2dd: {  	s9 =	sadd.s32 $0x2800, s9;
	[sflag:s30] =	ssyncadd.s32 $0xFFFFD800  }
0x2de: {  	[spmem:s2] =	stream.indirect.scatter.add.f32 [tilespmem:s26], [sflag:$0x4], $0x80, s9, s23, $0xb8;
	[tilespmem:$0x1FF80] =	vst v63  }
0x2df: {  	_ =	swait.ge [sflag:s19], $0x2800  }
0x2e0: {  	s10 =	smov.u32 s21;
	s9 =	sshra.s32 s18, $0x2;
	[sflag:s19] =	ssyncset.done $0x0  }
0x2e1: {  	s10 =	sadd.s32 $0xA0, s9;
	[sflag:s19] =	ssyncadd.s32 $0xFFFFD800  }
0x2e2: {  	[tilespmem:s26], [sflag:$0x3] =	stream.indirect.gather [hbm4b:s15+s23], $0x80, s10, s23, $0xb8;
	[tilespmem:$0x1FF80] =	vst v63  }
0x2e3: {  	_ =	swait.ge [sflag:s28], $0x2800  }
0x2e4: {  	[sflag:s28] =	ssyncset.done $0x0  }
0x2e5: {  	s31 =	sadd.s32 $0x2760, s9;
	[sflag:s28] =	ssyncadd.s32 $0xFFFFD800  }
0x2e6: {  	[spmem:s2] =	stream.indirect.scatter.add.f32 [tilespmem:s24], [sflag:$0x4], $0x80, s31, s23, $0xb8;
	[tilespmem:$0x1FF80] =	vst v63  }
0x2e7: {  	_ =	swait.ge [sflag:s19], $0x2800  }
0x2e8: {  	[sflag:s19] =	ssyncset.done $0x0  }
0x2e9: {  	s11 =	sadd.s32 $0xF0, s9;
	[sflag:s19] =	ssyncadd.s32 $0xFFFFD800  }
0x2ea: {  	[tilespmem:s24], [sflag:$0x1] =	stream.indirect.gather [hbm4b:s15+s23], $0x80, s11, s23, $0xb8;
	[tilespmem:$0x1FF80] =	vst v63  }
0x2eb: {  	_ =	swait.ge [sflag:s29], $0x2800  }
0x2ec: {  	[sflag:s29] =	ssyncset.done $0x0  }
0x2ed: {  	s18 =	sadd.s32 $0x27B0, s9;
	[sflag:s29] =	ssyncadd.s32 $0xFFFFD800  }
0x2ee: {  	[spmem:s2] =	stream.indirect.scatter.add.f32 [tilespmem:s25], [sflag:$0x4], $0x80, s18, s23, $0xb8;
	[tilespmem:$0x1FF80] =	vst v63  }
0x2ef: {  	_ =	swait.ge [sflag:s19], $0x2800  }
0x2f0: {  	[sflag:s19] =	ssyncset.done $0x0  }
0x2f1: {  	s21 =	sadd.s32 $0x140, s9;
	[sflag:s19] =	ssyncadd.s32 $0xFFFFD800  }
0x2f2: {  	[tilespmem:s25], [sflag:$0x2] =	stream.indirect.gather [hbm4b:s15+s23], $0x80, s21, s23, $0xb8;
	[tilespmem:$0x1FF80] =	vst v63  }
0x2f3: {  	_ =	swait.ge [sflag:s30], $0x2800  }
0x2f4: {  	[sflag:s30] =	ssyncset.done $0x0  }
0x2f5: {  	s22 =	sadd.s32 $0x2800, s9;
	[sflag:s30] =	ssyncadd.s32 $0xFFFFD800  }
0x2f6: {  	[spmem:s2] =	stream.indirect.scatter.add.f32 [tilespmem:s26], [sflag:$0x4], $0x80, s22, s23, $0xb8;
	[tilespmem:$0x1FF80] =	vst v63  }
0x2f7: {  	_ =	swait.ge [sflag:s19], $0x2800  }
0x2f8: {  	[sflag:s19] =	ssyncset.done $0x0  }
0x2f9: {  	s31 =	simm.s32 $0x2710;
	[sflag:s19] =	ssyncadd.s32 $0xFFFFD800  }
0x2fa: {  	[tilespmem:s26], [sflag:$0x3] =	stream.indirect.gather [hbm4b:s15+s23], $0x80, s31, s23, $0xb8;
	[tilespmem:$0x1FF80] =	vst v63  }
0x2fb: {  	_ =	swait.ge [sflag:s28], $0x2800  }
0x2fc: {  	[sflag:s28] =	ssyncset.done $0x0  }
0x2fd: {  	[sflag:s28] =	ssyncadd.s32 $0xFFFFD800  }
0x2fe: {  	[spmem:s2] =	stream.indirect.scatter.add.f32 [tilespmem:s24], [sflag:$0x4], $0x80, s1, s23, $0xb8;
	[tilespmem:$0x1FF80] =	vst v63  }
0x2ff: {  	_ =	swait.ge [sflag:s19], $0x2800  }
0x300: {  	[sflag:s19] =	ssyncset.done $0x0  }
0x301: {  	[sflag:s19] =	ssyncadd.s32 $0xFFFFD800  }
0x302: {  	_ =	swait.ge [sflag:s29], $0x2800  }
0x303: {  	[sflag:s29] =	ssyncset.done $0x0  }
0x304: {  	[sflag:s29] =	ssyncadd.s32 $0xFFFFD800  }
0x305: {  	[spmem:s2] =	stream.indirect.scatter.add.f32 [tilespmem:s25], [sflag:$0x4], $0x80, s0, s23, $0xb8;
	[tilespmem:$0x1FF80] =	vst v63  }
0x306: {  	_ =	swait.ge [sflag:s19], $0x2800  }
0x307: {  	[sflag:s19] =	ssyncset.done $0x0  }
0x308: {  	[sflag:s19] =	ssyncadd.s32 $0xFFFFD800  }
0x309: {  	_ =	swait.ge [sflag:s30], $0x2800  }
0x30a: {  	[sflag:s30] =	ssyncset.done $0x0  }
0x30b: {  	[sflag:s30] =	ssyncadd.s32 $0xFFFFD800  }
0x30c: {  	[spmem:s2] =	stream.indirect.scatter.add.f32 [tilespmem:s26], [sflag:$0x4], $0x80, s20, s23, $0xb8;
	[tilespmem:$0x1FF80] =	vst v63  }
0x30d: {  	_ =	swait.ge [sflag:s19], $0x2800  }
0x30e: {  	[sflag:s19] =	ssyncset.done $0x0  }
0x30f: {  	[sflag:s19] =	ssyncadd.s32 $0xFFFFD800  }
0x310: {  	s9 =	simm.s32 $0x0;
	s10 =	simm.s32 $0x0;
	[bflag:$0x0] =	sbarrier.arrive $0xFFFF  }
.LBB2_28:
0x311: {  	s11 =	smul.u32 $0x19, s10;
	_ =	sdelay $0x1  }
0x312: {  	s22 =	sadd.s32 s5, s11  }
0x313: {  	s11 =	sshll.u32 s22, $0x7  }
0x314: {  	s11 =	sand.u32 $0x3FFFFF80, s11  }
0x315: {  	s18 =	sadd.s32 s11, s2  }
0x316: {  	[tilespmem:s25], [sflag:$0x4] =	stream.linear.gather [spmem:s18], $0xC80, $0x38;
	[tilespmem:$0x1FF80] =	vst v63  }
0x317: {  	_ =	swait.ge [sflag:s19], $0xC80  }
0x318: {  	s31 =	sshll.u32 s22, $0x4;
	[sflag:s19] =	ssyncset.done $0x0  }
0x319: {  	s11 =	sadd.s32 s6, s31;
	[sflag:s19] =	ssyncadd.s32 $0xFFFFF380  }
0x31a: {  	[tilespmem:s24], [sflag:$0x4] =	stream.linear.gather [hbm4b:s11+s9], $0xC80, $0x38;
	[tilespmem:$0x1FF80] =	vst v63  }
0x31b: {  	_ =	swait.ge [sflag:s19], $0xC80  }
0x31c: {  	[sflag:s19] =	ssyncset.done $0x0  }
0x31d: {  	s11 =	simm.s32 $0x0;
	[sflag:s19] =	ssyncadd.s32 $0xFFFFF380  }
0x31e: {  	v7 =	vld [tilespmem:s11+$0x4EC0]  }
0x31f: {  	v11 =	vld [tilespmem:s11+$0x4ED0]  }
0x320: {  	v5 =	vld [tilespmem:s11+$0x4EE0]  }
0x321: {  	v4 =	vld [tilespmem:s11+$0x4EF0]  }
0x322: {  	v3 =	vld [tilespmem:s11+$0x4F00]  }
0x323: {  	v2 =	vld [tilespmem:s11+$0x4F10]  }
0x324: {  	v1 =	vld [tilespmem:s11+$0x4F20]  }
0x325: {  	v0 =	vld [tilespmem:s11+$0x4F30]  }
0x326: {  	v12 =	vld [tilespmem:s11+$0x76C0]  }
0x327: {  	v13 =	vld [tilespmem:s11+$0x76D0]  }
0x328: {  	v10 =	vld [tilespmem:s11+$0x76E0]  }
0x329: {  	v9 =	vld [tilespmem:s11+$0x76F0]  }
0x32a: {  	v8 =	vld [tilespmem:s11+$0x7700]  }
0x32b: {  	v6 =	vld [tilespmem:s11+$0x7710];
	v12 =	vmul.f32 v7, v12  }
0x32c: {  	s21 =	simm.s32 $0x200;
	v11 =	vmul.f32 v11, v13;
	v7 =	vld [tilespmem:s11+$0x7720]  }
.LBB2_29:
0x32d: {  	s31 =	sshra.s32 s21, $0x2;
	p0 =	sne.s32 s21, $0x3000;
	[tilespmem:s11+$0x76C0] =	vst v12;
	v5 =	vmul.f32 v5, v10;
	v10 =	vld [tilespmem:s11+$0x7730]  }
0x32e: {  	v12 =	vld [tilespmem:s31+$0x4EC0];
	[tilespmem:s11+$0x76D0] =	vst v11;
	v4 =	vmul.f32 v4, v9  }
0x32f: {  	v11 =	vld [tilespmem:s31+$0x4ED0];
	[tilespmem:s11+$0x76E0] =	vst v5;
	v3 =	vmul.f32 v3, v8  }
0x330: {  	v5 =	vld [tilespmem:s31+$0x4EE0];
	[tilespmem:s11+$0x76F0] =	vst v4;
	v2 =	vmul.f32 v2, v6  }
0x331: {  	v4 =	vld [tilespmem:s31+$0x4EF0];
	[tilespmem:s11+$0x7700] =	vst v3;
	v1 =	vmul.f32 v1, v7  }
0x332: {  	v3 =	vld [tilespmem:s31+$0x4F00];
	[tilespmem:s11+$0x7710] =	vst v2;
	v0 =	vmul.f32 v0, v10  }
0x333: {  	v2 =	vld [tilespmem:s31+$0x4F10];
	[tilespmem:s11+$0x7720] =	vst v1  }
0x334: {  	v1 =	vld [tilespmem:s31+$0x4F20];
	[tilespmem:s11+$0x7730] =	vst v0;
	s11 =	smov.u32 s31  }
0x335: {  	v0 =	vld [tilespmem:s11+$0x4F30]  }
0x336: {  	v6 =	vld [tilespmem:s11+$0x76C0]  }
0x337: {  	v7 =	vld [tilespmem:s11+$0x76D0]  }
.Ltmp13:
0x338: {  	v10 =	vld [tilespmem:s11+$0x76E0];
	(pc) =	sbr.rel @p0 .LBB2_29-.Ltmp13, $4  }
0x339: {  	v9 =	vld [tilespmem:s11+$0x76F0]  }
0x33a: {  	v8 =	vld [tilespmem:s11+$0x7700]  }
0x33b: {  	v12 =	vmul.f32 v12, v6;
	v6 =	vld [tilespmem:s11+$0x7710]  }
0x33c: {  	s21 =	sadd.s32 $0x200, s21;
	v11 =	vmul.f32 v11, v7;
	v7 =	vld [tilespmem:s11+$0x7720]  }
0x33d: {  	[tilespmem:s11+$0x76C0] =	vst v12;
	v5 =	vmul.f32 v5, v10;
	v63 =	vld [tilespmem:s11+$0x7730]  }
0x33e: {  	[tilespmem:s11+$0x76D0] =	vst v11;
	v4 =	vmul.f32 v4, v9  }
0x33f: {  	[tilespmem:s11+$0x76E0] =	vst v5;
	v3 =	vmul.f32 v3, v8  }
0x340: {  	[tilespmem:s11+$0x76F0] =	vst v4;
	v2 =	vmul.f32 v2, v6  }
0x341: {  	[tilespmem:s11+$0x7700] =	vst v3;
	v1 =	vmul.f32 v1, v7  }
0x342: {  	s21 =	sadd.s32 s4, s22;
	[tilespmem:s11+$0x7710] =	vst v2;
	v0 =	vmul.f32 v0, v63  }
0x343: {  	s21 =	sshll.u32 s21, $0x4;
	[tilespmem:s11+$0x7720] =	vst v1  }
0x344: {  	s31 =	sadd.s32 s21, s16;
	[tilespmem:s11+$0x7730] =	vst v0  }
0x345: {  	[hbm4b:s31+s3] =	stream.linear.scatter [tilespmem:s25], [sflag:$0x4], $0xC80, $0x38;
	[tilespmem:$0x1FF80] =	vst v63  }
0x346: {  	s10 =	sadd.s32 $0x1, s10;
	_ =	swait.ge [sflag:s19], $0xC80  }
0x347: {  	p0 =	sne.s32 s10, $0x19;
	[sflag:s19] =	ssyncset.done $0x0  }
.Ltmp14:
0x348: {  	[sflag:s19] =	ssyncadd.s32 $0xFFFFF380;
	(pc) =	sbr.rel @p0 .LBB2_28-.Ltmp14, $4  }
0x349: {  	[spmem:s18] =	stream.linear.scatter [tilespmem:s25], [sflag:$0x4], $0xC80, $0x38;
	[tilespmem:$0x1FF80] =	vst v63  }
0x34a: {  	_ =	swait.ge [sflag:s19], $0xC80  }
0x34b: {  	[sflag:s19] =	ssyncset.done $0x0  }
0x34c: {  	[sflag:s19] =	ssyncadd.s32 $0xFFFFF380  }
0x34d: {  	[bflag:$0x0] =	sbarrier.arrive $0xFFFF;
	s9 =	simm.s32 $0x0  }
0x34e: {  	[tilespmem:s24], [sflag:$0x1] =	stream.indirect.gather [hbm4b:s16+s23], $0x80, s9, s23, $0xb8;
	[tilespmem:$0x1FF80] =	vst v63  }
0x34f: {  	_ = 	snop  }
0x350: {  	[tilespmem:s25], [sflag:$0x2] =	stream.indirect.gather [hbm4b:s16+s23], $0x80, s23, s23, $0xb8;
	[tilespmem:$0x1FF80] =	vst v63  }
0x351: {  	s10 =	simm.s32 $0xA0  }
0x352: {  	[tilespmem:s26], [sflag:$0x3] =	stream.indirect.gather [hbm4b:s16+s23], $0x80, s10, s23, $0xb8;
	[tilespmem:$0x1FF80] =	vst v63  }
0x353: {  	_ =	swait.ge [sflag:s28], $0x2800  }
0x354: {  	[sflag:s28] =	ssyncset.done $0x0  }
0x355: {  	s11 =	simm.s32 $0x2760;
	[sflag:s28] =	ssyncadd.s32 $0xFFFFD800  }
0x356: {  	[spmem:s2] =	stream.indirect.scatter.add.f32 [tilespmem:s24], [sflag:$0x4], $0x80, s11, s23, $0xb8;
	[tilespmem:$0x1FF80] =	vst v63  }
0x357: {  	_ =	swait.ge [sflag:s19], $0x2800  }
0x358: {  	[sflag:s19] =	ssyncset.done $0x0  }
0x359: {  	s18 =	simm.s32 $0xF0;
	[sflag:s19] =	ssyncadd.s32 $0xFFFFD800  }
0x35a: {  	[tilespmem:s24], [sflag:$0x1] =	stream.indirect.gather [hbm4b:s16+s23], $0x80, s18, s23, $0xb8;
	[tilespmem:$0x1FF80] =	vst v63  }
0x35b: {  	_ =	swait.ge [sflag:s29], $0x2800  }
0x35c: {  	[sflag:s29] =	ssyncset.done $0x0  }
0x35d: {  	s21 =	simm.s32 $0x27B0;
	[sflag:s29] =	ssyncadd.s32 $0xFFFFD800  }
0x35e: {  	[spmem:s2] =	stream.indirect.scatter.add.f32 [tilespmem:s25], [sflag:$0x4], $0x80, s21, s23, $0xb8;
	[tilespmem:$0x1FF80] =	vst v63  }
0x35f: {  	_ =	swait.ge [sflag:s19], $0x2800  }
0x360: {  	[sflag:s19] =	ssyncset.done $0x0  }
0x361: {  	s22 =	simm.s32 $0x140;
	[sflag:s19] =	ssyncadd.s32 $0xFFFFD800  }
0x362: {  	[tilespmem:s25], [sflag:$0x2] =	stream.indirect.gather [hbm4b:s16+s23], $0x80, s22, s23, $0xb8;
	[tilespmem:$0x1FF80] =	vst v63  }
0x363: {  	_ =	swait.ge [sflag:s30], $0x2800  }
0x364: {  	[sflag:s30] =	ssyncset.done $0x0  }
0x365: {  	s31 =	simm.s32 $0x2800;
	[sflag:s30] =	ssyncadd.s32 $0xFFFFD800  }
0x366: {  	[spmem:s2] =	stream.indirect.scatter.add.f32 [tilespmem:s26], [sflag:$0x4], $0x80, s31, s23, $0xb8;
	[tilespmem:$0x1FF80] =	vst v63  }
0x367: {  	_ =	swait.ge [sflag:s19], $0x2800  }
0x368: {  	s9 =	simm.s32 $0xF0;
	s10 =	simm.s32 $0x780;
	[sflag:s19] =	ssyncset.done $0x0  }
.LBB2_32:
0x369: {  	s11 =	sadd.s32 $0xA0, s9  }
0x36a: {  	[sflag:s19] =	ssyncadd.s32 $0xFFFFD800;
	s18 =	smov.u32 s10;
	s21 =	sadd.s32 $0x3C0, s10  }
0x36b: {  	[tilespmem:s26], [sflag:$0x3] =	stream.indirect.gather [hbm4b:s16+s23], $0x80, s11, s23, $0xb8;
	[tilespmem:$0x1FF80] =	vst v63  }
0x36c: {  	p0 =	sne.s32 s10, $0x9600;
	_ =	swait.ge [sflag:s28], $0x2800  }
0x36d: {  	[sflag:s28] =	ssyncset.done $0x0  }
0x36e: {  	s10 =	sadd.s32 $0x2760, s9;
	[sflag:s28] =	ssyncadd.s32 $0xFFFFD800  }
0x36f: {  	[spmem:s2] =	stream.indirect.scatter.add.f32 [tilespmem:s24], [sflag:$0x4], $0x80, s10, s23, $0xb8;
	[tilespmem:$0x1FF80] =	vst v63  }
0x370: {  	_ =	swait.ge [sflag:s19], $0x2800  }
0x371: {  	[sflag:s19] =	ssyncset.done $0x0  }
0x372: {  	s10 =	sadd.s32 $0xF0, s9;
	[sflag:s19] =	ssyncadd.s32 $0xFFFFD800  }
0x373: {  	[tilespmem:s24], [sflag:$0x1] =	stream.indirect.gather [hbm4b:s16+s23], $0x80, s10, s23, $0xb8;
	[tilespmem:$0x1FF80] =	vst v63  }
0x374: {  	_ =	swait.ge [sflag:s29], $0x2800  }
0x375: {  	[sflag:s29] =	ssyncset.done $0x0  }
0x376: {  	s10 =	sadd.s32 $0x27B0, s9;
	[sflag:s29] =	ssyncadd.s32 $0xFFFFD800  }
0x377: {  	[spmem:s2] =	stream.indirect.scatter.add.f32 [tilespmem:s25], [sflag:$0x4], $0x80, s10, s23, $0xb8;
	[tilespmem:$0x1FF80] =	vst v63  }
0x378: {  	_ =	swait.ge [sflag:s19], $0x2800  }
0x379: {  	[sflag:s19] =	ssyncset.done $0x0  }
0x37a: {  	s10 =	sadd.s32 $0x140, s9;
	[sflag:s19] =	ssyncadd.s32 $0xFFFFD800  }
0x37b: {  	[tilespmem:s25], [sflag:$0x2] =	stream.indirect.gather [hbm4b:s16+s23], $0x80, s10, s23, $0xb8;
	[tilespmem:$0x1FF80] =	vst v63  }
0x37c: {  	_ =	swait.ge [sflag:s30], $0x2800  }
.Ltmp15:
0x37d: {  	[sflag:s30] =	ssyncset.done $0x0;
	(pc) =	sbr.rel @p0 .LBB2_32-.Ltmp15, $4  }
0x37e: {  	s9 =	sadd.s32 $0x2800, s9;
	[sflag:s30] =	ssyncadd.s32 $0xFFFFD800  }
0x37f: {  	[spmem:s2] =	stream.indirect.scatter.add.f32 [tilespmem:s26], [sflag:$0x4], $0x80, s9, s23, $0xb8;
	[tilespmem:$0x1FF80] =	vst v63  }
0x380: {  	_ =	swait.ge [sflag:s19], $0x2800  }
0x381: {  	s10 =	smov.u32 s21;
	s9 =	sshra.s32 s18, $0x2;
	[sflag:s19] =	ssyncset.done $0x0  }
0x382: {  	s10 =	sadd.s32 $0xA0, s9;
	[sflag:s19] =	ssyncadd.s32 $0xFFFFD800  }
0x383: {  	[tilespmem:s26], [sflag:$0x3] =	stream.indirect.gather [hbm4b:s16+s23], $0x80, s10, s23, $0xb8;
	[tilespmem:$0x1FF80] =	vst v63  }
0x384: {  	_ =	swait.ge [sflag:s28], $0x2800  }
0x385: {  	[sflag:s28] =	ssyncset.done $0x0  }
0x386: {  	s31 =	sadd.s32 $0x2760, s9;
	[sflag:s28] =	ssyncadd.s32 $0xFFFFD800  }
0x387: {  	[spmem:s2] =	stream.indirect.scatter.add.f32 [tilespmem:s24], [sflag:$0x4], $0x80, s31, s23, $0xb8;
	[tilespmem:$0x1FF80] =	vst v63  }
0x388: {  	_ =	swait.ge [sflag:s19], $0x2800  }
0x389: {  	[sflag:s19] =	ssyncset.done $0x0  }
0x38a: {  	s11 =	sadd.s32 $0xF0, s9;
	[sflag:s19] =	ssyncadd.s32 $0xFFFFD800  }
0x38b: {  	[tilespmem:s24], [sflag:$0x1] =	stream.indirect.gather [hbm4b:s16+s23], $0x80, s11, s23, $0xb8;
	[tilespmem:$0x1FF80] =	vst v63  }
0x38c: {  	_ =	swait.ge [sflag:s29], $0x2800  }
0x38d: {  	[sflag:s29] =	ssyncset.done $0x0  }
0x38e: {  	s18 =	sadd.s32 $0x27B0, s9;
	[sflag:s29] =	ssyncadd.s32 $0xFFFFD800  }
0x38f: {  	[spmem:s2] =	stream.indirect.scatter.add.f32 [tilespmem:s25], [sflag:$0x4], $0x80, s18, s23, $0xb8;
	[tilespmem:$0x1FF80] =	vst v63  }
0x390: {  	_ =	swait.ge [sflag:s19], $0x2800  }
0x391: {  	[sflag:s19] =	ssyncset.done $0x0  }
0x392: {  	s21 =	sadd.s32 $0x140, s9;
	[sflag:s19] =	ssyncadd.s32 $0xFFFFD800  }
0x393: {  	[tilespmem:s25], [sflag:$0x2] =	stream.indirect.gather [hbm4b:s16+s23], $0x80, s21, s23, $0xb8;
	[tilespmem:$0x1FF80] =	vst v63  }
0x394: {  	_ =	swait.ge [sflag:s30], $0x2800  }
0x395: {  	[sflag:s30] =	ssyncset.done $0x0  }
0x396: {  	s22 =	sadd.s32 $0x2800, s9;
	[sflag:s30] =	ssyncadd.s32 $0xFFFFD800  }
0x397: {  	[spmem:s2] =	stream.indirect.scatter.add.f32 [tilespmem:s26], [sflag:$0x4], $0x80, s22, s23, $0xb8;
	[tilespmem:$0x1FF80] =	vst v63  }
0x398: {  	_ =	swait.ge [sflag:s19], $0x2800  }
0x399: {  	[sflag:s19] =	ssyncset.done $0x0  }
0x39a: {  	s31 =	simm.s32 $0x2710;
	[sflag:s19] =	ssyncadd.s32 $0xFFFFD800  }
0x39b: {  	[tilespmem:s26], [sflag:$0x3] =	stream.indirect.gather [hbm4b:s16+s23], $0x80, s31, s23, $0xb8;
	[tilespmem:$0x1FF80] =	vst v63  }
0x39c: {  	_ =	swait.ge [sflag:s28], $0x2800  }
0x39d: {  	[sflag:s28] =	ssyncset.done $0x0  }
0x39e: {  	[sflag:s28] =	ssyncadd.s32 $0xFFFFD800  }
0x39f: {  	[spmem:s2] =	stream.indirect.scatter.add.f32 [tilespmem:s24], [sflag:$0x4], $0x80, s1, s23, $0xb8;
	[tilespmem:$0x1FF80] =	vst v63  }
0x3a0: {  	_ =	swait.ge [sflag:s19], $0x2800  }
0x3a1: {  	[sflag:s19] =	ssyncset.done $0x0  }
0x3a2: {  	[sflag:s19] =	ssyncadd.s32 $0xFFFFD800  }
0x3a3: {  	_ =	swait.ge [sflag:s29], $0x2800  }
0x3a4: {  	[sflag:s29] =	ssyncset.done $0x0  }
0x3a5: {  	[sflag:s29] =	ssyncadd.s32 $0xFFFFD800  }
0x3a6: {  	[spmem:s2] =	stream.indirect.scatter.add.f32 [tilespmem:s25], [sflag:$0x4], $0x80, s0, s23, $0xb8;
	[tilespmem:$0x1FF80] =	vst v63  }
0x3a7: {  	_ =	swait.ge [sflag:s19], $0x2800  }
0x3a8: {  	[sflag:s19] =	ssyncset.done $0x0  }
0x3a9: {  	[sflag:s19] =	ssyncadd.s32 $0xFFFFD800  }
0x3aa: {  	_ =	swait.ge [sflag:s30], $0x2800  }
0x3ab: {  	[sflag:s30] =	ssyncset.done $0x0  }
0x3ac: {  	[sflag:s30] =	ssyncadd.s32 $0xFFFFD800  }
0x3ad: {  	[spmem:s2] =	stream.indirect.scatter.add.f32 [tilespmem:s26], [sflag:$0x4], $0x80, s20, s23, $0xb8;
	[tilespmem:$0x1FF80] =	vst v63  }
0x3ae: {  	_ =	swait.ge [sflag:s19], $0x2800  }
0x3af: {  	[sflag:s19] =	ssyncset.done $0x0  }
0x3b0: {  	[sflag:s19] =	ssyncadd.s32 $0xFFFFD800  }
0x3b1: {  	s9 =	simm.s32 $0x0;
	s10 =	simm.s32 $0x0;
	[bflag:$0x0] =	sbarrier.arrive $0xFFFF  }
.LBB2_34:
0x3b2: {  	s11 =	smul.u32 $0x19, s10;
	_ =	sdelay $0x1  }
0x3b3: {  	s22 =	sadd.s32 s5, s11  }
0x3b4: {  	s11 =	sshll.u32 s22, $0x7  }
0x3b5: {  	s11 =	sand.u32 $0x3FFFFF80, s11  }
0x3b6: {  	s18 =	sadd.s32 s11, s2  }
0x3b7: {  	[tilespmem:s25], [sflag:$0x4] =	stream.linear.gather [spmem:s18], $0xC80, $0x38;
	[tilespmem:$0x1FF80] =	vst v63  }
0x3b8: {  	_ =	swait.ge [sflag:s19], $0xC80  }
0x3b9: {  	s31 =	sshll.u32 s22, $0x4;
	[sflag:s19] =	ssyncset.done $0x0  }
0x3ba: {  	s11 =	sadd.s32 s6, s31;
	[sflag:s19] =	ssyncadd.s32 $0xFFFFF380  }
0x3bb: {  	[tilespmem:s24], [sflag:$0x4] =	stream.linear.gather [hbm4b:s11+s9], $0xC80, $0x38;
	[tilespmem:$0x1FF80] =	vst v63  }
0x3bc: {  	_ =	swait.ge [sflag:s19], $0xC80  }
0x3bd: {  	[sflag:s19] =	ssyncset.done $0x0  }
0x3be: {  	s11 =	simm.s32 $0x0;
	[sflag:s19] =	ssyncadd.s32 $0xFFFFF380  }
0x3bf: {  	v7 =	vld [tilespmem:s11+$0x4EC0]  }
0x3c0: {  	v11 =	vld [tilespmem:s11+$0x4ED0]  }
0x3c1: {  	v5 =	vld [tilespmem:s11+$0x4EE0]  }
0x3c2: {  	v4 =	vld [tilespmem:s11+$0x4EF0]  }
0x3c3: {  	v3 =	vld [tilespmem:s11+$0x4F00]  }
0x3c4: {  	v2 =	vld [tilespmem:s11+$0x4F10]  }
0x3c5: {  	v1 =	vld [tilespmem:s11+$0x4F20]  }
0x3c6: {  	v0 =	vld [tilespmem:s11+$0x4F30]  }
0x3c7: {  	v12 =	vld [tilespmem:s11+$0x76C0]  }
0x3c8: {  	v13 =	vld [tilespmem:s11+$0x76D0]  }
0x3c9: {  	v10 =	vld [tilespmem:s11+$0x76E0]  }
0x3ca: {  	v9 =	vld [tilespmem:s11+$0x76F0]  }
0x3cb: {  	v8 =	vld [tilespmem:s11+$0x7700]  }
0x3cc: {  	v6 =	vld [tilespmem:s11+$0x7710];
	v12 =	vmul.f32 v7, v12  }
0x3cd: {  	s21 =	simm.s32 $0x200;
	v11 =	vmul.f32 v11, v13;
	v7 =	vld [tilespmem:s11+$0x7720]  }
.LBB2_35:
0x3ce: {  	s31 =	sshra.s32 s21, $0x2;
	p0 =	sne.s32 s21, $0x3000;
	[tilespmem:s11+$0x76C0] =	vst v12;
	v5 =	vmul.f32 v5, v10;
	v10 =	vld [tilespmem:s11+$0x7730]  }
0x3cf: {  	v12 =	vld [tilespmem:s31+$0x4EC0];
	[tilespmem:s11+$0x76D0] =	vst v11;
	v4 =	vmul.f32 v4, v9  }
0x3d0: {  	v11 =	vld [tilespmem:s31+$0x4ED0];
	[tilespmem:s11+$0x76E0] =	vst v5;
	v3 =	vmul.f32 v3, v8  }
0x3d1: {  	v5 =	vld [tilespmem:s31+$0x4EE0];
	[tilespmem:s11+$0x76F0] =	vst v4;
	v2 =	vmul.f32 v2, v6  }
0x3d2: {  	v4 =	vld [tilespmem:s31+$0x4EF0];
	[tilespmem:s11+$0x7700] =	vst v3;
	v1 =	vmul.f32 v1, v7  }
0x3d3: {  	v3 =	vld [tilespmem:s31+$0x4F00];
	[tilespmem:s11+$0x7710] =	vst v2;
	v0 =	vmul.f32 v0, v10  }
0x3d4: {  	v2 =	vld [tilespmem:s31+$0x4F10];
	[tilespmem:s11+$0x7720] =	vst v1  }
0x3d5: {  	v1 =	vld [tilespmem:s31+$0x4F20];
	[tilespmem:s11+$0x7730] =	vst v0;
	s11 =	smov.u32 s31  }
0x3d6: {  	v0 =	vld [tilespmem:s11+$0x4F30]  }
0x3d7: {  	v6 =	vld [tilespmem:s11+$0x76C0]  }
0x3d8: {  	v7 =	vld [tilespmem:s11+$0x76D0]  }
.Ltmp16:
0x3d9: {  	v10 =	vld [tilespmem:s11+$0x76E0];
	(pc) =	sbr.rel @p0 .LBB2_35-.Ltmp16, $4  }
0x3da: {  	v9 =	vld [tilespmem:s11+$0x76F0]  }
0x3db: {  	v8 =	vld [tilespmem:s11+$0x7700]  }
0x3dc: {  	v12 =	vmul.f32 v12, v6;
	v6 =	vld [tilespmem:s11+$0x7710]  }
0x3dd: {  	s21 =	sadd.s32 $0x200, s21;
	v11 =	vmul.f32 v11, v7;
	v7 =	vld [tilespmem:s11+$0x7720]  }
0x3de: {  	[tilespmem:s11+$0x76C0] =	vst v12;
	v5 =	vmul.f32 v5, v10;
	v63 =	vld [tilespmem:s11+$0x7730]  }
0x3df: {  	[tilespmem:s11+$0x76D0] =	vst v11;
	v4 =	vmul.f32 v4, v9  }
0x3e0: {  	[tilespmem:s11+$0x76E0] =	vst v5;
	v3 =	vmul.f32 v3, v8  }
0x3e1: {  	[tilespmem:s11+$0x76F0] =	vst v4;
	v2 =	vmul.f32 v2, v6  }
0x3e2: {  	[tilespmem:s11+$0x7700] =	vst v3;
	v1 =	vmul.f32 v1, v7  }
0x3e3: {  	s21 =	sadd.s32 s4, s22;
	[tilespmem:s11+$0x7710] =	vst v2;
	v0 =	vmul.f32 v0, v63  }
0x3e4: {  	s21 =	sshll.u32 s21, $0x4;
	[tilespmem:s11+$0x7720] =	vst v1  }
0x3e5: {  	s31 =	sadd.s32 s21, s17;
	[tilespmem:s11+$0x7730] =	vst v0  }
0x3e6: {  	[hbm4b:s31+s3] =	stream.linear.scatter [tilespmem:s25], [sflag:$0x4], $0xC80, $0x38;
	[tilespmem:$0x1FF80] =	vst v63  }
0x3e7: {  	s10 =	sadd.s32 $0x1, s10;
	_ =	swait.ge [sflag:s19], $0xC80  }
0x3e8: {  	p0 =	sne.s32 s10, $0x19;
	[sflag:s19] =	ssyncset.done $0x0  }
.Ltmp17:
0x3e9: {  	[sflag:s19] =	ssyncadd.s32 $0xFFFFF380;
	(pc) =	sbr.rel @p0 .LBB2_34-.Ltmp17, $4  }
0x3ea: {  	[spmem:s18] =	stream.linear.scatter [tilespmem:s25], [sflag:$0x4], $0xC80, $0x38;
	[tilespmem:$0x1FF80] =	vst v63  }
0x3eb: {  	_ =	swait.ge [sflag:s19], $0xC80  }
0x3ec: {  	[sflag:s19] =	ssyncset.done $0x0  }
0x3ed: {  	[sflag:s19] =	ssyncadd.s32 $0xFFFFF380  }
0x3ee: {  	s8 =	sadd.s32 $0x1, s8;
	s9 =	rddreg [dreg:$0x8]  }
0x3ef: {  	p0 =	sne.s32 s8, s9  }
.Ltmp18:
0x3f0: {  	_ = 	snop;
	(pc) =	sbr.rel @p0 .LBB2_1-.Ltmp18, $2  }
0x3f1: {  	_ =	sdelay $0x1  }
0x3f2: {  	[bflag:$0x0] =	sbarrier.arrive $0xFFFF;
	_ =	sdelay $0x1  }
0x3f3: {  	_ =	sfence.sel $0x180000  }
0x3f4: {  	[bflag:$0x0] =	sbarrier.arrive $0xFFFF  }
0x3f5: {  	_ =	strace $0x9000004A  }
0x3f6: {  	s0 =	stileid.u32;
	[bflag:$0x2] =	sbarrier.arrive $0xFFFF  }
0x3f7: {  	p0 =	sne.s32 s0, $0x0;
	s0 =	rddreg [dreg:$0x3]  }
0x3f8: {  	s0 =	sadd.s32 @!p0 $0x100000, s0  }
0x3f9: {  	[sflag:s0] =	ssyncadd.tile.s32 @!p0 $0x1;
	_ =	shalt  }
.Lfunc_end2:
_tile_overlayer_lowered:
.L_overlay_start_2:
0x3fa: {  	(tag) =	ssettag $0x2  }
0x3fb: {  	s0 =	rddreg [dreg:$0x0];
	s2 =	stileid.u32  }
0x3fc: {  	s1 =	rddreg [dreg:$0x1];
	p0 =	sne.s32 s2, $0x0  }
0x3fd: {  	s3 =	rddreg [dreg:$0x2];
	[bflag:$0x3] =	sbarrier.arrive $0xFFFF;
	s2 =	simm.s32 @!p0 $0x1C04  }
0x3fe: {  	[timem:s3], [sflag:s2] =	dma.local @!p0 [hbm:s0], s1  }
0x3ff: {  	s0 =	simm.s32 @!p0 $0x4  }
0x400: {  	_ =	swait.ge @!p0 [sflag:s0], s1  }
0x401: {  	s1 =	ssub.s32 @!p0 $0x0, s1;
	[sflag:s0] =	ssyncset.done @!p0 $0x0  }
0x402: {  	[sflag:s0] =	ssyncadd.s32 @!p0 s1  }
0x403: {  	[bflag:$0x3] =	sbarrier.arrive $0xFFFF  }
0x404: {  	_ =	shalt  }

</sc_bundles>
